<compile_context>
chip_gen: v7x
topology: tpu7x:2x2x1
jax: 0.10.2.dev20260603
libtpu: 0.0.44.dev20260713+nightly
codegen_flags: <defaults>
</compile_context>

<pallas_src>
import functools

import jax
import jax.numpy as jnp
from jax import lax
from jax.experimental import pallas as pl
from jax.experimental.pallas import tpu as pltpu
from jax.experimental.pallas import tpu_sc as plsc

_B, _NP, _DIM, _K = 4, 1024, 128, 16
_HID, _NPROP = 64, 5
_NBLK = 256
_HI = jax.lax.Precision.HIGHEST


def _sigmoid(u):
    return 1.0 / (1.0 + jnp.exp(-u))


def _softplus(v):
    return jnp.maximum(v, 0.0) + jnp.log1p(jnp.exp(-jnp.abs(v)))


def _knn_cgconv_body(xyz_ref, xyzt_ref, x_ref, wf_ref, bf_ref, ws_ref, bs_ref,
                     agg_ref, sums_ref, p_ref, r_ref, qsh_ref, qsl_ref):
    g = pl.program_id(0)
    b_in_graph = jax.lax.rem(g, _B)

    x = x_ref[0].astype(jnp.bfloat16)
    wf = wf_ref[...].astype(jnp.bfloat16)
    ws = ws_ref[...].astype(jnp.bfloat16)
    dot = functools.partial(jnp.dot, preferred_element_type=jnp.float32)
    p_ref[...] = dot(x, wf[:_DIM]) + bf_ref[...]
    r_ref[...] = dot(x, ws[:_DIM]) + bs_ref[...]
    q = dot(x, wf[_DIM:])
    s = dot(x, ws[_DIM:])
    qs = jnp.concatenate([q, s], axis=1)
    hi = qs.astype(jnp.bfloat16)
    qsh_ref[...] = hi
    qsl_ref[...] = (qs - hi.astype(jnp.float32)).astype(jnp.bfloat16)

    total_sum = jnp.zeros((1, _DIM), jnp.float32)
    total_sq = jnp.zeros((1, _DIM), jnp.float32)

    for nb in range(_NP // _NBLK):
        base = nb * _NBLK
        lane = jax.lax.broadcasted_iota(jnp.int32, (_NBLK, _NP), 1)
        rows = base + jax.lax.broadcasted_iota(jnp.int32, (_NBLK, _NP), 0)
        d2 = jnp.zeros((_NBLK, _NP), jnp.float32)
        for c in range(3):
            col = xyz_ref[0, pl.ds(base, _NBLK), c:c + 1]
            row = xyzt_ref[0, c:c + 1, :]
            t = col - row
            d2 = d2 + t * t
        d2 = d2 + jnp.where(lane == rows, 1e10, 0.0)

        p_blk = p_ref[pl.ds(base, _NBLK), :]
        r_blk = r_ref[pl.ds(base, _NBLK), :]
        qsh = qsh_ref[...]
        qsl = qsl_ref[...]
        acc = None
        for k in range(_K):
            m = jnp.min(d2, axis=1, keepdims=True)
            cur = jnp.min(jnp.where(d2 == m, lane, jnp.int32(2**30)),
                          axis=1, keepdims=True)
            hit = lane == cur
            d2 = jnp.where(hit, 3e30, d2)
            oh = jnp.where(hit, 1.0, 0.0).astype(jnp.bfloat16)
            gh = jax.lax.dot_general(oh, qsh, (((1,), (0,)), ((), ())),
                                     preferred_element_type=jnp.float32)
            gl = jax.lax.dot_general(oh, qsl, (((1,), (0,)), ((), ())),
                                     preferred_element_type=jnp.float32)
            gat = gh + gl
            u = p_blk + gat[:, :_DIM]
            v = r_blk + gat[:, _DIM:]
            msg = _sigmoid(u) * _softplus(v)
            acc = msg if acc is None else jnp.maximum(acc, msg)
        agg_ref[0, pl.ds(base, _NBLK), :] = acc
        total_sum = total_sum + jnp.sum(acc, axis=0, keepdims=True)
        total_sq = total_sq + jnp.sum(acc * acc, axis=0, keepdims=True)

    local = jnp.concatenate([total_sum[:, None, :], total_sq[:, None, :]],
                            axis=1)

    @pl.when(b_in_graph == 0)
    def _():
        sums_ref[...] = local

    @pl.when(b_in_graph != 0)
    def _():
        sums_ref[...] = sums_ref[...] + local


def _knn_pqrs_body(xyz_ref, xyzt_ref, x_ref, wf_ref, bf_ref, ws_ref, bs_ref,
                   p_ref, r_ref, qs_ref, idx_ref):
    x = x_ref[0].astype(jnp.bfloat16)
    wf = wf_ref[...].astype(jnp.bfloat16)
    ws = ws_ref[...].astype(jnp.bfloat16)
    dot = functools.partial(jnp.dot, preferred_element_type=jnp.float32)
    p_ref[0] = dot(x, wf[:_DIM]) + bf_ref[...]
    r_ref[0] = dot(x, ws[:_DIM]) + bs_ref[...]
    qs_ref[0, :, :_DIM] = dot(x, wf[_DIM:])
    qs_ref[0, :, _DIM:] = dot(x, ws[_DIM:])

    for nb in range(_NP // _NBLK):
        base = nb * _NBLK
        lane = jax.lax.broadcasted_iota(jnp.int32, (_NBLK, _NP), 1)
        rows = base + jax.lax.broadcasted_iota(jnp.int32, (_NBLK, _NP), 0)
        d2 = jnp.zeros((_NBLK, _NP), jnp.float32)
        for c in range(3):
            col = xyz_ref[0, pl.ds(base, _NBLK), c:c + 1]
            row = xyzt_ref[0, c:c + 1, :]
            t = col - row
            d2 = d2 + t * t
        d2 = d2 + jnp.where(lane == rows, 1e10, 0.0)
        for k in range(_K):
            m = jnp.min(d2, axis=1, keepdims=True)
            cur = jnp.min(jnp.where(d2 == m, lane, jnp.int32(2**30)),
                          axis=1, keepdims=True)
            d2 = jnp.where(lane == cur, 3e30, d2)
            idx_ref[0, pl.ds(base, _NBLK), k:k + 1] = cur


_NW = 32
_ECH = 128


def _sc_gather_body(table_ref, idx_ref, out_ref, idx_v0, idx_v1,
                    rows_v0, rows_v1, sem0, sem1):
    wid = lax.axis_index("s") * 2 + lax.axis_index("c")
    per_w = (_B * _NP * _K) // _NW
    base = wid * per_w

    @pl.loop(0, per_w // _ECH, step=2)
    def _(j):
        off0 = base + j * _ECH
        off1 = off0 + _ECH
        pltpu.sync_copy(idx_ref.at[pl.ds(off0, _ECH)], idx_v0)
        cp0 = pltpu.async_copy(table_ref.at[idx_v0], rows_v0, sem0)
        pltpu.sync_copy(idx_ref.at[pl.ds(off1, _ECH)], idx_v1)
        cp1 = pltpu.async_copy(table_ref.at[idx_v1], rows_v1, sem1)
        cp0.wait()
        pltpu.sync_copy(rows_v0, out_ref.at[pl.ds(off0, _ECH)])
        cp1.wait()
        pltpu.sync_copy(rows_v1, out_ref.at[pl.ds(off1, _ECH)])


def _msg_max_body(g_ref, p_ref, r_ref, agg_ref, sums_ref):
    g = pl.program_id(0)
    nb = pl.program_id(1)
    p = p_ref[...]
    r = r_ref[...]
    acc = None
    for k in range(_K):
        gat = g_ref[k]
        u = p + gat[:, :_DIM]
        v = r + gat[:, _DIM:]
        msg = _sigmoid(u) * _softplus(v)
        acc = msg if acc is None else jnp.maximum(acc, msg)
    agg_ref[...] = acc
    bsum = jnp.sum(acc, axis=0, keepdims=True)
    bsq = jnp.sum(acc * acc, axis=0, keepdims=True)
    local = jnp.concatenate([bsum[:, None, :], bsq[:, None, :]], axis=1)

    first = jnp.logical_and(lax.rem(g, _B) == 0, nb == 0)

    @pl.when(first)
    def _():
        sums_ref[...] = local

    @pl.when(jnp.logical_not(first))
    def _():
        sums_ref[...] = sums_ref[...] + local


def _cross_prop_body(x0_ref, x1_ref, agg0_ref, agg1_ref, sums_ref,
                     gamma_ref, beta_ref, wh_ref, bh_ref, wo_ref, bo_ref,
                     out0_ref, out1_ref, f0_ref, f1_ref, h0_ref, h1_ref):
    gamma = gamma_ref[...]
    beta = beta_ref[...]
    n_nodes = jnp.float32(_B * _NP)

    for gi, (x_ref, agg_ref, f_ref) in enumerate(
            ((x0_ref, agg0_ref, f0_ref), (x1_ref, agg1_ref, f1_ref))):
        ssum = sums_ref[gi, 0:1, :]
        ssq = sums_ref[gi, 1:2, :]
        mu = ssum / n_nodes
        var = ssq / n_nodes - mu * mu
        inv = jax.lax.rsqrt(var + 1e-5)
        f_ref[...] = x_ref[0] + (agg_ref[0] - mu) * inv * gamma + beta

    def rowsoftmax(t):
        m = jnp.max(t, axis=1, keepdims=True)
        e = jnp.exp(t - m)
        return e / jnp.sum(e, axis=1, keepdims=True)

    bf16 = jnp.bfloat16
    dot = functools.partial(jnp.dot, preferred_element_type=jnp.float32)
    for l in range(_NPROP):
        wh = wh_ref[l].astype(bf16)
        bh = bh_ref[l]
        wo = wo_ref[l].astype(bf16)
        bo = bo_ref[l]
        f0 = f0_ref[...].astype(bf16)
        f1 = f1_ref[...].astype(bf16)
        for nb in range(_NP // _NBLK):
            base = nb * _NBLK
            f0b = f0[base:base + _NBLK, :]
            f1b = f1[base:base + _NBLK, :]
            s = jax.lax.dot_general(f0b, f1, (((1,), (1,)), ((), ())),
                                    preferred_element_type=jnp.float32)
            st = jax.lax.dot_general(f1b, f0, (((1,), (1,)), ((), ())),
                                     preferred_element_type=jnp.float32)
            a0 = rowsoftmax(s).astype(bf16)
            a1t = rowsoftmax(st).astype(bf16)
            att0 = dot(a0, f1)
            att1 = dot(a1t, f0)
            mu0 = f0_ref[pl.ds(base, _NBLK), :] - att0
            mu1 = f1_ref[pl.ds(base, _NBLK), :] - att1
            h0 = dot(jax.nn.relu(
                dot(f0b, wh[:_DIM])
                + dot(mu0.astype(bf16), wh[_DIM:]) + bh).astype(bf16),
                wo) + bo
            h1 = dot(jax.nn.relu(
                dot(f1b, wh[:_DIM])
                + dot(mu1.astype(bf16), wh[_DIM:]) + bh).astype(bf16),
                wo) + bo
            h0_ref[pl.ds(base, _NBLK), :] = h0
            h1_ref[pl.ds(base, _NBLK), :] = h1
        f0_ref[...] = f0_ref[...] + h0_ref[...]
        f1_ref[...] = f1_ref[...] + h1_ref[...]

    out0_ref[0] = f0_ref[...]
    out1_ref[0] = f1_ref[...]


bcast = lambda shape: pl.BlockSpec(shape, lambda g: (0,) * len(shape))
per_g = lambda shape: pl.BlockSpec(shape, lambda g: (g,) + (0,) * (len(shape) - 1))


def _kernel_tc(input_xyz, coord_xyz, input_f, coord_f, Wf, bf, Ws, bs, gamma,
               beta, Wh, bh, Wo, bo):
    f32 = jnp.float32
    xyz = jnp.concatenate([input_xyz, coord_xyz], axis=0)
    xyzt = jnp.pad(jnp.transpose(xyz, (0, 2, 1)),
                   ((0, 0), (0, 5), (0, 0)))
    x_s = jnp.concatenate([input_f, coord_f], axis=0)

    agg, sums = pl.pallas_call(
        _knn_cgconv_body,
        grid=(2 * _B,),
        in_specs=[
            per_g((1, _NP, 3)),
            per_g((1, 8, _NP)),
            per_g((1, _NP, _DIM)),
            bcast((2 * _DIM, _DIM)),
            bcast((1, _DIM)),
            bcast((2 * _DIM, _DIM)),
            bcast((1, _DIM)),
        ],
        out_specs=[
            per_g((1, _NP, _DIM)),
            pl.BlockSpec((1, 2, _DIM), lambda g: (g // _B, 0, 0)),
        ],
        out_shape=[
            jax.ShapeDtypeStruct((2 * _B, _NP, _DIM), f32),
            jax.ShapeDtypeStruct((2, 2, _DIM), f32),
        ],
        scratch_shapes=[
            pltpu.VMEM((_NP, _DIM), f32),
            pltpu.VMEM((_NP, _DIM), f32),
            pltpu.VMEM((_NP, 2 * _DIM), jnp.bfloat16),
            pltpu.VMEM((_NP, 2 * _DIM), jnp.bfloat16),
        ],
    )(xyz, xyzt, x_s, Wf, bf.reshape(1, _DIM), Ws, bs.reshape(1, _DIM))
    return _run_cross_prop(agg, sums, input_f, coord_f, gamma, beta,
                           Wh, bh, Wo, bo)


def _run_cross_prop(agg, sums, input_f, coord_f, gamma, beta, Wh, bh, Wo, bo):
    f32 = jnp.float32
    out0, out1 = pl.pallas_call(
        _cross_prop_body,
        grid=(_B,),
        in_specs=[
            per_g((1, _NP, _DIM)),
            per_g((1, _NP, _DIM)),
            pl.BlockSpec((1, _NP, _DIM), lambda b: (b, 0, 0)),
            pl.BlockSpec((1, _NP, _DIM), lambda b: (b + _B, 0, 0)),
            bcast((2, 2, _DIM)),
            bcast((1, _DIM)),
            bcast((1, _DIM)),
            bcast((_NPROP, 2 * _DIM, _HID)),
            bcast((_NPROP, 1, _HID)),
            bcast((_NPROP, _HID, _DIM)),
            bcast((_NPROP, 1, _DIM)),
        ],
        out_specs=[
            per_g((1, _NP, _DIM)),
            per_g((1, _NP, _DIM)),
        ],
        out_shape=[
            jax.ShapeDtypeStruct((_B, _NP, _DIM), f32),
            jax.ShapeDtypeStruct((_B, _NP, _DIM), f32),
        ],
        scratch_shapes=[
            pltpu.VMEM((_NP, _DIM), f32),
            pltpu.VMEM((_NP, _DIM), f32),
            pltpu.VMEM((_NP, _DIM), f32),
            pltpu.VMEM((_NP, _DIM), f32),
        ],
    )(input_f, coord_f, agg, agg, sums, gamma.reshape(1, _DIM),
      beta.reshape(1, _DIM), Wh, bh.reshape(_NPROP, 1, _HID), Wo,
      bo.reshape(_NPROP, 1, _DIM))

    return (out0.reshape(-1, _DIM), out1.reshape(-1, _DIM))


def _knn_pqrs(xyz, x, Wf, bf, Ws, bs):
    f32 = jnp.float32
    xyzt = jnp.pad(jnp.transpose(xyz, (0, 2, 1)), ((0, 0), (0, 5), (0, 0)))
    return pl.pallas_call(
        _knn_pqrs_body,
        grid=(_B,),
        in_specs=[
            per_g((1, _NP, 3)),
            per_g((1, 8, _NP)),
            per_g((1, _NP, _DIM)),
            bcast((2 * _DIM, _DIM)),
            bcast((1, _DIM)),
            bcast((2 * _DIM, _DIM)),
            bcast((1, _DIM)),
        ],
        out_specs=[
            per_g((1, _NP, _DIM)),
            per_g((1, _NP, _DIM)),
            per_g((1, _NP, 2 * _DIM)),
            per_g((1, _NP, _K)),
        ],
        out_shape=[
            jax.ShapeDtypeStruct((_B, _NP, _DIM), f32),
            jax.ShapeDtypeStruct((_B, _NP, _DIM), f32),
            jax.ShapeDtypeStruct((_B, _NP, 2 * _DIM), f32),
            jax.ShapeDtypeStruct((_B, _NP, _K), jnp.int32),
        ],
    )(xyz, xyzt, x, Wf, bf.reshape(1, _DIM), Ws, bs.reshape(1, _DIM))


def _sc_gather(qs, idx):
    f32 = jnp.float32
    n_nodes = _B * _NP
    n_edges = n_nodes * _K
    gidx = idx + (jnp.arange(_B, dtype=jnp.int32) * _NP)[:, None, None]
    eidx = jnp.transpose(gidx.reshape(n_nodes, _K)).reshape(-1)
    mesh = plsc.VectorSubcoreMesh(core_axis_name="c", subcore_axis_name="s")
    return pl.kernel(
        _sc_gather_body,
        mesh=mesh,
        out_type=jax.ShapeDtypeStruct((n_edges, 2 * _DIM), f32),
        scratch_types=[
            pltpu.VMEM((_ECH,), jnp.int32),
            pltpu.VMEM((_ECH,), jnp.int32),
            pltpu.VMEM((_ECH, 2 * _DIM), f32),
            pltpu.VMEM((_ECH, 2 * _DIM), f32),
            pltpu.SemaphoreType.DMA,
            pltpu.SemaphoreType.DMA,
        ],
    )(qs.reshape(n_nodes, 2 * _DIM), eidx)


def _msg_max(gathered, p, r):
    f32 = jnp.float32
    n_nodes = _B * _NP
    return pl.pallas_call(
        _msg_max_body,
        grid=(_B, _NP // _NBLK),
        in_specs=[
            pl.BlockSpec((_K, _NBLK, 2 * _DIM),
                         lambda g, nb: (0, g * (_NP // _NBLK) + nb, 0)),
            pl.BlockSpec((_NBLK, _DIM),
                         lambda g, nb: (g * (_NP // _NBLK) + nb, 0)),
            pl.BlockSpec((_NBLK, _DIM),
                         lambda g, nb: (g * (_NP // _NBLK) + nb, 0)),
        ],
        out_specs=[
            pl.BlockSpec((_NBLK, _DIM),
                         lambda g, nb: (g * (_NP // _NBLK) + nb, 0)),
            pl.BlockSpec((1, 2, _DIM), lambda g, nb: (0, 0, 0)),
        ],
        out_shape=[
            jax.ShapeDtypeStruct((n_nodes, _DIM), f32),
            jax.ShapeDtypeStruct((1, 2, _DIM), f32),
        ],
    )(gathered.reshape(_K, n_nodes, 2 * _DIM),
      p.reshape(n_nodes, _DIM), r.reshape(n_nodes, _DIM))


def _kernel_sc(input_xyz, coord_xyz, input_f, coord_f, Wf, bf, Ws, bs, gamma,
               beta, Wh, bh, Wo, bo):
    p0, r0, qs0, idx0 = _knn_pqrs(input_xyz, input_f, Wf, bf, Ws, bs)
    g0 = _sc_gather(qs0, idx0)
    p1, r1, qs1, idx1 = _knn_pqrs(coord_xyz, coord_f, Wf, bf, Ws, bs)
    g1 = _sc_gather(qs1, idx1)
    agg0, sums0 = _msg_max(g0, p0, r0)
    agg1, sums1 = _msg_max(g1, p1, r1)
    agg = jnp.concatenate([agg0.reshape(_B, _NP, _DIM),
                           agg1.reshape(_B, _NP, _DIM)], axis=0)
    sums = jnp.concatenate([sums0, sums1], axis=0)
    return _run_cross_prop(agg, sums, input_f, coord_f, gamma, beta,
                           Wh, bh, Wo, bo)


def kernel(input_xyz, coord_xyz, input_f, coord_f, Wf, bf, Ws, bs, gamma,
           beta, Wh, bh, Wo, bo):
    return _kernel_sc(input_xyz, coord_xyz, input_f, coord_f, Wf, bf, Ws,
                      bs, gamma, beta, Wh, bh, Wo, bo)

# --- scband reference (transcript-rebuilt; emitter-appended) ---
"""Pipeline reference for scband-gnnattention-32272384262237 (READ-ONLY COPY).

The authoritative reference and input builder live on the scoring server;
editing this copy changes nothing except your own understanding.
"""

import jax, jax.numpy as jnp
import numpy as np

B, NP, DIM = 4, 1024, 128
K_IN, K_CO = 16, 16
HID, NPROP = 64, 5


def _knn_edges(xyz, k):
    b, n, _ = xyz.shape
    d2 = jnp.sum((xyz[:, :, None, :] - xyz[:, None, :, :]) ** 2, axis=-1)
    d2 = d2 + jnp.eye(n, dtype=d2.dtype)[None] * 1e10
    _, idx = jax.lax.top_k(-d2, k)
    offs = (jnp.arange(b) * n)[:, None, None]
    src = (idx + offs).reshape(-1)
    dst = (jnp.broadcast_to(jnp.arange(n)[None, :, None], (b, n, k)) + offs).reshape(-1)
    return src, dst


def _cgconv(x, src, dst, Wf, bf, Ws, bs, gamma, beta):
    z = jnp.concatenate([x[dst], x[src]], axis=-1)
    msg = jax.nn.sigmoid(z @ Wf + bf) * jax.nn.softplus(z @ Ws + bs)
    agg = jax.ops.segment_max(msg, dst, num_segments=x.shape[0])
    agg = jnp.where(jnp.isfinite(agg), agg, 0.0)
    mu = jnp.mean(agg, axis=0)
    var = jnp.var(agg, axis=0)
    agg = (agg - mu) / jnp.sqrt(var + 1e-5) * gamma + beta
    return x + agg


def _cross_prop(f0, f1, Wh, bh, Wo, bo):
    for l in range(NPROP):
        s = jnp.einsum('bnd,bmd->bnm', f0, f1)
        a0 = jax.nn.softmax(s, axis=-1)
        a1 = jax.nn.softmax(s, axis=1)
        att0 = jnp.einsum('bnm,bmd->bnd', a0, f1)
        att1 = jnp.einsum('bnm,bnd->bmd', a1, f0)
        mu0 = f0 - att0
        mu1 = f1 - att1
        h0 = jax.nn.relu(jnp.concatenate([f0, mu0], axis=-1) @ Wh[l] + bh[l]) @ Wo[l] + bo[l]
        h1 = jax.nn.relu(jnp.concatenate([f1, mu1], axis=-1) @ Wh[l] + bh[l]) @ Wo[l] + bo[l]
        f0 = f0 + h0
        f1 = f1 + h1
    return f0, f1


def setup_inputs(seed: int = 0):
    key = jax.random.key(seed)
    ks = jax.random.split(key, 8)
    return {
        'input_xyz': jax.random.normal(ks[0], (B, NP, 3), dtype=jnp.float32),
        'coord_xyz': jax.random.normal(ks[1], (B, NP, 3), dtype=jnp.float32),
        'input_f': jax.random.normal(ks[2], (B, NP, DIM), dtype=jnp.float32),
        'coord_f': jax.random.normal(ks[3], (B, NP, DIM), dtype=jnp.float32),
        'Wf': jax.random.normal(ks[4], (2 * DIM, DIM), dtype=jnp.float32) * 0.05,
        'bf': jnp.zeros((DIM,), dtype=jnp.float32),
        'Ws': jax.random.normal(ks[5], (2 * DIM, DIM), dtype=jnp.float32) * 0.05,
        'bs': jnp.zeros((DIM,), dtype=jnp.float32),
        'gamma': jnp.ones((DIM,), dtype=jnp.float32),
        'beta': jnp.zeros((DIM,), dtype=jnp.float32),
        'Wh': jax.random.normal(ks[6], (NPROP, 2 * DIM, HID), dtype=jnp.float32) * 0.05,
        'bh': jnp.zeros((NPROP, HID), dtype=jnp.float32),
        'Wo': jax.random.normal(ks[7], (NPROP, HID, DIM), dtype=jnp.float32) * 0.05,
        'bo': jnp.zeros((NPROP, DIM), dtype=jnp.float32),
    }


def reference(input_xyz, coord_xyz, input_f, coord_f, Wf, bf, Ws, bs, gamma, beta, Wh, bh, Wo, bo):
    f0 = input_f.reshape(-1, DIM)
    f1 = coord_f.reshape(-1, DIM)
    src0, dst0 = _knn_edges(input_xyz, K_IN)
    src1, dst1 = _knn_edges(coord_xyz, K_CO)
    f0 = _cgconv(f0, src0, dst0, Wf, bf, Ws, bs, gamma, beta)
    f1 = _cgconv(f1, src1, dst1, Wf, bf, Ws, bs, gamma, beta)
    f0b, f1b = _cross_prop(f0.reshape(B, NP, DIM), f1.reshape(B, NP, DIM), Wh, bh, Wo, bo)
    return (f0b.reshape(-1, DIM), f1b.reshape(-1, DIM))

if __name__ == "__main__":
    import jax
    _d = setup_inputs()
    print(jax.jit(kernel)(*tuple(_d.values())))

</pallas_src>

<mosaic_0001>
#map = affine_map<(d0, d1) -> (0, 0)>
#map1 = affine_map<(d0, d1) -> (0)>
module attributes {stable_mosaic.version = 14 : i64} {
  func.func @_sc_gather_body(%arg0: i32, %arg1: i32, %arg2: memref<4096x256xf32, #tpu.memory_space<hbm>>, %arg3: memref<65536xi32, #tpu.memory_space<hbm>>, %arg4: memref<65536x256xf32, #tpu.memory_space<hbm>>, %arg5: memref<128xi32, #tpu.memory_space<vmem>>, %arg6: memref<128xi32, #tpu.memory_space<vmem>>, %arg7: memref<128x256xf32, #tpu.memory_space<vmem>>, %arg8: memref<128x256xf32, #tpu.memory_space<vmem>>, %arg9: memref<!tpu.dma_semaphore, #tpu.memory_space<semaphore_mem>>, %arg10: memref<!tpu.dma_semaphore, #tpu.memory_space<semaphore_mem>>) attributes {dimension_semantics = [#tpu.dimension_semantics<core_parallel>, #tpu.dimension_semantics<subcore_parallel>], iteration_bounds = array<i64: 2, 16>, scalar_prefetch = 0 : i64, scratch_operands = 6 : i64, tpu.core_type = #tpu.core_type<sc_vector_subcore>, window_params = [{transform_indices = #map}, {transform_indices = #map1}, {transform_indices = #map}]} {
    %mul3A = arith.constant 2 : i32
    %mul3A_0 = arith.muli %arg1, %mul3A : i32
    %add3A = arith.addi %mul3A_0, %arg0 : i32
    %mul3A_1 = arith.constant 2048 : i32
    %mul3A_2 = arith.muli %add3A, %mul3A_1 : i32
    %scan3A = arith.constant 0 : i32
    %scan3A_3 = arith.constant 8 : i32
    %scan3A_4 = arith.addi %scan3A, %scan3A_3 : i32
    %scan3A_5 = arith.constant 1 : i32
    scf.for %scan3A_7 = %scan3A to %scan3A_4 step %scan3A_5  : i32 {
      %mul3A_8 = arith.constant 2 : i32
      %mul3A_9 = arith.muli %scan3A_7, %mul3A_8 : i32
      %add3A_10 = arith.constant 0 : i32
      %add3A_11 = arith.addi %add3A_10, %mul3A_9 : i32
      %mul3A_12 = arith.constant 128 : i32
      %mul3A_13 = arith.muli %add3A_11, %mul3A_12 : i32
      %add3A_14 = arith.addi %mul3A_2, %mul3A_13 : i32
      %add3A_15 = arith.constant 128 : i32
      %add3A_16 = arith.addi %add3A_14, %add3A_15 : i32
      "tpu.region"() ({
        %run_scoped3A = tpu.sem_alloc : memref<!tpu.dma_semaphore, #tpu.memory_space<semaphore_mem>>
        %dma_start3A_27 = tpu.memref_slice %arg3[%add3A_14] : memref<65536xi32, #tpu.memory_space<hbm>> -> memref<128xi32, #tpu.memory_space<hbm>>
        %dma_start3A_28 = tpu.memref_slice %arg3[%add3A_14] : memref<65536xi32, #tpu.memory_space<hbm>> -> memref<128xi32, #tpu.memory_space<hbm>>
        tpu.enqueue_dma source(%dma_start3A_28 : memref<128xi32, #tpu.memory_space<hbm>>) target(%arg5 : memref<128xi32, #tpu.memory_space<vmem>>) target_semaphore(%run_scoped3A : memref<!tpu.dma_semaphore, #tpu.memory_space<semaphore_mem>>)
        %dma_wait3A_29 = tpu.memref_slice %arg3[%add3A_14] : memref<65536xi32, #tpu.memory_space<hbm>> -> memref<128xi32, #tpu.memory_space<hbm>>
        %dma_wait3A_30 = tpu.memref_slice %arg3[%add3A_14] : memref<65536xi32, #tpu.memory_space<hbm>> -> memref<128xi32, #tpu.memory_space<hbm>>
        tpu.wait_dma2 semaphore(%run_scoped3A : memref<!tpu.dma_semaphore, #tpu.memory_space<semaphore_mem>>) src(%dma_wait3A_30 : memref<128xi32, #tpu.memory_space<hbm>>) dst(%arg5 : memref<128xi32, #tpu.memory_space<vmem>>)
        tpu.yield
      }) : () -> ()
      %dma_start3A = arith.constant 0 : i32
      %dma_start3A_17 = arith.constant 0 : i32
      %dma_start3A_18 = tpu.memref_slice %arg2[%dma_start3A, %dma_start3A_17] : memref<4096x256xf32, #tpu.memory_space<hbm>> -> memref<4096x256xf32, #tpu.memory_space<hbm>>
      tpu.enqueue_indirect_dma source(%dma_start3A_18 : memref<4096x256xf32, #tpu.memory_space<hbm>>) target(%arg7 : memref<128x256xf32, #tpu.memory_space<vmem>>) offsets(%arg5 : memref<128xi32, #tpu.memory_space<vmem>>) semaphore(%arg9 : memref<!tpu.dma_semaphore, #tpu.memory_space<semaphore_mem>>)
      "tpu.region"() ({
        %run_scoped3A = tpu.sem_alloc : memref<!tpu.dma_semaphore, #tpu.memory_space<semaphore_mem>>
        %dma_start3A_27 = tpu.memref_slice %arg3[%add3A_16] : memref<65536xi32, #tpu.memory_space<hbm>> -> memref<128xi32, #tpu.memory_space<hbm>>
        %dma_start3A_28 = tpu.memref_slice %arg3[%add3A_16] : memref<65536xi32, #tpu.memory_space<hbm>> -> memref<128xi32, #tpu.memory_space<hbm>>
        tpu.enqueue_dma source(%dma_start3A_28 : memref<128xi32, #tpu.memory_space<hbm>>) target(%arg6 : memref<128xi32, #tpu.memory_space<vmem>>) target_semaphore(%run_scoped3A : memref<!tpu.dma_semaphore, #tpu.memory_space<semaphore_mem>>)
        %dma_wait3A_29 = tpu.memref_slice %arg3[%add3A_16] : memref<65536xi32, #tpu.memory_space<hbm>> -> memref<128xi32, #tpu.memory_space<hbm>>
        %dma_wait3A_30 = tpu.memref_slice %arg3[%add3A_16] : memref<65536xi32, #tpu.memory_space<hbm>> -> memref<128xi32, #tpu.memory_space<hbm>>
        tpu.wait_dma2 semaphore(%run_scoped3A : memref<!tpu.dma_semaphore, #tpu.memory_space<semaphore_mem>>) src(%dma_wait3A_30 : memref<128xi32, #tpu.memory_space<hbm>>) dst(%arg6 : memref<128xi32, #tpu.memory_space<vmem>>)
        tpu.yield
      }) : () -> ()
      %dma_start3A_19 = arith.constant 0 : i32
      %dma_start3A_20 = arith.constant 0 : i32
      %dma_start3A_21 = tpu.memref_slice %arg2[%dma_start3A_19, %dma_start3A_20] : memref<4096x256xf32, #tpu.memory_space<hbm>> -> memref<4096x256xf32, #tpu.memory_space<hbm>>
      tpu.enqueue_indirect_dma source(%dma_start3A_21 : memref<4096x256xf32, #tpu.memory_space<hbm>>) target(%arg8 : memref<128x256xf32, #tpu.memory_space<vmem>>) offsets(%arg6 : memref<128xi32, #tpu.memory_space<vmem>>) semaphore(%arg10 : memref<!tpu.dma_semaphore, #tpu.memory_space<semaphore_mem>>)
      %dma_wait3A = arith.constant 0 : i32
      %dma_wait3A_22 = arith.constant 0 : i32
      %dma_wait3A_23 = tpu.memref_slice %arg2[%dma_wait3A, %dma_wait3A_22] : memref<4096x256xf32, #tpu.memory_space<hbm>> -> memref<4096x256xf32, #tpu.memory_space<hbm>>
      tpu.wait_indirect_dma semaphore(%arg9 : memref<!tpu.dma_semaphore, #tpu.memory_space<semaphore_mem>>) src(%dma_wait3A_23 : memref<4096x256xf32, #tpu.memory_space<hbm>>) dst(%arg7 : memref<128x256xf32, #tpu.memory_space<vmem>>)
      "tpu.region"() ({
        %run_scoped3A = tpu.sem_alloc : memref<!tpu.dma_semaphore, #tpu.memory_space<semaphore_mem>>
        %dma_start3A_27 = arith.constant 0 : i32
        %dma_start3A_28 = tpu.memref_slice %arg4[%add3A_14, %dma_start3A_27] : memref<65536x256xf32, #tpu.memory_space<hbm>> -> memref<128x256xf32, #tpu.memory_space<hbm>>
        %dma_start3A_29 = arith.constant 0 : i32
        %dma_start3A_30 = tpu.memref_slice %arg4[%add3A_14, %dma_start3A_29] : memref<65536x256xf32, #tpu.memory_space<hbm>> -> memref<128x256xf32, #tpu.memory_space<hbm>>
        tpu.enqueue_dma source(%arg7 : memref<128x256xf32, #tpu.memory_space<vmem>>) target(%dma_start3A_30 : memref<128x256xf32, #tpu.memory_space<hbm>>) target_semaphore(%run_scoped3A : memref<!tpu.dma_semaphore, #tpu.memory_space<semaphore_mem>>)
        %dma_wait3A_31 = arith.constant 0 : i32
        %dma_wait3A_32 = tpu.memref_slice %arg4[%add3A_14, %dma_wait3A_31] : memref<65536x256xf32, #tpu.memory_space<hbm>> -> memref<128x256xf32, #tpu.memory_space<hbm>>
        %dma_wait3A_33 = arith.constant 0 : i32
        %dma_wait3A_34 = tpu.memref_slice %arg4[%add3A_14, %dma_wait3A_33] : memref<65536x256xf32, #tpu.memory_space<hbm>> -> memref<128x256xf32, #tpu.memory_space<hbm>>
        tpu.wait_dma2 semaphore(%run_scoped3A : memref<!tpu.dma_semaphore, #tpu.memory_space<semaphore_mem>>) src(%arg7 : memref<128x256xf32, #tpu.memory_space<vmem>>) dst(%dma_wait3A_34 : memref<128x256xf32, #tpu.memory_space<hbm>>)
        tpu.yield
      }) : () -> ()
      %dma_wait3A_24 = arith.constant 0 : i32
      %dma_wait3A_25 = arith.constant 0 : i32
      %dma_wait3A_26 = tpu.memref_slice %arg2[%dma_wait3A_24, %dma_wait3A_25] : memref<4096x256xf32, #tpu.memory_space<hbm>> -> memref<4096x256xf32, #tpu.memory_space<hbm>>
      tpu.wait_indirect_dma semaphore(%arg10 : memref<!tpu.dma_semaphore, #tpu.memory_space<semaphore_mem>>) src(%dma_wait3A_26 : memref<4096x256xf32, #tpu.memory_space<hbm>>) dst(%arg8 : memref<128x256xf32, #tpu.memory_space<vmem>>)
      "tpu.region"() ({
        %run_scoped3A = tpu.sem_alloc : memref<!tpu.dma_semaphore, #tpu.memory_space<semaphore_mem>>
        %dma_start3A_27 = arith.constant 0 : i32
        %dma_start3A_28 = tpu.memref_slice %arg4[%add3A_16, %dma_start3A_27] : memref<65536x256xf32, #tpu.memory_space<hbm>> -> memref<128x256xf32, #tpu.memory_space<hbm>>
        %dma_start3A_29 = arith.constant 0 : i32
        %dma_start3A_30 = tpu.memref_slice %arg4[%add3A_16, %dma_start3A_29] : memref<65536x256xf32, #tpu.memory_space<hbm>> -> memref<128x256xf32, #tpu.memory_space<hbm>>
        tpu.enqueue_dma source(%arg8 : memref<128x256xf32, #tpu.memory_space<vmem>>) target(%dma_start3A_30 : memref<128x256xf32, #tpu.memory_space<hbm>>) target_semaphore(%run_scoped3A : memref<!tpu.dma_semaphore, #tpu.memory_space<semaphore_mem>>)
        %dma_wait3A_31 = arith.constant 0 : i32
        %dma_wait3A_32 = tpu.memref_slice %arg4[%add3A_16, %dma_wait3A_31] : memref<65536x256xf32, #tpu.memory_space<hbm>> -> memref<128x256xf32, #tpu.memory_space<hbm>>
        %dma_wait3A_33 = arith.constant 0 : i32
        %dma_wait3A_34 = tpu.memref_slice %arg4[%add3A_16, %dma_wait3A_33] : memref<65536x256xf32, #tpu.memory_space<hbm>> -> memref<128x256xf32, #tpu.memory_space<hbm>>
        tpu.wait_dma2 semaphore(%run_scoped3A : memref<!tpu.dma_semaphore, #tpu.memory_space<semaphore_mem>>) src(%arg8 : memref<128x256xf32, #tpu.memory_space<vmem>>) dst(%dma_wait3A_34 : memref<128x256xf32, #tpu.memory_space<hbm>>)
        tpu.yield
      }) : () -> ()
    }
    %scan3A_6 = arith.constant 8 : i32
    return
  }
}

#map = affine_map<(d0, d1) -> (0, 0)>
#map1 = affine_map<(d0, d1) -> (0)>
module attributes {stable_mosaic.version = 14 : i64} {
  func.func @_sc_gather_body(%arg0: i32, %arg1: i32, %arg2: memref<4096x256xf32, #tpu.memory_space<hbm>>, %arg3: memref<65536xi32, #tpu.memory_space<hbm>>, %arg4: memref<65536x256xf32, #tpu.memory_space<hbm>>, %arg5: memref<128xi32, #tpu.memory_space<vmem>>, %arg6: memref<128xi32, #tpu.memory_space<vmem>>, %arg7: memref<128x256xf32, #tpu.memory_space<vmem>>, %arg8: memref<128x256xf32, #tpu.memory_space<vmem>>, %arg9: memref<!tpu.dma_semaphore, #tpu.memory_space<semaphore_mem>>, %arg10: memref<!tpu.dma_semaphore, #tpu.memory_space<semaphore_mem>>) attributes {dimension_semantics = [#tpu.dimension_semantics<core_parallel>, #tpu.dimension_semantics<subcore_parallel>], iteration_bounds = array<i64: 2, 16>, scalar_prefetch = 0 : i64, scratch_operands = 6 : i64, tpu.core_type = #tpu.core_type<sc_vector_subcore>, window_params = [{transform_indices = #map}, {transform_indices = #map1}, {transform_indices = #map}]} {
    %mul3A = arith.constant 2 : i32
    %mul3A_0 = arith.muli %arg1, %mul3A : i32
    %add3A = arith.addi %mul3A_0, %arg0 : i32
    %mul3A_1 = arith.constant 2048 : i32
    %mul3A_2 = arith.muli %add3A, %mul3A_1 : i32
    %scan3A = arith.constant 0 : i32
    %scan3A_3 = arith.constant 8 : i32
    %scan3A_4 = arith.addi %scan3A, %scan3A_3 : i32
    %scan3A_5 = arith.constant 1 : i32
    scf.for %scan3A_7 = %scan3A to %scan3A_4 step %scan3A_5  : i32 {
      %mul3A_8 = arith.constant 2 : i32
      %mul3A_9 = arith.muli %scan3A_7, %mul3A_8 : i32
      %add3A_10 = arith.constant 0 : i32
      %add3A_11 = arith.addi %add3A_10, %mul3A_9 : i32
      %mul3A_12 = arith.constant 128 : i32
      %mul3A_13 = arith.muli %add3A_11, %mul3A_12 : i32
      %add3A_14 = arith.addi %mul3A_2, %mul3A_13 : i32
      %add3A_15 = arith.constant 128 : i32
      %add3A_16 = arith.addi %add3A_14, %add3A_15 : i32
      "tpu.region"() ({
        %run_scoped3A = tpu.sem_alloc : memref<!tpu.dma_semaphore, #tpu.memory_space<semaphore_mem>>
        %dma_start3A_27 = tpu.memref_slice %arg3[%add3A_14] : memref<65536xi32, #tpu.memory_space<hbm>> -> memref<128xi32, #tpu.memory_space<hbm>>
        %dma_start3A_28 = tpu.memref_slice %arg3[%add3A_14] : memref<65536xi32, #tpu.memory_space<hbm>> -> memref<128xi32, #tpu.memory_space<hbm>>
        tpu.enqueue_dma source(%dma_start3A_28 : memref<128xi32, #tpu.memory_space<hbm>>) target(%arg5 : memref<128xi32, #tpu.memory_space<vmem>>) target_semaphore(%run_scoped3A : memref<!tpu.dma_semaphore, #tpu.memory_space<semaphore_mem>>)
        %dma_wait3A_29 = tpu.memref_slice %arg3[%add3A_14] : memref<65536xi32, #tpu.memory_space<hbm>> -> memref<128xi32, #tpu.memory_space<hbm>>
        %dma_wait3A_30 = tpu.memref_slice %arg3[%add3A_14] : memref<65536xi32, #tpu.memory_space<hbm>> -> memref<128xi32, #tpu.memory_space<hbm>>
        tpu.wait_dma2 semaphore(%run_scoped3A : memref<!tpu.dma_semaphore, #tpu.memory_space<semaphore_mem>>) src(%dma_wait3A_30 : memref<128xi32, #tpu.memory_space<hbm>>) dst(%arg5 : memref<128xi32, #tpu.memory_space<vmem>>)
        tpu.yield
      }) : () -> ()
      %dma_start3A = arith.constant 0 : i32
      %dma_start3A_17 = arith.constant 0 : i32
      %dma_start3A_18 = tpu.memref_slice %arg2[%dma_start3A, %dma_start3A_17] : memref<4096x256xf32, #tpu.memory_space<hbm>> -> memref<4096x256xf32, #tpu.memory_space<hbm>>
      tpu.enqueue_indirect_dma source(%dma_start3A_18 : memref<4096x256xf32, #tpu.memory_space<hbm>>) target(%arg7 : memref<128x256xf32, #tpu.memory_space<vmem>>) offsets(%arg5 : memref<128xi32, #tpu.memory_space<vmem>>) semaphore(%arg9 : memref<!tpu.dma_semaphore, #tpu.memory_space<semaphore_mem>>)
      "tpu.region"() ({
        %run_scoped3A = tpu.sem_alloc : memref<!tpu.dma_semaphore, #tpu.memory_space<semaphore_mem>>
        %dma_start3A_27 = tpu.memref_slice %arg3[%add3A_16] : memref<65536xi32, #tpu.memory_space<hbm>> -> memref<128xi32, #tpu.memory_space<hbm>>
        %dma_start3A_28 = tpu.memref_slice %arg3[%add3A_16] : memref<65536xi32, #tpu.memory_space<hbm>> -> memref<128xi32, #tpu.memory_space<hbm>>
        tpu.enqueue_dma source(%dma_start3A_28 : memref<128xi32, #tpu.memory_space<hbm>>) target(%arg6 : memref<128xi32, #tpu.memory_space<vmem>>) target_semaphore(%run_scoped3A : memref<!tpu.dma_semaphore, #tpu.memory_space<semaphore_mem>>)
        %dma_wait3A_29 = tpu.memref_slice %arg3[%add3A_16] : memref<65536xi32, #tpu.memory_space<hbm>> -> memref<128xi32, #tpu.memory_space<hbm>>
        %dma_wait3A_30 = tpu.memref_slice %arg3[%add3A_16] : memref<65536xi32, #tpu.memory_space<hbm>> -> memref<128xi32, #tpu.memory_space<hbm>>
        tpu.wait_dma2 semaphore(%run_scoped3A : memref<!tpu.dma_semaphore, #tpu.memory_space<semaphore_mem>>) src(%dma_wait3A_30 : memref<128xi32, #tpu.memory_space<hbm>>) dst(%arg6 : memref<128xi32, #tpu.memory_space<vmem>>)
        tpu.yield
      }) : () -> ()
      %dma_start3A_19 = arith.constant 0 : i32
      %dma_start3A_20 = arith.constant 0 : i32
      %dma_start3A_21 = tpu.memref_slice %arg2[%dma_start3A_19, %dma_start3A_20] : memref<4096x256xf32, #tpu.memory_space<hbm>> -> memref<4096x256xf32, #tpu.memory_space<hbm>>
      tpu.enqueue_indirect_dma source(%dma_start3A_21 : memref<4096x256xf32, #tpu.memory_space<hbm>>) target(%arg8 : memref<128x256xf32, #tpu.memory_space<vmem>>) offsets(%arg6 : memref<128xi32, #tpu.memory_space<vmem>>) semaphore(%arg10 : memref<!tpu.dma_semaphore, #tpu.memory_space<semaphore_mem>>)
      %dma_wait3A = arith.constant 0 : i32
      %dma_wait3A_22 = arith.constant 0 : i32
      %dma_wait3A_23 = tpu.memref_slice %arg2[%dma_wait3A, %dma_wait3A_22] : memref<4096x256xf32, #tpu.memory_space<hbm>> -> memref<4096x256xf32, #tpu.memory_space<hbm>>
      tpu.wait_indirect_dma semaphore(%arg9 : memref<!tpu.dma_semaphore, #tpu.memory_space<semaphore_mem>>) src(%dma_wait3A_23 : memref<4096x256xf32, #tpu.memory_space<hbm>>) dst(%arg7 : memref<128x256xf32, #tpu.memory_space<vmem>>)
      "tpu.region"() ({
        %run_scoped3A = tpu.sem_alloc : memref<!tpu.dma_semaphore, #tpu.memory_space<semaphore_mem>>
        %dma_start3A_27 = arith.constant 0 : i32
        %dma_start3A_28 = tpu.memref_slice %arg4[%add3A_14, %dma_start3A_27] : memref<65536x256xf32, #tpu.memory_space<hbm>> -> memref<128x256xf32, #tpu.memory_space<hbm>>
        %dma_start3A_29 = arith.constant 0 : i32
        %dma_start3A_30 = tpu.memref_slice %arg4[%add3A_14, %dma_start3A_29] : memref<65536x256xf32, #tpu.memory_space<hbm>> -> memref<128x256xf32, #tpu.memory_space<hbm>>
        tpu.enqueue_dma source(%arg7 : memref<128x256xf32, #tpu.memory_space<vmem>>) target(%dma_start3A_30 : memref<128x256xf32, #tpu.memory_space<hbm>>) target_semaphore(%run_scoped3A : memref<!tpu.dma_semaphore, #tpu.memory_space<semaphore_mem>>)
        %dma_wait3A_31 = arith.constant 0 : i32
        %dma_wait3A_32 = tpu.memref_slice %arg4[%add3A_14, %dma_wait3A_31] : memref<65536x256xf32, #tpu.memory_space<hbm>> -> memref<128x256xf32, #tpu.memory_space<hbm>>
        %dma_wait3A_33 = arith.constant 0 : i32
        %dma_wait3A_34 = tpu.memref_slice %arg4[%add3A_14, %dma_wait3A_33] : memref<65536x256xf32, #tpu.memory_space<hbm>> -> memref<128x256xf32, #tpu.memory_space<hbm>>
        tpu.wait_dma2 semaphore(%run_scoped3A : memref<!tpu.dma_semaphore, #tpu.memory_space<semaphore_mem>>) src(%arg7 : memref<128x256xf32, #tpu.memory_space<vmem>>) dst(%dma_wait3A_34 : memref<128x256xf32, #tpu.memory_space<hbm>>)
        tpu.yield
      }) : () -> ()
      %dma_wait3A_24 = arith.constant 0 : i32
      %dma_wait3A_25 = arith.constant 0 : i32
      %dma_wait3A_26 = tpu.memref_slice %arg2[%dma_wait3A_24, %dma_wait3A_25] : memref<4096x256xf32, #tpu.memory_space<hbm>> -> memref<4096x256xf32, #tpu.memory_space<hbm>>
      tpu.wait_indirect_dma semaphore(%arg10 : memref<!tpu.dma_semaphore, #tpu.memory_space<semaphore_mem>>) src(%dma_wait3A_26 : memref<4096x256xf32, #tpu.memory_space<hbm>>) dst(%arg8 : memref<128x256xf32, #tpu.memory_space<vmem>>)
      "tpu.region"() ({
        %run_scoped3A = tpu.sem_alloc : memref<!tpu.dma_semaphore, #tpu.memory_space<semaphore_mem>>
        %dma_start3A_27 = arith.constant 0 : i32
        %dma_start3A_28 = tpu.memref_slice %arg4[%add3A_16, %dma_start3A_27] : memref<65536x256xf32, #tpu.memory_space<hbm>> -> memref<128x256xf32, #tpu.memory_space<hbm>>
        %dma_start3A_29 = arith.constant 0 : i32
        %dma_start3A_30 = tpu.memref_slice %arg4[%add3A_16, %dma_start3A_29] : memref<65536x256xf32, #tpu.memory_space<hbm>> -> memref<128x256xf32, #tpu.memory_space<hbm>>
        tpu.enqueue_dma source(%arg8 : memref<128x256xf32, #tpu.memory_space<vmem>>) target(%dma_start3A_30 : memref<128x256xf32, #tpu.memory_space<hbm>>) target_semaphore(%run_scoped3A : memref<!tpu.dma_semaphore, #tpu.memory_space<semaphore_mem>>)
        %dma_wait3A_31 = arith.constant 0 : i32
        %dma_wait3A_32 = tpu.memref_slice %arg4[%add3A_16, %dma_wait3A_31] : memref<65536x256xf32, #tpu.memory_space<hbm>> -> memref<128x256xf32, #tpu.memory_space<hbm>>
        %dma_wait3A_33 = arith.constant 0 : i32
        %dma_wait3A_34 = tpu.memref_slice %arg4[%add3A_16, %dma_wait3A_33] : memref<65536x256xf32, #tpu.memory_space<hbm>> -> memref<128x256xf32, #tpu.memory_space<hbm>>
        tpu.wait_dma2 semaphore(%run_scoped3A : memref<!tpu.dma_semaphore, #tpu.memory_space<semaphore_mem>>) src(%arg8 : memref<128x256xf32, #tpu.memory_space<vmem>>) dst(%dma_wait3A_34 : memref<128x256xf32, #tpu.memory_space<hbm>>)
        tpu.yield
      }) : () -> ()
    }
    %scan3A_6 = arith.constant 8 : i32
    return
  }
}

module attributes {stable_mosaic.version = 14 : i64} {
  func.func @_knn_pqrs_body(%arg0: i32, %arg1: memref<1x1024x3xf32, #tpu.memory_space<vmem>>, %arg2: memref<1x8x1024xf32, #tpu.memory_space<vmem>>, %arg3: memref<1x1024x128xf32, #tpu.memory_space<vmem>>, %arg4: memref<256x128xf32, #tpu.memory_space<vmem>>, %arg5: memref<1x128xf32, #tpu.memory_space<vmem>>, %arg6: memref<256x128xf32, #tpu.memory_space<vmem>>, %arg7: memref<1x128xf32, #tpu.memory_space<vmem>>, %arg8: memref<1x1024x128xf32, #tpu.memory_space<vmem>>, %arg9: memref<1x1024x128xf32, #tpu.memory_space<vmem>>, %arg10: memref<1x1024x256xf32, #tpu.memory_space<vmem>>, %arg11: memref<1x1024x16xi32, #tpu.memory_space<vmem>>) attributes {dimension_semantics = [#tpu.dimension_semantics<arbitrary>], iteration_bounds = array<i64: 4>, scalar_prefetch = 0 : i64, scratch_operands = 0 : i64, tpu.core_type = #tpu.core_type<tc>, window_params = [{transform_indices = @transform_0, window_bounds = array<i64: 1, 1024, 3>}, {transform_indices = @transform_1, window_bounds = array<i64: 1, 8, 1024>}, {transform_indices = @transform_2, window_bounds = array<i64: 1, 1024, 128>}, {pipeline_mode = #tpu.pipeline_mode<synchronous>, transform_indices = @transform_3, window_bounds = array<i64: 256, 128>}, {pipeline_mode = #tpu.pipeline_mode<synchronous>, transform_indices = @transform_4, window_bounds = array<i64: 1, 128>}, {pipeline_mode = #tpu.pipeline_mode<synchronous>, transform_indices = @transform_5, window_bounds = array<i64: 256, 128>}, {pipeline_mode = #tpu.pipeline_mode<synchronous>, transform_indices = @transform_6, window_bounds = array<i64: 1, 128>}, {transform_indices = @transform_7, window_bounds = array<i64: 1, 1024, 128>}, {transform_indices = @transform_8, window_bounds = array<i64: 1, 1024, 128>}, {transform_indices = @transform_9, window_bounds = array<i64: 1, 1024, 256>}, {transform_indices = @transform_10, window_bounds = array<i64: 1, 1024, 16>}]} {
    %get3A = arith.constant 0 : index
    %get3A_0 = arith.constant 0 : index
    %get3A_1 = arith.constant 0 : index
    %get3A_2 = vector.load %arg3[%get3A, %get3A_0, %get3A_1] : memref<1x1024x128xf32, #tpu.memory_space<vmem>>, vector<1x1024x128xf32>
    %get3A_3 = vector.shape_cast %get3A_2 : vector<1x1024x128xf32> to vector<1024x128xf32>
    %convert_element_type3A = arith.truncf %get3A_3 : vector<1024x128xf32> to vector<1024x128xbf16>
    %get3A_4 = arith.constant 0 : index
    %get3A_5 = arith.constant 0 : index
    %get3A_6 = vector.load %arg4[%get3A_4, %get3A_5] : memref<256x128xf32, #tpu.memory_space<vmem>>, vector<256x128xf32>
    %convert_element_type3A_7 = arith.truncf %get3A_6 : vector<256x128xf32> to vector<256x128xbf16>
    %get3A_8 = arith.constant 0 : index
    %get3A_9 = arith.constant 0 : index
    %get3A_10 = vector.load %arg6[%get3A_8, %get3A_9] : memref<256x128xf32, #tpu.memory_space<vmem>>, vector<256x128xf32>
    %convert_element_type3A_11 = arith.truncf %get3A_10 : vector<256x128xf32> to vector<256x128xbf16>
    %slice3A = vector.extract_strided_slice %convert_element_type3A_7 {offsets = [0, 0], sizes = [128, 128], strides = [1, 1]} : vector<256x128xbf16> to vector<128x128xbf16>
    %dot_general3A = arith.constant dense<0.000000e+00> : vector<1024x128xf32>
    %dot_general3A_12 = tpu.matmul %convert_element_type3A, %slice3A, %dot_general3A {dimension_numbers = #tpu.dot_dimension_numbers<[1], [0], [0], [1], [0, 0, 1, 1], [], []>, transpose_lhs_hint = false} : vector<1024x128xbf16>, vector<128x128xbf16>, vector<1024x128xf32> -> vector<1024x128xf32>
    %get3A_13 = arith.constant 0 : index
    %get3A_14 = arith.constant 0 : index
    %get3A_15 = vector.load %arg5[%get3A_13, %get3A_14] : memref<1x128xf32, #tpu.memory_space<vmem>>, vector<1x128xf32>
    %add3A = vector.broadcast %get3A_15 : vector<1x128xf32> to vector<1024x128xf32>
    %add3A_16 = arith.addf %dot_general3A_12, %add3A : vector<1024x128xf32>
    %swap3A = arith.constant 0 : index
    %swap3A_17 = arith.constant 0 : index
    %swap3A_18 = arith.constant 0 : index
    %swap3A_19 = vector.load %arg8[%swap3A, %swap3A_17, %swap3A_18] : memref<1x1024x128xf32, #tpu.memory_space<vmem>>, vector<1x1024x128xf32>
    %swap3A_20 = vector.shape_cast %swap3A_19 : vector<1x1024x128xf32> to vector<1024x128xf32>
    %swap3A_21 = vector.shape_cast %add3A_16 : vector<1024x128xf32> to vector<1x1024x128xf32>
    tpu.vector_store %arg8[%swap3A, %swap3A_17, %swap3A_18], %swap3A_21 {strides = array<i32>} : memref<1x1024x128xf32, #tpu.memory_space<vmem>>, vector<1x1024x128xf32>,
    %slice3A_22 = vector.extract_strided_slice %convert_element_type3A_11 {offsets = [0, 0], sizes = [128, 128], strides = [1, 1]} : vector<256x128xbf16> to vector<128x128xbf16>
    %dot_general3A_23 = arith.constant dense<0.000000e+00> : vector<1024x128xf32>
    %dot_general3A_24 = tpu.matmul %convert_element_type3A, %slice3A_22, %dot_general3A_23 {dimension_numbers = #tpu.dot_dimension_numbers<[1], [0], [0], [1], [0, 0, 1, 1], [], []>, transpose_lhs_hint = false} : vector<1024x128xbf16>, vector<128x128xbf16>, vector<1024x128xf32> -> vector<1024x128xf32>
    %get3A_25 = arith.constant 0 : index
    %get3A_26 = arith.constant 0 : index
    %get3A_27 = vector.load %arg7[%get3A_25, %get3A_26] : memref<1x128xf32, #tpu.memory_space<vmem>>, vector<1x128xf32>
    %add3A_28 = vector.broadcast %get3A_27 : vector<1x128xf32> to vector<1024x128xf32>
    %add3A_29 = arith.addf %dot_general3A_24, %add3A_28 : vector<1024x128xf32>
    %swap3A_30 = arith.constant 0 : index
    %swap3A_31 = arith.constant 0 : index
    %swap3A_32 = arith.constant 0 : index
    %swap3A_33 = vector.load %arg9[%swap3A_30, %swap3A_31, %swap3A_32] : memref<1x1024x128xf32, #tpu.memory_space<vmem>>, vector<1x1024x128xf32>
    %swap3A_34 = vector.shape_cast %swap3A_33 : vector<1x1024x128xf32> to vector<1024x128xf32>
    %swap3A_35 = vector.shape_cast %add3A_29 : vector<1024x128xf32> to vector<1x1024x128xf32>
    tpu.vector_store %arg9[%swap3A_30, %swap3A_31, %swap3A_32], %swap3A_35 {strides = array<i32>} : memref<1x1024x128xf32, #tpu.memory_space<vmem>>, vector<1x1024x128xf32>,
    %slice3A_36 = vector.extract_strided_slice %convert_element_type3A_7 {offsets = [128, 0], sizes = [128, 128], strides = [1, 1]} : vector<256x128xbf16> to vector<128x128xbf16>
    %dot_general3A_37 = arith.constant dense<0.000000e+00> : vector<1024x128xf32>
    %dot_general3A_38 = tpu.matmul %convert_element_type3A, %slice3A_36, %dot_general3A_37 {dimension_numbers = #tpu.dot_dimension_numbers<[1], [0], [0], [1], [0, 0, 1, 1], [], []>, transpose_lhs_hint = false} : vector<1024x128xbf16>, vector<128x128xbf16>, vector<1024x128xf32> -> vector<1024x128xf32>
    %swap3A_39 = arith.constant 0 : index
    %swap3A_40 = arith.constant 0 : index
    %swap3A_41 = arith.constant 0 : index
    %swap3A_42 = vector.load %arg10[%swap3A_39, %swap3A_40, %swap3A_41] : memref<1x1024x256xf32, #tpu.memory_space<vmem>>, vector<1x1024x128xf32>
    %swap3A_43 = vector.shape_cast %swap3A_42 : vector<1x1024x128xf32> to vector<1024x128xf32>
    %swap3A_44 = vector.shape_cast %dot_general3A_38 : vector<1024x128xf32> to vector<1x1024x128xf32>
    tpu.vector_store %arg10[%swap3A_39, %swap3A_40, %swap3A_41], %swap3A_44 {strides = array<i32>} : memref<1x1024x256xf32, #tpu.memory_space<vmem>>, vector<1x1024x128xf32>,
    %slice3A_45 = vector.extract_strided_slice %convert_element_type3A_11 {offsets = [128, 0], sizes = [128, 128], strides = [1, 1]} : vector<256x128xbf16> to vector<128x128xbf16>
    %dot_general3A_46 = arith.constant dense<0.000000e+00> : vector<1024x128xf32>
    %dot_general3A_47 = tpu.matmul %convert_element_type3A, %slice3A_45, %dot_general3A_46 {dimension_numbers = #tpu.dot_dimension_numbers<[1], [0], [0], [1], [0, 0, 1, 1], [], []>, transpose_lhs_hint = false} : vector<1024x128xbf16>, vector<128x128xbf16>, vector<1024x128xf32> -> vector<1024x128xf32>
    %swap3A_48 = arith.constant 0 : index
    %swap3A_49 = arith.constant 0 : index
    %swap3A_50 = arith.constant 128 : index
    %swap3A_51 = vector.load %arg10[%swap3A_48, %swap3A_49, %swap3A_50] : memref<1x1024x256xf32, #tpu.memory_space<vmem>>, vector<1x1024x128xf32>
    %swap3A_52 = vector.shape_cast %swap3A_51 : vector<1x1024x128xf32> to vector<1024x128xf32>
    %swap3A_53 = vector.shape_cast %dot_general3A_47 : vector<1024x128xf32> to vector<1x1024x128xf32>
    tpu.vector_store %arg10[%swap3A_48, %swap3A_49, %swap3A_50], %swap3A_53 {strides = array<i32>} : memref<1x1024x256xf32, #tpu.memory_space<vmem>>, vector<1x1024x128xf32>,
    %iota3A = tpu.iota {dimensions = array<i32: 1>} : vector<256x1024xi32>
    %iota3A_54 = tpu.iota {dimensions = array<i32: 0>} : vector<256x1024xi32>
    %add3A_55 = arith.constant 0 : i32
    %add3A_56 = vector.broadcast %add3A_55 : i32 to vector<256x1024xi32>
    %add3A_57 = arith.addi %add3A_56, %iota3A_54 : vector<256x1024xi32>
    %broadcast_in_dim3A = arith.constant 0.000000e+00 : f32
    %broadcast_in_dim3A_58 = vector.broadcast %broadcast_in_dim3A : f32 to vector<256x1024xf32>
    %get3A_59 = arith.constant 0 : index
    %get3A_60 = arith.constant 0 : index
    %get3A_61 = arith.constant 0 : index
    %get3A_62 = vector.load %arg1[%get3A_59, %get3A_60, %get3A_61] : memref<1x1024x3xf32, #tpu.memory_space<vmem>>, vector<1x256x1xf32>
    %get3A_63 = vector.shape_cast %get3A_62 : vector<1x256x1xf32> to vector<256x1xf32>
    %get3A_64 = arith.constant 0 : index
    %get3A_65 = arith.constant 0 : index
    %get3A_66 = arith.constant 0 : index
    %get3A_67 = vector.load %arg2[%get3A_64, %get3A_65, %get3A_66] : memref<1x8x1024xf32, #tpu.memory_space<vmem>>, vector<1x1x1024xf32>
    %get3A_68 = vector.shape_cast %get3A_67 : vector<1x1x1024xf32> to vector<1x1024xf32>
    %sub3A = vector.broadcast %get3A_63 : vector<256x1xf32> to vector<256x1024xf32>
    %sub3A_69 = vector.broadcast %get3A_68 : vector<1x1024xf32> to vector<256x1024xf32>
    %sub3A_70 = arith.subf %sub3A, %sub3A_69 : vector<256x1024xf32>
    %mul3A = arith.mulf %sub3A_70, %sub3A_70 : vector<256x1024xf32>
    %add3A_71 = arith.addf %broadcast_in_dim3A_58, %mul3A : vector<256x1024xf32>
    %get3A_72 = arith.constant 0 : index
    %get3A_73 = arith.constant 0 : index
    %get3A_74 = arith.constant 1 : index
    %get3A_75 = vector.load %arg1[%get3A_72, %get3A_73, %get3A_74] : memref<1x1024x3xf32, #tpu.memory_space<vmem>>, vector<1x256x1xf32>
    %get3A_76 = vector.shape_cast %get3A_75 : vector<1x256x1xf32> to vector<256x1xf32>
    %get3A_77 = arith.constant 0 : index
    %get3A_78 = arith.constant 1 : index
    %get3A_79 = arith.constant 0 : index
    %get3A_80 = vector.load %arg2[%get3A_77, %get3A_78, %get3A_79] : memref<1x8x1024xf32, #tpu.memory_space<vmem>>, vector<1x1x1024xf32>
    %get3A_81 = vector.shape_cast %get3A_80 : vector<1x1x1024xf32> to vector<1x1024xf32>
    %sub3A_82 = vector.broadcast %get3A_76 : vector<256x1xf32> to vector<256x1024xf32>
    %sub3A_83 = vector.broadcast %get3A_81 : vector<1x1024xf32> to vector<256x1024xf32>
    %sub3A_84 = arith.subf %sub3A_82, %sub3A_83 : vector<256x1024xf32>
    %mul3A_85 = arith.mulf %sub3A_84, %sub3A_84 : vector<256x1024xf32>
    %add3A_86 = arith.addf %add3A_71, %mul3A_85 : vector<256x1024xf32>
    %get3A_87 = arith.constant 0 : index
    %get3A_88 = arith.constant 0 : index
    %get3A_89 = arith.constant 2 : index
    %get3A_90 = vector.load %arg1[%get3A_87, %get3A_88, %get3A_89] : memref<1x1024x3xf32, #tpu.memory_space<vmem>>, vector<1x256x1xf32>
    %get3A_91 = vector.shape_cast %get3A_90 : vector<1x256x1xf32> to vector<256x1xf32>
    %get3A_92 = arith.constant 0 : index
    %get3A_93 = arith.constant 2 : index
    %get3A_94 = arith.constant 0 : index
    %get3A_95 = vector.load %arg2[%get3A_92, %get3A_93, %get3A_94] : memref<1x8x1024xf32, #tpu.memory_space<vmem>>, vector<1x1x1024xf32>
    %get3A_96 = vector.shape_cast %get3A_95 : vector<1x1x1024xf32> to vector<1x1024xf32>
    %sub3A_97 = vector.broadcast %get3A_91 : vector<256x1xf32> to vector<256x1024xf32>
    %sub3A_98 = vector.broadcast %get3A_96 : vector<1x1024xf32> to vector<256x1024xf32>
    %sub3A_99 = arith.subf %sub3A_97, %sub3A_98 : vector<256x1024xf32>
    %mul3A_100 = arith.mulf %sub3A_99, %sub3A_99 : vector<256x1024xf32>
    %add3A_101 = arith.addf %add3A_86, %mul3A_100 : vector<256x1024xf32>
    %eq3A = arith.cmpi eq, %iota3A, %add3A_57 : vector<256x1024xi32>
    %jit3A = arith.constant 1.000000e+10 : f32
    %jit3A_102 = arith.constant 0.000000e+00 : f32
    %broadcast_in_dim3A_103 = vector.broadcast %jit3A : f32 to vector<256x1024xf32>
    %broadcast_in_dim3A_104 = vector.broadcast %jit3A_102 : f32 to vector<256x1024xf32>
    %select_n3A = arith.select %eq3A, %broadcast_in_dim3A_103, %broadcast_in_dim3A_104 : vector<256x1024xi1>, vector<256x1024xf32>
    %add3A_105 = arith.addf %add3A_101, %select_n3A : vector<256x1024xf32>
    %reduce_min3A = arith.constant dense<0x7F800000> : vector<256xf32>
    %reduce_min3A_106 = vector.multi_reduction <minimumf>, %add3A_105, %reduce_min3A [1] : vector<256x1024xf32> to vector<256xf32>
    %broadcast_in_dim3A_107 = vector.shape_cast %reduce_min3A_106 : vector<256xf32> to vector<256x1xf32>
    %eq3A_108 = vector.broadcast %broadcast_in_dim3A_107 : vector<256x1xf32> to vector<256x1024xf32>
    %eq3A_109 = arith.cmpf oeq, %add3A_105, %eq3A_108 : vector<256x1024xf32>
    %jit3A_110 = arith.constant 1073741824 : i32
    %broadcast_in_dim3A_111 = vector.broadcast %jit3A_110 : i32 to vector<256x1024xi32>
    %select_n3A_112 = arith.select %eq3A_109, %iota3A, %broadcast_in_dim3A_111 : vector<256x1024xi1>, vector<256x1024xi32>
    %reduce_min3A_113 = arith.constant dense<2147483647> : vector<256xi32>
    %reduce_min3A_114 = vector.multi_reduction <minsi>, %select_n3A_112, %reduce_min3A_113 [1] : vector<256x1024xi32> to vector<256xi32>
    %broadcast_in_dim3A_115 = vector.shape_cast %reduce_min3A_114 : vector<256xi32> to vector<256x1xi32>
    %eq3A_116 = vector.broadcast %broadcast_in_dim3A_115 : vector<256x1xi32> to vector<256x1024xi32>
    %eq3A_117 = arith.cmpi eq, %iota3A, %eq3A_116 : vector<256x1024xi32>
    %jit3A_118 = arith.constant 3.000000e+30 : f32
    %broadcast_in_dim3A_119 = vector.broadcast %jit3A_118 : f32 to vector<256x1024xf32>
    %select_n3A_120 = arith.select %eq3A_117, %broadcast_in_dim3A_119, %add3A_105 : vector<256x1024xi1>, vector<256x1024xf32>
    %swap3A_121 = arith.constant 0 : index
    %swap3A_122 = arith.constant 0 : index
    %swap3A_123 = arith.constant 0 : index
    %swap3A_124 = vector.load %arg11[%swap3A_121, %swap3A_122, %swap3A_123] : memref<1x1024x16xi32, #tpu.memory_space<vmem>>, vector<1x256x1xi32>
    %swap3A_125 = vector.shape_cast %swap3A_124 : vector<1x256x1xi32> to vector<256x1xi32>
    %swap3A_126 = vector.shape_cast %broadcast_in_dim3A_115 : vector<256x1xi32> to vector<1x256x1xi32>
    tpu.vector_store %arg11[%swap3A_121, %swap3A_122, %swap3A_123], %swap3A_126 {strides = array<i32>} : memref<1x1024x16xi32, #tpu.memory_space<vmem>>, vector<1x256x1xi32>,
    %reduce_min3A_127 = arith.constant dense<0x7F800000> : vector<256xf32>
    %reduce_min3A_128 = vector.multi_reduction <minimumf>, %select_n3A_120, %reduce_min3A_127 [1] : vector<256x1024xf32> to vector<256xf32>
    %broadcast_in_dim3A_129 = vector.shape_cast %reduce_min3A_128 : vector<256xf32> to vector<256x1xf32>
    %eq3A_130 = vector.broadcast %broadcast_in_dim3A_129 : vector<256x1xf32> to vector<256x1024xf32>
    %eq3A_131 = arith.cmpf oeq, %select_n3A_120, %eq3A_130 : vector<256x1024xf32>
    %jit3A_132 = arith.constant 1073741824 : i32
    %broadcast_in_dim3A_133 = vector.broadcast %jit3A_132 : i32 to vector<256x1024xi32>
    %select_n3A_134 = arith.select %eq3A_131, %iota3A, %broadcast_in_dim3A_133 : vector<256x1024xi1>, vector<256x1024xi32>
    %reduce_min3A_135 = arith.constant dense<2147483647> : vector<256xi32>
    %reduce_min3A_136 = vector.multi_reduction <minsi>, %select_n3A_134, %reduce_min3A_135 [1] : vector<256x1024xi32> to vector<256xi32>
    %broadcast_in_dim3A_137 = vector.shape_cast %reduce_min3A_136 : vector<256xi32> to vector<256x1xi32>
    %eq3A_138 = vector.broadcast %broadcast_in_dim3A_137 : vector<256x1xi32> to vector<256x1024xi32>
    %eq3A_139 = arith.cmpi eq, %iota3A, %eq3A_138 : vector<256x1024xi32>
    %jit3A_140 = arith.constant 3.000000e+30 : f32
    %broadcast_in_dim3A_141 = vector.broadcast %jit3A_140 : f32 to vector<256x1024xf32>
    %select_n3A_142 = arith.select %eq3A_139, %broadcast_in_dim3A_141, %select_n3A_120 : vector<256x1024xi1>, vector<256x1024xf32>
    %swap3A_143 = arith.constant 0 : index
    %swap3A_144 = arith.constant 0 : index
    %swap3A_145 = arith.constant 1 : index
    %swap3A_146 = vector.load %arg11[%swap3A_143, %swap3A_144, %swap3A_145] : memref<1x1024x16xi32, #tpu.memory_space<vmem>>, vector<1x256x1xi32>
    %swap3A_147 = vector.shape_cast %swap3A_146 : vector<1x256x1xi32> to vector<256x1xi32>
    %swap3A_148 = vector.shape_cast %broadcast_in_dim3A_137 : vector<256x1xi32> to vector<1x256x1xi32>
    tpu.vector_store %arg11[%swap3A_143, %swap3A_144, %swap3A_145], %swap3A_148 {strides = array<i32>} : memref<1x1024x16xi32, #tpu.memory_space<vmem>>, vector<1x256x1xi32>,
    %reduce_min3A_149 = arith.constant dense<0x7F800000> : vector<256xf32>
    %reduce_min3A_150 = vector.multi_reduction <minimumf>, %select_n3A_142, %reduce_min3A_149 [1] : vector<256x1024xf32> to vector<256xf32>
    %broadcast_in_dim3A_151 = vector.shape_cast %reduce_min3A_150 : vector<256xf32> to vector<256x1xf32>
    %eq3A_152 = vector.broadcast %broadcast_in_dim3A_151 : vector<256x1xf32> to vector<256x1024xf32>
    %eq3A_153 = arith.cmpf oeq, %select_n3A_142, %eq3A_152 : vector<256x1024xf32>
    %jit3A_154 = arith.constant 1073741824 : i32
    %broadcast_in_dim3A_155 = vector.broadcast %jit3A_154 : i32 to vector<256x1024xi32>
    %select_n3A_156 = arith.select %eq3A_153, %iota3A, %broadcast_in_dim3A_155 : vector<256x1024xi1>, vector<256x1024xi32>
    %reduce_min3A_157 = arith.constant dense<2147483647> : vector<256xi32>
    %reduce_min3A_158 = vector.multi_reduction <minsi>, %select_n3A_156, %reduce_min3A_157 [1] : vector<256x1024xi32> to vector<256xi32>
    %broadcast_in_dim3A_159 = vector.shape_cast %reduce_min3A_158 : vector<256xi32> to vector<256x1xi32>
    %eq3A_160 = vector.broadcast %broadcast_in_dim3A_159 : vector<256x1xi32> to vector<256x1024xi32>
    %eq3A_161 = arith.cmpi eq, %iota3A, %eq3A_160 : vector<256x1024xi32>
    %jit3A_162 = arith.constant 3.000000e+30 : f32
    %broadcast_in_dim3A_163 = vector.broadcast %jit3A_162 : f32 to vector<256x1024xf32>
    %select_n3A_164 = arith.select %eq3A_161, %broadcast_in_dim3A_163, %select_n3A_142 : vector<256x1024xi1>, vector<256x1024xf32>
    %swap3A_165 = arith.constant 0 : index
    %swap3A_166 = arith.constant 0 : index
    %swap3A_167 = arith.constant 2 : index
    %swap3A_168 = vector.load %arg11[%swap3A_165, %swap3A_166, %swap3A_167] : memref<1x1024x16xi32, #tpu.memory_space<vmem>>, vector<1x256x1xi32>
    %swap3A_169 = vector.shape_cast %swap3A_168 : vector<1x256x1xi32> to vector<256x1xi32>
    %swap3A_170 = vector.shape_cast %broadcast_in_dim3A_159 : vector<256x1xi32> to vector<1x256x1xi32>
    tpu.vector_store %arg11[%swap3A_165, %swap3A_166, %swap3A_167], %swap3A_170 {strides = array<i32>} : memref<1x1024x16xi32, #tpu.memory_space<vmem>>, vector<1x256x1xi32>,
    %reduce_min3A_171 = arith.constant dense<0x7F800000> : vector<256xf32>
    %reduce_min3A_172 = vector.multi_reduction <minimumf>, %select_n3A_164, %reduce_min3A_171 [1] : vector<256x1024xf32> to vector<256xf32>
    %broadcast_in_dim3A_173 = vector.shape_cast %reduce_min3A_172 : vector<256xf32> to vector<256x1xf32>
    %eq3A_174 = vector.broadcast %broadcast_in_dim3A_173 : vector<256x1xf32> to vector<256x1024xf32>
    %eq3A_175 = arith.cmpf oeq, %select_n3A_164, %eq3A_174 : vector<256x1024xf32>
    %jit3A_176 = arith.constant 1073741824 : i32
    %broadcast_in_dim3A_177 = vector.broadcast %jit3A_176 : i32 to vector<256x1024xi32>
    %select_n3A_178 = arith.select %eq3A_175, %iota3A, %broadcast_in_dim3A_177 : vector<256x1024xi1>, vector<256x1024xi32>
    %reduce_min3A_179 = arith.constant dense<2147483647> : vector<256xi32>
    %reduce_min3A_180 = vector.multi_reduction <minsi>, %select_n3A_178, %reduce_min3A_179 [1] : vector<256x1024xi32> to vector<256xi32>
    %broadcast_in_dim3A_181 = vector.shape_cast %reduce_min3A_180 : vector<256xi32> to vector<256x1xi32>
    %eq3A_182 = vector.broadcast %broadcast_in_dim3A_181 : vector<256x1xi32> to vector<256x1024xi32>
    %eq3A_183 = arith.cmpi eq, %iota3A, %eq3A_182 : vector<256x1024xi32>
    %jit3A_184 = arith.constant 3.000000e+30 : f32
    %broadcast_in_dim3A_185 = vector.broadcast %jit3A_184 : f32 to vector<256x1024xf32>
    %select_n3A_186 = arith.select %eq3A_183, %broadcast_in_dim3A_185, %select_n3A_164 : vector<256x1024xi1>, vector<256x1024xf32>
    %swap3A_187 = arith.constant 0 : index
    %swap3A_188 = arith.constant 0 : index
    %swap3A_189 = arith.constant 3 : index
    %swap3A_190 = vector.load %arg11[%swap3A_187, %swap3A_188, %swap3A_189] : memref<1x1024x16xi32, #tpu.memory_space<vmem>>, vector<1x256x1xi32>
    %swap3A_191 = vector.shape_cast %swap3A_190 : vector<1x256x1xi32> to vector<256x1xi32>
    %swap3A_192 = vector.shape_cast %broadcast_in_dim3A_181 : vector<256x1xi32> to vector<1x256x1xi32>
    tpu.vector_store %arg11[%swap3A_187, %swap3A_188, %swap3A_189], %swap3A_192 {strides = array<i32>} : memref<1x1024x16xi32, #tpu.memory_space<vmem>>, vector<1x256x1xi32>,
    %reduce_min3A_193 = arith.constant dense<0x7F800000> : vector<256xf32>
    %reduce_min3A_194 = vector.multi_reduction <minimumf>, %select_n3A_186, %reduce_min3A_193 [1] : vector<256x1024xf32> to vector<256xf32>
    %broadcast_in_dim3A_195 = vector.shape_cast %reduce_min3A_194 : vector<256xf32> to vector<256x1xf32>
    %eq3A_196 = vector.broadcast %broadcast_in_dim3A_195 : vector<256x1xf32> to vector<256x1024xf32>
    %eq3A_197 = arith.cmpf oeq, %select_n3A_186, %eq3A_196 : vector<256x1024xf32>
    %jit3A_198 = arith.constant 1073741824 : i32
    %broadcast_in_dim3A_199 = vector.broadcast %jit3A_198 : i32 to vector<256x1024xi32>
    %select_n3A_200 = arith.select %eq3A_197, %iota3A, %broadcast_in_dim3A_199 : vector<256x1024xi1>, vector<256x1024xi32>
    %reduce_min3A_201 = arith.constant dense<2147483647> : vector<256xi32>
    %reduce_min3A_202 = vector.multi_reduction <minsi>, %select_n3A_200, %reduce_min3A_201 [1] : vector<256x1024xi32> to vector<256xi32>
    %broadcast_in_dim3A_203 = vector.shape_cast %reduce_min3A_202 : vector<256xi32> to vector<256x1xi32>
    %eq3A_204 = vector.broadcast %broadcast_in_dim3A_203 : vector<256x1xi32> to vector<256x1024xi32>
    %eq3A_205 = arith.cmpi eq, %iota3A, %eq3A_204 : vector<256x1024xi32>
    %jit3A_206 = arith.constant 3.000000e+30 : f32
    %broadcast_in_dim3A_207 = vector.broadcast %jit3A_206 : f32 to vector<256x1024xf32>
    %select_n3A_208 = arith.select %eq3A_205, %broadcast_in_dim3A_207, %select_n3A_186 : vector<256x1024xi1>, vector<256x1024xf32>
    %swap3A_209 = arith.constant 0 : index
    %swap3A_210 = arith.constant 0 : index
    %swap3A_211 = arith.constant 4 : index
    %swap3A_212 = vector.load %arg11[%swap3A_209, %swap3A_210, %swap3A_211] : memref<1x1024x16xi32, #tpu.memory_space<vmem>>, vector<1x256x1xi32>
    %swap3A_213 = vector.shape_cast %swap3A_212 : vector<1x256x1xi32> to vector<256x1xi32>
    %swap3A_214 = vector.shape_cast %broadcast_in_dim3A_203 : vector<256x1xi32> to vector<1x256x1xi32>
    tpu.vector_store %arg11[%swap3A_209, %swap3A_210, %swap3A_211], %swap3A_214 {strides = array<i32>} : memref<1x1024x16xi32, #tpu.memory_space<vmem>>, vector<1x256x1xi32>,
    %reduce_min3A_215 = arith.constant dense<0x7F800000> : vector<256xf32>
    %reduce_min3A_216 = vector.multi_reduction <minimumf>, %select_n3A_208, %reduce_min3A_215 [1] : vector<256x1024xf32> to vector<256xf32>
    %broadcast_in_dim3A_217 = vector.shape_cast %reduce_min3A_216 : vector<256xf32> to vector<256x1xf32>
    %eq3A_218 = vector.broadcast %broadcast_in_dim3A_217 : vector<256x1xf32> to vector<256x1024xf32>
    %eq3A_219 = arith.cmpf oeq, %select_n3A_208, %eq3A_218 : vector<256x1024xf32>
    %jit3A_220 = arith.constant 1073741824 : i32
    %broadcast_in_dim3A_221 = vector.broadcast %jit3A_220 : i32 to vector<256x1024xi32>
    %select_n3A_222 = arith.select %eq3A_219, %iota3A, %broadcast_in_dim3A_221 : vector<256x1024xi1>, vector<256x1024xi32>
    %reduce_min3A_223 = arith.constant dense<2147483647> : vector<256xi32>
    %reduce_min3A_224 = vector.multi_reduction <minsi>, %select_n3A_222, %reduce_min3A_223 [1] : vector<256x1024xi32> to vector<256xi32>
    %broadcast_in_dim3A_225 = vector.shape_cast %reduce_min3A_224 : vector<256xi32> to vector<256x1xi32>
    %eq3A_226 = vector.broadcast %broadcast_in_dim3A_225 : vector<256x1xi32> to vector<256x1024xi32>
    %eq3A_227 = arith.cmpi eq, %iota3A, %eq3A_226 : vector<256x1024xi32>
    %jit3A_228 = arith.constant 3.000000e+30 : f32
    %broadcast_in_dim3A_229 = vector.broadcast %jit3A_228 : f32 to vector<256x1024xf32>
    %select_n3A_230 = arith.select %eq3A_227, %broadcast_in_dim3A_229, %select_n3A_208 : vector<256x1024xi1>, vector<256x1024xf32>
    %swap3A_231 = arith.constant 0 : index
    %swap3A_232 = arith.constant 0 : index
    %swap3A_233 = arith.constant 5 : index
    %swap3A_234 = vector.load %arg11[%swap3A_231, %swap3A_232, %swap3A_233] : memref<1x1024x16xi32, #tpu.memory_space<vmem>>, vector<1x256x1xi32>
    %swap3A_235 = vector.shape_cast %swap3A_234 : vector<1x256x1xi32> to vector<256x1xi32>
    %swap3A_236 = vector.shape_cast %broadcast_in_dim3A_225 : vector<256x1xi32> to vector<1x256x1xi32>
    tpu.vector_store %arg11[%swap3A_231, %swap3A_232, %swap3A_233], %swap3A_236 {strides = array<i32>} : memref<1x1024x16xi32, #tpu.memory_space<vmem>>, vector<1x256x1xi32>,
    %reduce_min3A_237 = arith.constant dense<0x7F800000> : vector<256xf32>
    %reduce_min3A_238 = vector.multi_reduction <minimumf>, %select_n3A_230, %reduce_min3A_237 [1] : vector<256x1024xf32> to vector<256xf32>
    %broadcast_in_dim3A_239 = vector.shape_cast %reduce_min3A_238 : vector<256xf32> to vector<256x1xf32>
    %eq3A_240 = vector.broadcast %broadcast_in_dim3A_239 : vector<256x1xf32> to vector<256x1024xf32>
    %eq3A_241 = arith.cmpf oeq, %select_n3A_230, %eq3A_240 : vector<256x1024xf32>
    %jit3A_242 = arith.constant 1073741824 : i32
    %broadcast_in_dim3A_243 = vector.broadcast %jit3A_242 : i32 to vector<256x1024xi32>
    %select_n3A_244 = arith.select %eq3A_241, %iota3A, %broadcast_in_dim3A_243 : vector<256x1024xi1>, vector<256x1024xi32>
    %reduce_min3A_245 = arith.constant dense<2147483647> : vector<256xi32>
    %reduce_min3A_246 = vector.multi_reduction <minsi>, %select_n3A_244, %reduce_min3A_245 [1] : vector<256x1024xi32> to vector<256xi32>
    %broadcast_in_dim3A_247 = vector.shape_cast %reduce_min3A_246 : vector<256xi32> to vector<256x1xi32>
    %eq3A_248 = vector.broadcast %broadcast_in_dim3A_247 : vector<256x1xi32> to vector<256x1024xi32>
    %eq3A_249 = arith.cmpi eq, %iota3A, %eq3A_248 : vector<256x1024xi32>
    %jit3A_250 = arith.constant 3.000000e+30 : f32
    %broadcast_in_dim3A_251 = vector.broadcast %jit3A_250 : f32 to vector<256x1024xf32>
    %select_n3A_252 = arith.select %eq3A_249, %broadcast_in_dim3A_251, %select_n3A_230 : vector<256x1024xi1>, vector<256x1024xf32>
    %swap3A_253 = arith.constant 0 : index
    %swap3A_254 = arith.constant 0 : index
    %swap3A_255 = arith.constant 6 : index
    %swap3A_256 = vector.load %arg11[%swap3A_253, %swap3A_254, %swap3A_255] : memref<1x1024x16xi32, #tpu.memory_space<vmem>>, vector<1x256x1xi32>
    %swap3A_257 = vector.shape_cast %swap3A_256 : vector<1x256x1xi32> to vector<256x1xi32>
    %swap3A_258 = vector.shape_cast %broadcast_in_dim3A_247 : vector<256x1xi32> to vector<1x256x1xi32>
    tpu.vector_store %arg11[%swap3A_253, %swap3A_254, %swap3A_255], %swap3A_258 {strides = array<i32>} : memref<1x1024x16xi32, #tpu.memory_space<vmem>>, vector<1x256x1xi32>,
    %reduce_min3A_259 = arith.constant dense<0x7F800000> : vector<256xf32>
    %reduce_min3A_260 = vector.multi_reduction <minimumf>, %select_n3A_252, %reduce_min3A_259 [1] : vector<256x1024xf32> to vector<256xf32>
    %broadcast_in_dim3A_261 = vector.shape_cast %reduce_min3A_260 : vector<256xf32> to vector<256x1xf32>
    %eq3A_262 = vector.broadcast %broadcast_in_dim3A_261 : vector<256x1xf32> to vector<256x1024xf32>
    %eq3A_263 = arith.cmpf oeq, %select_n3A_252, %eq3A_262 : vector<256x1024xf32>
    %jit3A_264 = arith.constant 1073741824 : i32
    %broadcast_in_dim3A_265 = vector.broadcast %jit3A_264 : i32 to vector<256x1024xi32>
    %select_n3A_266 = arith.select %eq3A_263, %iota3A, %broadcast_in_dim3A_265 : vector<256x1024xi1>, vector<256x1024xi32>
    %reduce_min3A_267 = arith.constant dense<2147483647> : vector<256xi32>
    %reduce_min3A_268 = vector.multi_reduction <minsi>, %select_n3A_266, %reduce_min3A_267 [1] : vector<256x1024xi32> to vector<256xi32>
    %broadcast_in_dim3A_269 = vector.shape_cast %reduce_min3A_268 : vector<256xi32> to vector<256x1xi32>
    %eq3A_270 = vector.broadcast %broadcast_in_dim3A_269 : vector<256x1xi32> to vector<256x1024xi32>
    %eq3A_271 = arith.cmpi eq, %iota3A, %eq3A_270 : vector<256x1024xi32>
    %jit3A_272 = arith.constant 3.000000e+30 : f32
    %broadcast_in_dim3A_273 = vector.broadcast %jit3A_272 : f32 to vector<256x1024xf32>
    %select_n3A_274 = arith.select %eq3A_271, %broadcast_in_dim3A_273, %select_n3A_252 : vector<256x1024xi1>, vector<256x1024xf32>
    %swap3A_275 = arith.constant 0 : index
    %swap3A_276 = arith.constant 0 : index
    %swap3A_277 = arith.constant 7 : index
    %swap3A_278 = vector.load %arg11[%swap3A_275, %swap3A_276, %swap3A_277] : memref<1x1024x16xi32, #tpu.memory_space<vmem>>, vector<1x256x1xi32>
    %swap3A_279 = vector.shape_cast %swap3A_278 : vector<1x256x1xi32> to vector<256x1xi32>
    %swap3A_280 = vector.shape_cast %broadcast_in_dim3A_269 : vector<256x1xi32> to vector<1x256x1xi32>
    tpu.vector_store %arg11[%swap3A_275, %swap3A_276, %swap3A_277], %swap3A_280 {strides = array<i32>} : memref<1x1024x16xi32, #tpu.memory_space<vmem>>, vector<1x256x1xi32>,
    %reduce_min3A_281 = arith.constant dense<0x7F800000> : vector<256xf32>
    %reduce_min3A_282 = vector.multi_reduction <minimumf>, %select_n3A_274, %reduce_min3A_281 [1] : vector<256x1024xf32> to vector<256xf32>
    %broadcast_in_dim3A_283 = vector.shape_cast %reduce_min3A_282 : vector<256xf32> to vector<256x1xf32>
    %eq3A_284 = vector.broadcast %broadcast_in_dim3A_283 : vector<256x1xf32> to vector<256x1024xf32>
    %eq3A_285 = arith.cmpf oeq, %select_n3A_274, %eq3A_284 : vector<256x1024xf32>
    %jit3A_286 = arith.constant 1073741824 : i32
    %broadcast_in_dim3A_287 = vector.broadcast %jit3A_286 : i32 to vector<256x1024xi32>
    %select_n3A_288 = arith.select %eq3A_285, %iota3A, %broadcast_in_dim3A_287 : vector<256x1024xi1>, vector<256x1024xi32>
    %reduce_min3A_289 = arith.constant dense<2147483647> : vector<256xi32>
    %reduce_min3A_290 = vector.multi_reduction <minsi>, %select_n3A_288, %reduce_min3A_289 [1] : vector<256x1024xi32> to vector<256xi32>
    %broadcast_in_dim3A_291 = vector.shape_cast %reduce_min3A_290 : vector<256xi32> to vector<256x1xi32>
    %eq3A_292 = vector.broadcast %broadcast_in_dim3A_291 : vector<256x1xi32> to vector<256x1024xi32>
    %eq3A_293 = arith.cmpi eq, %iota3A, %eq3A_292 : vector<256x1024xi32>
    %jit3A_294 = arith.constant 3.000000e+30 : f32
    %broadcast_in_dim3A_295 = vector.broadcast %jit3A_294 : f32 to vector<256x1024xf32>
    %select_n3A_296 = arith.select %eq3A_293, %broadcast_in_dim3A_295, %select_n3A_274 : vector<256x1024xi1>, vector<256x1024xf32>
    %swap3A_297 = arith.constant 0 : index
    %swap3A_298 = arith.constant 0 : index
    %swap3A_299 = arith.constant 8 : index
    %swap3A_300 = vector.load %arg11[%swap3A_297, %swap3A_298, %swap3A_299] : memref<1x1024x16xi32, #tpu.memory_space<vmem>>, vector<1x256x1xi32>
    %swap3A_301 = vector.shape_cast %swap3A_300 : vector<1x256x1xi32> to vector<256x1xi32>
    %swap3A_302 = vector.shape_cast %broadcast_in_dim3A_291 : vector<256x1xi32> to vector<1x256x1xi32>
    tpu.vector_store %arg11[%swap3A_297, %swap3A_298, %swap3A_299], %swap3A_302 {strides = array<i32>} : memref<1x1024x16xi32, #tpu.memory_space<vmem>>, vector<1x256x1xi32>,
    %reduce_min3A_303 = arith.constant dense<0x7F800000> : vector<256xf32>
    %reduce_min3A_304 = vector.multi_reduction <minimumf>, %select_n3A_296, %reduce_min3A_303 [1] : vector<256x1024xf32> to vector<256xf32>
    %broadcast_in_dim3A_305 = vector.shape_cast %reduce_min3A_304 : vector<256xf32> to vector<256x1xf32>
    %eq3A_306 = vector.broadcast %broadcast_in_dim3A_305 : vector<256x1xf32> to vector<256x1024xf32>
    %eq3A_307 = arith.cmpf oeq, %select_n3A_296, %eq3A_306 : vector<256x1024xf32>
    %jit3A_308 = arith.constant 1073741824 : i32
    %broadcast_in_dim3A_309 = vector.broadcast %jit3A_308 : i32 to vector<256x1024xi32>
    %select_n3A_310 = arith.select %eq3A_307, %iota3A, %broadcast_in_dim3A_309 : vector<256x1024xi1>, vector<256x1024xi32>
    %reduce_min3A_311 = arith.constant dense<2147483647> : vector<256xi32>
    %reduce_min3A_312 = vector.multi_reduction <minsi>, %select_n3A_310, %reduce_min3A_311 [1] : vector<256x1024xi32> to vector<256xi32>
    %broadcast_in_dim3A_313 = vector.shape_cast %reduce_min3A_312 : vector<256xi32> to vector<256x1xi32>
    %eq3A_314 = vector.broadcast %broadcast_in_dim3A_313 : vector<256x1xi32> to vector<256x1024xi32>
    %eq3A_315 = arith.cmpi eq, %iota3A, %eq3A_314 : vector<256x1024xi32>
    %jit3A_316 = arith.constant 3.000000e+30 : f32
    %broadcast_in_dim3A_317 = vector.broadcast %jit3A_316 : f32 to vector<256x1024xf32>
    %select_n3A_318 = arith.select %eq3A_315, %broadcast_in_dim3A_317, %select_n3A_296 : vector<256x1024xi1>, vector<256x1024xf32>
    %swap3A_319 = arith.constant 0 : index
    %swap3A_320 = arith.constant 0 : index
    %swap3A_321 = arith.constant 9 : index
    %swap3A_322 = vector.load %arg11[%swap3A_319, %swap3A_320, %swap3A_321] : memref<1x1024x16xi32, #tpu.memory_space<vmem>>, vector<1x256x1xi32>
    %swap3A_323 = vector.shape_cast %swap3A_322 : vector<1x256x1xi32> to vector<256x1xi32>
    %swap3A_324 = vector.shape_cast %broadcast_in_dim3A_313 : vector<256x1xi32> to vector<1x256x1xi32>
    tpu.vector_store %arg11[%swap3A_319, %swap3A_320, %swap3A_321], %swap3A_324 {strides = array<i32>} : memref<1x1024x16xi32, #tpu.memory_space<vmem>>, vector<1x256x1xi32>,
    %reduce_min3A_325 = arith.constant dense<0x7F800000> : vector<256xf32>
    %reduce_min3A_326 = vector.multi_reduction <minimumf>, %select_n3A_318, %reduce_min3A_325 [1] : vector<256x1024xf32> to vector<256xf32>
    %broadcast_in_dim3A_327 = vector.shape_cast %reduce_min3A_326 : vector<256xf32> to vector<256x1xf32>
    %eq3A_328 = vector.broadcast %broadcast_in_dim3A_327 : vector<256x1xf32> to vector<256x1024xf32>
    %eq3A_329 = arith.cmpf oeq, %select_n3A_318, %eq3A_328 : vector<256x1024xf32>
    %jit3A_330 = arith.constant 1073741824 : i32
    %broadcast_in_dim3A_331 = vector.broadcast %jit3A_330 : i32 to vector<256x1024xi32>
    %select_n3A_332 = arith.select %eq3A_329, %iota3A, %broadcast_in_dim3A_331 : vector<256x1024xi1>, vector<256x1024xi32>
    %reduce_min3A_333 = arith.constant dense<2147483647> : vector<256xi32>
    %reduce_min3A_334 = vector.multi_reduction <minsi>, %select_n3A_332, %reduce_min3A_333 [1] : vector<256x1024xi32> to vector<256xi32>
    %broadcast_in_dim3A_335 = vector.shape_cast %reduce_min3A_334 : vector<256xi32> to vector<256x1xi32>
    %eq3A_336 = vector.broadcast %broadcast_in_dim3A_335 : vector<256x1xi32> to vector<256x1024xi32>
    %eq3A_337 = arith.cmpi eq, %iota3A, %eq3A_336 : vector<256x1024xi32>
    %jit3A_338 = arith.constant 3.000000e+30 : f32
    %broadcast_in_dim3A_339 = vector.broadcast %jit3A_338 : f32 to vector<256x1024xf32>
    %select_n3A_340 = arith.select %eq3A_337, %broadcast_in_dim3A_339, %select_n3A_318 : vector<256x1024xi1>, vector<256x1024xf32>
    %swap3A_341 = arith.constant 0 : index
    %swap3A_342 = arith.constant 0 : index
    %swap3A_343 = arith.constant 10 : index
    %swap3A_344 = vector.load %arg11[%swap3A_341, %swap3A_342, %swap3A_343] : memref<1x1024x16xi32, #tpu.memory_space<vmem>>, vector<1x256x1xi32>
    %swap3A_345 = vector.shape_cast %swap3A_344 : vector<1x256x1xi32> to vector<256x1xi32>
    %swap3A_346 = vector.shape_cast %broadcast_in_dim3A_335 : vector<256x1xi32> to vector<1x256x1xi32>
    tpu.vector_store %arg11[%swap3A_341, %swap3A_342, %swap3A_343], %swap3A_346 {strides = array<i32>} : memref<1x1024x16xi32, #tpu.memory_space<vmem>>, vector<1x256x1xi32>,
    %reduce_min3A_347 = arith.constant dense<0x7F800000> : vector<256xf32>
    %reduce_min3A_348 = vector.multi_reduction <minimumf>, %select_n3A_340, %reduce_min3A_347 [1] : vector<256x1024xf32> to vector<256xf32>
    %broadcast_in_dim3A_349 = vector.shape_cast %reduce_min3A_348 : vector<256xf32> to vector<256x1xf32>
    %eq3A_350 = vector.broadcast %broadcast_in_dim3A_349 : vector<256x1xf32> to vector<256x1024xf32>
    %eq3A_351 = arith.cmpf oeq, %select_n3A_340, %eq3A_350 : vector<256x1024xf32>
    %jit3A_352 = arith.constant 1073741824 : i32
    %broadcast_in_dim3A_353 = vector.broadcast %jit3A_352 : i32 to vector<256x1024xi32>
    %select_n3A_354 = arith.select %eq3A_351, %iota3A, %broadcast_in_dim3A_353 : vector<256x1024xi1>, vector<256x1024xi32>
    %reduce_min3A_355 = arith.constant dense<2147483647> : vector<256xi32>
    %reduce_min3A_356 = vector.multi_reduction <minsi>, %select_n3A_354, %reduce_min3A_355 [1] : vector<256x1024xi32> to vector<256xi32>
    %broadcast_in_dim3A_357 = vector.shape_cast %reduce_min3A_356 : vector<256xi32> to vector<256x1xi32>
    %eq3A_358 = vector.broadcast %broadcast_in_dim3A_357 : vector<256x1xi32> to vector<256x1024xi32>
    %eq3A_359 = arith.cmpi eq, %iota3A, %eq3A_358 : vector<256x1024xi32>
    %jit3A_360 = arith.constant 3.000000e+30 : f32
    %broadcast_in_dim3A_361 = vector.broadcast %jit3A_360 : f32 to vector<256x1024xf32>
    %select_n3A_362 = arith.select %eq3A_359, %broadcast_in_dim3A_361, %select_n3A_340 : vector<256x1024xi1>, vector<256x1024xf32>
    %swap3A_363 = arith.constant 0 : index
    %swap3A_364 = arith.constant 0 : index
    %swap3A_365 = arith.constant 11 : index
    %swap3A_366 = vector.load %arg11[%swap3A_363, %swap3A_364, %swap3A_365] : memref<1x1024x16xi32, #tpu.memory_space<vmem>>, vector<1x256x1xi32>
    %swap3A_367 = vector.shape_cast %swap3A_366 : vector<1x256x1xi32> to vector<256x1xi32>
    %swap3A_368 = vector.shape_cast %broadcast_in_dim3A_357 : vector<256x1xi32> to vector<1x256x1xi32>
    tpu.vector_store %arg11[%swap3A_363, %swap3A_364, %swap3A_365], %swap3A_368 {strides = array<i32>} : memref<1x1024x16xi32, #tpu.memory_space<vmem>>, vector<1x256x1xi32>,
    %reduce_min3A_369 = arith.constant dense<0x7F800000> : vector<256xf32>
    %reduce_min3A_370 = vector.multi_reduction <minimumf>, %select_n3A_362, %reduce_min3A_369 [1] : vector<256x1024xf32> to vector<256xf32>
    %broadcast_in_dim3A_371 = vector.shape_cast %reduce_min3A_370 : vector<256xf32> to vector<256x1xf32>
    %eq3A_372 = vector.broadcast %broadcast_in_dim3A_371 : vector<256x1xf32> to vector<256x1024xf32>
    %eq3A_373 = arith.cmpf oeq, %select_n3A_362, %eq3A_372 : vector<256x1024xf32>
    %jit3A_374 = arith.constant 1073741824 : i32
    %broadcast_in_dim3A_375 = vector.broadcast %jit3A_374 : i32 to vector<256x1024xi32>
    %select_n3A_376 = arith.select %eq3A_373, %iota3A, %broadcast_in_dim3A_375 : vector<256x1024xi1>, vector<256x1024xi32>
    %reduce_min3A_377 = arith.constant dense<2147483647> : vector<256xi32>
    %reduce_min3A_378 = vector.multi_reduction <minsi>, %select_n3A_376, %reduce_min3A_377 [1] : vector<256x1024xi32> to vector<256xi32>
    %broadcast_in_dim3A_379 = vector.shape_cast %reduce_min3A_378 : vector<256xi32> to vector<256x1xi32>
    %eq3A_380 = vector.broadcast %broadcast_in_dim3A_379 : vector<256x1xi32> to vector<256x1024xi32>
    %eq3A_381 = arith.cmpi eq, %iota3A, %eq3A_380 : vector<256x1024xi32>
    %jit3A_382 = arith.constant 3.000000e+30 : f32
    %broadcast_in_dim3A_383 = vector.broadcast %jit3A_382 : f32 to vector<256x1024xf32>
    %select_n3A_384 = arith.select %eq3A_381, %broadcast_in_dim3A_383, %select_n3A_362 : vector<256x1024xi1>, vector<256x1024xf32>
    %swap3A_385 = arith.constant 0 : index
    %swap3A_386 = arith.constant 0 : index
    %swap3A_387 = arith.constant 12 : index
    %swap3A_388 = vector.load %arg11[%swap3A_385, %swap3A_386, %swap3A_387] : memref<1x1024x16xi32, #tpu.memory_space<vmem>>, vector<1x256x1xi32>
    %swap3A_389 = vector.shape_cast %swap3A_388 : vector<1x256x1xi32> to vector<256x1xi32>
    %swap3A_390 = vector.shape_cast %broadcast_in_dim3A_379 : vector<256x1xi32> to vector<1x256x1xi32>
    tpu.vector_store %arg11[%swap3A_385, %swap3A_386, %swap3A_387], %swap3A_390 {strides = array<i32>} : memref<1x1024x16xi32, #tpu.memory_space<vmem>>, vector<1x256x1xi32>,
    %reduce_min3A_391 = arith.constant dense<0x7F800000> : vector<256xf32>
    %reduce_min3A_392 = vector.multi_reduction <minimumf>, %select_n3A_384, %reduce_min3A_391 [1] : vector<256x1024xf32> to vector<256xf32>
    %broadcast_in_dim3A_393 = vector.shape_cast %reduce_min3A_392 : vector<256xf32> to vector<256x1xf32>
    %eq3A_394 = vector.broadcast %broadcast_in_dim3A_393 : vector<256x1xf32> to vector<256x1024xf32>
    %eq3A_395 = arith.cmpf oeq, %select_n3A_384, %eq3A_394 : vector<256x1024xf32>
    %jit3A_396 = arith.constant 1073741824 : i32
    %broadcast_in_dim3A_397 = vector.broadcast %jit3A_396 : i32 to vector<256x1024xi32>
    %select_n3A_398 = arith.select %eq3A_395, %iota3A, %broadcast_in_dim3A_397 : vector<256x1024xi1>, vector<256x1024xi32>
    %reduce_min3A_399 = arith.constant dense<2147483647> : vector<256xi32>
    %reduce_min3A_400 = vector.multi_reduction <minsi>, %select_n3A_398, %reduce_min3A_399 [1] : vector<256x1024xi32> to vector<256xi32>
    %broadcast_in_dim3A_401 = vector.shape_cast %reduce_min3A_400 : vector<256xi32> to vector<256x1xi32>
    %eq3A_402 = vector.broadcast %broadcast_in_dim3A_401 : vector<256x1xi32> to vector<256x1024xi32>
    %eq3A_403 = arith.cmpi eq, %iota3A, %eq3A_402 : vector<256x1024xi32>
    %jit3A_404 = arith.constant 3.000000e+30 : f32
    %broadcast_in_dim3A_405 = vector.broadcast %jit3A_404 : f32 to vector<256x1024xf32>
    %select_n3A_406 = arith.select %eq3A_403, %broadcast_in_dim3A_405, %select_n3A_384 : vector<256x1024xi1>, vector<256x1024xf32>
    %swap3A_407 = arith.constant 0 : index
    %swap3A_408 = arith.constant 0 : index
    %swap3A_409 = arith.constant 13 : index
    %swap3A_410 = vector.load %arg11[%swap3A_407, %swap3A_408, %swap3A_409] : memref<1x1024x16xi32, #tpu.memory_space<vmem>>, vector<1x256x1xi32>
    %swap3A_411 = vector.shape_cast %swap3A_410 : vector<1x256x1xi32> to vector<256x1xi32>
    %swap3A_412 = vector.shape_cast %broadcast_in_dim3A_401 : vector<256x1xi32> to vector<1x256x1xi32>
    tpu.vector_store %arg11[%swap3A_407, %swap3A_408, %swap3A_409], %swap3A_412 {strides = array<i32>} : memref<1x1024x16xi32, #tpu.memory_space<vmem>>, vector<1x256x1xi32>,
    %reduce_min3A_413 = arith.constant dense<0x7F800000> : vector<256xf32>
    %reduce_min3A_414 = vector.multi_reduction <minimumf>, %select_n3A_406, %reduce_min3A_413 [1] : vector<256x1024xf32> to vector<256xf32>
    %broadcast_in_dim3A_415 = vector.shape_cast %reduce_min3A_414 : vector<256xf32> to vector<256x1xf32>
    %eq3A_416 = vector.broadcast %broadcast_in_dim3A_415 : vector<256x1xf32> to vector<256x1024xf32>
    %eq3A_417 = arith.cmpf oeq, %select_n3A_406, %eq3A_416 : vector<256x1024xf32>
    %jit3A_418 = arith.constant 1073741824 : i32
    %broadcast_in_dim3A_419 = vector.broadcast %jit3A_418 : i32 to vector<256x1024xi32>
    %select_n3A_420 = arith.select %eq3A_417, %iota3A, %broadcast_in_dim3A_419 : vector<256x1024xi1>, vector<256x1024xi32>
    %reduce_min3A_421 = arith.constant dense<2147483647> : vector<256xi32>
    %reduce_min3A_422 = vector.multi_reduction <minsi>, %select_n3A_420, %reduce_min3A_421 [1] : vector<256x1024xi32> to vector<256xi32>
    %broadcast_in_dim3A_423 = vector.shape_cast %reduce_min3A_422 : vector<256xi32> to vector<256x1xi32>
    %eq3A_424 = vector.broadcast %broadcast_in_dim3A_423 : vector<256x1xi32> to vector<256x1024xi32>
    %eq3A_425 = arith.cmpi eq, %iota3A, %eq3A_424 : vector<256x1024xi32>
    %jit3A_426 = arith.constant 3.000000e+30 : f32
    %broadcast_in_dim3A_427 = vector.broadcast %jit3A_426 : f32 to vector<256x1024xf32>
    %select_n3A_428 = arith.select %eq3A_425, %broadcast_in_dim3A_427, %select_n3A_406 : vector<256x1024xi1>, vector<256x1024xf32>
    %swap3A_429 = arith.constant 0 : index
    %swap3A_430 = arith.constant 0 : index
    %swap3A_431 = arith.constant 14 : index
    %swap3A_432 = vector.load %arg11[%swap3A_429, %swap3A_430, %swap3A_431] : memref<1x1024x16xi32, #tpu.memory_space<vmem>>, vector<1x256x1xi32>
    %swap3A_433 = vector.shape_cast %swap3A_432 : vector<1x256x1xi32> to vector<256x1xi32>
    %swap3A_434 = vector.shape_cast %broadcast_in_dim3A_423 : vector<256x1xi32> to vector<1x256x1xi32>
    tpu.vector_store %arg11[%swap3A_429, %swap3A_430, %swap3A_431], %swap3A_434 {strides = array<i32>} : memref<1x1024x16xi32, #tpu.memory_space<vmem>>, vector<1x256x1xi32>,
    %reduce_min3A_435 = arith.constant dense<0x7F800000> : vector<256xf32>
    %reduce_min3A_436 = vector.multi_reduction <minimumf>, %select_n3A_428, %reduce_min3A_435 [1] : vector<256x1024xf32> to vector<256xf32>
    %broadcast_in_dim3A_437 = vector.shape_cast %reduce_min3A_436 : vector<256xf32> to vector<256x1xf32>
    %eq3A_438 = vector.broadcast %broadcast_in_dim3A_437 : vector<256x1xf32> to vector<256x1024xf32>
    %eq3A_439 = arith.cmpf oeq, %select_n3A_428, %eq3A_438 : vector<256x1024xf32>
    %jit3A_440 = arith.constant 1073741824 : i32
    %broadcast_in_dim3A_441 = vector.broadcast %jit3A_440 : i32 to vector<256x1024xi32>
    %select_n3A_442 = arith.select %eq3A_439, %iota3A, %broadcast_in_dim3A_441 : vector<256x1024xi1>, vector<256x1024xi32>
    %reduce_min3A_443 = arith.constant dense<2147483647> : vector<256xi32>
    %reduce_min3A_444 = vector.multi_reduction <minsi>, %select_n3A_442, %reduce_min3A_443 [1] : vector<256x1024xi32> to vector<256xi32>
    %broadcast_in_dim3A_445 = vector.shape_cast %reduce_min3A_444 : vector<256xi32> to vector<256x1xi32>
    %swap3A_446 = arith.constant 0 : index
    %swap3A_447 = arith.constant 0 : index
    %swap3A_448 = arith.constant 15 : index
    %swap3A_449 = vector.load %arg11[%swap3A_446, %swap3A_447, %swap3A_448] : memref<1x1024x16xi32, #tpu.memory_space<vmem>>, vector<1x256x1xi32>
    %swap3A_450 = vector.shape_cast %swap3A_449 : vector<1x256x1xi32> to vector<256x1xi32>
    %swap3A_451 = vector.shape_cast %broadcast_in_dim3A_445 : vector<256x1xi32> to vector<1x256x1xi32>
    tpu.vector_store %arg11[%swap3A_446, %swap3A_447, %swap3A_448], %swap3A_451 {strides = array<i32>} : memref<1x1024x16xi32, #tpu.memory_space<vmem>>, vector<1x256x1xi32>,
    %iota3A_452 = tpu.iota {dimensions = array<i32: 1>} : vector<256x1024xi32>
    %iota3A_453 = tpu.iota {dimensions = array<i32: 0>} : vector<256x1024xi32>
    %add3A_454 = arith.constant 256 : i32
    %add3A_455 = vector.broadcast %add3A_454 : i32 to vector<256x1024xi32>
    %add3A_456 = arith.addi %add3A_455, %iota3A_453 : vector<256x1024xi32>
    %broadcast_in_dim3A_457 = arith.constant 0.000000e+00 : f32
    %broadcast_in_dim3A_458 = vector.broadcast %broadcast_in_dim3A_457 : f32 to vector<256x1024xf32>
    %get3A_459 = arith.constant 0 : index
    %get3A_460 = arith.constant 256 : index
    %get3A_461 = arith.constant 0 : index
    %get3A_462 = vector.load %arg1[%get3A_459, %get3A_460, %get3A_461] : memref<1x1024x3xf32, #tpu.memory_space<vmem>>, vector<1x256x1xf32>
    %get3A_463 = vector.shape_cast %get3A_462 : vector<1x256x1xf32> to vector<256x1xf32>
    %get3A_464 = arith.constant 0 : index
    %get3A_465 = arith.constant 0 : index
    %get3A_466 = arith.constant 0 : index
    %get3A_467 = vector.load %arg2[%get3A_464, %get3A_465, %get3A_466] : memref<1x8x1024xf32, #tpu.memory_space<vmem>>, vector<1x1x1024xf32>
    %get3A_468 = vector.shape_cast %get3A_467 : vector<1x1x1024xf32> to vector<1x1024xf32>
    %sub3A_469 = vector.broadcast %get3A_463 : vector<256x1xf32> to vector<256x1024xf32>
    %sub3A_470 = vector.broadcast %get3A_468 : vector<1x1024xf32> to vector<256x1024xf32>
    %sub3A_471 = arith.subf %sub3A_469, %sub3A_470 : vector<256x1024xf32>
    %mul3A_472 = arith.mulf %sub3A_471, %sub3A_471 : vector<256x1024xf32>
    %add3A_473 = arith.addf %broadcast_in_dim3A_458, %mul3A_472 : vector<256x1024xf32>
    %get3A_474 = arith.constant 0 : index
    %get3A_475 = arith.constant 256 : index
    %get3A_476 = arith.constant 1 : index
    %get3A_477 = vector.load %arg1[%get3A_474, %get3A_475, %get3A_476] : memref<1x1024x3xf32, #tpu.memory_space<vmem>>, vector<1x256x1xf32>
    %get3A_478 = vector.shape_cast %get3A_477 : vector<1x256x1xf32> to vector<256x1xf32>
    %get3A_479 = arith.constant 0 : index
    %get3A_480 = arith.constant 1 : index
    %get3A_481 = arith.constant 0 : index
    %get3A_482 = vector.load %arg2[%get3A_479, %get3A_480, %get3A_481] : memref<1x8x1024xf32, #tpu.memory_space<vmem>>, vector<1x1x1024xf32>
    %get3A_483 = vector.shape_cast %get3A_482 : vector<1x1x1024xf32> to vector<1x1024xf32>
    %sub3A_484 = vector.broadcast %get3A_478 : vector<256x1xf32> to vector<256x1024xf32>
    %sub3A_485 = vector.broadcast %get3A_483 : vector<1x1024xf32> to vector<256x1024xf32>
    %sub3A_486 = arith.subf %sub3A_484, %sub3A_485 : vector<256x1024xf32>
    %mul3A_487 = arith.mulf %sub3A_486, %sub3A_486 : vector<256x1024xf32>
    %add3A_488 = arith.addf %add3A_473, %mul3A_487 : vector<256x1024xf32>
    %get3A_489 = arith.constant 0 : index
    %get3A_490 = arith.constant 256 : index
    %get3A_491 = arith.constant 2 : index
    %get3A_492 = vector.load %arg1[%get3A_489, %get3A_490, %get3A_491] : memref<1x1024x3xf32, #tpu.memory_space<vmem>>, vector<1x256x1xf32>
    %get3A_493 = vector.shape_cast %get3A_492 : vector<1x256x1xf32> to vector<256x1xf32>
    %get3A_494 = arith.constant 0 : index
    %get3A_495 = arith.constant 2 : index
    %get3A_496 = arith.constant 0 : index
    %get3A_497 = vector.load %arg2[%get3A_494, %get3A_495, %get3A_496] : memref<1x8x1024xf32, #tpu.memory_space<vmem>>, vector<1x1x1024xf32>
    %get3A_498 = vector.shape_cast %get3A_497 : vector<1x1x1024xf32> to vector<1x1024xf32>
    %sub3A_499 = vector.broadcast %get3A_493 : vector<256x1xf32> to vector<256x1024xf32>
    %sub3A_500 = vector.broadcast %get3A_498 : vector<1x1024xf32> to vector<256x1024xf32>
    %sub3A_501 = arith.subf %sub3A_499, %sub3A_500 : vector<256x1024xf32>
    %mul3A_502 = arith.mulf %sub3A_501, %sub3A_501 : vector<256x1024xf32>
    %add3A_503 = arith.addf %add3A_488, %mul3A_502 : vector<256x1024xf32>
    %eq3A_504 = arith.cmpi eq, %iota3A_452, %add3A_456 : vector<256x1024xi32>
    %jit3A_505 = arith.constant 1.000000e+10 : f32
    %jit3A_506 = arith.constant 0.000000e+00 : f32
    %broadcast_in_dim3A_507 = vector.broadcast %jit3A_505 : f32 to vector<256x1024xf32>
    %broadcast_in_dim3A_508 = vector.broadcast %jit3A_506 : f32 to vector<256x1024xf32>
    %select_n3A_509 = arith.select %eq3A_504, %broadcast_in_dim3A_507, %broadcast_in_dim3A_508 : vector<256x1024xi1>, vector<256x1024xf32>
    %add3A_510 = arith.addf %add3A_503, %select_n3A_509 : vector<256x1024xf32>
    %reduce_min3A_511 = arith.constant dense<0x7F800000> : vector<256xf32>
    %reduce_min3A_512 = vector.multi_reduction <minimumf>, %add3A_510, %reduce_min3A_511 [1] : vector<256x1024xf32> to vector<256xf32>
    %broadcast_in_dim3A_513 = vector.shape_cast %reduce_min3A_512 : vector<256xf32> to vector<256x1xf32>
    %eq3A_514 = vector.broadcast %broadcast_in_dim3A_513 : vector<256x1xf32> to vector<256x1024xf32>
    %eq3A_515 = arith.cmpf oeq, %add3A_510, %eq3A_514 : vector<256x1024xf32>
    %jit3A_516 = arith.constant 1073741824 : i32
    %broadcast_in_dim3A_517 = vector.broadcast %jit3A_516 : i32 to vector<256x1024xi32>
    %select_n3A_518 = arith.select %eq3A_515, %iota3A_452, %broadcast_in_dim3A_517 : vector<256x1024xi1>, vector<256x1024xi32>
    %reduce_min3A_519 = arith.constant dense<2147483647> : vector<256xi32>
    %reduce_min3A_520 = vector.multi_reduction <minsi>, %select_n3A_518, %reduce_min3A_519 [1] : vector<256x1024xi32> to vector<256xi32>
    %broadcast_in_dim3A_521 = vector.shape_cast %reduce_min3A_520 : vector<256xi32> to vector<256x1xi32>
    %eq3A_522 = vector.broadcast %broadcast_in_dim3A_521 : vector<256x1xi32> to vector<256x1024xi32>
    %eq3A_523 = arith.cmpi eq, %iota3A_452, %eq3A_522 : vector<256x1024xi32>
    %jit3A_524 = arith.constant 3.000000e+30 : f32
    %broadcast_in_dim3A_525 = vector.broadcast %jit3A_524 : f32 to vector<256x1024xf32>
    %select_n3A_526 = arith.select %eq3A_523, %broadcast_in_dim3A_525, %add3A_510 : vector<256x1024xi1>, vector<256x1024xf32>
    %swap3A_527 = arith.constant 0 : index
    %swap3A_528 = arith.constant 256 : index
    %swap3A_529 = arith.constant 0 : index
    %swap3A_530 = vector.load %arg11[%swap3A_527, %swap3A_528, %swap3A_529] : memref<1x1024x16xi32, #tpu.memory_space<vmem>>, vector<1x256x1xi32>
    %swap3A_531 = vector.shape_cast %swap3A_530 : vector<1x256x1xi32> to vector<256x1xi32>
    %swap3A_532 = vector.shape_cast %broadcast_in_dim3A_521 : vector<256x1xi32> to vector<1x256x1xi32>
    tpu.vector_store %arg11[%swap3A_527, %swap3A_528, %swap3A_529], %swap3A_532 {strides = array<i32>} : memref<1x1024x16xi32, #tpu.memory_space<vmem>>, vector<1x256x1xi32>,
    %reduce_min3A_533 = arith.constant dense<0x7F800000> : vector<256xf32>
    %reduce_min3A_534 = vector.multi_reduction <minimumf>, %select_n3A_526, %reduce_min3A_533 [1] : vector<256x1024xf32> to vector<256xf32>
    %broadcast_in_dim3A_535 = vector.shape_cast %reduce_min3A_534 : vector<256xf32> to vector<256x1xf32>
    %eq3A_536 = vector.broadcast %broadcast_in_dim3A_535 : vector<256x1xf32> to vector<256x1024xf32>
    %eq3A_537 = arith.cmpf oeq, %select_n3A_526, %eq3A_536 : vector<256x1024xf32>
    %jit3A_538 = arith.constant 1073741824 : i32
    %broadcast_in_dim3A_539 = vector.broadcast %jit3A_538 : i32 to vector<256x1024xi32>
    %select_n3A_540 = arith.select %eq3A_537, %iota3A_452, %broadcast_in_dim3A_539 : vector<256x1024xi1>, vector<256x1024xi32>
    %reduce_min3A_541 = arith.constant dense<2147483647> : vector<256xi32>
    %reduce_min3A_542 = vector.multi_reduction <minsi>, %select_n3A_540, %reduce_min3A_541 [1] : vector<256x1024xi32> to vector<256xi32>
    %broadcast_in_dim3A_543 = vector.shape_cast %reduce_min3A_542 : vector<256xi32> to vector<256x1xi32>
    %eq3A_544 = vector.broadcast %broadcast_in_dim3A_543 : vector<256x1xi32> to vector<256x1024xi32>
    %eq3A_545 = arith.cmpi eq, %iota3A_452, %eq3A_544 : vector<256x1024xi32>
    %jit3A_546 = arith.constant 3.000000e+30 : f32
    %broadcast_in_dim3A_547 = vector.broadcast %jit3A_546 : f32 to vector<256x1024xf32>
    %select_n3A_548 = arith.select %eq3A_545, %broadcast_in_dim3A_547, %select_n3A_526 : vector<256x1024xi1>, vector<256x1024xf32>
    %swap3A_549 = arith.constant 0 : index
    %swap3A_550 = arith.constant 256 : index
    %swap3A_551 = arith.constant 1 : index
    %swap3A_552 = vector.load %arg11[%swap3A_549, %swap3A_550, %swap3A_551] : memref<1x1024x16xi32, #tpu.memory_space<vmem>>, vector<1x256x1xi32>
    %swap3A_553 = vector.shape_cast %swap3A_552 : vector<1x256x1xi32> to vector<256x1xi32>
    %swap3A_554 = vector.shape_cast %broadcast_in_dim3A_543 : vector<256x1xi32> to vector<1x256x1xi32>
    tpu.vector_store %arg11[%swap3A_549, %swap3A_550, %swap3A_551], %swap3A_554 {strides = array<i32>} : memref<1x1024x16xi32, #tpu.memory_space<vmem>>, vector<1x256x1xi32>,
    %reduce_min3A_555 = arith.constant dense<0x7F800000> : vector<256xf32>
    %reduce_min3A_556 = vector.multi_reduction <minimumf>, %select_n3A_548, %reduce_min3A_555 [1] : vector<256x1024xf32> to vector<256xf32>
    %broadcast_in_dim3A_557 = vector.shape_cast %reduce_min3A_556 : vector<256xf32> to vector<256x1xf32>
    %eq3A_558 = vector.broadcast %broadcast_in_dim3A_557 : vector<256x1xf32> to vector<256x1024xf32>
    %eq3A_559 = arith.cmpf oeq, %select_n3A_548, %eq3A_558 : vector<256x1024xf32>
    %jit3A_560 = arith.constant 1073741824 : i32
    %broadcast_in_dim3A_561 = vector.broadcast %jit3A_560 : i32 to vector<256x1024xi32>
    %select_n3A_562 = arith.select %eq3A_559, %iota3A_452, %broadcast_in_dim3A_561 : vector<256x1024xi1>, vector<256x1024xi32>
    %reduce_min3A_563 = arith.constant dense<2147483647> : vector<256xi32>
    %reduce_min3A_564 = vector.multi_reduction <minsi>, %select_n3A_562, %reduce_min3A_563 [1] : vector<256x1024xi32> to vector<256xi32>
    %broadcast_in_dim3A_565 = vector.shape_cast %reduce_min3A_564 : vector<256xi32> to vector<256x1xi32>
    %eq3A_566 = vector.broadcast %broadcast_in_dim3A_565 : vector<256x1xi32> to vector<256x1024xi32>
    %eq3A_567 = arith.cmpi eq, %iota3A_452, %eq3A_566 : vector<256x1024xi32>
    %jit3A_568 = arith.constant 3.000000e+30 : f32
    %broadcast_in_dim3A_569 = vector.broadcast %jit3A_568 : f32 to vector<256x1024xf32>
    %select_n3A_570 = arith.select %eq3A_567, %broadcast_in_dim3A_569, %select_n3A_548 : vector<256x1024xi1>, vector<256x1024xf32>
    %swap3A_571 = arith.constant 0 : index
    %swap3A_572 = arith.constant 256 : index
    %swap3A_573 = arith.constant 2 : index
    %swap3A_574 = vector.load %arg11[%swap3A_571, %swap3A_572, %swap3A_573] : memref<1x1024x16xi32, #tpu.memory_space<vmem>>, vector<1x256x1xi32>
    %swap3A_575 = vector.shape_cast %swap3A_574 : vector<1x256x1xi32> to vector<256x1xi32>
    %swap3A_576 = vector.shape_cast %broadcast_in_dim3A_565 : vector<256x1xi32> to vector<1x256x1xi32>
    tpu.vector_store %arg11[%swap3A_571, %swap3A_572, %swap3A_573], %swap3A_576 {strides = array<i32>} : memref<1x1024x16xi32, #tpu.memory_space<vmem>>, vector<1x256x1xi32>,
    %reduce_min3A_577 = arith.constant dense<0x7F800000> : vector<256xf32>
    %reduce_min3A_578 = vector.multi_reduction <minimumf>, %select_n3A_570, %reduce_min3A_577 [1] : vector<256x1024xf32> to vector<256xf32>
    %broadcast_in_dim3A_579 = vector.shape_cast %reduce_min3A_578 : vector<256xf32> to vector<256x1xf32>
    %eq3A_580 = vector.broadcast %broadcast_in_dim3A_579 : vector<256x1xf32> to vector<256x1024xf32>
    %eq3A_581 = arith.cmpf oeq, %select_n3A_570, %eq3A_580 : vector<256x1024xf32>
    %jit3A_582 = arith.constant 1073741824 : i32
    %broadcast_in_dim3A_583 = vector.broadcast %jit3A_582 : i32 to vector<256x1024xi32>
    %select_n3A_584 = arith.select %eq3A_581, %iota3A_452, %broadcast_in_dim3A_583 : vector<256x1024xi1>, vector<256x1024xi32>
    %reduce_min3A_585 = arith.constant dense<2147483647> : vector<256xi32>
    %reduce_min3A_586 = vector.multi_reduction <minsi>, %select_n3A_584, %reduce_min3A_585 [1] : vector<256x1024xi32> to vector<256xi32>
    %broadcast_in_dim3A_587 = vector.shape_cast %reduce_min3A_586 : vector<256xi32> to vector<256x1xi32>
    %eq3A_588 = vector.broadcast %broadcast_in_dim3A_587 : vector<256x1xi32> to vector<256x1024xi32>
    %eq3A_589 = arith.cmpi eq, %iota3A_452, %eq3A_588 : vector<256x1024xi32>
    %jit3A_590 = arith.constant 3.000000e+30 : f32
    %broadcast_in_dim3A_591 = vector.broadcast %jit3A_590 : f32 to vector<256x1024xf32>
    %select_n3A_592 = arith.select %eq3A_589, %broadcast_in_dim3A_591, %select_n3A_570 : vector<256x1024xi1>, vector<256x1024xf32>
    %swap3A_593 = arith.constant 0 : index
    %swap3A_594 = arith.constant 256 : index
    %swap3A_595 = arith.constant 3 : index
    %swap3A_596 = vector.load %arg11[%swap3A_593, %swap3A_594, %swap3A_595] : memref<1x1024x16xi32, #tpu.memory_space<vmem>>, vector<1x256x1xi32>
    %swap3A_597 = vector.shape_cast %swap3A_596 : vector<1x256x1xi32> to vector<256x1xi32>
    %swap3A_598 = vector.shape_cast %broadcast_in_dim3A_587 : vector<256x1xi32> to vector<1x256x1xi32>
    tpu.vector_store %arg11[%swap3A_593, %swap3A_594, %swap3A_595], %swap3A_598 {strides = array<i32>} : memref<1x1024x16xi32, #tpu.memory_space<vmem>>, vector<1x256x1xi32>,
    %reduce_min3A_599 = arith.constant dense<0x7F800000> : vector<256xf32>
    %reduce_min3A_600 = vector.multi_reduction <minimumf>, %select_n3A_592, %reduce_min3A_599 [1] : vector<256x1024xf32> to vector<256xf32>
    %broadcast_in_dim3A_601 = vector.shape_cast %reduce_min3A_600 : vector<256xf32> to vector<256x1xf32>
    %eq3A_602 = vector.broadcast %broadcast_in_dim3A_601 : vector<256x1xf32> to vector<256x1024xf32>
    %eq3A_603 = arith.cmpf oeq, %select_n3A_592, %eq3A_602 : vector<256x1024xf32>
    %jit3A_604 = arith.constant 1073741824 : i32
    %broadcast_in_dim3A_605 = vector.broadcast %jit3A_604 : i32 to vector<256x1024xi32>
    %select_n3A_606 = arith.select %eq3A_603, %iota3A_452, %broadcast_in_dim3A_605 : vector<256x1024xi1>, vector<256x1024xi32>
    %reduce_min3A_607 = arith.constant dense<2147483647> : vector<256xi32>
    %reduce_min3A_608 = vector.multi_reduction <minsi>, %select_n3A_606, %reduce_min3A_607 [1] : vector<256x1024xi32> to vector<256xi32>
    %broadcast_in_dim3A_609 = vector.shape_cast %reduce_min3A_608 : vector<256xi32> to vector<256x1xi32>
    %eq3A_610 = vector.broadcast %broadcast_in_dim3A_609 : vector<256x1xi32> to vector<256x1024xi32>
    %eq3A_611 = arith.cmpi eq, %iota3A_452, %eq3A_610 : vector<256x1024xi32>
    %jit3A_612 = arith.constant 3.000000e+30 : f32
    %broadcast_in_dim3A_613 = vector.broadcast %jit3A_612 : f32 to vector<256x1024xf32>
    %select_n3A_614 = arith.select %eq3A_611, %broadcast_in_dim3A_613, %select_n3A_592 : vector<256x1024xi1>, vector<256x1024xf32>
    %swap3A_615 = arith.constant 0 : index
    %swap3A_616 = arith.constant 256 : index
    %swap3A_617 = arith.constant 4 : index
    %swap3A_618 = vector.load %arg11[%swap3A_615, %swap3A_616, %swap3A_617] : memref<1x1024x16xi32, #tpu.memory_space<vmem>>, vector<1x256x1xi32>
    %swap3A_619 = vector.shape_cast %swap3A_618 : vector<1x256x1xi32> to vector<256x1xi32>
    %swap3A_620 = vector.shape_cast %broadcast_in_dim3A_609 : vector<256x1xi32> to vector<1x256x1xi32>
    tpu.vector_store %arg11[%swap3A_615, %swap3A_616, %swap3A_617], %swap3A_620 {strides = array<i32>} : memref<1x1024x16xi32, #tpu.memory_space<vmem>>, vector<1x256x1xi32>,
    %reduce_min3A_621 = arith.constant dense<0x7F800000> : vector<256xf32>
    %reduce_min3A_622 = vector.multi_reduction <minimumf>, %select_n3A_614, %reduce_min3A_621 [1] : vector<256x1024xf32> to vector<256xf32>
    %broadcast_in_dim3A_623 = vector.shape_cast %reduce_min3A_622 : vector<256xf32> to vector<256x1xf32>
    %eq3A_624 = vector.broadcast %broadcast_in_dim3A_623 : vector<256x1xf32> to vector<256x1024xf32>
    %eq3A_625 = arith.cmpf oeq, %select_n3A_614, %eq3A_624 : vector<256x1024xf32>
    %jit3A_626 = arith.constant 1073741824 : i32
    %broadcast_in_dim3A_627 = vector.broadcast %jit3A_626 : i32 to vector<256x1024xi32>
    %select_n3A_628 = arith.select %eq3A_625, %iota3A_452, %broadcast_in_dim3A_627 : vector<256x1024xi1>, vector<256x1024xi32>
    %reduce_min3A_629 = arith.constant dense<2147483647> : vector<256xi32>
    %reduce_min3A_630 = vector.multi_reduction <minsi>, %select_n3A_628, %reduce_min3A_629 [1] : vector<256x1024xi32> to vector<256xi32>
    %broadcast_in_dim3A_631 = vector.shape_cast %reduce_min3A_630 : vector<256xi32> to vector<256x1xi32>
    %eq3A_632 = vector.broadcast %broadcast_in_dim3A_631 : vector<256x1xi32> to vector<256x1024xi32>
    %eq3A_633 = arith.cmpi eq, %iota3A_452, %eq3A_632 : vector<256x1024xi32>
    %jit3A_634 = arith.constant 3.000000e+30 : f32
    %broadcast_in_dim3A_635 = vector.broadcast %jit3A_634 : f32 to vector<256x1024xf32>
    %select_n3A_636 = arith.select %eq3A_633, %broadcast_in_dim3A_635, %select_n3A_614 : vector<256x1024xi1>, vector<256x1024xf32>
    %swap3A_637 = arith.constant 0 : index
    %swap3A_638 = arith.constant 256 : index
    %swap3A_639 = arith.constant 5 : index
    %swap3A_640 = vector.load %arg11[%swap3A_637, %swap3A_638, %swap3A_639] : memref<1x1024x16xi32, #tpu.memory_space<vmem>>, vector<1x256x1xi32>
    %swap3A_641 = vector.shape_cast %swap3A_640 : vector<1x256x1xi32> to vector<256x1xi32>
    %swap3A_642 = vector.shape_cast %broadcast_in_dim3A_631 : vector<256x1xi32> to vector<1x256x1xi32>
    tpu.vector_store %arg11[%swap3A_637, %swap3A_638, %swap3A_639], %swap3A_642 {strides = array<i32>} : memref<1x1024x16xi32, #tpu.memory_space<vmem>>, vector<1x256x1xi32>,
    %reduce_min3A_643 = arith.constant dense<0x7F800000> : vector<256xf32>
    %reduce_min3A_644 = vector.multi_reduction <minimumf>, %select_n3A_636, %reduce_min3A_643 [1] : vector<256x1024xf32> to vector<256xf32>
    %broadcast_in_dim3A_645 = vector.shape_cast %reduce_min3A_644 : vector<256xf32> to vector<256x1xf32>
    %eq3A_646 = vector.broadcast %broadcast_in_dim3A_645 : vector<256x1xf32> to vector<256x1024xf32>
    %eq3A_647 = arith.cmpf oeq, %select_n3A_636, %eq3A_646 : vector<256x1024xf32>
    %jit3A_648 = arith.constant 1073741824 : i32
    %broadcast_in_dim3A_649 = vector.broadcast %jit3A_648 : i32 to vector<256x1024xi32>
    %select_n3A_650 = arith.select %eq3A_647, %iota3A_452, %broadcast_in_dim3A_649 : vector<256x1024xi1>, vector<256x1024xi32>
    %reduce_min3A_651 = arith.constant dense<2147483647> : vector<256xi32>
    %reduce_min3A_652 = vector.multi_reduction <minsi>, %select_n3A_650, %reduce_min3A_651 [1] : vector<256x1024xi32> to vector<256xi32>
    %broadcast_in_dim3A_653 = vector.shape_cast %reduce_min3A_652 : vector<256xi32> to vector<256x1xi32>
    %eq3A_654 = vector.broadcast %broadcast_in_dim3A_653 : vector<256x1xi32> to vector<256x1024xi32>
    %eq3A_655 = arith.cmpi eq, %iota3A_452, %eq3A_654 : vector<256x1024xi32>
    %jit3A_656 = arith.constant 3.000000e+30 : f32
    %broadcast_in_dim3A_657 = vector.broadcast %jit3A_656 : f32 to vector<256x1024xf32>
    %select_n3A_658 = arith.select %eq3A_655, %broadcast_in_dim3A_657, %select_n3A_636 : vector<256x1024xi1>, vector<256x1024xf32>
    %swap3A_659 = arith.constant 0 : index
    %swap3A_660 = arith.constant 256 : index
    %swap3A_661 = arith.constant 6 : index
    %swap3A_662 = vector.load %arg11[%swap3A_659, %swap3A_660, %swap3A_661] : memref<1x1024x16xi32, #tpu.memory_space<vmem>>, vector<1x256x1xi32>
    %swap3A_663 = vector.shape_cast %swap3A_662 : vector<1x256x1xi32> to vector<256x1xi32>
    %swap3A_664 = vector.shape_cast %broadcast_in_dim3A_653 : vector<256x1xi32> to vector<1x256x1xi32>
    tpu.vector_store %arg11[%swap3A_659, %swap3A_660, %swap3A_661], %swap3A_664 {strides = array<i32>} : memref<1x1024x16xi32, #tpu.memory_space<vmem>>, vector<1x256x1xi32>,
    %reduce_min3A_665 = arith.constant dense<0x7F800000> : vector<256xf32>
    %reduce_min3A_666 = vector.multi_reduction <minimumf>, %select_n3A_658, %reduce_min3A_665 [1] : vector<256x1024xf32> to vector<256xf32>
    %broadcast_in_dim3A_667 = vector.shape_cast %reduce_min3A_666 : vector<256xf32> to vector<256x1xf32>
    %eq3A_668 = vector.broadcast %broadcast_in_dim3A_667 : vector<256x1xf32> to vector<256x1024xf32>
    %eq3A_669 = arith.cmpf oeq, %select_n3A_658, %eq3A_668 : vector<256x1024xf32>
    %jit3A_670 = arith.constant 1073741824 : i32
    %broadcast_in_dim3A_671 = vector.broadcast %jit3A_670 : i32 to vector<256x1024xi32>
    %select_n3A_672 = arith.select %eq3A_669, %iota3A_452, %broadcast_in_dim3A_671 : vector<256x1024xi1>, vector<256x1024xi32>
    %reduce_min3A_673 = arith.constant dense<2147483647> : vector<256xi32>
    %reduce_min3A_674 = vector.multi_reduction <minsi>, %select_n3A_672, %reduce_min3A_673 [1] : vector<256x1024xi32> to vector<256xi32>
    %broadcast_in_dim3A_675 = vector.shape_cast %reduce_min3A_674 : vector<256xi32> to vector<256x1xi32>
    %eq3A_676 = vector.broadcast %broadcast_in_dim3A_675 : vector<256x1xi32> to vector<256x1024xi32>
    %eq3A_677 = arith.cmpi eq, %iota3A_452, %eq3A_676 : vector<256x1024xi32>
    %jit3A_678 = arith.constant 3.000000e+30 : f32
    %broadcast_in_dim3A_679 = vector.broadcast %jit3A_678 : f32 to vector<256x1024xf32>
    %select_n3A_680 = arith.select %eq3A_677, %broadcast_in_dim3A_679, %select_n3A_658 : vector<256x1024xi1>, vector<256x1024xf32>
    %swap3A_681 = arith.constant 0 : index
    %swap3A_682 = arith.constant 256 : index
    %swap3A_683 = arith.constant 7 : index
    %swap3A_684 = vector.load %arg11[%swap3A_681, %swap3A_682, %swap3A_683] : memref<1x1024x16xi32, #tpu.memory_space<vmem>>, vector<1x256x1xi32>
    %swap3A_685 = vector.shape_cast %swap3A_684 : vector<1x256x1xi32> to vector<256x1xi32>
    %swap3A_686 = vector.shape_cast %broadcast_in_dim3A_675 : vector<256x1xi32> to vector<1x256x1xi32>
    tpu.vector_store %arg11[%swap3A_681, %swap3A_682, %swap3A_683], %swap3A_686 {strides = array<i32>} : memref<1x1024x16xi32, #tpu.memory_space<vmem>>, vector<1x256x1xi32>,
    %reduce_min3A_687 = arith.constant dense<0x7F800000> : vector<256xf32>
    %reduce_min3A_688 = vector.multi_reduction <minimumf>, %select_n3A_680, %reduce_min3A_687 [1] : vector<256x1024xf32> to vector<256xf32>
    %broadcast_in_dim3A_689 = vector.shape_cast %reduce_min3A_688 : vector<256xf32> to vector<256x1xf32>
    %eq3A_690 = vector.broadcast %broadcast_in_dim3A_689 : vector<256x1xf32> to vector<256x1024xf32>
    %eq3A_691 = arith.cmpf oeq, %select_n3A_680, %eq3A_690 : vector<256x1024xf32>
    %jit3A_692 = arith.constant 1073741824 : i32
    %broadcast_in_dim3A_693 = vector.broadcast %jit3A_692 : i32 to vector<256x1024xi32>
    %select_n3A_694 = arith.select %eq3A_691, %iota3A_452, %broadcast_in_dim3A_693 : vector<256x1024xi1>, vector<256x1024xi32>
    %reduce_min3A_695 = arith.constant dense<2147483647> : vector<256xi32>
    %reduce_min3A_696 = vector.multi_reduction <minsi>, %select_n3A_694, %reduce_min3A_695 [1] : vector<256x1024xi32> to vector<256xi32>
    %broadcast_in_dim3A_697 = vector.shape_cast %reduce_min3A_696 : vector<256xi32> to vector<256x1xi32>
    %eq3A_698 = vector.broadcast %broadcast_in_dim3A_697 : vector<256x1xi32> to vector<256x1024xi32>
    %eq3A_699 = arith.cmpi eq, %iota3A_452, %eq3A_698 : vector<256x1024xi32>
    %jit3A_700 = arith.constant 3.000000e+30 : f32
    %broadcast_in_dim3A_701 = vector.broadcast %jit3A_700 : f32 to vector<256x1024xf32>
    %select_n3A_702 = arith.select %eq3A_699, %broadcast_in_dim3A_701, %select_n3A_680 : vector<256x1024xi1>, vector<256x1024xf32>
    %swap3A_703 = arith.constant 0 : index
    %swap3A_704 = arith.constant 256 : index
    %swap3A_705 = arith.constant 8 : index
    %swap3A_706 = vector.load %arg11[%swap3A_703, %swap3A_704, %swap3A_705] : memref<1x1024x16xi32, #tpu.memory_space<vmem>>, vector<1x256x1xi32>
    %swap3A_707 = vector.shape_cast %swap3A_706 : vector<1x256x1xi32> to vector<256x1xi32>
    %swap3A_708 = vector.shape_cast %broadcast_in_dim3A_697 : vector<256x1xi32> to vector<1x256x1xi32>
    tpu.vector_store %arg11[%swap3A_703, %swap3A_704, %swap3A_705], %swap3A_708 {strides = array<i32>} : memref<1x1024x16xi32, #tpu.memory_space<vmem>>, vector<1x256x1xi32>,
    %reduce_min3A_709 = arith.constant dense<0x7F800000> : vector<256xf32>
    %reduce_min3A_710 = vector.multi_reduction <minimumf>, %select_n3A_702, %reduce_min3A_709 [1] : vector<256x1024xf32> to vector<256xf32>
    %broadcast_in_dim3A_711 = vector.shape_cast %reduce_min3A_710 : vector<256xf32> to vector<256x1xf32>
    %eq3A_712 = vector.broadcast %broadcast_in_dim3A_711 : vector<256x1xf32> to vector<256x1024xf32>
    %eq3A_713 = arith.cmpf oeq, %select_n3A_702, %eq3A_712 : vector<256x1024xf32>
    %jit3A_714 = arith.constant 1073741824 : i32
    %broadcast_in_dim3A_715 = vector.broadcast %jit3A_714 : i32 to vector<256x1024xi32>
    %select_n3A_716 = arith.select %eq3A_713, %iota3A_452, %broadcast_in_dim3A_715 : vector<256x1024xi1>, vector<256x1024xi32>
    %reduce_min3A_717 = arith.constant dense<2147483647> : vector<256xi32>
    %reduce_min3A_718 = vector.multi_reduction <minsi>, %select_n3A_716, %reduce_min3A_717 [1] : vector<256x1024xi32> to vector<256xi32>
    %broadcast_in_dim3A_719 = vector.shape_cast %reduce_min3A_718 : vector<256xi32> to vector<256x1xi32>
    %eq3A_720 = vector.broadcast %broadcast_in_dim3A_719 : vector<256x1xi32> to vector<256x1024xi32>
    %eq3A_721 = arith.cmpi eq, %iota3A_452, %eq3A_720 : vector<256x1024xi32>
    %jit3A_722 = arith.constant 3.000000e+30 : f32
    %broadcast_in_dim3A_723 = vector.broadcast %jit3A_722 : f32 to vector<256x1024xf32>
    %select_n3A_724 = arith.select %eq3A_721, %broadcast_in_dim3A_723, %select_n3A_702 : vector<256x1024xi1>, vector<256x1024xf32>
    %swap3A_725 = arith.constant 0 : index
    %swap3A_726 = arith.constant 256 : index
    %swap3A_727 = arith.constant 9 : index
    %swap3A_728 = vector.load %arg11[%swap3A_725, %swap3A_726, %swap3A_727] : memref<1x1024x16xi32, #tpu.memory_space<vmem>>, vector<1x256x1xi32>
    %swap3A_729 = vector.shape_cast %swap3A_728 : vector<1x256x1xi32> to vector<256x1xi32>
    %swap3A_730 = vector.shape_cast %broadcast_in_dim3A_719 : vector<256x1xi32> to vector<1x256x1xi32>
    tpu.vector_store %arg11[%swap3A_725, %swap3A_726, %swap3A_727], %swap3A_730 {strides = array<i32>} : memref<1x1024x16xi32, #tpu.memory_space<vmem>>, vector<1x256x1xi32>,
    %reduce_min3A_731 = arith.constant dense<0x7F800000> : vector<256xf32>
    %reduce_min3A_732 = vector.multi_reduction <minimumf>, %select_n3A_724, %reduce_min3A_731 [1] : vector<256x1024xf32> to vector<256xf32>
    %broadcast_in_dim3A_733 = vector.shape_cast %reduce_min3A_732 : vector<256xf32> to vector<256x1xf32>
    %eq3A_734 = vector.broadcast %broadcast_in_dim3A_733 : vector<256x1xf32> to vector<256x1024xf32>
    %eq3A_735 = arith.cmpf oeq, %select_n3A_724, %eq3A_734 : vector<256x1024xf32>
    %jit3A_736 = arith.constant 1073741824 : i32
    %broadcast_in_dim3A_737 = vector.broadcast %jit3A_736 : i32 to vector<256x1024xi32>
    %select_n3A_738 = arith.select %eq3A_735, %iota3A_452, %broadcast_in_dim3A_737 : vector<256x1024xi1>, vector<256x1024xi32>
    %reduce_min3A_739 = arith.constant dense<2147483647> : vector<256xi32>
    %reduce_min3A_740 = vector.multi_reduction <minsi>, %select_n3A_738, %reduce_min3A_739 [1] : vector<256x1024xi32> to vector<256xi32>
    %broadcast_in_dim3A_741 = vector.shape_cast %reduce_min3A_740 : vector<256xi32> to vector<256x1xi32>
    %eq3A_742 = vector.broadcast %broadcast_in_dim3A_741 : vector<256x1xi32> to vector<256x1024xi32>
    %eq3A_743 = arith.cmpi eq, %iota3A_452, %eq3A_742 : vector<256x1024xi32>
    %jit3A_744 = arith.constant 3.000000e+30 : f32
    %broadcast_in_dim3A_745 = vector.broadcast %jit3A_744 : f32 to vector<256x1024xf32>
    %select_n3A_746 = arith.select %eq3A_743, %broadcast_in_dim3A_745, %select_n3A_724 : vector<256x1024xi1>, vector<256x1024xf32>
    %swap3A_747 = arith.constant 0 : index
    %swap3A_748 = arith.constant 256 : index
    %swap3A_749 = arith.constant 10 : index
    %swap3A_750 = vector.load %arg11[%swap3A_747, %swap3A_748, %swap3A_749] : memref<1x1024x16xi32, #tpu.memory_space<vmem>>, vector<1x256x1xi32>
    %swap3A_751 = vector.shape_cast %swap3A_750 : vector<1x256x1xi32> to vector<256x1xi32>
    %swap3A_752 = vector.shape_cast %broadcast_in_dim3A_741 : vector<256x1xi32> to vector<1x256x1xi32>
    tpu.vector_store %arg11[%swap3A_747, %swap3A_748, %swap3A_749], %swap3A_752 {strides = array<i32>} : memref<1x1024x16xi32, #tpu.memory_space<vmem>>, vector<1x256x1xi32>,
    %reduce_min3A_753 = arith.constant dense<0x7F800000> : vector<256xf32>
    %reduce_min3A_754 = vector.multi_reduction <minimumf>, %select_n3A_746, %reduce_min3A_753 [1] : vector<256x1024xf32> to vector<256xf32>
    %broadcast_in_dim3A_755 = vector.shape_cast %reduce_min3A_754 : vector<256xf32> to vector<256x1xf32>
    %eq3A_756 = vector.broadcast %broadcast_in_dim3A_755 : vector<256x1xf32> to vector<256x1024xf32>
    %eq3A_757 = arith.cmpf oeq, %select_n3A_746, %eq3A_756 : vector<256x1024xf32>
    %jit3A_758 = arith.constant 1073741824 : i32
    %broadcast_in_dim3A_759 = vector.broadcast %jit3A_758 : i32 to vector<256x1024xi32>
    %select_n3A_760 = arith.select %eq3A_757, %iota3A_452, %broadcast_in_dim3A_759 : vector<256x1024xi1>, vector<256x1024xi32>
    %reduce_min3A_761 = arith.constant dense<2147483647> : vector<256xi32>
    %reduce_min3A_762 = vector.multi_reduction <minsi>, %select_n3A_760, %reduce_min3A_761 [1] : vector<256x1024xi32> to vector<256xi32>
    %broadcast_in_dim3A_763 = vector.shape_cast %reduce_min3A_762 : vector<256xi32> to vector<256x1xi32>
    %eq3A_764 = vector.broadcast %broadcast_in_dim3A_763 : vector<256x1xi32> to vector<256x1024xi32>
    %eq3A_765 = arith.cmpi eq, %iota3A_452, %eq3A_764 : vector<256x1024xi32>
    %jit3A_766 = arith.constant 3.000000e+30 : f32
    %broadcast_in_dim3A_767 = vector.broadcast %jit3A_766 : f32 to vector<256x1024xf32>
    %select_n3A_768 = arith.select %eq3A_765, %broadcast_in_dim3A_767, %select_n3A_746 : vector<256x1024xi1>, vector<256x1024xf32>
    %swap3A_769 = arith.constant 0 : index
    %swap3A_770 = arith.constant 256 : index
    %swap3A_771 = arith.constant 11 : index
    %swap3A_772 = vector.load %arg11[%swap3A_769, %swap3A_770, %swap3A_771] : memref<1x1024x16xi32, #tpu.memory_space<vmem>>, vector<1x256x1xi32>
    %swap3A_773 = vector.shape_cast %swap3A_772 : vector<1x256x1xi32> to vector<256x1xi32>
    %swap3A_774 = vector.shape_cast %broadcast_in_dim3A_763 : vector<256x1xi32> to vector<1x256x1xi32>
    tpu.vector_store %arg11[%swap3A_769, %swap3A_770, %swap3A_771], %swap3A_774 {strides = array<i32>} : memref<1x1024x16xi32, #tpu.memory_space<vmem>>, vector<1x256x1xi32>,
    %reduce_min3A_775 = arith.constant dense<0x7F800000> : vector<256xf32>
    %reduce_min3A_776 = vector.multi_reduction <minimumf>, %select_n3A_768, %reduce_min3A_775 [1] : vector<256x1024xf32> to vector<256xf32>
    %broadcast_in_dim3A_777 = vector.shape_cast %reduce_min3A_776 : vector<256xf32> to vector<256x1xf32>
    %eq3A_778 = vector.broadcast %broadcast_in_dim3A_777 : vector<256x1xf32> to vector<256x1024xf32>
    %eq3A_779 = arith.cmpf oeq, %select_n3A_768, %eq3A_778 : vector<256x1024xf32>
    %jit3A_780 = arith.constant 1073741824 : i32
    %broadcast_in_dim3A_781 = vector.broadcast %jit3A_780 : i32 to vector<256x1024xi32>
    %select_n3A_782 = arith.select %eq3A_779, %iota3A_452, %broadcast_in_dim3A_781 : vector<256x1024xi1>, vector<256x1024xi32>
    %reduce_min3A_783 = arith.constant dense<2147483647> : vector<256xi32>
    %reduce_min3A_784 = vector.multi_reduction <minsi>, %select_n3A_782, %reduce_min3A_783 [1] : vector<256x1024xi32> to vector<256xi32>
    %broadcast_in_dim3A_785 = vector.shape_cast %reduce_min3A_784 : vector<256xi32> to vector<256x1xi32>
    %eq3A_786 = vector.broadcast %broadcast_in_dim3A_785 : vector<256x1xi32> to vector<256x1024xi32>
    %eq3A_787 = arith.cmpi eq, %iota3A_452, %eq3A_786 : vector<256x1024xi32>
    %jit3A_788 = arith.constant 3.000000e+30 : f32
    %broadcast_in_dim3A_789 = vector.broadcast %jit3A_788 : f32 to vector<256x1024xf32>
    %select_n3A_790 = arith.select %eq3A_787, %broadcast_in_dim3A_789, %select_n3A_768 : vector<256x1024xi1>, vector<256x1024xf32>
    %swap3A_791 = arith.constant 0 : index
    %swap3A_792 = arith.constant 256 : index
    %swap3A_793 = arith.constant 12 : index
    %swap3A_794 = vector.load %arg11[%swap3A_791, %swap3A_792, %swap3A_793] : memref<1x1024x16xi32, #tpu.memory_space<vmem>>, vector<1x256x1xi32>
    %swap3A_795 = vector.shape_cast %swap3A_794 : vector<1x256x1xi32> to vector<256x1xi32>
    %swap3A_796 = vector.shape_cast %broadcast_in_dim3A_785 : vector<256x1xi32> to vector<1x256x1xi32>
    tpu.vector_store %arg11[%swap3A_791, %swap3A_792, %swap3A_793], %swap3A_796 {strides = array<i32>} : memref<1x1024x16xi32, #tpu.memory_space<vmem>>, vector<1x256x1xi32>,
    %reduce_min3A_797 = arith.constant dense<0x7F800000> : vector<256xf32>
    %reduce_min3A_798 = vector.multi_reduction <minimumf>, %select_n3A_790, %reduce_min3A_797 [1] : vector<256x1024xf32> to vector<256xf32>
    %broadcast_in_dim3A_799 = vector.shape_cast %reduce_min3A_798 : vector<256xf32> to vector<256x1xf32>
    %eq3A_800 = vector.broadcast %broadcast_in_dim3A_799 : vector<256x1xf32> to vector<256x1024xf32>
    %eq3A_801 = arith.cmpf oeq, %select_n3A_790, %eq3A_800 : vector<256x1024xf32>
    %jit3A_802 = arith.constant 1073741824 : i32
    %broadcast_in_dim3A_803 = vector.broadcast %jit3A_802 : i32 to vector<256x1024xi32>
    %select_n3A_804 = arith.select %eq3A_801, %iota3A_452, %broadcast_in_dim3A_803 : vector<256x1024xi1>, vector<256x1024xi32>
    %reduce_min3A_805 = arith.constant dense<2147483647> : vector<256xi32>
    %reduce_min3A_806 = vector.multi_reduction <minsi>, %select_n3A_804, %reduce_min3A_805 [1] : vector<256x1024xi32> to vector<256xi32>
    %broadcast_in_dim3A_807 = vector.shape_cast %reduce_min3A_806 : vector<256xi32> to vector<256x1xi32>
    %eq3A_808 = vector.broadcast %broadcast_in_dim3A_807 : vector<256x1xi32> to vector<256x1024xi32>
    %eq3A_809 = arith.cmpi eq, %iota3A_452, %eq3A_808 : vector<256x1024xi32>
    %jit3A_810 = arith.constant 3.000000e+30 : f32
    %broadcast_in_dim3A_811 = vector.broadcast %jit3A_810 : f32 to vector<256x1024xf32>
    %select_n3A_812 = arith.select %eq3A_809, %broadcast_in_dim3A_811, %select_n3A_790 : vector<256x1024xi1>, vector<256x1024xf32>
    %swap3A_813 = arith.constant 0 : index
    %swap3A_814 = arith.constant 256 : index
    %swap3A_815 = arith.constant 13 : index
    %swap3A_816 = vector.load %arg11[%swap3A_813, %swap3A_814, %swap3A_815] : memref<1x1024x16xi32, #tpu.memory_space<vmem>>, vector<1x256x1xi32>
    %swap3A_817 = vector.shape_cast %swap3A_816 : vector<1x256x1xi32> to vector<256x1xi32>
    %swap3A_818 = vector.shape_cast %broadcast_in_dim3A_807 : vector<256x1xi32> to vector<1x256x1xi32>
    tpu.vector_store %arg11[%swap3A_813, %swap3A_814, %swap3A_815], %swap3A_818 {strides = array<i32>} : memref<1x1024x16xi32, #tpu.memory_space<vmem>>, vector<1x256x1xi32>,
    %reduce_min3A_819 = arith.constant dense<0x7F800000> : vector<256xf32>
    %reduce_min3A_820 = vector.multi_reduction <minimumf>, %select_n3A_812, %reduce_min3A_819 [1] : vector<256x1024xf32> to vector<256xf32>
    %broadcast_in_dim3A_821 = vector.shape_cast %reduce_min3A_820 : vector<256xf32> to vector<256x1xf32>
    %eq3A_822 = vector.broadcast %broadcast_in_dim3A_821 : vector<256x1xf32> to vector<256x1024xf32>
    %eq3A_823 = arith.cmpf oeq, %select_n3A_812, %eq3A_822 : vector<256x1024xf32>
    %jit3A_824 = arith.constant 1073741824 : i32
    %broadcast_in_dim3A_825 = vector.broadcast %jit3A_824 : i32 to vector<256x1024xi32>
    %select_n3A_826 = arith.select %eq3A_823, %iota3A_452, %broadcast_in_dim3A_825 : vector<256x1024xi1>, vector<256x1024xi32>
    %reduce_min3A_827 = arith.constant dense<2147483647> : vector<256xi32>
    %reduce_min3A_828 = vector.multi_reduction <minsi>, %select_n3A_826, %reduce_min3A_827 [1] : vector<256x1024xi32> to vector<256xi32>
    %broadcast_in_dim3A_829 = vector.shape_cast %reduce_min3A_828 : vector<256xi32> to vector<256x1xi32>
    %eq3A_830 = vector.broadcast %broadcast_in_dim3A_829 : vector<256x1xi32> to vector<256x1024xi32>
    %eq3A_831 = arith.cmpi eq, %iota3A_452, %eq3A_830 : vector<256x1024xi32>
    %jit3A_832 = arith.constant 3.000000e+30 : f32
    %broadcast_in_dim3A_833 = vector.broadcast %jit3A_832 : f32 to vector<256x1024xf32>
    %select_n3A_834 = arith.select %eq3A_831, %broadcast_in_dim3A_833, %select_n3A_812 : vector<256x1024xi1>, vector<256x1024xf32>
    %swap3A_835 = arith.constant 0 : index
    %swap3A_836 = arith.constant 256 : index
    %swap3A_837 = arith.constant 14 : index
    %swap3A_838 = vector.load %arg11[%swap3A_835, %swap3A_836, %swap3A_837] : memref<1x1024x16xi32, #tpu.memory_space<vmem>>, vector<1x256x1xi32>
    %swap3A_839 = vector.shape_cast %swap3A_838 : vector<1x256x1xi32> to vector<256x1xi32>
    %swap3A_840 = vector.shape_cast %broadcast_in_dim3A_829 : vector<256x1xi32> to vector<1x256x1xi32>
    tpu.vector_store %arg11[%swap3A_835, %swap3A_836, %swap3A_837], %swap3A_840 {strides = array<i32>} : memref<1x1024x16xi32, #tpu.memory_space<vmem>>, vector<1x256x1xi32>,
    %reduce_min3A_841 = arith.constant dense<0x7F800000> : vector<256xf32>
    %reduce_min3A_842 = vector.multi_reduction <minimumf>, %select_n3A_834, %reduce_min3A_841 [1] : vector<256x1024xf32> to vector<256xf32>
    %broadcast_in_dim3A_843 = vector.shape_cast %reduce_min3A_842 : vector<256xf32> to vector<256x1xf32>
    %eq3A_844 = vector.broadcast %broadcast_in_dim3A_843 : vector<256x1xf32> to vector<256x1024xf32>
    %eq3A_845 = arith.cmpf oeq, %select_n3A_834, %eq3A_844 : vector<256x1024xf32>
    %jit3A_846 = arith.constant 1073741824 : i32
    %broadcast_in_dim3A_847 = vector.broadcast %jit3A_846 : i32 to vector<256x1024xi32>
    %select_n3A_848 = arith.select %eq3A_845, %iota3A_452, %broadcast_in_dim3A_847 : vector<256x1024xi1>, vector<256x1024xi32>
    %reduce_min3A_849 = arith.constant dense<2147483647> : vector<256xi32>
    %reduce_min3A_850 = vector.multi_reduction <minsi>, %select_n3A_848, %reduce_min3A_849 [1] : vector<256x1024xi32> to vector<256xi32>
    %broadcast_in_dim3A_851 = vector.shape_cast %reduce_min3A_850 : vector<256xi32> to vector<256x1xi32>
    %swap3A_852 = arith.constant 0 : index
    %swap3A_853 = arith.constant 256 : index
    %swap3A_854 = arith.constant 15 : index
    %swap3A_855 = vector.load %arg11[%swap3A_852, %swap3A_853, %swap3A_854] : memref<1x1024x16xi32, #tpu.memory_space<vmem>>, vector<1x256x1xi32>
    %swap3A_856 = vector.shape_cast %swap3A_855 : vector<1x256x1xi32> to vector<256x1xi32>
    %swap3A_857 = vector.shape_cast %broadcast_in_dim3A_851 : vector<256x1xi32> to vector<1x256x1xi32>
    tpu.vector_store %arg11[%swap3A_852, %swap3A_853, %swap3A_854], %swap3A_857 {strides = array<i32>} : memref<1x1024x16xi32, #tpu.memory_space<vmem>>, vector<1x256x1xi32>,
    %iota3A_858 = tpu.iota {dimensions = array<i32: 1>} : vector<256x1024xi32>
    %iota3A_859 = tpu.iota {dimensions = array<i32: 0>} : vector<256x1024xi32>
    %add3A_860 = arith.constant 512 : i32
    %add3A_861 = vector.broadcast %add3A_860 : i32 to vector<256x1024xi32>
    %add3A_862 = arith.addi %add3A_861, %iota3A_859 : vector<256x1024xi32>
    %broadcast_in_dim3A_863 = arith.constant 0.000000e+00 : f32
    %broadcast_in_dim3A_864 = vector.broadcast %broadcast_in_dim3A_863 : f32 to vector<256x1024xf32>
    %get3A_865 = arith.constant 0 : index
    %get3A_866 = arith.constant 512 : index
    %get3A_867 = arith.constant 0 : index
    %get3A_868 = vector.load %arg1[%get3A_865, %get3A_866, %get3A_867] : memref<1x1024x3xf32, #tpu.memory_space<vmem>>, vector<1x256x1xf32>
    %get3A_869 = vector.shape_cast %get3A_868 : vector<1x256x1xf32> to vector<256x1xf32>
    %get3A_870 = arith.constant 0 : index
    %get3A_871 = arith.constant 0 : index
    %get3A_872 = arith.constant 0 : index
    %get3A_873 = vector.load %arg2[%get3A_870, %get3A_871, %get3A_872] : memref<1x8x1024xf32, #tpu.memory_space<vmem>>, vector<1x1x1024xf32>
    %get3A_874 = vector.shape_cast %get3A_873 : vector<1x1x1024xf32> to vector<1x1024xf32>
    %sub3A_875 = vector.broadcast %get3A_869 : vector<256x1xf32> to vector<256x1024xf32>
    %sub3A_876 = vector.broadcast %get3A_874 : vector<1x1024xf32> to vector<256x1024xf32>
    %sub3A_877 = arith.subf %sub3A_875, %sub3A_876 : vector<256x1024xf32>
    %mul3A_878 = arith.mulf %sub3A_877, %sub3A_877 : vector<256x1024xf32>
    %add3A_879 = arith.addf %broadcast_in_dim3A_864, %mul3A_878 : vector<256x1024xf32>
    %get3A_880 = arith.constant 0 : index
    %get3A_881 = arith.constant 512 : index
    %get3A_882 = arith.constant 1 : index
    %get3A_883 = vector.load %arg1[%get3A_880, %get3A_881, %get3A_882] : memref<1x1024x3xf32, #tpu.memory_space<vmem>>, vector<1x256x1xf32>
    %get3A_884 = vector.shape_cast %get3A_883 : vector<1x256x1xf32> to vector<256x1xf32>
    %get3A_885 = arith.constant 0 : index
    %get3A_886 = arith.constant 1 : index
    %get3A_887 = arith.constant 0 : index
    %get3A_888 = vector.load %arg2[%get3A_885, %get3A_886, %get3A_887] : memref<1x8x1024xf32, #tpu.memory_space<vmem>>, vector<1x1x1024xf32>
    %get3A_889 = vector.shape_cast %get3A_888 : vector<1x1x1024xf32> to vector<1x1024xf32>
    %sub3A_890 = vector.broadcast %get3A_884 : vector<256x1xf32> to vector<256x1024xf32>
    %sub3A_891 = vector.broadcast %get3A_889 : vector<1x1024xf32> to vector<256x1024xf32>
    %sub3A_892 = arith.subf %sub3A_890, %sub3A_891 : vector<256x1024xf32>
    %mul3A_893 = arith.mulf %sub3A_892, %sub3A_892 : vector<256x1024xf32>
    %add3A_894 = arith.addf %add3A_879, %mul3A_893 : vector<256x1024xf32>
    %get3A_895 = arith.constant 0 : index
    %get3A_896 = arith.constant 512 : index
    %get3A_897 = arith.constant 2 : index
    %get3A_898 = vector.load %arg1[%get3A_895, %get3A_896, %get3A_897] : memref<1x1024x3xf32, #tpu.memory_space<vmem>>, vector<1x256x1xf32>
    %get3A_899 = vector.shape_cast %get3A_898 : vector<1x256x1xf32> to vector<256x1xf32>
    %get3A_900 = arith.constant 0 : index
    %get3A_901 = arith.constant 2 : index
    %get3A_902 = arith.constant 0 : index
    %get3A_903 = vector.load %arg2[%get3A_900, %get3A_901, %get3A_902] : memref<1x8x1024xf32, #tpu.memory_space<vmem>>, vector<1x1x1024xf32>
    %get3A_904 = vector.shape_cast %get3A_903 : vector<1x1x1024xf32> to vector<1x1024xf32>
    %sub3A_905 = vector.broadcast %get3A_899 : vector<256x1xf32> to vector<256x1024xf32>
    %sub3A_906 = vector.broadcast %get3A_904 : vector<1x1024xf32> to vector<256x1024xf32>
    %sub3A_907 = arith.subf %sub3A_905, %sub3A_906 : vector<256x1024xf32>
    %mul3A_908 = arith.mulf %sub3A_907, %sub3A_907 : vector<256x1024xf32>
    %add3A_909 = arith.addf %add3A_894, %mul3A_908 : vector<256x1024xf32>
    %eq3A_910 = arith.cmpi eq, %iota3A_858, %add3A_862 : vector<256x1024xi32>
    %jit3A_911 = arith.constant 1.000000e+10 : f32
    %jit3A_912 = arith.constant 0.000000e+00 : f32
    %broadcast_in_dim3A_913 = vector.broadcast %jit3A_911 : f32 to vector<256x1024xf32>
    %broadcast_in_dim3A_914 = vector.broadcast %jit3A_912 : f32 to vector<256x1024xf32>
    %select_n3A_915 = arith.select %eq3A_910, %broadcast_in_dim3A_913, %broadcast_in_dim3A_914 : vector<256x1024xi1>, vector<256x1024xf32>
    %add3A_916 = arith.addf %add3A_909, %select_n3A_915 : vector<256x1024xf32>
    %reduce_min3A_917 = arith.constant dense<0x7F800000> : vector<256xf32>
    %reduce_min3A_918 = vector.multi_reduction <minimumf>, %add3A_916, %reduce_min3A_917 [1] : vector<256x1024xf32> to vector<256xf32>
    %broadcast_in_dim3A_919 = vector.shape_cast %reduce_min3A_918 : vector<256xf32> to vector<256x1xf32>
    %eq3A_920 = vector.broadcast %broadcast_in_dim3A_919 : vector<256x1xf32> to vector<256x1024xf32>
    %eq3A_921 = arith.cmpf oeq, %add3A_916, %eq3A_920 : vector<256x1024xf32>
    %jit3A_922 = arith.constant 1073741824 : i32
    %broadcast_in_dim3A_923 = vector.broadcast %jit3A_922 : i32 to vector<256x1024xi32>
    %select_n3A_924 = arith.select %eq3A_921, %iota3A_858, %broadcast_in_dim3A_923 : vector<256x1024xi1>, vector<256x1024xi32>
    %reduce_min3A_925 = arith.constant dense<2147483647> : vector<256xi32>
    %reduce_min3A_926 = vector.multi_reduction <minsi>, %select_n3A_924, %reduce_min3A_925 [1] : vector<256x1024xi32> to vector<256xi32>
    %broadcast_in_dim3A_927 = vector.shape_cast %reduce_min3A_926 : vector<256xi32> to vector<256x1xi32>
    %eq3A_928 = vector.broadcast %broadcast_in_dim3A_927 : vector<256x1xi32> to vector<256x1024xi32>
    %eq3A_929 = arith.cmpi eq, %iota3A_858, %eq3A_928 : vector<256x1024xi32>
    %jit3A_930 = arith.constant 3.000000e+30 : f32
    %broadcast_in_dim3A_931 = vector.broadcast %jit3A_930 : f32 to vector<256x1024xf32>
    %select_n3A_932 = arith.select %eq3A_929, %broadcast_in_dim3A_931, %add3A_916 : vector<256x1024xi1>, vector<256x1024xf32>
    %swap3A_933 = arith.constant 0 : index
    %swap3A_934 = arith.constant 512 : index
    %swap3A_935 = arith.constant 0 : index
    %swap3A_936 = vector.load %arg11[%swap3A_933, %swap3A_934, %swap3A_935] : memref<1x1024x16xi32, #tpu.memory_space<vmem>>, vector<1x256x1xi32>
    %swap3A_937 = vector.shape_cast %swap3A_936 : vector<1x256x1xi32> to vector<256x1xi32>
    %swap3A_938 = vector.shape_cast %broadcast_in_dim3A_927 : vector<256x1xi32> to vector<1x256x1xi32>
    tpu.vector_store %arg11[%swap3A_933, %swap3A_934, %swap3A_935], %swap3A_938 {strides = array<i32>} : memref<1x1024x16xi32, #tpu.memory_space<vmem>>, vector<1x256x1xi32>,
    %reduce_min3A_939 = arith.constant dense<0x7F800000> : vector<256xf32>
    %reduce_min3A_940 = vector.multi_reduction <minimumf>, %select_n3A_932, %reduce_min3A_939 [1] : vector<256x1024xf32> to vector<256xf32>
    %broadcast_in_dim3A_941 = vector.shape_cast %reduce_min3A_940 : vector<256xf32> to vector<256x1xf32>
    %eq3A_942 = vector.broadcast %broadcast_in_dim3A_941 : vector<256x1xf32> to vector<256x1024xf32>
    %eq3A_943 = arith.cmpf oeq, %select_n3A_932, %eq3A_942 : vector<256x1024xf32>
    %jit3A_944 = arith.constant 1073741824 : i32
    %broadcast_in_dim3A_945 = vector.broadcast %jit3A_944 : i32 to vector<256x1024xi32>
    %select_n3A_946 = arith.select %eq3A_943, %iota3A_858, %broadcast_in_dim3A_945 : vector<256x1024xi1>, vector<256x1024xi32>
    %reduce_min3A_947 = arith.constant dense<2147483647> : vector<256xi32>
    %reduce_min3A_948 = vector.multi_reduction <minsi>, %select_n3A_946, %reduce_min3A_947 [1] : vector<256x1024xi32> to vector<256xi32>
    %broadcast_in_dim3A_949 = vector.shape_cast %reduce_min3A_948 : vector<256xi32> to vector<256x1xi32>
    %eq3A_950 = vector.broadcast %broadcast_in_dim3A_949 : vector<256x1xi32> to vector<256x1024xi32>
    %eq3A_951 = arith.cmpi eq, %iota3A_858, %eq3A_950 : vector<256x1024xi32>
    %jit3A_952 = arith.constant 3.000000e+30 : f32
    %broadcast_in_dim3A_953 = vector.broadcast %jit3A_952 : f32 to vector<256x1024xf32>
    %select_n3A_954 = arith.select %eq3A_951, %broadcast_in_dim3A_953, %select_n3A_932 : vector<256x1024xi1>, vector<256x1024xf32>
    %swap3A_955 = arith.constant 0 : index
    %swap3A_956 = arith.constant 512 : index
    %swap3A_957 = arith.constant 1 : index
    %swap3A_958 = vector.load %arg11[%swap3A_955, %swap3A_956, %swap3A_957] : memref<1x1024x16xi32, #tpu.memory_space<vmem>>, vector<1x256x1xi32>
    %swap3A_959 = vector.shape_cast %swap3A_958 : vector<1x256x1xi32> to vector<256x1xi32>
    %swap3A_960 = vector.shape_cast %broadcast_in_dim3A_949 : vector<256x1xi32> to vector<1x256x1xi32>
    tpu.vector_store %arg11[%swap3A_955, %swap3A_956, %swap3A_957], %swap3A_960 {strides = array<i32>} : memref<1x1024x16xi32, #tpu.memory_space<vmem>>, vector<1x256x1xi32>,
    %reduce_min3A_961 = arith.constant dense<0x7F800000> : vector<256xf32>
    %reduce_min3A_962 = vector.multi_reduction <minimumf>, %select_n3A_954, %reduce_min3A_961 [1] : vector<256x1024xf32> to vector<256xf32>
    %broadcast_in_dim3A_963 = vector.shape_cast %reduce_min3A_962 : vector<256xf32> to vector<256x1xf32>
    %eq3A_964 = vector.broadcast %broadcast_in_dim3A_963 : vector<256x1xf32> to vector<256x1024xf32>
    %eq3A_965 = arith.cmpf oeq, %select_n3A_954, %eq3A_964 : vector<256x1024xf32>
    %jit3A_966 = arith.constant 1073741824 : i32
    %broadcast_in_dim3A_967 = vector.broadcast %jit3A_966 : i32 to vector<256x1024xi32>
    %select_n3A_968 = arith.select %eq3A_965, %iota3A_858, %broadcast_in_dim3A_967 : vector<256x1024xi1>, vector<256x1024xi32>
    %reduce_min3A_969 = arith.constant dense<2147483647> : vector<256xi32>
    %reduce_min3A_970 = vector.multi_reduction <minsi>, %select_n3A_968, %reduce_min3A_969 [1] : vector<256x1024xi32> to vector<256xi32>
    %broadcast_in_dim3A_971 = vector.shape_cast %reduce_min3A_970 : vector<256xi32> to vector<256x1xi32>
    %eq3A_972 = vector.broadcast %broadcast_in_dim3A_971 : vector<256x1xi32> to vector<256x1024xi32>
    %eq3A_973 = arith.cmpi eq, %iota3A_858, %eq3A_972 : vector<256x1024xi32>
    %jit3A_974 = arith.constant 3.000000e+30 : f32
    %broadcast_in_dim3A_975 = vector.broadcast %jit3A_974 : f32 to vector<256x1024xf32>
    %select_n3A_976 = arith.select %eq3A_973, %broadcast_in_dim3A_975, %select_n3A_954 : vector<256x1024xi1>, vector<256x1024xf32>
    %swap3A_977 = arith.constant 0 : index
    %swap3A_978 = arith.constant 512 : index
    %swap3A_979 = arith.constant 2 : index
    %swap3A_980 = vector.load %arg11[%swap3A_977, %swap3A_978, %swap3A_979] : memref<1x1024x16xi32, #tpu.memory_space<vmem>>, vector<1x256x1xi32>
    %swap3A_981 = vector.shape_cast %swap3A_980 : vector<1x256x1xi32> to vector<256x1xi32>
    %swap3A_982 = vector.shape_cast %broadcast_in_dim3A_971 : vector<256x1xi32> to vector<1x256x1xi32>
    tpu.vector_store %arg11[%swap3A_977, %swap3A_978, %swap3A_979], %swap3A_982 {strides = array<i32>} : memref<1x1024x16xi32, #tpu.memory_space<vmem>>, vector<1x256x1xi32>,
    %reduce_min3A_983 = arith.constant dense<0x7F800000> : vector<256xf32>
    %reduce_min3A_984 = vector.multi_reduction <minimumf>, %select_n3A_976, %reduce_min3A_983 [1] : vector<256x1024xf32> to vector<256xf32>
    %broadcast_in_dim3A_985 = vector.shape_cast %reduce_min3A_984 : vector<256xf32> to vector<256x1xf32>
    %eq3A_986 = vector.broadcast %broadcast_in_dim3A_985 : vector<256x1xf32> to vector<256x1024xf32>
    %eq3A_987 = arith.cmpf oeq, %select_n3A_976, %eq3A_986 : vector<256x1024xf32>
    %jit3A_988 = arith.constant 1073741824 : i32
    %broadcast_in_dim3A_989 = vector.broadcast %jit3A_988 : i32 to vector<256x1024xi32>
    %select_n3A_990 = arith.select %eq3A_987, %iota3A_858, %broadcast_in_dim3A_989 : vector<256x1024xi1>, vector<256x1024xi32>
    %reduce_min3A_991 = arith.constant dense<2147483647> : vector<256xi32>
    %reduce_min3A_992 = vector.multi_reduction <minsi>, %select_n3A_990, %reduce_min3A_991 [1] : vector<256x1024xi32> to vector<256xi32>
    %broadcast_in_dim3A_993 = vector.shape_cast %reduce_min3A_992 : vector<256xi32> to vector<256x1xi32>
    %eq3A_994 = vector.broadcast %broadcast_in_dim3A_993 : vector<256x1xi32> to vector<256x1024xi32>
    %eq3A_995 = arith.cmpi eq, %iota3A_858, %eq3A_994 : vector<256x1024xi32>
    %jit3A_996 = arith.constant 3.000000e+30 : f32
    %broadcast_in_dim3A_997 = vector.broadcast %jit3A_996 : f32 to vector<256x1024xf32>
    %select_n3A_998 = arith.select %eq3A_995, %broadcast_in_dim3A_997, %select_n3A_976 : vector<256x1024xi1>, vector<256x1024xf32>
    %swap3A_999 = arith.constant 0 : index
    %swap3A_1000 = arith.constant 512 : index
    %swap3A_1001 = arith.constant 3 : index
    %swap3A_1002 = vector.load %arg11[%swap3A_999, %swap3A_1000, %swap3A_1001] : memref<1x1024x16xi32, #tpu.memory_space<vmem>>, vector<1x256x1xi32>
    %swap3A_1003 = vector.shape_cast %swap3A_1002 : vector<1x256x1xi32> to vector<256x1xi32>
    %swap3A_1004 = vector.shape_cast %broadcast_in_dim3A_993 : vector<256x1xi32> to vector<1x256x1xi32>
    tpu.vector_store %arg11[%swap3A_999, %swap3A_1000, %swap3A_1001], %swap3A_1004 {strides = array<i32>} : memref<1x1024x16xi32, #tpu.memory_space<vmem>>, vector<1x256x1xi32>,
    %reduce_min3A_1005 = arith.constant dense<0x7F800000> : vector<256xf32>
    %reduce_min3A_1006 = vector.multi_reduction <minimumf>, %select_n3A_998, %reduce_min3A_1005 [1] : vector<256x1024xf32> to vector<256xf32>
    %broadcast_in_dim3A_1007 = vector.shape_cast %reduce_min3A_1006 : vector<256xf32> to vector<256x1xf32>
    %eq3A_1008 = vector.broadcast %broadcast_in_dim3A_1007 : vector<256x1xf32> to vector<256x1024xf32>
    %eq3A_1009 = arith.cmpf oeq, %select_n3A_998, %eq3A_1008 : vector<256x1024xf32>
    %jit3A_1010 = arith.constant 1073741824 : i32
    %broadcast_in_dim3A_1011 = vector.broadcast %jit3A_1010 : i32 to vector<256x1024xi32>
    %select_n3A_1012 = arith.select %eq3A_1009, %iota3A_858, %broadcast_in_dim3A_1011 : vector<256x1024xi1>, vector<256x1024xi32>
    %reduce_min3A_1013 = arith.constant dense<2147483647> : vector<256xi32>
    %reduce_min3A_1014 = vector.multi_reduction <minsi>, %select_n3A_1012, %reduce_min3A_1013 [1] : vector<256x1024xi32> to vector<256xi32>
    %broadcast_in_dim3A_1015 = vector.shape_cast %reduce_min3A_1014 : vector<256xi32> to vector<256x1xi32>
    %eq3A_1016 = vector.broadcast %broadcast_in_dim3A_1015 : vector<256x1xi32> to vector<256x1024xi32>
    %eq3A_1017 = arith.cmpi eq, %iota3A_858, %eq3A_1016 : vector<256x1024xi32>
    %jit3A_1018 = arith.constant 3.000000e+30 : f32
    %broadcast_in_dim3A_1019 = vector.broadcast %jit3A_1018 : f32 to vector<256x1024xf32>
    %select_n3A_1020 = arith.select %eq3A_1017, %broadcast_in_dim3A_1019, %select_n3A_998 : vector<256x1024xi1>, vector<256x1024xf32>
    %swap3A_1021 = arith.constant 0 : index
    %swap3A_1022 = arith.constant 512 : index
    %swap3A_1023 = arith.constant 4 : index
    %swap3A_1024 = vector.load %arg11[%swap3A_1021, %swap3A_1022, %swap3A_1023] : memref<1x1024x16xi32, #tpu.memory_space<vmem>>, vector<1x256x1xi32>
    %swap3A_1025 = vector.shape_cast %swap3A_1024 : vector<1x256x1xi32> to vector<256x1xi32>
    %swap3A_1026 = vector.shape_cast %broadcast_in_dim3A_1015 : vector<256x1xi32> to vector<1x256x1xi32>
    tpu.vector_store %arg11[%swap3A_1021, %swap3A_1022, %swap3A_1023], %swap3A_1026 {strides = array<i32>} : memref<1x1024x16xi32, #tpu.memory_space<vmem>>, vector<1x256x1xi32>,
    %reduce_min3A_1027 = arith.constant dense<0x7F800000> : vector<256xf32>
    %reduce_min3A_1028 = vector.multi_reduction <minimumf>, %select_n3A_1020, %reduce_min3A_1027 [1] : vector<256x1024xf32> to vector<256xf32>
    %broadcast_in_dim3A_1029 = vector.shape_cast %reduce_min3A_1028 : vector<256xf32> to vector<256x1xf32>
    %eq3A_1030 = vector.broadcast %broadcast_in_dim3A_1029 : vector<256x1xf32> to vector<256x1024xf32>
    %eq3A_1031 = arith.cmpf oeq, %select_n3A_1020, %eq3A_1030 : vector<256x1024xf32>
    %jit3A_1032 = arith.constant 1073741824 : i32
    %broadcast_in_dim3A_1033 = vector.broadcast %jit3A_1032 : i32 to vector<256x1024xi32>
    %select_n3A_1034 = arith.select %eq3A_1031, %iota3A_858, %broadcast_in_dim3A_1033 : vector<256x1024xi1>, vector<256x1024xi32>
    %reduce_min3A_1035 = arith.constant dense<2147483647> : vector<256xi32>
    %reduce_min3A_1036 = vector.multi_reduction <minsi>, %select_n3A_1034, %reduce_min3A_1035 [1] : vector<256x1024xi32> to vector<256xi32>
    %broadcast_in_dim3A_1037 = vector.shape_cast %reduce_min3A_1036 : vector<256xi32> to vector<256x1xi32>
    %eq3A_1038 = vector.broadcast %broadcast_in_dim3A_1037 : vector<256x1xi32> to vector<256x1024xi32>
    %eq3A_1039 = arith.cmpi eq, %iota3A_858, %eq3A_1038 : vector<256x1024xi32>
    %jit3A_1040 = arith.constant 3.000000e+30 : f32
    %broadcast_in_dim3A_1041 = vector.broadcast %jit3A_1040 : f32 to vector<256x1024xf32>
    %select_n3A_1042 = arith.select %eq3A_1039, %broadcast_in_dim3A_1041, %select_n3A_1020 : vector<256x1024xi1>, vector<256x1024xf32>
    %swap3A_1043 = arith.constant 0 : index
    %swap3A_1044 = arith.constant 512 : index
    %swap3A_1045 = arith.constant 5 : index
    %swap3A_1046 = vector.load %arg11[%swap3A_1043, %swap3A_1044, %swap3A_1045] : memref<1x1024x16xi32, #tpu.memory_space<vmem>>, vector<1x256x1xi32>
    %swap3A_1047 = vector.shape_cast %swap3A_1046 : vector<1x256x1xi32> to vector<256x1xi32>
    %swap3A_1048 = vector.shape_cast %broadcast_in_dim3A_1037 : vector<256x1xi32> to vector<1x256x1xi32>
    tpu.vector_store %arg11[%swap3A_1043, %swap3A_1044, %swap3A_1045], %swap3A_1048 {strides = array<i32>} : memref<1x1024x16xi32, #tpu.memory_space<vmem>>, vector<1x256x1xi32>,
    %reduce_min3A_1049 = arith.constant dense<0x7F800000> : vector<256xf32>
    %reduce_min3A_1050 = vector.multi_reduction <minimumf>, %select_n3A_1042, %reduce_min3A_1049 [1] : vector<256x1024xf32> to vector<256xf32>
    %broadcast_in_dim3A_1051 = vector.shape_cast %reduce_min3A_1050 : vector<256xf32> to vector<256x1xf32>
    %eq3A_1052 = vector.broadcast %broadcast_in_dim3A_1051 : vector<256x1xf32> to vector<256x1024xf32>
    %eq3A_1053 = arith.cmpf oeq, %select_n3A_1042, %eq3A_1052 : vector<256x1024xf32>
    %jit3A_1054 = arith.constant 1073741824 : i32
    %broadcast_in_dim3A_1055 = vector.broadcast %jit3A_1054 : i32 to vector<256x1024xi32>
    %select_n3A_1056 = arith.select %eq3A_1053, %iota3A_858, %broadcast_in_dim3A_1055 : vector<256x1024xi1>, vector<256x1024xi32>
    %reduce_min3A_1057 = arith.constant dense<2147483647> : vector<256xi32>
    %reduce_min3A_1058 = vector.multi_reduction <minsi>, %select_n3A_1056, %reduce_min3A_1057 [1] : vector<256x1024xi32> to vector<256xi32>
    %broadcast_in_dim3A_1059 = vector.shape_cast %reduce_min3A_1058 : vector<256xi32> to vector<256x1xi32>
    %eq3A_1060 = vector.broadcast %broadcast_in_dim3A_1059 : vector<256x1xi32> to vector<256x1024xi32>
    %eq3A_1061 = arith.cmpi eq, %iota3A_858, %eq3A_1060 : vector<256x1024xi32>
    %jit3A_1062 = arith.constant 3.000000e+30 : f32
    %broadcast_in_dim3A_1063 = vector.broadcast %jit3A_1062 : f32 to vector<256x1024xf32>
    %select_n3A_1064 = arith.select %eq3A_1061, %broadcast_in_dim3A_1063, %select_n3A_1042 : vector<256x1024xi1>, vector<256x1024xf32>
    %swap3A_1065 = arith.constant 0 : index
    %swap3A_1066 = arith.constant 512 : index
    %swap3A_1067 = arith.constant 6 : index
    %swap3A_1068 = vector.load %arg11[%swap3A_1065, %swap3A_1066, %swap3A_1067] : memref<1x1024x16xi32, #tpu.memory_space<vmem>>, vector<1x256x1xi32>
    %swap3A_1069 = vector.shape_cast %swap3A_1068 : vector<1x256x1xi32> to vector<256x1xi32>
    %swap3A_1070 = vector.shape_cast %broadcast_in_dim3A_1059 : vector<256x1xi32> to vector<1x256x1xi32>
    tpu.vector_store %arg11[%swap3A_1065, %swap3A_1066, %swap3A_1067], %swap3A_1070 {strides = array<i32>} : memref<1x1024x16xi32, #tpu.memory_space<vmem>>, vector<1x256x1xi32>,
    %reduce_min3A_1071 = arith.constant dense<0x7F800000> : vector<256xf32>
    %reduce_min3A_1072 = vector.multi_reduction <minimumf>, %select_n3A_1064, %reduce_min3A_1071 [1] : vector<256x1024xf32> to vector<256xf32>
    %broadcast_in_dim3A_1073 = vector.shape_cast %reduce_min3A_1072 : vector<256xf32> to vector<256x1xf32>
    %eq3A_1074 = vector.broadcast %broadcast_in_dim3A_1073 : vector<256x1xf32> to vector<256x1024xf32>
    %eq3A_1075 = arith.cmpf oeq, %select_n3A_1064, %eq3A_1074 : vector<256x1024xf32>
    %jit3A_1076 = arith.constant 1073741824 : i32
    %broadcast_in_dim3A_1077 = vector.broadcast %jit3A_1076 : i32 to vector<256x1024xi32>
    %select_n3A_1078 = arith.select %eq3A_1075, %iota3A_858, %broadcast_in_dim3A_1077 : vector<256x1024xi1>, vector<256x1024xi32>
    %reduce_min3A_1079 = arith.constant dense<2147483647> : vector<256xi32>
    %reduce_min3A_1080 = vector.multi_reduction <minsi>, %select_n3A_1078, %reduce_min3A_1079 [1] : vector<256x1024xi32> to vector<256xi32>
    %broadcast_in_dim3A_1081 = vector.shape_cast %reduce_min3A_1080 : vector<256xi32> to vector<256x1xi32>
    %eq3A_1082 = vector.broadcast %broadcast_in_dim3A_1081 : vector<256x1xi32> to vector<256x1024xi32>
    %eq3A_1083 = arith.cmpi eq, %iota3A_858, %eq3A_1082 : vector<256x1024xi32>
    %jit3A_1084 = arith.constant 3.000000e+30 : f32
    %broadcast_in_dim3A_1085 = vector.broadcast %jit3A_1084 : f32 to vector<256x1024xf32>
    %select_n3A_1086 = arith.select %eq3A_1083, %broadcast_in_dim3A_1085, %select_n3A_1064 : vector<256x1024xi1>, vector<256x1024xf32>
    %swap3A_1087 = arith.constant 0 : index
    %swap3A_1088 = arith.constant 512 : index
    %swap3A_1089 = arith.constant 7 : index
    %swap3A_1090 = vector.load %arg11[%swap3A_1087, %swap3A_1088, %swap3A_1089] : memref<1x1024x16xi32, #tpu.memory_space<vmem>>, vector<1x256x1xi32>
    %swap3A_1091 = vector.shape_cast %swap3A_1090 : vector<1x256x1xi32> to vector<256x1xi32>
    %swap3A_1092 = vector.shape_cast %broadcast_in_dim3A_1081 : vector<256x1xi32> to vector<1x256x1xi32>
    tpu.vector_store %arg11[%swap3A_1087, %swap3A_1088, %swap3A_1089], %swap3A_1092 {strides = array<i32>} : memref<1x1024x16xi32, #tpu.memory_space<vmem>>, vector<1x256x1xi32>,
    %reduce_min3A_1093 = arith.constant dense<0x7F800000> : vector<256xf32>
    %reduce_min3A_1094 = vector.multi_reduction <minimumf>, %select_n3A_1086, %reduce_min3A_1093 [1] : vector<256x1024xf32> to vector<256xf32>
    %broadcast_in_dim3A_1095 = vector.shape_cast %reduce_min3A_1094 : vector<256xf32> to vector<256x1xf32>
    %eq3A_1096 = vector.broadcast %broadcast_in_dim3A_1095 : vector<256x1xf32> to vector<256x1024xf32>
    %eq3A_1097 = arith.cmpf oeq, %select_n3A_1086, %eq3A_1096 : vector<256x1024xf32>
    %jit3A_1098 = arith.constant 1073741824 : i32
    %broadcast_in_dim3A_1099 = vector.broadcast %jit3A_1098 : i32 to vector<256x1024xi32>
    %select_n3A_1100 = arith.select %eq3A_1097, %iota3A_858, %broadcast_in_dim3A_1099 : vector<256x1024xi1>, vector<256x1024xi32>
    %reduce_min3A_1101 = arith.constant dense<2147483647> : vector<256xi32>
    %reduce_min3A_1102 = vector.multi_reduction <minsi>, %select_n3A_1100, %reduce_min3A_1101 [1] : vector<256x1024xi32> to vector<256xi32>
    %broadcast_in_dim3A_1103 = vector.shape_cast %reduce_min3A_1102 : vector<256xi32> to vector<256x1xi32>
    %eq3A_1104 = vector.broadcast %broadcast_in_dim3A_1103 : vector<256x1xi32> to vector<256x1024xi32>
    %eq3A_1105 = arith.cmpi eq, %iota3A_858, %eq3A_1104 : vector<256x1024xi32>
    %jit3A_1106 = arith.constant 3.000000e+30 : f32
    %broadcast_in_dim3A_1107 = vector.broadcast %jit3A_1106 : f32 to vector<256x1024xf32>
    %select_n3A_1108 = arith.select %eq3A_1105, %broadcast_in_dim3A_1107, %select_n3A_1086 : vector<256x1024xi1>, vector<256x1024xf32>
    %swap3A_1109 = arith.constant 0 : index
    %swap3A_1110 = arith.constant 512 : index
    %swap3A_1111 = arith.constant 8 : index
    %swap3A_1112 = vector.load %arg11[%swap3A_1109, %swap3A_1110, %swap3A_1111] : memref<1x1024x16xi32, #tpu.memory_space<vmem>>, vector<1x256x1xi32>
    %swap3A_1113 = vector.shape_cast %swap3A_1112 : vector<1x256x1xi32> to vector<256x1xi32>
    %swap3A_1114 = vector.shape_cast %broadcast_in_dim3A_1103 : vector<256x1xi32> to vector<1x256x1xi32>
    tpu.vector_store %arg11[%swap3A_1109, %swap3A_1110, %swap3A_1111], %swap3A_1114 {strides = array<i32>} : memref<1x1024x16xi32, #tpu.memory_space<vmem>>, vector<1x256x1xi32>,
    %reduce_min3A_1115 = arith.constant dense<0x7F800000> : vector<256xf32>
    %reduce_min3A_1116 = vector.multi_reduction <minimumf>, %select_n3A_1108, %reduce_min3A_1115 [1] : vector<256x1024xf32> to vector<256xf32>
    %broadcast_in_dim3A_1117 = vector.shape_cast %reduce_min3A_1116 : vector<256xf32> to vector<256x1xf32>
    %eq3A_1118 = vector.broadcast %broadcast_in_dim3A_1117 : vector<256x1xf32> to vector<256x1024xf32>
    %eq3A_1119 = arith.cmpf oeq, %select_n3A_1108, %eq3A_1118 : vector<256x1024xf32>
    %jit3A_1120 = arith.constant 1073741824 : i32
    %broadcast_in_dim3A_1121 = vector.broadcast %jit3A_1120 : i32 to vector<256x1024xi32>
    %select_n3A_1122 = arith.select %eq3A_1119, %iota3A_858, %broadcast_in_dim3A_1121 : vector<256x1024xi1>, vector<256x1024xi32>
    %reduce_min3A_1123 = arith.constant dense<2147483647> : vector<256xi32>
    %reduce_min3A_1124 = vector.multi_reduction <minsi>, %select_n3A_1122, %reduce_min3A_1123 [1] : vector<256x1024xi32> to vector<256xi32>
    %broadcast_in_dim3A_1125 = vector.shape_cast %reduce_min3A_1124 : vector<256xi32> to vector<256x1xi32>
    %eq3A_1126 = vector.broadcast %broadcast_in_dim3A_1125 : vector<256x1xi32> to vector<256x1024xi32>
    %eq3A_1127 = arith.cmpi eq, %iota3A_858, %eq3A_1126 : vector<256x1024xi32>
    %jit3A_1128 = arith.constant 3.000000e+30 : f32
    %broadcast_in_dim3A_1129 = vector.broadcast %jit3A_1128 : f32 to vector<256x1024xf32>
    %select_n3A_1130 = arith.select %eq3A_1127, %broadcast_in_dim3A_1129, %select_n3A_1108 : vector<256x1024xi1>, vector<256x1024xf32>
    %swap3A_1131 = arith.constant 0 : index
    %swap3A_1132 = arith.constant 512 : index
    %swap3A_1133 = arith.constant 9 : index
    %swap3A_1134 = vector.load %arg11[%swap3A_1131, %swap3A_1132, %swap3A_1133] : memref<1x1024x16xi32, #tpu.memory_space<vmem>>, vector<1x256x1xi32>
    %swap3A_1135 = vector.shape_cast %swap3A_1134 : vector<1x256x1xi32> to vector<256x1xi32>
    %swap3A_1136 = vector.shape_cast %broadcast_in_dim3A_1125 : vector<256x1xi32> to vector<1x256x1xi32>
    tpu.vector_store %arg11[%swap3A_1131, %swap3A_1132, %swap3A_1133], %swap3A_1136 {strides = array<i32>} : memref<1x1024x16xi32, #tpu.memory_space<vmem>>, vector<1x256x1xi32>,
    %reduce_min3A_1137 = arith.constant dense<0x7F800000> : vector<256xf32>
    %reduce_min3A_1138 = vector.multi_reduction <minimumf>, %select_n3A_1130, %reduce_min3A_1137 [1] : vector<256x1024xf32> to vector<256xf32>
    %broadcast_in_dim3A_1139 = vector.shape_cast %reduce_min3A_1138 : vector<256xf32> to vector<256x1xf32>
    %eq3A_1140 = vector.broadcast %broadcast_in_dim3A_1139 : vector<256x1xf32> to vector<256x1024xf32>
    %eq3A_1141 = arith.cmpf oeq, %select_n3A_1130, %eq3A_1140 : vector<256x1024xf32>
    %jit3A_1142 = arith.constant 1073741824 : i32
    %broadcast_in_dim3A_1143 = vector.broadcast %jit3A_1142 : i32 to vector<256x1024xi32>
    %select_n3A_1144 = arith.select %eq3A_1141, %iota3A_858, %broadcast_in_dim3A_1143 : vector<256x1024xi1>, vector<256x1024xi32>
    %reduce_min3A_1145 = arith.constant dense<2147483647> : vector<256xi32>
    %reduce_min3A_1146 = vector.multi_reduction <minsi>, %select_n3A_1144, %reduce_min3A_1145 [1] : vector<256x1024xi32> to vector<256xi32>
    %broadcast_in_dim3A_1147 = vector.shape_cast %reduce_min3A_1146 : vector<256xi32> to vector<256x1xi32>
    %eq3A_1148 = vector.broadcast %broadcast_in_dim3A_1147 : vector<256x1xi32> to vector<256x1024xi32>
    %eq3A_1149 = arith.cmpi eq, %iota3A_858, %eq3A_1148 : vector<256x1024xi32>
    %jit3A_1150 = arith.constant 3.000000e+30 : f32
    %broadcast_in_dim3A_1151 = vector.broadcast %jit3A_1150 : f32 to vector<256x1024xf32>
    %select_n3A_1152 = arith.select %eq3A_1149, %broadcast_in_dim3A_1151, %select_n3A_1130 : vector<256x1024xi1>, vector<256x1024xf32>
    %swap3A_1153 = arith.constant 0 : index
    %swap3A_1154 = arith.constant 512 : index
    %swap3A_1155 = arith.constant 10 : index
    %swap3A_1156 = vector.load %arg11[%swap3A_1153, %swap3A_1154, %swap3A_1155] : memref<1x1024x16xi32, #tpu.memory_space<vmem>>, vector<1x256x1xi32>
    %swap3A_1157 = vector.shape_cast %swap3A_1156 : vector<1x256x1xi32> to vector<256x1xi32>
    %swap3A_1158 = vector.shape_cast %broadcast_in_dim3A_1147 : vector<256x1xi32> to vector<1x256x1xi32>
    tpu.vector_store %arg11[%swap3A_1153, %swap3A_1154, %swap3A_1155], %swap3A_1158 {strides = array<i32>} : memref<1x1024x16xi32, #tpu.memory_space<vmem>>, vector<1x256x1xi32>,
    %reduce_min3A_1159 = arith.constant dense<0x7F800000> : vector<256xf32>
    %reduce_min3A_1160 = vector.multi_reduction <minimumf>, %select_n3A_1152, %reduce_min3A_1159 [1] : vector<256x1024xf32> to vector<256xf32>
    %broadcast_in_dim3A_1161 = vector.shape_cast %reduce_min3A_1160 : vector<256xf32> to vector<256x1xf32>
    %eq3A_1162 = vector.broadcast %broadcast_in_dim3A_1161 : vector<256x1xf32> to vector<256x1024xf32>
    %eq3A_1163 = arith.cmpf oeq, %select_n3A_1152, %eq3A_1162 : vector<256x1024xf32>
    %jit3A_1164 = arith.constant 1073741824 : i32
    %broadcast_in_dim3A_1165 = vector.broadcast %jit3A_1164 : i32 to vector<256x1024xi32>
    %select_n3A_1166 = arith.select %eq3A_1163, %iota3A_858, %broadcast_in_dim3A_1165 : vector<256x1024xi1>, vector<256x1024xi32>
    %reduce_min3A_1167 = arith.constant dense<2147483647> : vector<256xi32>
    %reduce_min3A_1168 = vector.multi_reduction <minsi>, %select_n3A_1166, %reduce_min3A_1167 [1] : vector<256x1024xi32> to vector<256xi32>
    %broadcast_in_dim3A_1169 = vector.shape_cast %reduce_min3A_1168 : vector<256xi32> to vector<256x1xi32>
    %eq3A_1170 = vector.broadcast %broadcast_in_dim3A_1169 : vector<256x1xi32> to vector<256x1024xi32>
    %eq3A_1171 = arith.cmpi eq, %iota3A_858, %eq3A_1170 : vector<256x1024xi32>
    %jit3A_1172 = arith.constant 3.000000e+30 : f32
    %broadcast_in_dim3A_1173 = vector.broadcast %jit3A_1172 : f32 to vector<256x1024xf32>
    %select_n3A_1174 = arith.select %eq3A_1171, %broadcast_in_dim3A_1173, %select_n3A_1152 : vector<256x1024xi1>, vector<256x1024xf32>
    %swap3A_1175 = arith.constant 0 : index
    %swap3A_1176 = arith.constant 512 : index
    %swap3A_1177 = arith.constant 11 : index
    %swap3A_1178 = vector.load %arg11[%swap3A_1175, %swap3A_1176, %swap3A_1177] : memref<1x1024x16xi32, #tpu.memory_space<vmem>>, vector<1x256x1xi32>
    %swap3A_1179 = vector.shape_cast %swap3A_1178 : vector<1x256x1xi32> to vector<256x1xi32>
    %swap3A_1180 = vector.shape_cast %broadcast_in_dim3A_1169 : vector<256x1xi32> to vector<1x256x1xi32>
    tpu.vector_store %arg11[%swap3A_1175, %swap3A_1176, %swap3A_1177], %swap3A_1180 {strides = array<i32>} : memref<1x1024x16xi32, #tpu.memory_space<vmem>>, vector<1x256x1xi32>,
    %reduce_min3A_1181 = arith.constant dense<0x7F800000> : vector<256xf32>
    %reduce_min3A_1182 = vector.multi_reduction <minimumf>, %select_n3A_1174, %reduce_min3A_1181 [1] : vector<256x1024xf32> to vector<256xf32>
    %broadcast_in_dim3A_1183 = vector.shape_cast %reduce_min3A_1182 : vector<256xf32> to vector<256x1xf32>
    %eq3A_1184 = vector.broadcast %broadcast_in_dim3A_1183 : vector<256x1xf32> to vector<256x1024xf32>
    %eq3A_1185 = arith.cmpf oeq, %select_n3A_1174, %eq3A_1184 : vector<256x1024xf32>
    %jit3A_1186 = arith.constant 1073741824 : i32
    %broadcast_in_dim3A_1187 = vector.broadcast %jit3A_1186 : i32 to vector<256x1024xi32>
    %select_n3A_1188 = arith.select %eq3A_1185, %iota3A_858, %broadcast_in_dim3A_1187 : vector<256x1024xi1>, vector<256x1024xi32>
    %reduce_min3A_1189 = arith.constant dense<2147483647> : vector<256xi32>
    %reduce_min3A_1190 = vector.multi_reduction <minsi>, %select_n3A_1188, %reduce_min3A_1189 [1] : vector<256x1024xi32> to vector<256xi32>
    %broadcast_in_dim3A_1191 = vector.shape_cast %reduce_min3A_1190 : vector<256xi32> to vector<256x1xi32>
    %eq3A_1192 = vector.broadcast %broadcast_in_dim3A_1191 : vector<256x1xi32> to vector<256x1024xi32>
    %eq3A_1193 = arith.cmpi eq, %iota3A_858, %eq3A_1192 : vector<256x1024xi32>
    %jit3A_1194 = arith.constant 3.000000e+30 : f32
    %broadcast_in_dim3A_1195 = vector.broadcast %jit3A_1194 : f32 to vector<256x1024xf32>
    %select_n3A_1196 = arith.select %eq3A_1193, %broadcast_in_dim3A_1195, %select_n3A_1174 : vector<256x1024xi1>, vector<256x1024xf32>
    %swap3A_1197 = arith.constant 0 : index
    %swap3A_1198 = arith.constant 512 : index
    %swap3A_1199 = arith.constant 12 : index
    %swap3A_1200 = vector.load %arg11[%swap3A_1197, %swap3A_1198, %swap3A_1199] : memref<1x1024x16xi32, #tpu.memory_space<vmem>>, vector<1x256x1xi32>
    %swap3A_1201 = vector.shape_cast %swap3A_1200 : vector<1x256x1xi32> to vector<256x1xi32>
    %swap3A_1202 = vector.shape_cast %broadcast_in_dim3A_1191 : vector<256x1xi32> to vector<1x256x1xi32>
    tpu.vector_store %arg11[%swap3A_1197, %swap3A_1198, %swap3A_1199], %swap3A_1202 {strides = array<i32>} : memref<1x1024x16xi32, #tpu.memory_space<vmem>>, vector<1x256x1xi32>,
    %reduce_min3A_1203 = arith.constant dense<0x7F800000> : vector<256xf32>
    %reduce_min3A_1204 = vector.multi_reduction <minimumf>, %select_n3A_1196, %reduce_min3A_1203 [1] : vector<256x1024xf32> to vector<256xf32>
    %broadcast_in_dim3A_1205 = vector.shape_cast %reduce_min3A_1204 : vector<256xf32> to vector<256x1xf32>
    %eq3A_1206 = vector.broadcast %broadcast_in_dim3A_1205 : vector<256x1xf32> to vector<256x1024xf32>
    %eq3A_1207 = arith.cmpf oeq, %select_n3A_1196, %eq3A_1206 : vector<256x1024xf32>
    %jit3A_1208 = arith.constant 1073741824 : i32
    %broadcast_in_dim3A_1209 = vector.broadcast %jit3A_1208 : i32 to vector<256x1024xi32>
    %select_n3A_1210 = arith.select %eq3A_1207, %iota3A_858, %broadcast_in_dim3A_1209 : vector<256x1024xi1>, vector<256x1024xi32>
    %reduce_min3A_1211 = arith.constant dense<2147483647> : vector<256xi32>
    %reduce_min3A_1212 = vector.multi_reduction <minsi>, %select_n3A_1210, %reduce_min3A_1211 [1] : vector<256x1024xi32> to vector<256xi32>
    %broadcast_in_dim3A_1213 = vector.shape_cast %reduce_min3A_1212 : vector<256xi32> to vector<256x1xi32>
    %eq3A_1214 = vector.broadcast %broadcast_in_dim3A_1213 : vector<256x1xi32> to vector<256x1024xi32>
    %eq3A_1215 = arith.cmpi eq, %iota3A_858, %eq3A_1214 : vector<256x1024xi32>
    %jit3A_1216 = arith.constant 3.000000e+30 : f32
    %broadcast_in_dim3A_1217 = vector.broadcast %jit3A_1216 : f32 to vector<256x1024xf32>
    %select_n3A_1218 = arith.select %eq3A_1215, %broadcast_in_dim3A_1217, %select_n3A_1196 : vector<256x1024xi1>, vector<256x1024xf32>
    %swap3A_1219 = arith.constant 0 : index
    %swap3A_1220 = arith.constant 512 : index
    %swap3A_1221 = arith.constant 13 : index
    %swap3A_1222 = vector.load %arg11[%swap3A_1219, %swap3A_1220, %swap3A_1221] : memref<1x1024x16xi32, #tpu.memory_space<vmem>>, vector<1x256x1xi32>
    %swap3A_1223 = vector.shape_cast %swap3A_1222 : vector<1x256x1xi32> to vector<256x1xi32>
    %swap3A_1224 = vector.shape_cast %broadcast_in_dim3A_1213 : vector<256x1xi32> to vector<1x256x1xi32>
    tpu.vector_store %arg11[%swap3A_1219, %swap3A_1220, %swap3A_1221], %swap3A_1224 {strides = array<i32>} : memref<1x1024x16xi32, #tpu.memory_space<vmem>>, vector<1x256x1xi32>,
    %reduce_min3A_1225 = arith.constant dense<0x7F800000> : vector<256xf32>
    %reduce_min3A_1226 = vector.multi_reduction <minimumf>, %select_n3A_1218, %reduce_min3A_1225 [1] : vector<256x1024xf32> to vector<256xf32>
    %broadcast_in_dim3A_1227 = vector.shape_cast %reduce_min3A_1226 : vector<256xf32> to vector<256x1xf32>
    %eq3A_1228 = vector.broadcast %broadcast_in_dim3A_1227 : vector<256x1xf32> to vector<256x1024xf32>
    %eq3A_1229 = arith.cmpf oeq, %select_n3A_1218, %eq3A_1228 : vector<256x1024xf32>
    %jit3A_1230 = arith.constant 1073741824 : i32
    %broadcast_in_dim3A_1231 = vector.broadcast %jit3A_1230 : i32 to vector<256x1024xi32>
    %select_n3A_1232 = arith.select %eq3A_1229, %iota3A_858, %broadcast_in_dim3A_1231 : vector<256x1024xi1>, vector<256x1024xi32>
    %reduce_min3A_1233 = arith.constant dense<2147483647> : vector<256xi32>
    %reduce_min3A_1234 = vector.multi_reduction <minsi>, %select_n3A_1232, %reduce_min3A_1233 [1] : vector<256x1024xi32> to vector<256xi32>
    %broadcast_in_dim3A_1235 = vector.shape_cast %reduce_min3A_1234 : vector<256xi32> to vector<256x1xi32>
    %eq3A_1236 = vector.broadcast %broadcast_in_dim3A_1235 : vector<256x1xi32> to vector<256x1024xi32>
    %eq3A_1237 = arith.cmpi eq, %iota3A_858, %eq3A_1236 : vector<256x1024xi32>
    %jit3A_1238 = arith.constant 3.000000e+30 : f32
    %broadcast_in_dim3A_1239 = vector.broadcast %jit3A_1238 : f32 to vector<256x1024xf32>
    %select_n3A_1240 = arith.select %eq3A_1237, %broadcast_in_dim3A_1239, %select_n3A_1218 : vector<256x1024xi1>, vector<256x1024xf32>
    %swap3A_1241 = arith.constant 0 : index
    %swap3A_1242 = arith.constant 512 : index
    %swap3A_1243 = arith.constant 14 : index
    %swap3A_1244 = vector.load %arg11[%swap3A_1241, %swap3A_1242, %swap3A_1243] : memref<1x1024x16xi32, #tpu.memory_space<vmem>>, vector<1x256x1xi32>
    %swap3A_1245 = vector.shape_cast %swap3A_1244 : vector<1x256x1xi32> to vector<256x1xi32>
    %swap3A_1246 = vector.shape_cast %broadcast_in_dim3A_1235 : vector<256x1xi32> to vector<1x256x1xi32>
    tpu.vector_store %arg11[%swap3A_1241, %swap3A_1242, %swap3A_1243], %swap3A_1246 {strides = array<i32>} : memref<1x1024x16xi32, #tpu.memory_space<vmem>>, vector<1x256x1xi32>,
    %reduce_min3A_1247 = arith.constant dense<0x7F800000> : vector<256xf32>
    %reduce_min3A_1248 = vector.multi_reduction <minimumf>, %select_n3A_1240, %reduce_min3A_1247 [1] : vector<256x1024xf32> to vector<256xf32>
    %broadcast_in_dim3A_1249 = vector.shape_cast %reduce_min3A_1248 : vector<256xf32> to vector<256x1xf32>
    %eq3A_1250 = vector.broadcast %broadcast_in_dim3A_1249 : vector<256x1xf32> to vector<256x1024xf32>
    %eq3A_1251 = arith.cmpf oeq, %select_n3A_1240, %eq3A_1250 : vector<256x1024xf32>
    %jit3A_1252 = arith.constant 1073741824 : i32
    %broadcast_in_dim3A_1253 = vector.broadcast %jit3A_1252 : i32 to vector<256x1024xi32>
    %select_n3A_1254 = arith.select %eq3A_1251, %iota3A_858, %broadcast_in_dim3A_1253 : vector<256x1024xi1>, vector<256x1024xi32>
    %reduce_min3A_1255 = arith.constant dense<2147483647> : vector<256xi32>
    %reduce_min3A_1256 = vector.multi_reduction <minsi>, %select_n3A_1254, %reduce_min3A_1255 [1] : vector<256x1024xi32> to vector<256xi32>
    %broadcast_in_dim3A_1257 = vector.shape_cast %reduce_min3A_1256 : vector<256xi32> to vector<256x1xi32>
    %swap3A_1258 = arith.constant 0 : index
    %swap3A_1259 = arith.constant 512 : index
    %swap3A_1260 = arith.constant 15 : index
    %swap3A_1261 = vector.load %arg11[%swap3A_1258, %swap3A_1259, %swap3A_1260] : memref<1x1024x16xi32, #tpu.memory_space<vmem>>, vector<1x256x1xi32>
    %swap3A_1262 = vector.shape_cast %swap3A_1261 : vector<1x256x1xi32> to vector<256x1xi32>
    %swap3A_1263 = vector.shape_cast %broadcast_in_dim3A_1257 : vector<256x1xi32> to vector<1x256x1xi32>
    tpu.vector_store %arg11[%swap3A_1258, %swap3A_1259, %swap3A_1260], %swap3A_1263 {strides = array<i32>} : memref<1x1024x16xi32, #tpu.memory_space<vmem>>, vector<1x256x1xi32>,
    %iota3A_1264 = tpu.iota {dimensions = array<i32: 1>} : vector<256x1024xi32>
    %iota3A_1265 = tpu.iota {dimensions = array<i32: 0>} : vector<256x1024xi32>
    %add3A_1266 = arith.constant 768 : i32
    %add3A_1267 = vector.broadcast %add3A_1266 : i32 to vector<256x1024xi32>
    %add3A_1268 = arith.addi %add3A_1267, %iota3A_1265 : vector<256x1024xi32>
    %broadcast_in_dim3A_1269 = arith.constant 0.000000e+00 : f32
    %broadcast_in_dim3A_1270 = vector.broadcast %broadcast_in_dim3A_1269 : f32 to vector<256x1024xf32>
    %get3A_1271 = arith.constant 0 : index
    %get3A_1272 = arith.constant 768 : index
    %get3A_1273 = arith.constant 0 : index
    %get3A_1274 = vector.load %arg1[%get3A_1271, %get3A_1272, %get3A_1273] : memref<1x1024x3xf32, #tpu.memory_space<vmem>>, vector<1x256x1xf32>
    %get3A_1275 = vector.shape_cast %get3A_1274 : vector<1x256x1xf32> to vector<256x1xf32>
    %get3A_1276 = arith.constant 0 : index
    %get3A_1277 = arith.constant 0 : index
    %get3A_1278 = arith.constant 0 : index
    %get3A_1279 = vector.load %arg2[%get3A_1276, %get3A_1277, %get3A_1278] : memref<1x8x1024xf32, #tpu.memory_space<vmem>>, vector<1x1x1024xf32>
    %get3A_1280 = vector.shape_cast %get3A_1279 : vector<1x1x1024xf32> to vector<1x1024xf32>
    %sub3A_1281 = vector.broadcast %get3A_1275 : vector<256x1xf32> to vector<256x1024xf32>
    %sub3A_1282 = vector.broadcast %get3A_1280 : vector<1x1024xf32> to vector<256x1024xf32>
    %sub3A_1283 = arith.subf %sub3A_1281, %sub3A_1282 : vector<256x1024xf32>
    %mul3A_1284 = arith.mulf %sub3A_1283, %sub3A_1283 : vector<256x1024xf32>
    %add3A_1285 = arith.addf %broadcast_in_dim3A_1270, %mul3A_1284 : vector<256x1024xf32>
    %get3A_1286 = arith.constant 0 : index
    %get3A_1287 = arith.constant 768 : index
    %get3A_1288 = arith.constant 1 : index
    %get3A_1289 = vector.load %arg1[%get3A_1286, %get3A_1287, %get3A_1288] : memref<1x1024x3xf32, #tpu.memory_space<vmem>>, vector<1x256x1xf32>
    %get3A_1290 = vector.shape_cast %get3A_1289 : vector<1x256x1xf32> to vector<256x1xf32>
    %get3A_1291 = arith.constant 0 : index
    %get3A_1292 = arith.constant 1 : index
    %get3A_1293 = arith.constant 0 : index
    %get3A_1294 = vector.load %arg2[%get3A_1291, %get3A_1292, %get3A_1293] : memref<1x8x1024xf32, #tpu.memory_space<vmem>>, vector<1x1x1024xf32>
    %get3A_1295 = vector.shape_cast %get3A_1294 : vector<1x1x1024xf32> to vector<1x1024xf32>
    %sub3A_1296 = vector.broadcast %get3A_1290 : vector<256x1xf32> to vector<256x1024xf32>
    %sub3A_1297 = vector.broadcast %get3A_1295 : vector<1x1024xf32> to vector<256x1024xf32>
    %sub3A_1298 = arith.subf %sub3A_1296, %sub3A_1297 : vector<256x1024xf32>
    %mul3A_1299 = arith.mulf %sub3A_1298, %sub3A_1298 : vector<256x1024xf32>
    %add3A_1300 = arith.addf %add3A_1285, %mul3A_1299 : vector<256x1024xf32>
    %get3A_1301 = arith.constant 0 : index
    %get3A_1302 = arith.constant 768 : index
    %get3A_1303 = arith.constant 2 : index
    %get3A_1304 = vector.load %arg1[%get3A_1301, %get3A_1302, %get3A_1303] : memref<1x1024x3xf32, #tpu.memory_space<vmem>>, vector<1x256x1xf32>
    %get3A_1305 = vector.shape_cast %get3A_1304 : vector<1x256x1xf32> to vector<256x1xf32>
    %get3A_1306 = arith.constant 0 : index
    %get3A_1307 = arith.constant 2 : index
    %get3A_1308 = arith.constant 0 : index
    %get3A_1309 = vector.load %arg2[%get3A_1306, %get3A_1307, %get3A_1308] : memref<1x8x1024xf32, #tpu.memory_space<vmem>>, vector<1x1x1024xf32>
    %get3A_1310 = vector.shape_cast %get3A_1309 : vector<1x1x1024xf32> to vector<1x1024xf32>
    %sub3A_1311 = vector.broadcast %get3A_1305 : vector<256x1xf32> to vector<256x1024xf32>
    %sub3A_1312 = vector.broadcast %get3A_1310 : vector<1x1024xf32> to vector<256x1024xf32>
    %sub3A_1313 = arith.subf %sub3A_1311, %sub3A_1312 : vector<256x1024xf32>
    %mul3A_1314 = arith.mulf %sub3A_1313, %sub3A_1313 : vector<256x1024xf32>
    %add3A_1315 = arith.addf %add3A_1300, %mul3A_1314 : vector<256x1024xf32>
    %eq3A_1316 = arith.cmpi eq, %iota3A_1264, %add3A_1268 : vector<256x1024xi32>
    %jit3A_1317 = arith.constant 1.000000e+10 : f32
    %jit3A_1318 = arith.constant 0.000000e+00 : f32
    %broadcast_in_dim3A_1319 = vector.broadcast %jit3A_1317 : f32 to vector<256x1024xf32>
    %broadcast_in_dim3A_1320 = vector.broadcast %jit3A_1318 : f32 to vector<256x1024xf32>
    %select_n3A_1321 = arith.select %eq3A_1316, %broadcast_in_dim3A_1319, %broadcast_in_dim3A_1320 : vector<256x1024xi1>, vector<256x1024xf32>
    %add3A_1322 = arith.addf %add3A_1315, %select_n3A_1321 : vector<256x1024xf32>
    %reduce_min3A_1323 = arith.constant dense<0x7F800000> : vector<256xf32>
    %reduce_min3A_1324 = vector.multi_reduction <minimumf>, %add3A_1322, %reduce_min3A_1323 [1] : vector<256x1024xf32> to vector<256xf32>
    %broadcast_in_dim3A_1325 = vector.shape_cast %reduce_min3A_1324 : vector<256xf32> to vector<256x1xf32>
    %eq3A_1326 = vector.broadcast %broadcast_in_dim3A_1325 : vector<256x1xf32> to vector<256x1024xf32>
    %eq3A_1327 = arith.cmpf oeq, %add3A_1322, %eq3A_1326 : vector<256x1024xf32>
    %jit3A_1328 = arith.constant 1073741824 : i32
    %broadcast_in_dim3A_1329 = vector.broadcast %jit3A_1328 : i32 to vector<256x1024xi32>
    %select_n3A_1330 = arith.select %eq3A_1327, %iota3A_1264, %broadcast_in_dim3A_1329 : vector<256x1024xi1>, vector<256x1024xi32>
    %reduce_min3A_1331 = arith.constant dense<2147483647> : vector<256xi32>
    %reduce_min3A_1332 = vector.multi_reduction <minsi>, %select_n3A_1330, %reduce_min3A_1331 [1] : vector<256x1024xi32> to vector<256xi32>
    %broadcast_in_dim3A_1333 = vector.shape_cast %reduce_min3A_1332 : vector<256xi32> to vector<256x1xi32>
    %eq3A_1334 = vector.broadcast %broadcast_in_dim3A_1333 : vector<256x1xi32> to vector<256x1024xi32>
    %eq3A_1335 = arith.cmpi eq, %iota3A_1264, %eq3A_1334 : vector<256x1024xi32>
    %jit3A_1336 = arith.constant 3.000000e+30 : f32
    %broadcast_in_dim3A_1337 = vector.broadcast %jit3A_1336 : f32 to vector<256x1024xf32>
    %select_n3A_1338 = arith.select %eq3A_1335, %broadcast_in_dim3A_1337, %add3A_1322 : vector<256x1024xi1>, vector<256x1024xf32>
    %swap3A_1339 = arith.constant 0 : index
    %swap3A_1340 = arith.constant 768 : index
    %swap3A_1341 = arith.constant 0 : index
    %swap3A_1342 = vector.load %arg11[%swap3A_1339, %swap3A_1340, %swap3A_1341] : memref<1x1024x16xi32, #tpu.memory_space<vmem>>, vector<1x256x1xi32>
    %swap3A_1343 = vector.shape_cast %swap3A_1342 : vector<1x256x1xi32> to vector<256x1xi32>
    %swap3A_1344 = vector.shape_cast %broadcast_in_dim3A_1333 : vector<256x1xi32> to vector<1x256x1xi32>
    tpu.vector_store %arg11[%swap3A_1339, %swap3A_1340, %swap3A_1341], %swap3A_1344 {strides = array<i32>} : memref<1x1024x16xi32, #tpu.memory_space<vmem>>, vector<1x256x1xi32>,
    %reduce_min3A_1345 = arith.constant dense<0x7F800000> : vector<256xf32>
    %reduce_min3A_1346 = vector.multi_reduction <minimumf>, %select_n3A_1338, %reduce_min3A_1345 [1] : vector<256x1024xf32> to vector<256xf32>
    %broadcast_in_dim3A_1347 = vector.shape_cast %reduce_min3A_1346 : vector<256xf32> to vector<256x1xf32>
    %eq3A_1348 = vector.broadcast %broadcast_in_dim3A_1347 : vector<256x1xf32> to vector<256x1024xf32>
    %eq3A_1349 = arith.cmpf oeq, %select_n3A_1338, %eq3A_1348 : vector<256x1024xf32>
    %jit3A_1350 = arith.constant 1073741824 : i32
    %broadcast_in_dim3A_1351 = vector.broadcast %jit3A_1350 : i32 to vector<256x1024xi32>
    %select_n3A_1352 = arith.select %eq3A_1349, %iota3A_1264, %broadcast_in_dim3A_1351 : vector<256x1024xi1>, vector<256x1024xi32>
    %reduce_min3A_1353 = arith.constant dense<2147483647> : vector<256xi32>
    %reduce_min3A_1354 = vector.multi_reduction <minsi>, %select_n3A_1352, %reduce_min3A_1353 [1] : vector<256x1024xi32> to vector<256xi32>
    %broadcast_in_dim3A_1355 = vector.shape_cast %reduce_min3A_1354 : vector<256xi32> to vector<256x1xi32>
    %eq3A_1356 = vector.broadcast %broadcast_in_dim3A_1355 : vector<256x1xi32> to vector<256x1024xi32>
    %eq3A_1357 = arith.cmpi eq, %iota3A_1264, %eq3A_1356 : vector<256x1024xi32>
    %jit3A_1358 = arith.constant 3.000000e+30 : f32
    %broadcast_in_dim3A_1359 = vector.broadcast %jit3A_1358 : f32 to vector<256x1024xf32>
    %select_n3A_1360 = arith.select %eq3A_1357, %broadcast_in_dim3A_1359, %select_n3A_1338 : vector<256x1024xi1>, vector<256x1024xf32>
    %swap3A_1361 = arith.constant 0 : index
    %swap3A_1362 = arith.constant 768 : index
    %swap3A_1363 = arith.constant 1 : index
    %swap3A_1364 = vector.load %arg11[%swap3A_1361, %swap3A_1362, %swap3A_1363] : memref<1x1024x16xi32, #tpu.memory_space<vmem>>, vector<1x256x1xi32>
    %swap3A_1365 = vector.shape_cast %swap3A_1364 : vector<1x256x1xi32> to vector<256x1xi32>
    %swap3A_1366 = vector.shape_cast %broadcast_in_dim3A_1355 : vector<256x1xi32> to vector<1x256x1xi32>
    tpu.vector_store %arg11[%swap3A_1361, %swap3A_1362, %swap3A_1363], %swap3A_1366 {strides = array<i32>} : memref<1x1024x16xi32, #tpu.memory_space<vmem>>, vector<1x256x1xi32>,
    %reduce_min3A_1367 = arith.constant dense<0x7F800000> : vector<256xf32>
    %reduce_min3A_1368 = vector.multi_reduction <minimumf>, %select_n3A_1360, %reduce_min3A_1367 [1] : vector<256x1024xf32> to vector<256xf32>
    %broadcast_in_dim3A_1369 = vector.shape_cast %reduce_min3A_1368 : vector<256xf32> to vector<256x1xf32>
    %eq3A_1370 = vector.broadcast %broadcast_in_dim3A_1369 : vector<256x1xf32> to vector<256x1024xf32>
    %eq3A_1371 = arith.cmpf oeq, %select_n3A_1360, %eq3A_1370 : vector<256x1024xf32>
    %jit3A_1372 = arith.constant 1073741824 : i32
    %broadcast_in_dim3A_1373 = vector.broadcast %jit3A_1372 : i32 to vector<256x1024xi32>
    %select_n3A_1374 = arith.select %eq3A_1371, %iota3A_1264, %broadcast_in_dim3A_1373 : vector<256x1024xi1>, vector<256x1024xi32>
    %reduce_min3A_1375 = arith.constant dense<2147483647> : vector<256xi32>
    %reduce_min3A_1376 = vector.multi_reduction <minsi>, %select_n3A_1374, %reduce_min3A_1375 [1] : vector<256x1024xi32> to vector<256xi32>
    %broadcast_in_dim3A_1377 = vector.shape_cast %reduce_min3A_1376 : vector<256xi32> to vector<256x1xi32>
    %eq3A_1378 = vector.broadcast %broadcast_in_dim3A_1377 : vector<256x1xi32> to vector<256x1024xi32>
    %eq3A_1379 = arith.cmpi eq, %iota3A_1264, %eq3A_1378 : vector<256x1024xi32>
    %jit3A_1380 = arith.constant 3.000000e+30 : f32
    %broadcast_in_dim3A_1381 = vector.broadcast %jit3A_1380 : f32 to vector<256x1024xf32>
    %select_n3A_1382 = arith.select %eq3A_1379, %broadcast_in_dim3A_1381, %select_n3A_1360 : vector<256x1024xi1>, vector<256x1024xf32>
    %swap3A_1383 = arith.constant 0 : index
    %swap3A_1384 = arith.constant 768 : index
    %swap3A_1385 = arith.constant 2 : index
    %swap3A_1386 = vector.load %arg11[%swap3A_1383, %swap3A_1384, %swap3A_1385] : memref<1x1024x16xi32, #tpu.memory_space<vmem>>, vector<1x256x1xi32>
    %swap3A_1387 = vector.shape_cast %swap3A_1386 : vector<1x256x1xi32> to vector<256x1xi32>
    %swap3A_1388 = vector.shape_cast %broadcast_in_dim3A_1377 : vector<256x1xi32> to vector<1x256x1xi32>
    tpu.vector_store %arg11[%swap3A_1383, %swap3A_1384, %swap3A_1385], %swap3A_1388 {strides = array<i32>} : memref<1x1024x16xi32, #tpu.memory_space<vmem>>, vector<1x256x1xi32>,
    %reduce_min3A_1389 = arith.constant dense<0x7F800000> : vector<256xf32>
    %reduce_min3A_1390 = vector.multi_reduction <minimumf>, %select_n3A_1382, %reduce_min3A_1389 [1] : vector<256x1024xf32> to vector<256xf32>
    %broadcast_in_dim3A_1391 = vector.shape_cast %reduce_min3A_1390 : vector<256xf32> to vector<256x1xf32>
    %eq3A_1392 = vector.broadcast %broadcast_in_dim3A_1391 : vector<256x1xf32> to vector<256x1024xf32>
    %eq3A_1393 = arith.cmpf oeq, %select_n3A_1382, %eq3A_1392 : vector<256x1024xf32>
    %jit3A_1394 = arith.constant 1073741824 : i32
    %broadcast_in_dim3A_1395 = vector.broadcast %jit3A_1394 : i32 to vector<256x1024xi32>
    %select_n3A_1396 = arith.select %eq3A_1393, %iota3A_1264, %broadcast_in_dim3A_1395 : vector<256x1024xi1>, vector<256x1024xi32>
    %reduce_min3A_1397 = arith.constant dense<2147483647> : vector<256xi32>
    %reduce_min3A_1398 = vector.multi_reduction <minsi>, %select_n3A_1396, %reduce_min3A_1397 [1] : vector<256x1024xi32> to vector<256xi32>
    %broadcast_in_dim3A_1399 = vector.shape_cast %reduce_min3A_1398 : vector<256xi32> to vector<256x1xi32>
    %eq3A_1400 = vector.broadcast %broadcast_in_dim3A_1399 : vector<256x1xi32> to vector<256x1024xi32>
    %eq3A_1401 = arith.cmpi eq, %iota3A_1264, %eq3A_1400 : vector<256x1024xi32>
    %jit3A_1402 = arith.constant 3.000000e+30 : f32
    %broadcast_in_dim3A_1403 = vector.broadcast %jit3A_1402 : f32 to vector<256x1024xf32>
    %select_n3A_1404 = arith.select %eq3A_1401, %broadcast_in_dim3A_1403, %select_n3A_1382 : vector<256x1024xi1>, vector<256x1024xf32>
    %swap3A_1405 = arith.constant 0 : index
    %swap3A_1406 = arith.constant 768 : index
    %swap3A_1407 = arith.constant 3 : index
    %swap3A_1408 = vector.load %arg11[%swap3A_1405, %swap3A_1406, %swap3A_1407] : memref<1x1024x16xi32, #tpu.memory_space<vmem>>, vector<1x256x1xi32>
    %swap3A_1409 = vector.shape_cast %swap3A_1408 : vector<1x256x1xi32> to vector<256x1xi32>
    %swap3A_1410 = vector.shape_cast %broadcast_in_dim3A_1399 : vector<256x1xi32> to vector<1x256x1xi32>
    tpu.vector_store %arg11[%swap3A_1405, %swap3A_1406, %swap3A_1407], %swap3A_1410 {strides = array<i32>} : memref<1x1024x16xi32, #tpu.memory_space<vmem>>, vector<1x256x1xi32>,
    %reduce_min3A_1411 = arith.constant dense<0x7F800000> : vector<256xf32>
    %reduce_min3A_1412 = vector.multi_reduction <minimumf>, %select_n3A_1404, %reduce_min3A_1411 [1] : vector<256x1024xf32> to vector<256xf32>
    %broadcast_in_dim3A_1413 = vector.shape_cast %reduce_min3A_1412 : vector<256xf32> to vector<256x1xf32>
    %eq3A_1414 = vector.broadcast %broadcast_in_dim3A_1413 : vector<256x1xf32> to vector<256x1024xf32>
    %eq3A_1415 = arith.cmpf oeq, %select_n3A_1404, %eq3A_1414 : vector<256x1024xf32>
    %jit3A_1416 = arith.constant 1073741824 : i32
    %broadcast_in_dim3A_1417 = vector.broadcast %jit3A_1416 : i32 to vector<256x1024xi32>
    %select_n3A_1418 = arith.select %eq3A_1415, %iota3A_1264, %broadcast_in_dim3A_1417 : vector<256x1024xi1>, vector<256x1024xi32>
    %reduce_min3A_1419 = arith.constant dense<2147483647> : vector<256xi32>
    %reduce_min3A_1420 = vector.multi_reduction <minsi>, %select_n3A_1418, %reduce_min3A_1419 [1] : vector<256x1024xi32> to vector<256xi32>
    %broadcast_in_dim3A_1421 = vector.shape_cast %reduce_min3A_1420 : vector<256xi32> to vector<256x1xi32>
    %eq3A_1422 = vector.broadcast %broadcast_in_dim3A_1421 : vector<256x1xi32> to vector<256x1024xi32>
    %eq3A_1423 = arith.cmpi eq, %iota3A_1264, %eq3A_1422 : vector<256x1024xi32>
    %jit3A_1424 = arith.constant 3.000000e+30 : f32
    %broadcast_in_dim3A_1425 = vector.broadcast %jit3A_1424 : f32 to vector<256x1024xf32>
    %select_n3A_1426 = arith.select %eq3A_1423, %broadcast_in_dim3A_1425, %select_n3A_1404 : vector<256x1024xi1>, vector<256x1024xf32>
    %swap3A_1427 = arith.constant 0 : index
    %swap3A_1428 = arith.constant 768 : index
    %swap3A_1429 = arith.constant 4 : index
    %swap3A_1430 = vector.load %arg11[%swap3A_1427, %swap3A_1428, %swap3A_1429] : memref<1x1024x16xi32, #tpu.memory_space<vmem>>, vector<1x256x1xi32>
    %swap3A_1431 = vector.shape_cast %swap3A_1430 : vector<1x256x1xi32> to vector<256x1xi32>
    %swap3A_1432 = vector.shape_cast %broadcast_in_dim3A_1421 : vector<256x1xi32> to vector<1x256x1xi32>
    tpu.vector_store %arg11[%swap3A_1427, %swap3A_1428, %swap3A_1429], %swap3A_1432 {strides = array<i32>} : memref<1x1024x16xi32, #tpu.memory_space<vmem>>, vector<1x256x1xi32>,
    %reduce_min3A_1433 = arith.constant dense<0x7F800000> : vector<256xf32>
    %reduce_min3A_1434 = vector.multi_reduction <minimumf>, %select_n3A_1426, %reduce_min3A_1433 [1] : vector<256x1024xf32> to vector<256xf32>
    %broadcast_in_dim3A_1435 = vector.shape_cast %reduce_min3A_1434 : vector<256xf32> to vector<256x1xf32>
    %eq3A_1436 = vector.broadcast %broadcast_in_dim3A_1435 : vector<256x1xf32> to vector<256x1024xf32>
    %eq3A_1437 = arith.cmpf oeq, %select_n3A_1426, %eq3A_1436 : vector<256x1024xf32>
    %jit3A_1438 = arith.constant 1073741824 : i32
    %broadcast_in_dim3A_1439 = vector.broadcast %jit3A_1438 : i32 to vector<256x1024xi32>
    %select_n3A_1440 = arith.select %eq3A_1437, %iota3A_1264, %broadcast_in_dim3A_1439 : vector<256x1024xi1>, vector<256x1024xi32>
    %reduce_min3A_1441 = arith.constant dense<2147483647> : vector<256xi32>
    %reduce_min3A_1442 = vector.multi_reduction <minsi>, %select_n3A_1440, %reduce_min3A_1441 [1] : vector<256x1024xi32> to vector<256xi32>
    %broadcast_in_dim3A_1443 = vector.shape_cast %reduce_min3A_1442 : vector<256xi32> to vector<256x1xi32>
    %eq3A_1444 = vector.broadcast %broadcast_in_dim3A_1443 : vector<256x1xi32> to vector<256x1024xi32>
    %eq3A_1445 = arith.cmpi eq, %iota3A_1264, %eq3A_1444 : vector<256x1024xi32>
    %jit3A_1446 = arith.constant 3.000000e+30 : f32
    %broadcast_in_dim3A_1447 = vector.broadcast %jit3A_1446 : f32 to vector<256x1024xf32>
    %select_n3A_1448 = arith.select %eq3A_1445, %broadcast_in_dim3A_1447, %select_n3A_1426 : vector<256x1024xi1>, vector<256x1024xf32>
    %swap3A_1449 = arith.constant 0 : index
    %swap3A_1450 = arith.constant 768 : index
    %swap3A_1451 = arith.constant 5 : index
    %swap3A_1452 = vector.load %arg11[%swap3A_1449, %swap3A_1450, %swap3A_1451] : memref<1x1024x16xi32, #tpu.memory_space<vmem>>, vector<1x256x1xi32>
    %swap3A_1453 = vector.shape_cast %swap3A_1452 : vector<1x256x1xi32> to vector<256x1xi32>
    %swap3A_1454 = vector.shape_cast %broadcast_in_dim3A_1443 : vector<256x1xi32> to vector<1x256x1xi32>
    tpu.vector_store %arg11[%swap3A_1449, %swap3A_1450, %swap3A_1451], %swap3A_1454 {strides = array<i32>} : memref<1x1024x16xi32, #tpu.memory_space<vmem>>, vector<1x256x1xi32>,
    %reduce_min3A_1455 = arith.constant dense<0x7F800000> : vector<256xf32>
    %reduce_min3A_1456 = vector.multi_reduction <minimumf>, %select_n3A_1448, %reduce_min3A_1455 [1] : vector<256x1024xf32> to vector<256xf32>
    %broadcast_in_dim3A_1457 = vector.shape_cast %reduce_min3A_1456 : vector<256xf32> to vector<256x1xf32>
    %eq3A_1458 = vector.broadcast %broadcast_in_dim3A_1457 : vector<256x1xf32> to vector<256x1024xf32>
    %eq3A_1459 = arith.cmpf oeq, %select_n3A_1448, %eq3A_1458 : vector<256x1024xf32>
    %jit3A_1460 = arith.constant 1073741824 : i32
    %broadcast_in_dim3A_1461 = vector.broadcast %jit3A_1460 : i32 to vector<256x1024xi32>
    %select_n3A_1462 = arith.select %eq3A_1459, %iota3A_1264, %broadcast_in_dim3A_1461 : vector<256x1024xi1>, vector<256x1024xi32>
    %reduce_min3A_1463 = arith.constant dense<2147483647> : vector<256xi32>
    %reduce_min3A_1464 = vector.multi_reduction <minsi>, %select_n3A_1462, %reduce_min3A_1463 [1] : vector<256x1024xi32> to vector<256xi32>
    %broadcast_in_dim3A_1465 = vector.shape_cast %reduce_min3A_1464 : vector<256xi32> to vector<256x1xi32>
    %eq3A_1466 = vector.broadcast %broadcast_in_dim3A_1465 : vector<256x1xi32> to vector<256x1024xi32>
    %eq3A_1467 = arith.cmpi eq, %iota3A_1264, %eq3A_1466 : vector<256x1024xi32>
    %jit3A_1468 = arith.constant 3.000000e+30 : f32
    %broadcast_in_dim3A_1469 = vector.broadcast %jit3A_1468 : f32 to vector<256x1024xf32>
    %select_n3A_1470 = arith.select %eq3A_1467, %broadcast_in_dim3A_1469, %select_n3A_1448 : vector<256x1024xi1>, vector<256x1024xf32>
    %swap3A_1471 = arith.constant 0 : index
    %swap3A_1472 = arith.constant 768 : index
    %swap3A_1473 = arith.constant 6 : index
    %swap3A_1474 = vector.load %arg11[%swap3A_1471, %swap3A_1472, %swap3A_1473] : memref<1x1024x16xi32, #tpu.memory_space<vmem>>, vector<1x256x1xi32>
    %swap3A_1475 = vector.shape_cast %swap3A_1474 : vector<1x256x1xi32> to vector<256x1xi32>
    %swap3A_1476 = vector.shape_cast %broadcast_in_dim3A_1465 : vector<256x1xi32> to vector<1x256x1xi32>
    tpu.vector_store %arg11[%swap3A_1471, %swap3A_1472, %swap3A_1473], %swap3A_1476 {strides = array<i32>} : memref<1x1024x16xi32, #tpu.memory_space<vmem>>, vector<1x256x1xi32>,
    %reduce_min3A_1477 = arith.constant dense<0x7F800000> : vector<256xf32>
    %reduce_min3A_1478 = vector.multi_reduction <minimumf>, %select_n3A_1470, %reduce_min3A_1477 [1] : vector<256x1024xf32> to vector<256xf32>
    %broadcast_in_dim3A_1479 = vector.shape_cast %reduce_min3A_1478 : vector<256xf32> to vector<256x1xf32>
    %eq3A_1480 = vector.broadcast %broadcast_in_dim3A_1479 : vector<256x1xf32> to vector<256x1024xf32>
    %eq3A_1481 = arith.cmpf oeq, %select_n3A_1470, %eq3A_1480 : vector<256x1024xf32>
    %jit3A_1482 = arith.constant 1073741824 : i32
    %broadcast_in_dim3A_1483 = vector.broadcast %jit3A_1482 : i32 to vector<256x1024xi32>
    %select_n3A_1484 = arith.select %eq3A_1481, %iota3A_1264, %broadcast_in_dim3A_1483 : vector<256x1024xi1>, vector<256x1024xi32>
    %reduce_min3A_1485 = arith.constant dense<2147483647> : vector<256xi32>
    %reduce_min3A_1486 = vector.multi_reduction <minsi>, %select_n3A_1484, %reduce_min3A_1485 [1] : vector<256x1024xi32> to vector<256xi32>
    %broadcast_in_dim3A_1487 = vector.shape_cast %reduce_min3A_1486 : vector<256xi32> to vector<256x1xi32>
    %eq3A_1488 = vector.broadcast %broadcast_in_dim3A_1487 : vector<256x1xi32> to vector<256x1024xi32>
    %eq3A_1489 = arith.cmpi eq, %iota3A_1264, %eq3A_1488 : vector<256x1024xi32>
    %jit3A_1490 = arith.constant 3.000000e+30 : f32
    %broadcast_in_dim3A_1491 = vector.broadcast %jit3A_1490 : f32 to vector<256x1024xf32>
    %select_n3A_1492 = arith.select %eq3A_1489, %broadcast_in_dim3A_1491, %select_n3A_1470 : vector<256x1024xi1>, vector<256x1024xf32>
    %swap3A_1493 = arith.constant 0 : index
    %swap3A_1494 = arith.constant 768 : index
    %swap3A_1495 = arith.constant 7 : index
    %swap3A_1496 = vector.load %arg11[%swap3A_1493, %swap3A_1494, %swap3A_1495] : memref<1x1024x16xi32, #tpu.memory_space<vmem>>, vector<1x256x1xi32>
    %swap3A_1497 = vector.shape_cast %swap3A_1496 : vector<1x256x1xi32> to vector<256x1xi32>
    %swap3A_1498 = vector.shape_cast %broadcast_in_dim3A_1487 : vector<256x1xi32> to vector<1x256x1xi32>
    tpu.vector_store %arg11[%swap3A_1493, %swap3A_1494, %swap3A_1495], %swap3A_1498 {strides = array<i32>} : memref<1x1024x16xi32, #tpu.memory_space<vmem>>, vector<1x256x1xi32>,
    %reduce_min3A_1499 = arith.constant dense<0x7F800000> : vector<256xf32>
    %reduce_min3A_1500 = vector.multi_reduction <minimumf>, %select_n3A_1492, %reduce_min3A_1499 [1] : vector<256x1024xf32> to vector<256xf32>
    %broadcast_in_dim3A_1501 = vector.shape_cast %reduce_min3A_1500 : vector<256xf32> to vector<256x1xf32>
    %eq3A_1502 = vector.broadcast %broadcast_in_dim3A_1501 : vector<256x1xf32> to vector<256x1024xf32>
    %eq3A_1503 = arith.cmpf oeq, %select_n3A_1492, %eq3A_1502 : vector<256x1024xf32>
    %jit3A_1504 = arith.constant 1073741824 : i32
    %broadcast_in_dim3A_1505 = vector.broadcast %jit3A_1504 : i32 to vector<256x1024xi32>
    %select_n3A_1506 = arith.select %eq3A_1503, %iota3A_1264, %broadcast_in_dim3A_1505 : vector<256x1024xi1>, vector<256x1024xi32>
    %reduce_min3A_1507 = arith.constant dense<2147483647> : vector<256xi32>
    %reduce_min3A_1508 = vector.multi_reduction <minsi>, %select_n3A_1506, %reduce_min3A_1507 [1] : vector<256x1024xi32> to vector<256xi32>
    %broadcast_in_dim3A_1509 = vector.shape_cast %reduce_min3A_1508 : vector<256xi32> to vector<256x1xi32>
    %eq3A_1510 = vector.broadcast %broadcast_in_dim3A_1509 : vector<256x1xi32> to vector<256x1024xi32>
    %eq3A_1511 = arith.cmpi eq, %iota3A_1264, %eq3A_1510 : vector<256x1024xi32>
    %jit3A_1512 = arith.constant 3.000000e+30 : f32
    %broadcast_in_dim3A_1513 = vector.broadcast %jit3A_1512 : f32 to vector<256x1024xf32>
    %select_n3A_1514 = arith.select %eq3A_1511, %broadcast_in_dim3A_1513, %select_n3A_1492 : vector<256x1024xi1>, vector<256x1024xf32>
    %swap3A_1515 = arith.constant 0 : index
    %swap3A_1516 = arith.constant 768 : index
    %swap3A_1517 = arith.constant 8 : index
    %swap3A_1518 = vector.load %arg11[%swap3A_1515, %swap3A_1516, %swap3A_1517] : memref<1x1024x16xi32, #tpu.memory_space<vmem>>, vector<1x256x1xi32>
    %swap3A_1519 = vector.shape_cast %swap3A_1518 : vector<1x256x1xi32> to vector<256x1xi32>
    %swap3A_1520 = vector.shape_cast %broadcast_in_dim3A_1509 : vector<256x1xi32> to vector<1x256x1xi32>
    tpu.vector_store %arg11[%swap3A_1515, %swap3A_1516, %swap3A_1517], %swap3A_1520 {strides = array<i32>} : memref<1x1024x16xi32, #tpu.memory_space<vmem>>, vector<1x256x1xi32>,
    %reduce_min3A_1521 = arith.constant dense<0x7F800000> : vector<256xf32>
    %reduce_min3A_1522 = vector.multi_reduction <minimumf>, %select_n3A_1514, %reduce_min3A_1521 [1] : vector<256x1024xf32> to vector<256xf32>
    %broadcast_in_dim3A_1523 = vector.shape_cast %reduce_min3A_1522 : vector<256xf32> to vector<256x1xf32>
    %eq3A_1524 = vector.broadcast %broadcast_in_dim3A_1523 : vector<256x1xf32> to vector<256x1024xf32>
    %eq3A_1525 = arith.cmpf oeq, %select_n3A_1514, %eq3A_1524 : vector<256x1024xf32>
    %jit3A_1526 = arith.constant 1073741824 : i32
    %broadcast_in_dim3A_1527 = vector.broadcast %jit3A_1526 : i32 to vector<256x1024xi32>
    %select_n3A_1528 = arith.select %eq3A_1525, %iota3A_1264, %broadcast_in_dim3A_1527 : vector<256x1024xi1>, vector<256x1024xi32>
    %reduce_min3A_1529 = arith.constant dense<2147483647> : vector<256xi32>
    %reduce_min3A_1530 = vector.multi_reduction <minsi>, %select_n3A_1528, %reduce_min3A_1529 [1] : vector<256x1024xi32> to vector<256xi32>
    %broadcast_in_dim3A_1531 = vector.shape_cast %reduce_min3A_1530 : vector<256xi32> to vector<256x1xi32>
    %eq3A_1532 = vector.broadcast %broadcast_in_dim3A_1531 : vector<256x1xi32> to vector<256x1024xi32>
    %eq3A_1533 = arith.cmpi eq, %iota3A_1264, %eq3A_1532 : vector<256x1024xi32>
    %jit3A_1534 = arith.constant 3.000000e+30 : f32
    %broadcast_in_dim3A_1535 = vector.broadcast %jit3A_1534 : f32 to vector<256x1024xf32>
    %select_n3A_1536 = arith.select %eq3A_1533, %broadcast_in_dim3A_1535, %select_n3A_1514 : vector<256x1024xi1>, vector<256x1024xf32>
    %swap3A_1537 = arith.constant 0 : index
    %swap3A_1538 = arith.constant 768 : index
    %swap3A_1539 = arith.constant 9 : index
    %swap3A_1540 = vector.load %arg11[%swap3A_1537, %swap3A_1538, %swap3A_1539] : memref<1x1024x16xi32, #tpu.memory_space<vmem>>, vector<1x256x1xi32>
    %swap3A_1541 = vector.shape_cast %swap3A_1540 : vector<1x256x1xi32> to vector<256x1xi32>
    %swap3A_1542 = vector.shape_cast %broadcast_in_dim3A_1531 : vector<256x1xi32> to vector<1x256x1xi32>
    tpu.vector_store %arg11[%swap3A_1537, %swap3A_1538, %swap3A_1539], %swap3A_1542 {strides = array<i32>} : memref<1x1024x16xi32, #tpu.memory_space<vmem>>, vector<1x256x1xi32>,
    %reduce_min3A_1543 = arith.constant dense<0x7F800000> : vector<256xf32>
    %reduce_min3A_1544 = vector.multi_reduction <minimumf>, %select_n3A_1536, %reduce_min3A_1543 [1] : vector<256x1024xf32> to vector<256xf32>
    %broadcast_in_dim3A_1545 = vector.shape_cast %reduce_min3A_1544 : vector<256xf32> to vector<256x1xf32>
    %eq3A_1546 = vector.broadcast %broadcast_in_dim3A_1545 : vector<256x1xf32> to vector<256x1024xf32>
    %eq3A_1547 = arith.cmpf oeq, %select_n3A_1536, %eq3A_1546 : vector<256x1024xf32>
    %jit3A_1548 = arith.constant 1073741824 : i32
    %broadcast_in_dim3A_1549 = vector.broadcast %jit3A_1548 : i32 to vector<256x1024xi32>
    %select_n3A_1550 = arith.select %eq3A_1547, %iota3A_1264, %broadcast_in_dim3A_1549 : vector<256x1024xi1>, vector<256x1024xi32>
    %reduce_min3A_1551 = arith.constant dense<2147483647> : vector<256xi32>
    %reduce_min3A_1552 = vector.multi_reduction <minsi>, %select_n3A_1550, %reduce_min3A_1551 [1] : vector<256x1024xi32> to vector<256xi32>
    %broadcast_in_dim3A_1553 = vector.shape_cast %reduce_min3A_1552 : vector<256xi32> to vector<256x1xi32>
    %eq3A_1554 = vector.broadcast %broadcast_in_dim3A_1553 : vector<256x1xi32> to vector<256x1024xi32>
    %eq3A_1555 = arith.cmpi eq, %iota3A_1264, %eq3A_1554 : vector<256x1024xi32>
    %jit3A_1556 = arith.constant 3.000000e+30 : f32
    %broadcast_in_dim3A_1557 = vector.broadcast %jit3A_1556 : f32 to vector<256x1024xf32>
    %select_n3A_1558 = arith.select %eq3A_1555, %broadcast_in_dim3A_1557, %select_n3A_1536 : vector<256x1024xi1>, vector<256x1024xf32>
    %swap3A_1559 = arith.constant 0 : index
    %swap3A_1560 = arith.constant 768 : index
    %swap3A_1561 = arith.constant 10 : index
    %swap3A_1562 = vector.load %arg11[%swap3A_1559, %swap3A_1560, %swap3A_1561] : memref<1x1024x16xi32, #tpu.memory_space<vmem>>, vector<1x256x1xi32>
    %swap3A_1563 = vector.shape_cast %swap3A_1562 : vector<1x256x1xi32> to vector<256x1xi32>
    %swap3A_1564 = vector.shape_cast %broadcast_in_dim3A_1553 : vector<256x1xi32> to vector<1x256x1xi32>
    tpu.vector_store %arg11[%swap3A_1559, %swap3A_1560, %swap3A_1561], %swap3A_1564 {strides = array<i32>} : memref<1x1024x16xi32, #tpu.memory_space<vmem>>, vector<1x256x1xi32>,
    %reduce_min3A_1565 = arith.constant dense<0x7F800000> : vector<256xf32>
    %reduce_min3A_1566 = vector.multi_reduction <minimumf>, %select_n3A_1558, %reduce_min3A_1565 [1] : vector<256x1024xf32> to vector<256xf32>
    %broadcast_in_dim3A_1567 = vector.shape_cast %reduce_min3A_1566 : vector<256xf32> to vector<256x1xf32>
    %eq3A_1568 = vector.broadcast %broadcast_in_dim3A_1567 : vector<256x1xf32> to vector<256x1024xf32>
    %eq3A_1569 = arith.cmpf oeq, %select_n3A_1558, %eq3A_1568 : vector<256x1024xf32>
    %jit3A_1570 = arith.constant 1073741824 : i32
    %broadcast_in_dim3A_1571 = vector.broadcast %jit3A_1570 : i32 to vector<256x1024xi32>
    %select_n3A_1572 = arith.select %eq3A_1569, %iota3A_1264, %broadcast_in_dim3A_1571 : vector<256x1024xi1>, vector<256x1024xi32>
    %reduce_min3A_1573 = arith.constant dense<2147483647> : vector<256xi32>
    %reduce_min3A_1574 = vector.multi_reduction <minsi>, %select_n3A_1572, %reduce_min3A_1573 [1] : vector<256x1024xi32> to vector<256xi32>
    %broadcast_in_dim3A_1575 = vector.shape_cast %reduce_min3A_1574 : vector<256xi32> to vector<256x1xi32>
    %eq3A_1576 = vector.broadcast %broadcast_in_dim3A_1575 : vector<256x1xi32> to vector<256x1024xi32>
    %eq3A_1577 = arith.cmpi eq, %iota3A_1264, %eq3A_1576 : vector<256x1024xi32>
    %jit3A_1578 = arith.constant 3.000000e+30 : f32
    %broadcast_in_dim3A_1579 = vector.broadcast %jit3A_1578 : f32 to vector<256x1024xf32>
    %select_n3A_1580 = arith.select %eq3A_1577, %broadcast_in_dim3A_1579, %select_n3A_1558 : vector<256x1024xi1>, vector<256x1024xf32>
    %swap3A_1581 = arith.constant 0 : index
    %swap3A_1582 = arith.constant 768 : index
    %swap3A_1583 = arith.constant 11 : index
    %swap3A_1584 = vector.load %arg11[%swap3A_1581, %swap3A_1582, %swap3A_1583] : memref<1x1024x16xi32, #tpu.memory_space<vmem>>, vector<1x256x1xi32>
    %swap3A_1585 = vector.shape_cast %swap3A_1584 : vector<1x256x1xi32> to vector<256x1xi32>
    %swap3A_1586 = vector.shape_cast %broadcast_in_dim3A_1575 : vector<256x1xi32> to vector<1x256x1xi32>
    tpu.vector_store %arg11[%swap3A_1581, %swap3A_1582, %swap3A_1583], %swap3A_1586 {strides = array<i32>} : memref<1x1024x16xi32, #tpu.memory_space<vmem>>, vector<1x256x1xi32>,
    %reduce_min3A_1587 = arith.constant dense<0x7F800000> : vector<256xf32>
    %reduce_min3A_1588 = vector.multi_reduction <minimumf>, %select_n3A_1580, %reduce_min3A_1587 [1] : vector<256x1024xf32> to vector<256xf32>
    %broadcast_in_dim3A_1589 = vector.shape_cast %reduce_min3A_1588 : vector<256xf32> to vector<256x1xf32>
    %eq3A_1590 = vector.broadcast %broadcast_in_dim3A_1589 : vector<256x1xf32> to vector<256x1024xf32>
    %eq3A_1591 = arith.cmpf oeq, %select_n3A_1580, %eq3A_1590 : vector<256x1024xf32>
    %jit3A_1592 = arith.constant 1073741824 : i32
    %broadcast_in_dim3A_1593 = vector.broadcast %jit3A_1592 : i32 to vector<256x1024xi32>
    %select_n3A_1594 = arith.select %eq3A_1591, %iota3A_1264, %broadcast_in_dim3A_1593 : vector<256x1024xi1>, vector<256x1024xi32>
    %reduce_min3A_1595 = arith.constant dense<2147483647> : vector<256xi32>
    %reduce_min3A_1596 = vector.multi_reduction <minsi>, %select_n3A_1594, %reduce_min3A_1595 [1] : vector<256x1024xi32> to vector<256xi32>
    %broadcast_in_dim3A_1597 = vector.shape_cast %reduce_min3A_1596 : vector<256xi32> to vector<256x1xi32>
    %eq3A_1598 = vector.broadcast %broadcast_in_dim3A_1597 : vector<256x1xi32> to vector<256x1024xi32>
    %eq3A_1599 = arith.cmpi eq, %iota3A_1264, %eq3A_1598 : vector<256x1024xi32>
    %jit3A_1600 = arith.constant 3.000000e+30 : f32
    %broadcast_in_dim3A_1601 = vector.broadcast %jit3A_1600 : f32 to vector<256x1024xf32>
    %select_n3A_1602 = arith.select %eq3A_1599, %broadcast_in_dim3A_1601, %select_n3A_1580 : vector<256x1024xi1>, vector<256x1024xf32>
    %swap3A_1603 = arith.constant 0 : index
    %swap3A_1604 = arith.constant 768 : index
    %swap3A_1605 = arith.constant 12 : index
    %swap3A_1606 = vector.load %arg11[%swap3A_1603, %swap3A_1604, %swap3A_1605] : memref<1x1024x16xi32, #tpu.memory_space<vmem>>, vector<1x256x1xi32>
    %swap3A_1607 = vector.shape_cast %swap3A_1606 : vector<1x256x1xi32> to vector<256x1xi32>
    %swap3A_1608 = vector.shape_cast %broadcast_in_dim3A_1597 : vector<256x1xi32> to vector<1x256x1xi32>
    tpu.vector_store %arg11[%swap3A_1603, %swap3A_1604, %swap3A_1605], %swap3A_1608 {strides = array<i32>} : memref<1x1024x16xi32, #tpu.memory_space<vmem>>, vector<1x256x1xi32>,
    %reduce_min3A_1609 = arith.constant dense<0x7F800000> : vector<256xf32>
    %reduce_min3A_1610 = vector.multi_reduction <minimumf>, %select_n3A_1602, %reduce_min3A_1609 [1] : vector<256x1024xf32> to vector<256xf32>
    %broadcast_in_dim3A_1611 = vector.shape_cast %reduce_min3A_1610 : vector<256xf32> to vector<256x1xf32>
    %eq3A_1612 = vector.broadcast %broadcast_in_dim3A_1611 : vector<256x1xf32> to vector<256x1024xf32>
    %eq3A_1613 = arith.cmpf oeq, %select_n3A_1602, %eq3A_1612 : vector<256x1024xf32>
    %jit3A_1614 = arith.constant 1073741824 : i32
    %broadcast_in_dim3A_1615 = vector.broadcast %jit3A_1614 : i32 to vector<256x1024xi32>
    %select_n3A_1616 = arith.select %eq3A_1613, %iota3A_1264, %broadcast_in_dim3A_1615 : vector<256x1024xi1>, vector<256x1024xi32>
    %reduce_min3A_1617 = arith.constant dense<2147483647> : vector<256xi32>
    %reduce_min3A_1618 = vector.multi_reduction <minsi>, %select_n3A_1616, %reduce_min3A_1617 [1] : vector<256x1024xi32> to vector<256xi32>
    %broadcast_in_dim3A_1619 = vector.shape_cast %reduce_min3A_1618 : vector<256xi32> to vector<256x1xi32>
    %eq3A_1620 = vector.broadcast %broadcast_in_dim3A_1619 : vector<256x1xi32> to vector<256x1024xi32>
    %eq3A_1621 = arith.cmpi eq, %iota3A_1264, %eq3A_1620 : vector<256x1024xi32>
    %jit3A_1622 = arith.constant 3.000000e+30 : f32
    %broadcast_in_dim3A_1623 = vector.broadcast %jit3A_1622 : f32 to vector<256x1024xf32>
    %select_n3A_1624 = arith.select %eq3A_1621, %broadcast_in_dim3A_1623, %select_n3A_1602 : vector<256x1024xi1>, vector<256x1024xf32>
    %swap3A_1625 = arith.constant 0 : index
    %swap3A_1626 = arith.constant 768 : index
    %swap3A_1627 = arith.constant 13 : index
    %swap3A_1628 = vector.load %arg11[%swap3A_1625, %swap3A_1626, %swap3A_1627] : memref<1x1024x16xi32, #tpu.memory_space<vmem>>, vector<1x256x1xi32>
    %swap3A_1629 = vector.shape_cast %swap3A_1628 : vector<1x256x1xi32> to vector<256x1xi32>
    %swap3A_1630 = vector.shape_cast %broadcast_in_dim3A_1619 : vector<256x1xi32> to vector<1x256x1xi32>
    tpu.vector_store %arg11[%swap3A_1625, %swap3A_1626, %swap3A_1627], %swap3A_1630 {strides = array<i32>} : memref<1x1024x16xi32, #tpu.memory_space<vmem>>, vector<1x256x1xi32>,
    %reduce_min3A_1631 = arith.constant dense<0x7F800000> : vector<256xf32>
    %reduce_min3A_1632 = vector.multi_reduction <minimumf>, %select_n3A_1624, %reduce_min3A_1631 [1] : vector<256x1024xf32> to vector<256xf32>
    %broadcast_in_dim3A_1633 = vector.shape_cast %reduce_min3A_1632 : vector<256xf32> to vector<256x1xf32>
    %eq3A_1634 = vector.broadcast %broadcast_in_dim3A_1633 : vector<256x1xf32> to vector<256x1024xf32>
    %eq3A_1635 = arith.cmpf oeq, %select_n3A_1624, %eq3A_1634 : vector<256x1024xf32>
    %jit3A_1636 = arith.constant 1073741824 : i32
    %broadcast_in_dim3A_1637 = vector.broadcast %jit3A_1636 : i32 to vector<256x1024xi32>
    %select_n3A_1638 = arith.select %eq3A_1635, %iota3A_1264, %broadcast_in_dim3A_1637 : vector<256x1024xi1>, vector<256x1024xi32>
    %reduce_min3A_1639 = arith.constant dense<2147483647> : vector<256xi32>
    %reduce_min3A_1640 = vector.multi_reduction <minsi>, %select_n3A_1638, %reduce_min3A_1639 [1] : vector<256x1024xi32> to vector<256xi32>
    %broadcast_in_dim3A_1641 = vector.shape_cast %reduce_min3A_1640 : vector<256xi32> to vector<256x1xi32>
    %eq3A_1642 = vector.broadcast %broadcast_in_dim3A_1641 : vector<256x1xi32> to vector<256x1024xi32>
    %eq3A_1643 = arith.cmpi eq, %iota3A_1264, %eq3A_1642 : vector<256x1024xi32>
    %jit3A_1644 = arith.constant 3.000000e+30 : f32
    %broadcast_in_dim3A_1645 = vector.broadcast %jit3A_1644 : f32 to vector<256x1024xf32>
    %select_n3A_1646 = arith.select %eq3A_1643, %broadcast_in_dim3A_1645, %select_n3A_1624 : vector<256x1024xi1>, vector<256x1024xf32>
    %swap3A_1647 = arith.constant 0 : index
    %swap3A_1648 = arith.constant 768 : index
    %swap3A_1649 = arith.constant 14 : index
    %swap3A_1650 = vector.load %arg11[%swap3A_1647, %swap3A_1648, %swap3A_1649] : memref<1x1024x16xi32, #tpu.memory_space<vmem>>, vector<1x256x1xi32>
    %swap3A_1651 = vector.shape_cast %swap3A_1650 : vector<1x256x1xi32> to vector<256x1xi32>
    %swap3A_1652 = vector.shape_cast %broadcast_in_dim3A_1641 : vector<256x1xi32> to vector<1x256x1xi32>
    tpu.vector_store %arg11[%swap3A_1647, %swap3A_1648, %swap3A_1649], %swap3A_1652 {strides = array<i32>} : memref<1x1024x16xi32, #tpu.memory_space<vmem>>, vector<1x256x1xi32>,
    %reduce_min3A_1653 = arith.constant dense<0x7F800000> : vector<256xf32>
    %reduce_min3A_1654 = vector.multi_reduction <minimumf>, %select_n3A_1646, %reduce_min3A_1653 [1] : vector<256x1024xf32> to vector<256xf32>
    %broadcast_in_dim3A_1655 = vector.shape_cast %reduce_min3A_1654 : vector<256xf32> to vector<256x1xf32>
    %eq3A_1656 = vector.broadcast %broadcast_in_dim3A_1655 : vector<256x1xf32> to vector<256x1024xf32>
    %eq3A_1657 = arith.cmpf oeq, %select_n3A_1646, %eq3A_1656 : vector<256x1024xf32>
    %jit3A_1658 = arith.constant 1073741824 : i32
    %broadcast_in_dim3A_1659 = vector.broadcast %jit3A_1658 : i32 to vector<256x1024xi32>
    %select_n3A_1660 = arith.select %eq3A_1657, %iota3A_1264, %broadcast_in_dim3A_1659 : vector<256x1024xi1>, vector<256x1024xi32>
    %reduce_min3A_1661 = arith.constant dense<2147483647> : vector<256xi32>
    %reduce_min3A_1662 = vector.multi_reduction <minsi>, %select_n3A_1660, %reduce_min3A_1661 [1] : vector<256x1024xi32> to vector<256xi32>
    %broadcast_in_dim3A_1663 = vector.shape_cast %reduce_min3A_1662 : vector<256xi32> to vector<256x1xi32>
    %swap3A_1664 = arith.constant 0 : index
    %swap3A_1665 = arith.constant 768 : index
    %swap3A_1666 = arith.constant 15 : index
    %swap3A_1667 = vector.load %arg11[%swap3A_1664, %swap3A_1665, %swap3A_1666] : memref<1x1024x16xi32, #tpu.memory_space<vmem>>, vector<1x256x1xi32>
    %swap3A_1668 = vector.shape_cast %swap3A_1667 : vector<1x256x1xi32> to vector<256x1xi32>
    %swap3A_1669 = vector.shape_cast %broadcast_in_dim3A_1663 : vector<256x1xi32> to vector<1x256x1xi32>
    tpu.vector_store %arg11[%swap3A_1664, %swap3A_1665, %swap3A_1666], %swap3A_1669 {strides = array<i32>} : memref<1x1024x16xi32, #tpu.memory_space<vmem>>, vector<1x256x1xi32>,
    return
  }
  func.func @transform_0(%arg0: i32) -> (i32, i32, i32) {
    %c0_i32 = arith.constant 0 : i32
    %c0_i32_0 = arith.constant 0 : i32
    %c0_i32_1 = arith.constant 0 : i32
    return %arg0, %c0_i32, %c0_i32_0 : i32, i32, i32
  }
  func.func @transform_1(%arg0: i32) -> (i32, i32, i32) {
    %c0_i32 = arith.constant 0 : i32
    %c0_i32_0 = arith.constant 0 : i32
    %c0_i32_1 = arith.constant 0 : i32
    return %arg0, %c0_i32, %c0_i32_0 : i32, i32, i32
  }
  func.func @transform_2(%arg0: i32) -> (i32, i32, i32) {
    %c0_i32 = arith.constant 0 : i32
    %c0_i32_0 = arith.constant 0 : i32
    %c0_i32_1 = arith.constant 0 : i32
    return %arg0, %c0_i32, %c0_i32_0 : i32, i32, i32
  }
  func.func @transform_3(%arg0: i32) -> (i32, i32) {
    %c0_i32 = arith.constant 0 : i32
    %c0_i32_0 = arith.constant 0 : i32
    %c0_i32_1 = arith.constant 0 : i32
    return %c0_i32, %c0_i32_0 : i32, i32
  }
  func.func @transform_4(%arg0: i32) -> (i32, i32) {
    %c0_i32 = arith.constant 0 : i32
    %c0_i32_0 = arith.constant 0 : i32
    %c0_i32_1 = arith.constant 0 : i32
    return %c0_i32, %c0_i32_0 : i32, i32
  }
  func.func @transform_5(%arg0: i32) -> (i32, i32) {
    %c0_i32 = arith.constant 0 : i32
    %c0_i32_0 = arith.constant 0 : i32
    %c0_i32_1 = arith.constant 0 : i32
    return %c0_i32, %c0_i32_0 : i32, i32
  }
  func.func @transform_6(%arg0: i32) -> (i32, i32) {
    %c0_i32 = arith.constant 0 : i32
    %c0_i32_0 = arith.constant 0 : i32
    %c0_i32_1 = arith.constant 0 : i32
    return %c0_i32, %c0_i32_0 : i32, i32
  }
  func.func @transform_7(%arg0: i32) -> (i32, i32, i32) {
    %c0_i32 = arith.constant 0 : i32
    %c0_i32_0 = arith.constant 0 : i32
    %c0_i32_1 = arith.constant 0 : i32
    return %arg0, %c0_i32, %c0_i32_0 : i32, i32, i32
  }
  func.func @transform_8(%arg0: i32) -> (i32, i32, i32) {
    %c0_i32 = arith.constant 0 : i32
    %c0_i32_0 = arith.constant 0 : i32
    %c0_i32_1 = arith.constant 0 : i32
    return %arg0, %c0_i32, %c0_i32_0 : i32, i32, i32
  }
  func.func @transform_9(%arg0: i32) -> (i32, i32, i32) {
    %c0_i32 = arith.constant 0 : i32
    %c0_i32_0 = arith.constant 0 : i32
    %c0_i32_1 = arith.constant 0 : i32
    return %arg0, %c0_i32, %c0_i32_0 : i32, i32, i32
  }
  func.func @transform_10(%arg0: i32) -> (i32, i32, i32) {
    %c0_i32 = arith.constant 0 : i32
    %c0_i32_0 = arith.constant 0 : i32
    %c0_i32_1 = arith.constant 0 : i32
    return %arg0, %c0_i32, %c0_i32_0 : i32, i32, i32
  }
}

module attributes {stable_mosaic.version = 14 : i64} {
  func.func @_msg_max_body(%arg0: i32, %arg1: i32, %arg2: memref<16x256x256xf32, #tpu.memory_space<vmem>>, %arg3: memref<256x128xf32, #tpu.memory_space<vmem>>, %arg4: memref<256x128xf32, #tpu.memory_space<vmem>>, %arg5: memref<256x128xf32, #tpu.memory_space<vmem>>, %arg6: memref<1x2x128xf32, #tpu.memory_space<vmem>>) attributes {dimension_semantics = [#tpu.dimension_semantics<arbitrary>, #tpu.dimension_semantics<arbitrary>], iteration_bounds = array<i64: 4, 4>, scalar_prefetch = 0 : i64, scratch_operands = 0 : i64, tpu.core_type = #tpu.core_type<tc>, window_params = [{transform_indices = @transform_0, window_bounds = array<i64: 16, 256, 256>}, {transform_indices = @transform_1, window_bounds = array<i64: 256, 128>}, {transform_indices = @transform_2, window_bounds = array<i64: 256, 128>}, {transform_indices = @transform_3, window_bounds = array<i64: 256, 128>}, {pipeline_mode = #tpu.pipeline_mode<synchronous>, transform_indices = @transform_4, window_bounds = array<i64: 1, 2, 128>}]} {
    %get3A = arith.constant 0 : index
    %get3A_0 = arith.constant 0 : index
    %get3A_1 = vector.load %arg3[%get3A, %get3A_0] : memref<256x128xf32, #tpu.memory_space<vmem>>, vector<256x128xf32>
    %get3A_2 = arith.constant 0 : index
    %get3A_3 = arith.constant 0 : index
    %get3A_4 = vector.load %arg4[%get3A_2, %get3A_3] : memref<256x128xf32, #tpu.memory_space<vmem>>, vector<256x128xf32>
    %get3A_5 = arith.constant 0 : index
    %get3A_6 = arith.constant 0 : index
    %get3A_7 = arith.constant 0 : index
    %get3A_8 = vector.load %arg2[%get3A_5, %get3A_6, %get3A_7] : memref<16x256x256xf32, #tpu.memory_space<vmem>>, vector<1x256x256xf32>
    %get3A_9 = vector.shape_cast %get3A_8 : vector<1x256x256xf32> to vector<256x256xf32>
    %slice3A = vector.extract_strided_slice %get3A_9 {offsets = [0, 0], sizes = [256, 128], strides = [1, 1]} : vector<256x256xf32> to vector<256x128xf32>
    %add3A = arith.addf %get3A_1, %slice3A : vector<256x128xf32>
    %slice3A_10 = vector.extract_strided_slice %get3A_9 {offsets = [0, 128], sizes = [256, 128], strides = [1, 1]} : vector<256x256xf32> to vector<256x128xf32>
    %add3A_11 = arith.addf %get3A_4, %slice3A_10 : vector<256x128xf32>
    %neg3A = arith.constant 0.000000e+00 : f32
    %neg3A_12 = vector.broadcast %neg3A : f32 to vector<256x128xf32>
    %neg3A_13 = arith.subf %neg3A_12, %add3A : vector<256x128xf32>
    %exp3A = math.exp %neg3A_13 : vector<256x128xf32>
    %add3A_14 = arith.constant 1.000000e+00 : f32
    %add3A_15 = vector.broadcast %add3A_14 : f32 to vector<256x128xf32>
    %add3A_16 = arith.addf %add3A_15, %exp3A : vector<256x128xf32>
    %div3A = arith.constant 1.000000e+00 : f32
    %div3A_17 = vector.broadcast %div3A : f32 to vector<256x128xf32>
    %div3A_18 = arith.divf %div3A_17, %add3A_16 : vector<256x128xf32>
    %max3A = arith.constant 0.000000e+00 : f32
    %max3A_19 = vector.broadcast %max3A : f32 to vector<256x128xf32>
    %max3A_20 = arith.maximumf %add3A_11, %max3A_19 : vector<256x128xf32>
    %abs3A = math.absf %add3A_11 : vector<256x128xf32>
    %neg3A_21 = arith.constant 0.000000e+00 : f32
    %neg3A_22 = vector.broadcast %neg3A_21 : f32 to vector<256x128xf32>
    %neg3A_23 = arith.subf %neg3A_22, %abs3A : vector<256x128xf32>
    %exp3A_24 = math.exp %neg3A_23 : vector<256x128xf32>
    %log1p3A = math.log1p %exp3A_24 : vector<256x128xf32>
    %add3A_25 = arith.addf %max3A_20, %log1p3A : vector<256x128xf32>
    %mul3A = arith.mulf %div3A_18, %add3A_25 : vector<256x128xf32>
    %get3A_26 = arith.constant 1 : index
    %get3A_27 = arith.constant 0 : index
    %get3A_28 = arith.constant 0 : index
    %get3A_29 = vector.load %arg2[%get3A_26, %get3A_27, %get3A_28] : memref<16x256x256xf32, #tpu.memory_space<vmem>>, vector<1x256x256xf32>
    %get3A_30 = vector.shape_cast %get3A_29 : vector<1x256x256xf32> to vector<256x256xf32>
    %slice3A_31 = vector.extract_strided_slice %get3A_30 {offsets = [0, 0], sizes = [256, 128], strides = [1, 1]} : vector<256x256xf32> to vector<256x128xf32>
    %add3A_32 = arith.addf %get3A_1, %slice3A_31 : vector<256x128xf32>
    %slice3A_33 = vector.extract_strided_slice %get3A_30 {offsets = [0, 128], sizes = [256, 128], strides = [1, 1]} : vector<256x256xf32> to vector<256x128xf32>
    %add3A_34 = arith.addf %get3A_4, %slice3A_33 : vector<256x128xf32>
    %neg3A_35 = arith.constant 0.000000e+00 : f32
    %neg3A_36 = vector.broadcast %neg3A_35 : f32 to vector<256x128xf32>
    %neg3A_37 = arith.subf %neg3A_36, %add3A_32 : vector<256x128xf32>
    %exp3A_38 = math.exp %neg3A_37 : vector<256x128xf32>
    %add3A_39 = arith.constant 1.000000e+00 : f32
    %add3A_40 = vector.broadcast %add3A_39 : f32 to vector<256x128xf32>
    %add3A_41 = arith.addf %add3A_40, %exp3A_38 : vector<256x128xf32>
    %div3A_42 = arith.constant 1.000000e+00 : f32
    %div3A_43 = vector.broadcast %div3A_42 : f32 to vector<256x128xf32>
    %div3A_44 = arith.divf %div3A_43, %add3A_41 : vector<256x128xf32>
    %max3A_45 = arith.constant 0.000000e+00 : f32
    %max3A_46 = vector.broadcast %max3A_45 : f32 to vector<256x128xf32>
    %max3A_47 = arith.maximumf %add3A_34, %max3A_46 : vector<256x128xf32>
    %abs3A_48 = math.absf %add3A_34 : vector<256x128xf32>
    %neg3A_49 = arith.constant 0.000000e+00 : f32
    %neg3A_50 = vector.broadcast %neg3A_49 : f32 to vector<256x128xf32>
    %neg3A_51 = arith.subf %neg3A_50, %abs3A_48 : vector<256x128xf32>
    %exp3A_52 = math.exp %neg3A_51 : vector<256x128xf32>
    %log1p3A_53 = math.log1p %exp3A_52 : vector<256x128xf32>
    %add3A_54 = arith.addf %max3A_47, %log1p3A_53 : vector<256x128xf32>
    %mul3A_55 = arith.mulf %div3A_44, %add3A_54 : vector<256x128xf32>
    %max3A_56 = arith.maximumf %mul3A, %mul3A_55 : vector<256x128xf32>
    %get3A_57 = arith.constant 2 : index
    %get3A_58 = arith.constant 0 : index
    %get3A_59 = arith.constant 0 : index
    %get3A_60 = vector.load %arg2[%get3A_57, %get3A_58, %get3A_59] : memref<16x256x256xf32, #tpu.memory_space<vmem>>, vector<1x256x256xf32>
    %get3A_61 = vector.shape_cast %get3A_60 : vector<1x256x256xf32> to vector<256x256xf32>
    %slice3A_62 = vector.extract_strided_slice %get3A_61 {offsets = [0, 0], sizes = [256, 128], strides = [1, 1]} : vector<256x256xf32> to vector<256x128xf32>
    %add3A_63 = arith.addf %get3A_1, %slice3A_62 : vector<256x128xf32>
    %slice3A_64 = vector.extract_strided_slice %get3A_61 {offsets = [0, 128], sizes = [256, 128], strides = [1, 1]} : vector<256x256xf32> to vector<256x128xf32>
    %add3A_65 = arith.addf %get3A_4, %slice3A_64 : vector<256x128xf32>
    %neg3A_66 = arith.constant 0.000000e+00 : f32
    %neg3A_67 = vector.broadcast %neg3A_66 : f32 to vector<256x128xf32>
    %neg3A_68 = arith.subf %neg3A_67, %add3A_63 : vector<256x128xf32>
    %exp3A_69 = math.exp %neg3A_68 : vector<256x128xf32>
    %add3A_70 = arith.constant 1.000000e+00 : f32
    %add3A_71 = vector.broadcast %add3A_70 : f32 to vector<256x128xf32>
    %add3A_72 = arith.addf %add3A_71, %exp3A_69 : vector<256x128xf32>
    %div3A_73 = arith.constant 1.000000e+00 : f32
    %div3A_74 = vector.broadcast %div3A_73 : f32 to vector<256x128xf32>
    %div3A_75 = arith.divf %div3A_74, %add3A_72 : vector<256x128xf32>
    %max3A_76 = arith.constant 0.000000e+00 : f32
    %max3A_77 = vector.broadcast %max3A_76 : f32 to vector<256x128xf32>
    %max3A_78 = arith.maximumf %add3A_65, %max3A_77 : vector<256x128xf32>
    %abs3A_79 = math.absf %add3A_65 : vector<256x128xf32>
    %neg3A_80 = arith.constant 0.000000e+00 : f32
    %neg3A_81 = vector.broadcast %neg3A_80 : f32 to vector<256x128xf32>
    %neg3A_82 = arith.subf %neg3A_81, %abs3A_79 : vector<256x128xf32>
    %exp3A_83 = math.exp %neg3A_82 : vector<256x128xf32>
    %log1p3A_84 = math.log1p %exp3A_83 : vector<256x128xf32>
    %add3A_85 = arith.addf %max3A_78, %log1p3A_84 : vector<256x128xf32>
    %mul3A_86 = arith.mulf %div3A_75, %add3A_85 : vector<256x128xf32>
    %max3A_87 = arith.maximumf %max3A_56, %mul3A_86 : vector<256x128xf32>
    %get3A_88 = arith.constant 3 : index
    %get3A_89 = arith.constant 0 : index
    %get3A_90 = arith.constant 0 : index
    %get3A_91 = vector.load %arg2[%get3A_88, %get3A_89, %get3A_90] : memref<16x256x256xf32, #tpu.memory_space<vmem>>, vector<1x256x256xf32>
    %get3A_92 = vector.shape_cast %get3A_91 : vector<1x256x256xf32> to vector<256x256xf32>
    %slice3A_93 = vector.extract_strided_slice %get3A_92 {offsets = [0, 0], sizes = [256, 128], strides = [1, 1]} : vector<256x256xf32> to vector<256x128xf32>
    %add3A_94 = arith.addf %get3A_1, %slice3A_93 : vector<256x128xf32>
    %slice3A_95 = vector.extract_strided_slice %get3A_92 {offsets = [0, 128], sizes = [256, 128], strides = [1, 1]} : vector<256x256xf32> to vector<256x128xf32>
    %add3A_96 = arith.addf %get3A_4, %slice3A_95 : vector<256x128xf32>
    %neg3A_97 = arith.constant 0.000000e+00 : f32
    %neg3A_98 = vector.broadcast %neg3A_97 : f32 to vector<256x128xf32>
    %neg3A_99 = arith.subf %neg3A_98, %add3A_94 : vector<256x128xf32>
    %exp3A_100 = math.exp %neg3A_99 : vector<256x128xf32>
    %add3A_101 = arith.constant 1.000000e+00 : f32
    %add3A_102 = vector.broadcast %add3A_101 : f32 to vector<256x128xf32>
    %add3A_103 = arith.addf %add3A_102, %exp3A_100 : vector<256x128xf32>
    %div3A_104 = arith.constant 1.000000e+00 : f32
    %div3A_105 = vector.broadcast %div3A_104 : f32 to vector<256x128xf32>
    %div3A_106 = arith.divf %div3A_105, %add3A_103 : vector<256x128xf32>
    %max3A_107 = arith.constant 0.000000e+00 : f32
    %max3A_108 = vector.broadcast %max3A_107 : f32 to vector<256x128xf32>
    %max3A_109 = arith.maximumf %add3A_96, %max3A_108 : vector<256x128xf32>
    %abs3A_110 = math.absf %add3A_96 : vector<256x128xf32>
    %neg3A_111 = arith.constant 0.000000e+00 : f32
    %neg3A_112 = vector.broadcast %neg3A_111 : f32 to vector<256x128xf32>
    %neg3A_113 = arith.subf %neg3A_112, %abs3A_110 : vector<256x128xf32>
    %exp3A_114 = math.exp %neg3A_113 : vector<256x128xf32>
    %log1p3A_115 = math.log1p %exp3A_114 : vector<256x128xf32>
    %add3A_116 = arith.addf %max3A_109, %log1p3A_115 : vector<256x128xf32>
    %mul3A_117 = arith.mulf %div3A_106, %add3A_116 : vector<256x128xf32>
    %max3A_118 = arith.maximumf %max3A_87, %mul3A_117 : vector<256x128xf32>
    %get3A_119 = arith.constant 4 : index
    %get3A_120 = arith.constant 0 : index
    %get3A_121 = arith.constant 0 : index
    %get3A_122 = vector.load %arg2[%get3A_119, %get3A_120, %get3A_121] : memref<16x256x256xf32, #tpu.memory_space<vmem>>, vector<1x256x256xf32>
    %get3A_123 = vector.shape_cast %get3A_122 : vector<1x256x256xf32> to vector<256x256xf32>
    %slice3A_124 = vector.extract_strided_slice %get3A_123 {offsets = [0, 0], sizes = [256, 128], strides = [1, 1]} : vector<256x256xf32> to vector<256x128xf32>
    %add3A_125 = arith.addf %get3A_1, %slice3A_124 : vector<256x128xf32>
    %slice3A_126 = vector.extract_strided_slice %get3A_123 {offsets = [0, 128], sizes = [256, 128], strides = [1, 1]} : vector<256x256xf32> to vector<256x128xf32>
    %add3A_127 = arith.addf %get3A_4, %slice3A_126 : vector<256x128xf32>
    %neg3A_128 = arith.constant 0.000000e+00 : f32
    %neg3A_129 = vector.broadcast %neg3A_128 : f32 to vector<256x128xf32>
    %neg3A_130 = arith.subf %neg3A_129, %add3A_125 : vector<256x128xf32>
    %exp3A_131 = math.exp %neg3A_130 : vector<256x128xf32>
    %add3A_132 = arith.constant 1.000000e+00 : f32
    %add3A_133 = vector.broadcast %add3A_132 : f32 to vector<256x128xf32>
    %add3A_134 = arith.addf %add3A_133, %exp3A_131 : vector<256x128xf32>
    %div3A_135 = arith.constant 1.000000e+00 : f32
    %div3A_136 = vector.broadcast %div3A_135 : f32 to vector<256x128xf32>
    %div3A_137 = arith.divf %div3A_136, %add3A_134 : vector<256x128xf32>
    %max3A_138 = arith.constant 0.000000e+00 : f32
    %max3A_139 = vector.broadcast %max3A_138 : f32 to vector<256x128xf32>
    %max3A_140 = arith.maximumf %add3A_127, %max3A_139 : vector<256x128xf32>
    %abs3A_141 = math.absf %add3A_127 : vector<256x128xf32>
    %neg3A_142 = arith.constant 0.000000e+00 : f32
    %neg3A_143 = vector.broadcast %neg3A_142 : f32 to vector<256x128xf32>
    %neg3A_144 = arith.subf %neg3A_143, %abs3A_141 : vector<256x128xf32>
    %exp3A_145 = math.exp %neg3A_144 : vector<256x128xf32>
    %log1p3A_146 = math.log1p %exp3A_145 : vector<256x128xf32>
    %add3A_147 = arith.addf %max3A_140, %log1p3A_146 : vector<256x128xf32>
    %mul3A_148 = arith.mulf %div3A_137, %add3A_147 : vector<256x128xf32>
    %max3A_149 = arith.maximumf %max3A_118, %mul3A_148 : vector<256x128xf32>
    %get3A_150 = arith.constant 5 : index
    %get3A_151 = arith.constant 0 : index
    %get3A_152 = arith.constant 0 : index
    %get3A_153 = vector.load %arg2[%get3A_150, %get3A_151, %get3A_152] : memref<16x256x256xf32, #tpu.memory_space<vmem>>, vector<1x256x256xf32>
    %get3A_154 = vector.shape_cast %get3A_153 : vector<1x256x256xf32> to vector<256x256xf32>
    %slice3A_155 = vector.extract_strided_slice %get3A_154 {offsets = [0, 0], sizes = [256, 128], strides = [1, 1]} : vector<256x256xf32> to vector<256x128xf32>
    %add3A_156 = arith.addf %get3A_1, %slice3A_155 : vector<256x128xf32>
    %slice3A_157 = vector.extract_strided_slice %get3A_154 {offsets = [0, 128], sizes = [256, 128], strides = [1, 1]} : vector<256x256xf32> to vector<256x128xf32>
    %add3A_158 = arith.addf %get3A_4, %slice3A_157 : vector<256x128xf32>
    %neg3A_159 = arith.constant 0.000000e+00 : f32
    %neg3A_160 = vector.broadcast %neg3A_159 : f32 to vector<256x128xf32>
    %neg3A_161 = arith.subf %neg3A_160, %add3A_156 : vector<256x128xf32>
    %exp3A_162 = math.exp %neg3A_161 : vector<256x128xf32>
    %add3A_163 = arith.constant 1.000000e+00 : f32
    %add3A_164 = vector.broadcast %add3A_163 : f32 to vector<256x128xf32>
    %add3A_165 = arith.addf %add3A_164, %exp3A_162 : vector<256x128xf32>
    %div3A_166 = arith.constant 1.000000e+00 : f32
    %div3A_167 = vector.broadcast %div3A_166 : f32 to vector<256x128xf32>
    %div3A_168 = arith.divf %div3A_167, %add3A_165 : vector<256x128xf32>
    %max3A_169 = arith.constant 0.000000e+00 : f32
    %max3A_170 = vector.broadcast %max3A_169 : f32 to vector<256x128xf32>
    %max3A_171 = arith.maximumf %add3A_158, %max3A_170 : vector<256x128xf32>
    %abs3A_172 = math.absf %add3A_158 : vector<256x128xf32>
    %neg3A_173 = arith.constant 0.000000e+00 : f32
    %neg3A_174 = vector.broadcast %neg3A_173 : f32 to vector<256x128xf32>
    %neg3A_175 = arith.subf %neg3A_174, %abs3A_172 : vector<256x128xf32>
    %exp3A_176 = math.exp %neg3A_175 : vector<256x128xf32>
    %log1p3A_177 = math.log1p %exp3A_176 : vector<256x128xf32>
    %add3A_178 = arith.addf %max3A_171, %log1p3A_177 : vector<256x128xf32>
    %mul3A_179 = arith.mulf %div3A_168, %add3A_178 : vector<256x128xf32>
    %max3A_180 = arith.maximumf %max3A_149, %mul3A_179 : vector<256x128xf32>
    %get3A_181 = arith.constant 6 : index
    %get3A_182 = arith.constant 0 : index
    %get3A_183 = arith.constant 0 : index
    %get3A_184 = vector.load %arg2[%get3A_181, %get3A_182, %get3A_183] : memref<16x256x256xf32, #tpu.memory_space<vmem>>, vector<1x256x256xf32>
    %get3A_185 = vector.shape_cast %get3A_184 : vector<1x256x256xf32> to vector<256x256xf32>
    %slice3A_186 = vector.extract_strided_slice %get3A_185 {offsets = [0, 0], sizes = [256, 128], strides = [1, 1]} : vector<256x256xf32> to vector<256x128xf32>
    %add3A_187 = arith.addf %get3A_1, %slice3A_186 : vector<256x128xf32>
    %slice3A_188 = vector.extract_strided_slice %get3A_185 {offsets = [0, 128], sizes = [256, 128], strides = [1, 1]} : vector<256x256xf32> to vector<256x128xf32>
    %add3A_189 = arith.addf %get3A_4, %slice3A_188 : vector<256x128xf32>
    %neg3A_190 = arith.constant 0.000000e+00 : f32
    %neg3A_191 = vector.broadcast %neg3A_190 : f32 to vector<256x128xf32>
    %neg3A_192 = arith.subf %neg3A_191, %add3A_187 : vector<256x128xf32>
    %exp3A_193 = math.exp %neg3A_192 : vector<256x128xf32>
    %add3A_194 = arith.constant 1.000000e+00 : f32
    %add3A_195 = vector.broadcast %add3A_194 : f32 to vector<256x128xf32>
    %add3A_196 = arith.addf %add3A_195, %exp3A_193 : vector<256x128xf32>
    %div3A_197 = arith.constant 1.000000e+00 : f32
    %div3A_198 = vector.broadcast %div3A_197 : f32 to vector<256x128xf32>
    %div3A_199 = arith.divf %div3A_198, %add3A_196 : vector<256x128xf32>
    %max3A_200 = arith.constant 0.000000e+00 : f32
    %max3A_201 = vector.broadcast %max3A_200 : f32 to vector<256x128xf32>
    %max3A_202 = arith.maximumf %add3A_189, %max3A_201 : vector<256x128xf32>
    %abs3A_203 = math.absf %add3A_189 : vector<256x128xf32>
    %neg3A_204 = arith.constant 0.000000e+00 : f32
    %neg3A_205 = vector.broadcast %neg3A_204 : f32 to vector<256x128xf32>
    %neg3A_206 = arith.subf %neg3A_205, %abs3A_203 : vector<256x128xf32>
    %exp3A_207 = math.exp %neg3A_206 : vector<256x128xf32>
    %log1p3A_208 = math.log1p %exp3A_207 : vector<256x128xf32>
    %add3A_209 = arith.addf %max3A_202, %log1p3A_208 : vector<256x128xf32>
    %mul3A_210 = arith.mulf %div3A_199, %add3A_209 : vector<256x128xf32>
    %max3A_211 = arith.maximumf %max3A_180, %mul3A_210 : vector<256x128xf32>
    %get3A_212 = arith.constant 7 : index
    %get3A_213 = arith.constant 0 : index
    %get3A_214 = arith.constant 0 : index
    %get3A_215 = vector.load %arg2[%get3A_212, %get3A_213, %get3A_214] : memref<16x256x256xf32, #tpu.memory_space<vmem>>, vector<1x256x256xf32>
    %get3A_216 = vector.shape_cast %get3A_215 : vector<1x256x256xf32> to vector<256x256xf32>
    %slice3A_217 = vector.extract_strided_slice %get3A_216 {offsets = [0, 0], sizes = [256, 128], strides = [1, 1]} : vector<256x256xf32> to vector<256x128xf32>
    %add3A_218 = arith.addf %get3A_1, %slice3A_217 : vector<256x128xf32>
    %slice3A_219 = vector.extract_strided_slice %get3A_216 {offsets = [0, 128], sizes = [256, 128], strides = [1, 1]} : vector<256x256xf32> to vector<256x128xf32>
    %add3A_220 = arith.addf %get3A_4, %slice3A_219 : vector<256x128xf32>
    %neg3A_221 = arith.constant 0.000000e+00 : f32
    %neg3A_222 = vector.broadcast %neg3A_221 : f32 to vector<256x128xf32>
    %neg3A_223 = arith.subf %neg3A_222, %add3A_218 : vector<256x128xf32>
    %exp3A_224 = math.exp %neg3A_223 : vector<256x128xf32>
    %add3A_225 = arith.constant 1.000000e+00 : f32
    %add3A_226 = vector.broadcast %add3A_225 : f32 to vector<256x128xf32>
    %add3A_227 = arith.addf %add3A_226, %exp3A_224 : vector<256x128xf32>
    %div3A_228 = arith.constant 1.000000e+00 : f32
    %div3A_229 = vector.broadcast %div3A_228 : f32 to vector<256x128xf32>
    %div3A_230 = arith.divf %div3A_229, %add3A_227 : vector<256x128xf32>
    %max3A_231 = arith.constant 0.000000e+00 : f32
    %max3A_232 = vector.broadcast %max3A_231 : f32 to vector<256x128xf32>
    %max3A_233 = arith.maximumf %add3A_220, %max3A_232 : vector<256x128xf32>
    %abs3A_234 = math.absf %add3A_220 : vector<256x128xf32>
    %neg3A_235 = arith.constant 0.000000e+00 : f32
    %neg3A_236 = vector.broadcast %neg3A_235 : f32 to vector<256x128xf32>
    %neg3A_237 = arith.subf %neg3A_236, %abs3A_234 : vector<256x128xf32>
    %exp3A_238 = math.exp %neg3A_237 : vector<256x128xf32>
    %log1p3A_239 = math.log1p %exp3A_238 : vector<256x128xf32>
    %add3A_240 = arith.addf %max3A_233, %log1p3A_239 : vector<256x128xf32>
    %mul3A_241 = arith.mulf %div3A_230, %add3A_240 : vector<256x128xf32>
    %max3A_242 = arith.maximumf %max3A_211, %mul3A_241 : vector<256x128xf32>
    %get3A_243 = arith.constant 8 : index
    %get3A_244 = arith.constant 0 : index
    %get3A_245 = arith.constant 0 : index
    %get3A_246 = vector.load %arg2[%get3A_243, %get3A_244, %get3A_245] : memref<16x256x256xf32, #tpu.memory_space<vmem>>, vector<1x256x256xf32>
    %get3A_247 = vector.shape_cast %get3A_246 : vector<1x256x256xf32> to vector<256x256xf32>
    %slice3A_248 = vector.extract_strided_slice %get3A_247 {offsets = [0, 0], sizes = [256, 128], strides = [1, 1]} : vector<256x256xf32> to vector<256x128xf32>
    %add3A_249 = arith.addf %get3A_1, %slice3A_248 : vector<256x128xf32>
    %slice3A_250 = vector.extract_strided_slice %get3A_247 {offsets = [0, 128], sizes = [256, 128], strides = [1, 1]} : vector<256x256xf32> to vector<256x128xf32>
    %add3A_251 = arith.addf %get3A_4, %slice3A_250 : vector<256x128xf32>
    %neg3A_252 = arith.constant 0.000000e+00 : f32
    %neg3A_253 = vector.broadcast %neg3A_252 : f32 to vector<256x128xf32>
    %neg3A_254 = arith.subf %neg3A_253, %add3A_249 : vector<256x128xf32>
    %exp3A_255 = math.exp %neg3A_254 : vector<256x128xf32>
    %add3A_256 = arith.constant 1.000000e+00 : f32
    %add3A_257 = vector.broadcast %add3A_256 : f32 to vector<256x128xf32>
    %add3A_258 = arith.addf %add3A_257, %exp3A_255 : vector<256x128xf32>
    %div3A_259 = arith.constant 1.000000e+00 : f32
    %div3A_260 = vector.broadcast %div3A_259 : f32 to vector<256x128xf32>
    %div3A_261 = arith.divf %div3A_260, %add3A_258 : vector<256x128xf32>
    %max3A_262 = arith.constant 0.000000e+00 : f32
    %max3A_263 = vector.broadcast %max3A_262 : f32 to vector<256x128xf32>
    %max3A_264 = arith.maximumf %add3A_251, %max3A_263 : vector<256x128xf32>
    %abs3A_265 = math.absf %add3A_251 : vector<256x128xf32>
    %neg3A_266 = arith.constant 0.000000e+00 : f32
    %neg3A_267 = vector.broadcast %neg3A_266 : f32 to vector<256x128xf32>
    %neg3A_268 = arith.subf %neg3A_267, %abs3A_265 : vector<256x128xf32>
    %exp3A_269 = math.exp %neg3A_268 : vector<256x128xf32>
    %log1p3A_270 = math.log1p %exp3A_269 : vector<256x128xf32>
    %add3A_271 = arith.addf %max3A_264, %log1p3A_270 : vector<256x128xf32>
    %mul3A_272 = arith.mulf %div3A_261, %add3A_271 : vector<256x128xf32>
    %max3A_273 = arith.maximumf %max3A_242, %mul3A_272 : vector<256x128xf32>
    %get3A_274 = arith.constant 9 : index
    %get3A_275 = arith.constant 0 : index
    %get3A_276 = arith.constant 0 : index
    %get3A_277 = vector.load %arg2[%get3A_274, %get3A_275, %get3A_276] : memref<16x256x256xf32, #tpu.memory_space<vmem>>, vector<1x256x256xf32>
    %get3A_278 = vector.shape_cast %get3A_277 : vector<1x256x256xf32> to vector<256x256xf32>
    %slice3A_279 = vector.extract_strided_slice %get3A_278 {offsets = [0, 0], sizes = [256, 128], strides = [1, 1]} : vector<256x256xf32> to vector<256x128xf32>
    %add3A_280 = arith.addf %get3A_1, %slice3A_279 : vector<256x128xf32>
    %slice3A_281 = vector.extract_strided_slice %get3A_278 {offsets = [0, 128], sizes = [256, 128], strides = [1, 1]} : vector<256x256xf32> to vector<256x128xf32>
    %add3A_282 = arith.addf %get3A_4, %slice3A_281 : vector<256x128xf32>
    %neg3A_283 = arith.constant 0.000000e+00 : f32
    %neg3A_284 = vector.broadcast %neg3A_283 : f32 to vector<256x128xf32>
    %neg3A_285 = arith.subf %neg3A_284, %add3A_280 : vector<256x128xf32>
    %exp3A_286 = math.exp %neg3A_285 : vector<256x128xf32>
    %add3A_287 = arith.constant 1.000000e+00 : f32
    %add3A_288 = vector.broadcast %add3A_287 : f32 to vector<256x128xf32>
    %add3A_289 = arith.addf %add3A_288, %exp3A_286 : vector<256x128xf32>
    %div3A_290 = arith.constant 1.000000e+00 : f32
    %div3A_291 = vector.broadcast %div3A_290 : f32 to vector<256x128xf32>
    %div3A_292 = arith.divf %div3A_291, %add3A_289 : vector<256x128xf32>
    %max3A_293 = arith.constant 0.000000e+00 : f32
    %max3A_294 = vector.broadcast %max3A_293 : f32 to vector<256x128xf32>
    %max3A_295 = arith.maximumf %add3A_282, %max3A_294 : vector<256x128xf32>
    %abs3A_296 = math.absf %add3A_282 : vector<256x128xf32>
    %neg3A_297 = arith.constant 0.000000e+00 : f32
    %neg3A_298 = vector.broadcast %neg3A_297 : f32 to vector<256x128xf32>
    %neg3A_299 = arith.subf %neg3A_298, %abs3A_296 : vector<256x128xf32>
    %exp3A_300 = math.exp %neg3A_299 : vector<256x128xf32>
    %log1p3A_301 = math.log1p %exp3A_300 : vector<256x128xf32>
    %add3A_302 = arith.addf %max3A_295, %log1p3A_301 : vector<256x128xf32>
    %mul3A_303 = arith.mulf %div3A_292, %add3A_302 : vector<256x128xf32>
    %max3A_304 = arith.maximumf %max3A_273, %mul3A_303 : vector<256x128xf32>
    %get3A_305 = arith.constant 10 : index
    %get3A_306 = arith.constant 0 : index
    %get3A_307 = arith.constant 0 : index
    %get3A_308 = vector.load %arg2[%get3A_305, %get3A_306, %get3A_307] : memref<16x256x256xf32, #tpu.memory_space<vmem>>, vector<1x256x256xf32>
    %get3A_309 = vector.shape_cast %get3A_308 : vector<1x256x256xf32> to vector<256x256xf32>
    %slice3A_310 = vector.extract_strided_slice %get3A_309 {offsets = [0, 0], sizes = [256, 128], strides = [1, 1]} : vector<256x256xf32> to vector<256x128xf32>
    %add3A_311 = arith.addf %get3A_1, %slice3A_310 : vector<256x128xf32>
    %slice3A_312 = vector.extract_strided_slice %get3A_309 {offsets = [0, 128], sizes = [256, 128], strides = [1, 1]} : vector<256x256xf32> to vector<256x128xf32>
    %add3A_313 = arith.addf %get3A_4, %slice3A_312 : vector<256x128xf32>
    %neg3A_314 = arith.constant 0.000000e+00 : f32
    %neg3A_315 = vector.broadcast %neg3A_314 : f32 to vector<256x128xf32>
    %neg3A_316 = arith.subf %neg3A_315, %add3A_311 : vector<256x128xf32>
    %exp3A_317 = math.exp %neg3A_316 : vector<256x128xf32>
    %add3A_318 = arith.constant 1.000000e+00 : f32
    %add3A_319 = vector.broadcast %add3A_318 : f32 to vector<256x128xf32>
    %add3A_320 = arith.addf %add3A_319, %exp3A_317 : vector<256x128xf32>
    %div3A_321 = arith.constant 1.000000e+00 : f32
    %div3A_322 = vector.broadcast %div3A_321 : f32 to vector<256x128xf32>
    %div3A_323 = arith.divf %div3A_322, %add3A_320 : vector<256x128xf32>
    %max3A_324 = arith.constant 0.000000e+00 : f32
    %max3A_325 = vector.broadcast %max3A_324 : f32 to vector<256x128xf32>
    %max3A_326 = arith.maximumf %add3A_313, %max3A_325 : vector<256x128xf32>
    %abs3A_327 = math.absf %add3A_313 : vector<256x128xf32>
    %neg3A_328 = arith.constant 0.000000e+00 : f32
    %neg3A_329 = vector.broadcast %neg3A_328 : f32 to vector<256x128xf32>
    %neg3A_330 = arith.subf %neg3A_329, %abs3A_327 : vector<256x128xf32>
    %exp3A_331 = math.exp %neg3A_330 : vector<256x128xf32>
    %log1p3A_332 = math.log1p %exp3A_331 : vector<256x128xf32>
    %add3A_333 = arith.addf %max3A_326, %log1p3A_332 : vector<256x128xf32>
    %mul3A_334 = arith.mulf %div3A_323, %add3A_333 : vector<256x128xf32>
    %max3A_335 = arith.maximumf %max3A_304, %mul3A_334 : vector<256x128xf32>
    %get3A_336 = arith.constant 11 : index
    %get3A_337 = arith.constant 0 : index
    %get3A_338 = arith.constant 0 : index
    %get3A_339 = vector.load %arg2[%get3A_336, %get3A_337, %get3A_338] : memref<16x256x256xf32, #tpu.memory_space<vmem>>, vector<1x256x256xf32>
    %get3A_340 = vector.shape_cast %get3A_339 : vector<1x256x256xf32> to vector<256x256xf32>
    %slice3A_341 = vector.extract_strided_slice %get3A_340 {offsets = [0, 0], sizes = [256, 128], strides = [1, 1]} : vector<256x256xf32> to vector<256x128xf32>
    %add3A_342 = arith.addf %get3A_1, %slice3A_341 : vector<256x128xf32>
    %slice3A_343 = vector.extract_strided_slice %get3A_340 {offsets = [0, 128], sizes = [256, 128], strides = [1, 1]} : vector<256x256xf32> to vector<256x128xf32>
    %add3A_344 = arith.addf %get3A_4, %slice3A_343 : vector<256x128xf32>
    %neg3A_345 = arith.constant 0.000000e+00 : f32
    %neg3A_346 = vector.broadcast %neg3A_345 : f32 to vector<256x128xf32>
    %neg3A_347 = arith.subf %neg3A_346, %add3A_342 : vector<256x128xf32>
    %exp3A_348 = math.exp %neg3A_347 : vector<256x128xf32>
    %add3A_349 = arith.constant 1.000000e+00 : f32
    %add3A_350 = vector.broadcast %add3A_349 : f32 to vector<256x128xf32>
    %add3A_351 = arith.addf %add3A_350, %exp3A_348 : vector<256x128xf32>
    %div3A_352 = arith.constant 1.000000e+00 : f32
    %div3A_353 = vector.broadcast %div3A_352 : f32 to vector<256x128xf32>
    %div3A_354 = arith.divf %div3A_353, %add3A_351 : vector<256x128xf32>
    %max3A_355 = arith.constant 0.000000e+00 : f32
    %max3A_356 = vector.broadcast %max3A_355 : f32 to vector<256x128xf32>
    %max3A_357 = arith.maximumf %add3A_344, %max3A_356 : vector<256x128xf32>
    %abs3A_358 = math.absf %add3A_344 : vector<256x128xf32>
    %neg3A_359 = arith.constant 0.000000e+00 : f32
    %neg3A_360 = vector.broadcast %neg3A_359 : f32 to vector<256x128xf32>
    %neg3A_361 = arith.subf %neg3A_360, %abs3A_358 : vector<256x128xf32>
    %exp3A_362 = math.exp %neg3A_361 : vector<256x128xf32>
    %log1p3A_363 = math.log1p %exp3A_362 : vector<256x128xf32>
    %add3A_364 = arith.addf %max3A_357, %log1p3A_363 : vector<256x128xf32>
    %mul3A_365 = arith.mulf %div3A_354, %add3A_364 : vector<256x128xf32>
    %max3A_366 = arith.maximumf %max3A_335, %mul3A_365 : vector<256x128xf32>
    %get3A_367 = arith.constant 12 : index
    %get3A_368 = arith.constant 0 : index
    %get3A_369 = arith.constant 0 : index
    %get3A_370 = vector.load %arg2[%get3A_367, %get3A_368, %get3A_369] : memref<16x256x256xf32, #tpu.memory_space<vmem>>, vector<1x256x256xf32>
    %get3A_371 = vector.shape_cast %get3A_370 : vector<1x256x256xf32> to vector<256x256xf32>
    %slice3A_372 = vector.extract_strided_slice %get3A_371 {offsets = [0, 0], sizes = [256, 128], strides = [1, 1]} : vector<256x256xf32> to vector<256x128xf32>
    %add3A_373 = arith.addf %get3A_1, %slice3A_372 : vector<256x128xf32>
    %slice3A_374 = vector.extract_strided_slice %get3A_371 {offsets = [0, 128], sizes = [256, 128], strides = [1, 1]} : vector<256x256xf32> to vector<256x128xf32>
    %add3A_375 = arith.addf %get3A_4, %slice3A_374 : vector<256x128xf32>
    %neg3A_376 = arith.constant 0.000000e+00 : f32
    %neg3A_377 = vector.broadcast %neg3A_376 : f32 to vector<256x128xf32>
    %neg3A_378 = arith.subf %neg3A_377, %add3A_373 : vector<256x128xf32>
    %exp3A_379 = math.exp %neg3A_378 : vector<256x128xf32>
    %add3A_380 = arith.constant 1.000000e+00 : f32
    %add3A_381 = vector.broadcast %add3A_380 : f32 to vector<256x128xf32>
    %add3A_382 = arith.addf %add3A_381, %exp3A_379 : vector<256x128xf32>
    %div3A_383 = arith.constant 1.000000e+00 : f32
    %div3A_384 = vector.broadcast %div3A_383 : f32 to vector<256x128xf32>
    %div3A_385 = arith.divf %div3A_384, %add3A_382 : vector<256x128xf32>
    %max3A_386 = arith.constant 0.000000e+00 : f32
    %max3A_387 = vector.broadcast %max3A_386 : f32 to vector<256x128xf32>
    %max3A_388 = arith.maximumf %add3A_375, %max3A_387 : vector<256x128xf32>
    %abs3A_389 = math.absf %add3A_375 : vector<256x128xf32>
    %neg3A_390 = arith.constant 0.000000e+00 : f32
    %neg3A_391 = vector.broadcast %neg3A_390 : f32 to vector<256x128xf32>
    %neg3A_392 = arith.subf %neg3A_391, %abs3A_389 : vector<256x128xf32>
    %exp3A_393 = math.exp %neg3A_392 : vector<256x128xf32>
    %log1p3A_394 = math.log1p %exp3A_393 : vector<256x128xf32>
    %add3A_395 = arith.addf %max3A_388, %log1p3A_394 : vector<256x128xf32>
    %mul3A_396 = arith.mulf %div3A_385, %add3A_395 : vector<256x128xf32>
    %max3A_397 = arith.maximumf %max3A_366, %mul3A_396 : vector<256x128xf32>
    %get3A_398 = arith.constant 13 : index
    %get3A_399 = arith.constant 0 : index
    %get3A_400 = arith.constant 0 : index
    %get3A_401 = vector.load %arg2[%get3A_398, %get3A_399, %get3A_400] : memref<16x256x256xf32, #tpu.memory_space<vmem>>, vector<1x256x256xf32>
    %get3A_402 = vector.shape_cast %get3A_401 : vector<1x256x256xf32> to vector<256x256xf32>
    %slice3A_403 = vector.extract_strided_slice %get3A_402 {offsets = [0, 0], sizes = [256, 128], strides = [1, 1]} : vector<256x256xf32> to vector<256x128xf32>
    %add3A_404 = arith.addf %get3A_1, %slice3A_403 : vector<256x128xf32>
    %slice3A_405 = vector.extract_strided_slice %get3A_402 {offsets = [0, 128], sizes = [256, 128], strides = [1, 1]} : vector<256x256xf32> to vector<256x128xf32>
    %add3A_406 = arith.addf %get3A_4, %slice3A_405 : vector<256x128xf32>
    %neg3A_407 = arith.constant 0.000000e+00 : f32
    %neg3A_408 = vector.broadcast %neg3A_407 : f32 to vector<256x128xf32>
    %neg3A_409 = arith.subf %neg3A_408, %add3A_404 : vector<256x128xf32>
    %exp3A_410 = math.exp %neg3A_409 : vector<256x128xf32>
    %add3A_411 = arith.constant 1.000000e+00 : f32
    %add3A_412 = vector.broadcast %add3A_411 : f32 to vector<256x128xf32>
    %add3A_413 = arith.addf %add3A_412, %exp3A_410 : vector<256x128xf32>
    %div3A_414 = arith.constant 1.000000e+00 : f32
    %div3A_415 = vector.broadcast %div3A_414 : f32 to vector<256x128xf32>
    %div3A_416 = arith.divf %div3A_415, %add3A_413 : vector<256x128xf32>
    %max3A_417 = arith.constant 0.000000e+00 : f32
    %max3A_418 = vector.broadcast %max3A_417 : f32 to vector<256x128xf32>
    %max3A_419 = arith.maximumf %add3A_406, %max3A_418 : vector<256x128xf32>
    %abs3A_420 = math.absf %add3A_406 : vector<256x128xf32>
    %neg3A_421 = arith.constant 0.000000e+00 : f32
    %neg3A_422 = vector.broadcast %neg3A_421 : f32 to vector<256x128xf32>
    %neg3A_423 = arith.subf %neg3A_422, %abs3A_420 : vector<256x128xf32>
    %exp3A_424 = math.exp %neg3A_423 : vector<256x128xf32>
    %log1p3A_425 = math.log1p %exp3A_424 : vector<256x128xf32>
    %add3A_426 = arith.addf %max3A_419, %log1p3A_425 : vector<256x128xf32>
    %mul3A_427 = arith.mulf %div3A_416, %add3A_426 : vector<256x128xf32>
    %max3A_428 = arith.maximumf %max3A_397, %mul3A_427 : vector<256x128xf32>
    %get3A_429 = arith.constant 14 : index
    %get3A_430 = arith.constant 0 : index
    %get3A_431 = arith.constant 0 : index
    %get3A_432 = vector.load %arg2[%get3A_429, %get3A_430, %get3A_431] : memref<16x256x256xf32, #tpu.memory_space<vmem>>, vector<1x256x256xf32>
    %get3A_433 = vector.shape_cast %get3A_432 : vector<1x256x256xf32> to vector<256x256xf32>
    %slice3A_434 = vector.extract_strided_slice %get3A_433 {offsets = [0, 0], sizes = [256, 128], strides = [1, 1]} : vector<256x256xf32> to vector<256x128xf32>
    %add3A_435 = arith.addf %get3A_1, %slice3A_434 : vector<256x128xf32>
    %slice3A_436 = vector.extract_strided_slice %get3A_433 {offsets = [0, 128], sizes = [256, 128], strides = [1, 1]} : vector<256x256xf32> to vector<256x128xf32>
    %add3A_437 = arith.addf %get3A_4, %slice3A_436 : vector<256x128xf32>
    %neg3A_438 = arith.constant 0.000000e+00 : f32
    %neg3A_439 = vector.broadcast %neg3A_438 : f32 to vector<256x128xf32>
    %neg3A_440 = arith.subf %neg3A_439, %add3A_435 : vector<256x128xf32>
    %exp3A_441 = math.exp %neg3A_440 : vector<256x128xf32>
    %add3A_442 = arith.constant 1.000000e+00 : f32
    %add3A_443 = vector.broadcast %add3A_442 : f32 to vector<256x128xf32>
    %add3A_444 = arith.addf %add3A_443, %exp3A_441 : vector<256x128xf32>
    %div3A_445 = arith.constant 1.000000e+00 : f32
    %div3A_446 = vector.broadcast %div3A_445 : f32 to vector<256x128xf32>
    %div3A_447 = arith.divf %div3A_446, %add3A_444 : vector<256x128xf32>
    %max3A_448 = arith.constant 0.000000e+00 : f32
    %max3A_449 = vector.broadcast %max3A_448 : f32 to vector<256x128xf32>
    %max3A_450 = arith.maximumf %add3A_437, %max3A_449 : vector<256x128xf32>
    %abs3A_451 = math.absf %add3A_437 : vector<256x128xf32>
    %neg3A_452 = arith.constant 0.000000e+00 : f32
    %neg3A_453 = vector.broadcast %neg3A_452 : f32 to vector<256x128xf32>
    %neg3A_454 = arith.subf %neg3A_453, %abs3A_451 : vector<256x128xf32>
    %exp3A_455 = math.exp %neg3A_454 : vector<256x128xf32>
    %log1p3A_456 = math.log1p %exp3A_455 : vector<256x128xf32>
    %add3A_457 = arith.addf %max3A_450, %log1p3A_456 : vector<256x128xf32>
    %mul3A_458 = arith.mulf %div3A_447, %add3A_457 : vector<256x128xf32>
    %max3A_459 = arith.maximumf %max3A_428, %mul3A_458 : vector<256x128xf32>
    %get3A_460 = arith.constant 15 : index
    %get3A_461 = arith.constant 0 : index
    %get3A_462 = arith.constant 0 : index
    %get3A_463 = vector.load %arg2[%get3A_460, %get3A_461, %get3A_462] : memref<16x256x256xf32, #tpu.memory_space<vmem>>, vector<1x256x256xf32>
    %get3A_464 = vector.shape_cast %get3A_463 : vector<1x256x256xf32> to vector<256x256xf32>
    %slice3A_465 = vector.extract_strided_slice %get3A_464 {offsets = [0, 0], sizes = [256, 128], strides = [1, 1]} : vector<256x256xf32> to vector<256x128xf32>
    %add3A_466 = arith.addf %get3A_1, %slice3A_465 : vector<256x128xf32>
    %slice3A_467 = vector.extract_strided_slice %get3A_464 {offsets = [0, 128], sizes = [256, 128], strides = [1, 1]} : vector<256x256xf32> to vector<256x128xf32>
    %add3A_468 = arith.addf %get3A_4, %slice3A_467 : vector<256x128xf32>
    %neg3A_469 = arith.constant 0.000000e+00 : f32
    %neg3A_470 = vector.broadcast %neg3A_469 : f32 to vector<256x128xf32>
    %neg3A_471 = arith.subf %neg3A_470, %add3A_466 : vector<256x128xf32>
    %exp3A_472 = math.exp %neg3A_471 : vector<256x128xf32>
    %add3A_473 = arith.constant 1.000000e+00 : f32
    %add3A_474 = vector.broadcast %add3A_473 : f32 to vector<256x128xf32>
    %add3A_475 = arith.addf %add3A_474, %exp3A_472 : vector<256x128xf32>
    %div3A_476 = arith.constant 1.000000e+00 : f32
    %div3A_477 = vector.broadcast %div3A_476 : f32 to vector<256x128xf32>
    %div3A_478 = arith.divf %div3A_477, %add3A_475 : vector<256x128xf32>
    %max3A_479 = arith.constant 0.000000e+00 : f32
    %max3A_480 = vector.broadcast %max3A_479 : f32 to vector<256x128xf32>
    %max3A_481 = arith.maximumf %add3A_468, %max3A_480 : vector<256x128xf32>
    %abs3A_482 = math.absf %add3A_468 : vector<256x128xf32>
    %neg3A_483 = arith.constant 0.000000e+00 : f32
    %neg3A_484 = vector.broadcast %neg3A_483 : f32 to vector<256x128xf32>
    %neg3A_485 = arith.subf %neg3A_484, %abs3A_482 : vector<256x128xf32>
    %exp3A_486 = math.exp %neg3A_485 : vector<256x128xf32>
    %log1p3A_487 = math.log1p %exp3A_486 : vector<256x128xf32>
    %add3A_488 = arith.addf %max3A_481, %log1p3A_487 : vector<256x128xf32>
    %mul3A_489 = arith.mulf %div3A_478, %add3A_488 : vector<256x128xf32>
    %max3A_490 = arith.maximumf %max3A_459, %mul3A_489 : vector<256x128xf32>
    %swap3A = arith.constant 0 : index
    %swap3A_491 = arith.constant 0 : index
    %swap3A_492 = vector.load %arg5[%swap3A, %swap3A_491] : memref<256x128xf32, #tpu.memory_space<vmem>>, vector<256x128xf32>
    tpu.vector_store %arg5[%swap3A, %swap3A_491], %max3A_490 {strides = array<i32>} : memref<256x128xf32, #tpu.memory_space<vmem>>, vector<256x128xf32>,
    %reduce_sum3A = arith.constant dense<0.000000e+00> : vector<128xf32>
    %reduce_sum3A_493 = vector.multi_reduction <add>, %max3A_490, %reduce_sum3A [0] : vector<256x128xf32> to vector<128xf32>
    %broadcast_in_dim3A = vector.shape_cast %reduce_sum3A_493 : vector<128xf32> to vector<1x128xf32>
    %mul3A_494 = arith.mulf %max3A_490, %max3A_490 : vector<256x128xf32>
    %reduce_sum3A_495 = arith.constant dense<0.000000e+00> : vector<128xf32>
    %reduce_sum3A_496 = vector.multi_reduction <add>, %mul3A_494, %reduce_sum3A_495 [0] : vector<256x128xf32> to vector<128xf32>
    %broadcast_in_dim3A_497 = vector.shape_cast %reduce_sum3A_496 : vector<128xf32> to vector<1x128xf32>
    %broadcast_in_dim3A_498 = vector.shape_cast %broadcast_in_dim3A : vector<1x128xf32> to vector<1x1x128xf32>
    %broadcast_in_dim3A_499 = vector.shape_cast %broadcast_in_dim3A_497 : vector<1x128xf32> to vector<1x1x128xf32>
    %concatenate3A = tpu.concatenate %broadcast_in_dim3A_498, %broadcast_in_dim3A_499 in 1 : vector<1x1x128xf32>, vector<1x1x128xf32> -> vector<1x2x128xf32>
    %rem3A = arith.constant 4 : i32
    %rem3A_500 = arith.remsi %arg0, %rem3A : i32
    %eq3A = arith.constant 0 : i32
    %eq3A_501 = arith.cmpi eq, %rem3A_500, %eq3A : i32
    %eq3A_502 = arith.constant 0 : i32
    %eq3A_503 = arith.cmpi eq, %arg1, %eq3A_502 : i32
    %and3A = arith.andi %eq3A_501, %eq3A_503 : i1
    %convert_element_type3A = arith.extui %and3A : i1 to i32
    %cond3A = arith.constant 0 : i32
    %cond3A_504 = arith.cmpi ne, %convert_element_type3A, %cond3A : i32
    scf.if %cond3A_504 {
      %swap3A_509 = arith.constant 0 : index
      %swap3A_510 = arith.constant 0 : index
      %swap3A_511 = arith.constant 0 : index
      %swap3A_512 = vector.load %arg6[%swap3A_509, %swap3A_510, %swap3A_511] : memref<1x2x128xf32, #tpu.memory_space<vmem>>, vector<1x2x128xf32>
      tpu.vector_store %arg6[%swap3A_509, %swap3A_510, %swap3A_511], %concatenate3A {strides = array<i32>} : memref<1x2x128xf32, #tpu.memory_space<vmem>>, vector<1x2x128xf32>,
    } else {
    }
    %not3A = arith.constant true
    %not3A_505 = arith.xori %and3A, %not3A : i1
    %convert_element_type3A_506 = arith.extui %not3A_505 : i1 to i32
    %cond3A_507 = arith.constant 0 : i32
    %cond3A_508 = arith.cmpi ne, %convert_element_type3A_506, %cond3A_507 : i32
    scf.if %cond3A_508 {
      %get3A_509 = arith.constant 0 : index
      %get3A_510 = arith.constant 0 : index
      %get3A_511 = arith.constant 0 : index
      %get3A_512 = vector.load %arg6[%get3A_509, %get3A_510, %get3A_511] : memref<1x2x128xf32, #tpu.memory_space<vmem>>, vector<1x2x128xf32>
      %add3A_513 = arith.addf %get3A_512, %concatenate3A : vector<1x2x128xf32>
      %swap3A_514 = arith.constant 0 : index
      %swap3A_515 = arith.constant 0 : index
      %swap3A_516 = arith.constant 0 : index
      %swap3A_517 = vector.load %arg6[%swap3A_514, %swap3A_515, %swap3A_516] : memref<1x2x128xf32, #tpu.memory_space<vmem>>, vector<1x2x128xf32>
      tpu.vector_store %arg6[%swap3A_514, %swap3A_515, %swap3A_516], %add3A_513 {strides = array<i32>} : memref<1x2x128xf32, #tpu.memory_space<vmem>>, vector<1x2x128xf32>,
    } else {
    }
    return
  }
  func.func @transform_0(%arg0: i32, %arg1: i32) -> (i32, i32, i32) {
    %mul3A = arith.constant 4 : i32
    %mul3A_0 = arith.muli %arg0, %mul3A : i32
    %add3A = arith.addi %mul3A_0, %arg1 : i32
    %c0_i32 = arith.constant 0 : i32
    %c0_i32_1 = arith.constant 0 : i32
    %c0_i32_2 = arith.constant 0 : i32
    return %c0_i32, %add3A, %c0_i32_1 : i32, i32, i32
  }
  func.func @transform_1(%arg0: i32, %arg1: i32) -> (i32, i32) {
    %mul3A = arith.constant 4 : i32
    %mul3A_0 = arith.muli %arg0, %mul3A : i32
    %add3A = arith.addi %mul3A_0, %arg1 : i32
    %c0_i32 = arith.constant 0 : i32
    %c0_i32_1 = arith.constant 0 : i32
    return %add3A, %c0_i32 : i32, i32
  }
  func.func @transform_2(%arg0: i32, %arg1: i32) -> (i32, i32) {
    %mul3A = arith.constant 4 : i32
    %mul3A_0 = arith.muli %arg0, %mul3A : i32
    %add3A = arith.addi %mul3A_0, %arg1 : i32
    %c0_i32 = arith.constant 0 : i32
    %c0_i32_1 = arith.constant 0 : i32
    return %add3A, %c0_i32 : i32, i32
  }
  func.func @transform_3(%arg0: i32, %arg1: i32) -> (i32, i32) {
    %mul3A = arith.constant 4 : i32
    %mul3A_0 = arith.muli %arg0, %mul3A : i32
    %add3A = arith.addi %mul3A_0, %arg1 : i32
    %c0_i32 = arith.constant 0 : i32
    %c0_i32_1 = arith.constant 0 : i32
    return %add3A, %c0_i32 : i32, i32
  }
  func.func @transform_4(%arg0: i32, %arg1: i32) -> (i32, i32, i32) {
    %c0_i32 = arith.constant 0 : i32
    %c0_i32_0 = arith.constant 0 : i32
    %c0_i32_1 = arith.constant 0 : i32
    %c0_i32_2 = arith.constant 0 : i32
    return %c0_i32, %c0_i32_0, %c0_i32_1 : i32, i32, i32
  }
}

module attributes {stable_mosaic.version = 14 : i64} {
  func.func @_cross_prop_body(%arg0: i32, %arg1: memref<1x1024x128xf32, #tpu.memory_space<vmem>>, %arg2: memref<1x1024x128xf32, #tpu.memory_space<vmem>>, %arg3: memref<1x1024x128xf32, #tpu.memory_space<vmem>>, %arg4: memref<1x1024x128xf32, #tpu.memory_space<vmem>>, %arg5: memref<2x2x128xf32, #tpu.memory_space<vmem>>, %arg6: memref<1x128xf32, #tpu.memory_space<vmem>>, %arg7: memref<1x128xf32, #tpu.memory_space<vmem>>, %arg8: memref<5x256x64xf32, #tpu.memory_space<vmem>>, %arg9: memref<5x1x64xf32, #tpu.memory_space<vmem>>, %arg10: memref<5x64x128xf32, #tpu.memory_space<vmem>>, %arg11: memref<5x1x128xf32, #tpu.memory_space<vmem>>, %arg12: memref<1x1024x128xf32, #tpu.memory_space<vmem>>, %arg13: memref<1x1024x128xf32, #tpu.memory_space<vmem>>, %arg14: memref<1024x128xf32, #tpu.memory_space<vmem>>, %arg15: memref<1024x128xf32, #tpu.memory_space<vmem>>, %arg16: memref<1024x128xf32, #tpu.memory_space<vmem>>, %arg17: memref<1024x128xf32, #tpu.memory_space<vmem>>) attributes {dimension_semantics = [#tpu.dimension_semantics<arbitrary>], iteration_bounds = array<i64: 4>, scalar_prefetch = 0 : i64, scratch_operands = 4 : i64, tpu.core_type = #tpu.core_type<tc>, window_params = [{transform_indices = @transform_0, window_bounds = array<i64: 1, 1024, 128>}, {transform_indices = @transform_1, window_bounds = array<i64: 1, 1024, 128>}, {transform_indices = @transform_2, window_bounds = array<i64: 1, 1024, 128>}, {transform_indices = @transform_3, window_bounds = array<i64: 1, 1024, 128>}, {pipeline_mode = #tpu.pipeline_mode<synchronous>, transform_indices = @transform_4, window_bounds = array<i64: 2, 2, 128>}, {pipeline_mode = #tpu.pipeline_mode<synchronous>, transform_indices = @transform_5, window_bounds = array<i64: 1, 128>}, {pipeline_mode = #tpu.pipeline_mode<synchronous>, transform_indices = @transform_6, window_bounds = array<i64: 1, 128>}, {pipeline_mode = #tpu.pipeline_mode<synchronous>, transform_indices = @transform_7, window_bounds = array<i64: 5, 256, 64>}, {pipeline_mode = #tpu.pipeline_mode<synchronous>, transform_indices = @transform_8, window_bounds = array<i64: 5, 1, 64>}, {pipeline_mode = #tpu.pipeline_mode<synchronous>, transform_indices = @transform_9, window_bounds = array<i64: 5, 64, 128>}, {pipeline_mode = #tpu.pipeline_mode<synchronous>, transform_indices = @transform_10, window_bounds = array<i64: 5, 1, 128>}, {transform_indices = @transform_11, window_bounds = array<i64: 1, 1024, 128>}, {transform_indices = @transform_12, window_bounds = array<i64: 1, 1024, 128>}]} {
    %get3A = arith.constant 0 : index
    %get3A_0 = arith.constant 0 : index
    %get3A_1 = vector.load %arg6[%get3A, %get3A_0] : memref<1x128xf32, #tpu.memory_space<vmem>>, vector<1x128xf32>
    %get3A_2 = arith.constant 0 : index
    %get3A_3 = arith.constant 0 : index
    %get3A_4 = vector.load %arg7[%get3A_2, %get3A_3] : memref<1x128xf32, #tpu.memory_space<vmem>>, vector<1x128xf32>
    %get3A_5 = arith.constant 0 : index
    %get3A_6 = arith.constant 0 : index
    %get3A_7 = arith.constant 0 : index
    %get3A_8 = vector.load %arg5[%get3A_5, %get3A_6, %get3A_7] : memref<2x2x128xf32, #tpu.memory_space<vmem>>, vector<1x1x128xf32>
    %get3A_9 = vector.shape_cast %get3A_8 : vector<1x1x128xf32> to vector<1x128xf32>
    %get3A_10 = arith.constant 0 : index
    %get3A_11 = arith.constant 1 : index
    %get3A_12 = arith.constant 0 : index
    %get3A_13 = vector.load %arg5[%get3A_10, %get3A_11, %get3A_12] : memref<2x2x128xf32, #tpu.memory_space<vmem>>, vector<1x1x128xf32>
    %get3A_14 = vector.shape_cast %get3A_13 : vector<1x1x128xf32> to vector<1x128xf32>
    %div3A = arith.constant 4.096000e+03 : f32
    %div3A_15 = vector.broadcast %div3A : f32 to vector<1x128xf32>
    %div3A_16 = arith.divf %get3A_9, %div3A_15 : vector<1x128xf32>
    %div3A_17 = arith.constant 4.096000e+03 : f32
    %div3A_18 = vector.broadcast %div3A_17 : f32 to vector<1x128xf32>
    %div3A_19 = arith.divf %get3A_14, %div3A_18 : vector<1x128xf32>
    %mul3A = arith.mulf %div3A_16, %div3A_16 : vector<1x128xf32>
    %sub3A = arith.subf %div3A_19, %mul3A : vector<1x128xf32>
    %add3A = arith.constant 9.99999974E-6 : f32
    %add3A_20 = vector.broadcast %add3A : f32 to vector<1x128xf32>
    %add3A_21 = arith.addf %sub3A, %add3A_20 : vector<1x128xf32>
    %rsqrt3A = math.rsqrt %add3A_21 : vector<1x128xf32>
    %get3A_22 = arith.constant 0 : index
    %get3A_23 = arith.constant 0 : index
    %get3A_24 = arith.constant 0 : index
    %get3A_25 = vector.load %arg1[%get3A_22, %get3A_23, %get3A_24] : memref<1x1024x128xf32, #tpu.memory_space<vmem>>, vector<1x1024x128xf32>
    %get3A_26 = vector.shape_cast %get3A_25 : vector<1x1024x128xf32> to vector<1024x128xf32>
    %get3A_27 = arith.constant 0 : index
    %get3A_28 = arith.constant 0 : index
    %get3A_29 = arith.constant 0 : index
    %get3A_30 = vector.load %arg3[%get3A_27, %get3A_28, %get3A_29] : memref<1x1024x128xf32, #tpu.memory_space<vmem>>, vector<1x1024x128xf32>
    %get3A_31 = vector.shape_cast %get3A_30 : vector<1x1024x128xf32> to vector<1024x128xf32>
    %sub3A_32 = vector.broadcast %div3A_16 : vector<1x128xf32> to vector<1024x128xf32>
    %sub3A_33 = arith.subf %get3A_31, %sub3A_32 : vector<1024x128xf32>
    %mul3A_34 = vector.broadcast %rsqrt3A : vector<1x128xf32> to vector<1024x128xf32>
    %mul3A_35 = arith.mulf %sub3A_33, %mul3A_34 : vector<1024x128xf32>
    %mul3A_36 = vector.broadcast %get3A_1 : vector<1x128xf32> to vector<1024x128xf32>
    %mul3A_37 = arith.mulf %mul3A_35, %mul3A_36 : vector<1024x128xf32>
    %add3A_38 = arith.addf %get3A_26, %mul3A_37 : vector<1024x128xf32>
    %add3A_39 = vector.broadcast %get3A_4 : vector<1x128xf32> to vector<1024x128xf32>
    %add3A_40 = arith.addf %add3A_38, %add3A_39 : vector<1024x128xf32>
    %swap3A = arith.constant 0 : index
    %swap3A_41 = arith.constant 0 : index
    %swap3A_42 = vector.load %arg14[%swap3A, %swap3A_41] : memref<1024x128xf32, #tpu.memory_space<vmem>>, vector<1024x128xf32>
    tpu.vector_store %arg14[%swap3A, %swap3A_41], %add3A_40 {strides = array<i32>} : memref<1024x128xf32, #tpu.memory_space<vmem>>, vector<1024x128xf32>,
    %get3A_43 = arith.constant 1 : index
    %get3A_44 = arith.constant 0 : index
    %get3A_45 = arith.constant 0 : index
    %get3A_46 = vector.load %arg5[%get3A_43, %get3A_44, %get3A_45] : memref<2x2x128xf32, #tpu.memory_space<vmem>>, vector<1x1x128xf32>
    %get3A_47 = vector.shape_cast %get3A_46 : vector<1x1x128xf32> to vector<1x128xf32>
    %get3A_48 = arith.constant 1 : index
    %get3A_49 = arith.constant 1 : index
    %get3A_50 = arith.constant 0 : index
    %get3A_51 = vector.load %arg5[%get3A_48, %get3A_49, %get3A_50] : memref<2x2x128xf32, #tpu.memory_space<vmem>>, vector<1x1x128xf32>
    %get3A_52 = vector.shape_cast %get3A_51 : vector<1x1x128xf32> to vector<1x128xf32>
    %div3A_53 = arith.constant 4.096000e+03 : f32
    %div3A_54 = vector.broadcast %div3A_53 : f32 to vector<1x128xf32>
    %div3A_55 = arith.divf %get3A_47, %div3A_54 : vector<1x128xf32>
    %div3A_56 = arith.constant 4.096000e+03 : f32
    %div3A_57 = vector.broadcast %div3A_56 : f32 to vector<1x128xf32>
    %div3A_58 = arith.divf %get3A_52, %div3A_57 : vector<1x128xf32>
    %mul3A_59 = arith.mulf %div3A_55, %div3A_55 : vector<1x128xf32>
    %sub3A_60 = arith.subf %div3A_58, %mul3A_59 : vector<1x128xf32>
    %add3A_61 = arith.constant 9.99999974E-6 : f32
    %add3A_62 = vector.broadcast %add3A_61 : f32 to vector<1x128xf32>
    %add3A_63 = arith.addf %sub3A_60, %add3A_62 : vector<1x128xf32>
    %rsqrt3A_64 = math.rsqrt %add3A_63 : vector<1x128xf32>
    %get3A_65 = arith.constant 0 : index
    %get3A_66 = arith.constant 0 : index
    %get3A_67 = arith.constant 0 : index
    %get3A_68 = vector.load %arg2[%get3A_65, %get3A_66, %get3A_67] : memref<1x1024x128xf32, #tpu.memory_space<vmem>>, vector<1x1024x128xf32>
    %get3A_69 = vector.shape_cast %get3A_68 : vector<1x1024x128xf32> to vector<1024x128xf32>
    %get3A_70 = arith.constant 0 : index
    %get3A_71 = arith.constant 0 : index
    %get3A_72 = arith.constant 0 : index
    %get3A_73 = vector.load %arg4[%get3A_70, %get3A_71, %get3A_72] : memref<1x1024x128xf32, #tpu.memory_space<vmem>>, vector<1x1024x128xf32>
    %get3A_74 = vector.shape_cast %get3A_73 : vector<1x1024x128xf32> to vector<1024x128xf32>
    %sub3A_75 = vector.broadcast %div3A_55 : vector<1x128xf32> to vector<1024x128xf32>
    %sub3A_76 = arith.subf %get3A_74, %sub3A_75 : vector<1024x128xf32>
    %mul3A_77 = vector.broadcast %rsqrt3A_64 : vector<1x128xf32> to vector<1024x128xf32>
    %mul3A_78 = arith.mulf %sub3A_76, %mul3A_77 : vector<1024x128xf32>
    %mul3A_79 = vector.broadcast %get3A_1 : vector<1x128xf32> to vector<1024x128xf32>
    %mul3A_80 = arith.mulf %mul3A_78, %mul3A_79 : vector<1024x128xf32>
    %add3A_81 = arith.addf %get3A_69, %mul3A_80 : vector<1024x128xf32>
    %add3A_82 = vector.broadcast %get3A_4 : vector<1x128xf32> to vector<1024x128xf32>
    %add3A_83 = arith.addf %add3A_81, %add3A_82 : vector<1024x128xf32>
    %swap3A_84 = arith.constant 0 : index
    %swap3A_85 = arith.constant 0 : index
    %swap3A_86 = vector.load %arg15[%swap3A_84, %swap3A_85] : memref<1024x128xf32, #tpu.memory_space<vmem>>, vector<1024x128xf32>
    tpu.vector_store %arg15[%swap3A_84, %swap3A_85], %add3A_83 {strides = array<i32>} : memref<1024x128xf32, #tpu.memory_space<vmem>>, vector<1024x128xf32>,
    %get3A_87 = arith.constant 0 : index
    %get3A_88 = arith.constant 0 : index
    %get3A_89 = arith.constant 0 : index
    %get3A_90 = vector.load %arg8[%get3A_87, %get3A_88, %get3A_89] : memref<5x256x64xf32, #tpu.memory_space<vmem>>, vector<1x256x64xf32>
    %get3A_91 = vector.shape_cast %get3A_90 : vector<1x256x64xf32> to vector<256x64xf32>
    %convert_element_type3A = arith.truncf %get3A_91 : vector<256x64xf32> to vector<256x64xbf16>
    %get3A_92 = arith.constant 0 : index
    %get3A_93 = arith.constant 0 : index
    %get3A_94 = arith.constant 0 : index
    %get3A_95 = vector.load %arg9[%get3A_92, %get3A_93, %get3A_94] : memref<5x1x64xf32, #tpu.memory_space<vmem>>, vector<1x1x64xf32>
    %get3A_96 = vector.shape_cast %get3A_95 : vector<1x1x64xf32> to vector<1x64xf32>
    %get3A_97 = arith.constant 0 : index
    %get3A_98 = arith.constant 0 : index
    %get3A_99 = arith.constant 0 : index
    %get3A_100 = vector.load %arg10[%get3A_97, %get3A_98, %get3A_99] : memref<5x64x128xf32, #tpu.memory_space<vmem>>, vector<1x64x128xf32>
    %get3A_101 = vector.shape_cast %get3A_100 : vector<1x64x128xf32> to vector<64x128xf32>
    %convert_element_type3A_102 = arith.truncf %get3A_101 : vector<64x128xf32> to vector<64x128xbf16>
    %get3A_103 = arith.constant 0 : index
    %get3A_104 = arith.constant 0 : index
    %get3A_105 = arith.constant 0 : index
    %get3A_106 = vector.load %arg11[%get3A_103, %get3A_104, %get3A_105] : memref<5x1x128xf32, #tpu.memory_space<vmem>>, vector<1x1x128xf32>
    %get3A_107 = vector.shape_cast %get3A_106 : vector<1x1x128xf32> to vector<1x128xf32>
    %get3A_108 = arith.constant 0 : index
    %get3A_109 = arith.constant 0 : index
    %get3A_110 = vector.load %arg14[%get3A_108, %get3A_109] : memref<1024x128xf32, #tpu.memory_space<vmem>>, vector<1024x128xf32>
    %convert_element_type3A_111 = arith.truncf %get3A_110 : vector<1024x128xf32> to vector<1024x128xbf16>
    %get3A_112 = arith.constant 0 : index
    %get3A_113 = arith.constant 0 : index
    %get3A_114 = vector.load %arg15[%get3A_112, %get3A_113] : memref<1024x128xf32, #tpu.memory_space<vmem>>, vector<1024x128xf32>
    %convert_element_type3A_115 = arith.truncf %get3A_114 : vector<1024x128xf32> to vector<1024x128xbf16>
    %slice3A = vector.extract_strided_slice %convert_element_type3A_111 {offsets = [0, 0], sizes = [256, 128], strides = [1, 1]} : vector<1024x128xbf16> to vector<256x128xbf16>
    %slice3A_116 = vector.extract_strided_slice %convert_element_type3A_115 {offsets = [0, 0], sizes = [256, 128], strides = [1, 1]} : vector<1024x128xbf16> to vector<256x128xbf16>
    %dot_general3A = arith.constant dense<0.000000e+00> : vector<256x1024xf32>
    %dot_general3A_117 = tpu.matmul %slice3A, %convert_element_type3A_115, %dot_general3A {dimension_numbers = #tpu.dot_dimension_numbers<[1], [1], [0], [0], [0, 0, 1, 0], [], []>, transpose_lhs_hint = false} : vector<256x128xbf16>, vector<1024x128xbf16>, vector<256x1024xf32> -> vector<256x1024xf32>
    %dot_general3A_118 = arith.constant dense<0.000000e+00> : vector<256x1024xf32>
    %dot_general3A_119 = tpu.matmul %slice3A_116, %convert_element_type3A_111, %dot_general3A_118 {dimension_numbers = #tpu.dot_dimension_numbers<[1], [1], [0], [0], [0, 0, 1, 0], [], []>, transpose_lhs_hint = false} : vector<256x128xbf16>, vector<1024x128xbf16>, vector<256x1024xf32> -> vector<256x1024xf32>
    %reduce_max3A = arith.constant dense<0xFF800000> : vector<256xf32>
    %reduce_max3A_120 = vector.multi_reduction <maximumf>, %dot_general3A_117, %reduce_max3A [1] : vector<256x1024xf32> to vector<256xf32>
    %broadcast_in_dim3A = vector.shape_cast %reduce_max3A_120 : vector<256xf32> to vector<256x1xf32>
    %sub3A_121 = vector.broadcast %broadcast_in_dim3A : vector<256x1xf32> to vector<256x1024xf32>
    %sub3A_122 = arith.subf %dot_general3A_117, %sub3A_121 : vector<256x1024xf32>
    %exp3A = math.exp %sub3A_122 : vector<256x1024xf32>
    %reduce_sum3A = arith.constant dense<0.000000e+00> : vector<256xf32>
    %reduce_sum3A_123 = vector.multi_reduction <add>, %exp3A, %reduce_sum3A [1] : vector<256x1024xf32> to vector<256xf32>
    %broadcast_in_dim3A_124 = vector.shape_cast %reduce_sum3A_123 : vector<256xf32> to vector<256x1xf32>
    %div3A_125 = vector.broadcast %broadcast_in_dim3A_124 : vector<256x1xf32> to vector<256x1024xf32>
    %div3A_126 = arith.divf %exp3A, %div3A_125 : vector<256x1024xf32>
    %convert_element_type3A_127 = arith.truncf %div3A_126 : vector<256x1024xf32> to vector<256x1024xbf16>
    %reduce_max3A_128 = arith.constant dense<0xFF800000> : vector<256xf32>
    %reduce_max3A_129 = vector.multi_reduction <maximumf>, %dot_general3A_119, %reduce_max3A_128 [1] : vector<256x1024xf32> to vector<256xf32>
    %broadcast_in_dim3A_130 = vector.shape_cast %reduce_max3A_129 : vector<256xf32> to vector<256x1xf32>
    %sub3A_131 = vector.broadcast %broadcast_in_dim3A_130 : vector<256x1xf32> to vector<256x1024xf32>
    %sub3A_132 = arith.subf %dot_general3A_119, %sub3A_131 : vector<256x1024xf32>
    %exp3A_133 = math.exp %sub3A_132 : vector<256x1024xf32>
    %reduce_sum3A_134 = arith.constant dense<0.000000e+00> : vector<256xf32>
    %reduce_sum3A_135 = vector.multi_reduction <add>, %exp3A_133, %reduce_sum3A_134 [1] : vector<256x1024xf32> to vector<256xf32>
    %broadcast_in_dim3A_136 = vector.shape_cast %reduce_sum3A_135 : vector<256xf32> to vector<256x1xf32>
    %div3A_137 = vector.broadcast %broadcast_in_dim3A_136 : vector<256x1xf32> to vector<256x1024xf32>
    %div3A_138 = arith.divf %exp3A_133, %div3A_137 : vector<256x1024xf32>
    %convert_element_type3A_139 = arith.truncf %div3A_138 : vector<256x1024xf32> to vector<256x1024xbf16>
    %dot_general3A_140 = arith.constant dense<0.000000e+00> : vector<256x128xf32>
    %dot_general3A_141 = tpu.matmul %convert_element_type3A_127, %convert_element_type3A_115, %dot_general3A_140 {dimension_numbers = #tpu.dot_dimension_numbers<[1], [0], [0], [1], [0, 0, 1, 1], [], []>, transpose_lhs_hint = false} : vector<256x1024xbf16>, vector<1024x128xbf16>, vector<256x128xf32> -> vector<256x128xf32>
    %dot_general3A_142 = arith.constant dense<0.000000e+00> : vector<256x128xf32>
    %dot_general3A_143 = tpu.matmul %convert_element_type3A_139, %convert_element_type3A_111, %dot_general3A_142 {dimension_numbers = #tpu.dot_dimension_numbers<[1], [0], [0], [1], [0, 0, 1, 1], [], []>, transpose_lhs_hint = false} : vector<256x1024xbf16>, vector<1024x128xbf16>, vector<256x128xf32> -> vector<256x128xf32>
    %get3A_144 = arith.constant 0 : index
    %get3A_145 = arith.constant 0 : index
    %get3A_146 = vector.load %arg14[%get3A_144, %get3A_145] : memref<1024x128xf32, #tpu.memory_space<vmem>>, vector<256x128xf32>
    %sub3A_147 = arith.subf %get3A_146, %dot_general3A_141 : vector<256x128xf32>
    %get3A_148 = arith.constant 0 : index
    %get3A_149 = arith.constant 0 : index
    %get3A_150 = vector.load %arg15[%get3A_148, %get3A_149] : memref<1024x128xf32, #tpu.memory_space<vmem>>, vector<256x128xf32>
    %sub3A_151 = arith.subf %get3A_150, %dot_general3A_143 : vector<256x128xf32>
    %slice3A_152 = vector.extract_strided_slice %convert_element_type3A {offsets = [0, 0], sizes = [128, 64], strides = [1, 1]} : vector<256x64xbf16> to vector<128x64xbf16>
    %dot_general3A_153 = arith.constant dense<0.000000e+00> : vector<256x64xf32>
    %dot_general3A_154 = tpu.matmul %slice3A, %slice3A_152, %dot_general3A_153 {dimension_numbers = #tpu.dot_dimension_numbers<[1], [0], [0], [1], [0, 0, 1, 1], [], []>, transpose_lhs_hint = false} : vector<256x128xbf16>, vector<128x64xbf16>, vector<256x64xf32> -> vector<256x64xf32>
    %convert_element_type3A_155 = arith.truncf %sub3A_147 : vector<256x128xf32> to vector<256x128xbf16>
    %slice3A_156 = vector.extract_strided_slice %convert_element_type3A {offsets = [128, 0], sizes = [128, 64], strides = [1, 1]} : vector<256x64xbf16> to vector<128x64xbf16>
    %dot_general3A_157 = arith.constant dense<0.000000e+00> : vector<256x64xf32>
    %dot_general3A_158 = tpu.matmul %convert_element_type3A_155, %slice3A_156, %dot_general3A_157 {dimension_numbers = #tpu.dot_dimension_numbers<[1], [0], [0], [1], [0, 0, 1, 1], [], []>, transpose_lhs_hint = false} : vector<256x128xbf16>, vector<128x64xbf16>, vector<256x64xf32> -> vector<256x64xf32>
    %add3A_159 = arith.addf %dot_general3A_154, %dot_general3A_158 : vector<256x64xf32>
    %add3A_160 = vector.broadcast %get3A_96 : vector<1x64xf32> to vector<256x64xf32>
    %add3A_161 = arith.addf %add3A_159, %add3A_160 : vector<256x64xf32>
    %max3A = arith.constant 0.000000e+00 : f32
    %max3A_162 = vector.broadcast %max3A : f32 to vector<256x64xf32>
    %max3A_163 = arith.maximumf %add3A_161, %max3A_162 : vector<256x64xf32>
    %convert_element_type3A_164 = arith.truncf %max3A_163 : vector<256x64xf32> to vector<256x64xbf16>
    %dot_general3A_165 = arith.constant dense<0.000000e+00> : vector<256x128xf32>
    %dot_general3A_166 = tpu.matmul %convert_element_type3A_164, %convert_element_type3A_102, %dot_general3A_165 {dimension_numbers = #tpu.dot_dimension_numbers<[1], [0], [0], [1], [0, 0, 1, 1], [], []>, transpose_lhs_hint = false} : vector<256x64xbf16>, vector<64x128xbf16>, vector<256x128xf32> -> vector<256x128xf32>
    %add3A_167 = vector.broadcast %get3A_107 : vector<1x128xf32> to vector<256x128xf32>
    %add3A_168 = arith.addf %dot_general3A_166, %add3A_167 : vector<256x128xf32>
    %slice3A_169 = vector.extract_strided_slice %convert_element_type3A {offsets = [0, 0], sizes = [128, 64], strides = [1, 1]} : vector<256x64xbf16> to vector<128x64xbf16>
    %dot_general3A_170 = arith.constant dense<0.000000e+00> : vector<256x64xf32>
    %dot_general3A_171 = tpu.matmul %slice3A_116, %slice3A_169, %dot_general3A_170 {dimension_numbers = #tpu.dot_dimension_numbers<[1], [0], [0], [1], [0, 0, 1, 1], [], []>, transpose_lhs_hint = false} : vector<256x128xbf16>, vector<128x64xbf16>, vector<256x64xf32> -> vector<256x64xf32>
    %convert_element_type3A_172 = arith.truncf %sub3A_151 : vector<256x128xf32> to vector<256x128xbf16>
    %slice3A_173 = vector.extract_strided_slice %convert_element_type3A {offsets = [128, 0], sizes = [128, 64], strides = [1, 1]} : vector<256x64xbf16> to vector<128x64xbf16>
    %dot_general3A_174 = arith.constant dense<0.000000e+00> : vector<256x64xf32>
    %dot_general3A_175 = tpu.matmul %convert_element_type3A_172, %slice3A_173, %dot_general3A_174 {dimension_numbers = #tpu.dot_dimension_numbers<[1], [0], [0], [1], [0, 0, 1, 1], [], []>, transpose_lhs_hint = false} : vector<256x128xbf16>, vector<128x64xbf16>, vector<256x64xf32> -> vector<256x64xf32>
    %add3A_176 = arith.addf %dot_general3A_171, %dot_general3A_175 : vector<256x64xf32>
    %add3A_177 = vector.broadcast %get3A_96 : vector<1x64xf32> to vector<256x64xf32>
    %add3A_178 = arith.addf %add3A_176, %add3A_177 : vector<256x64xf32>
    %max3A_179 = arith.constant 0.000000e+00 : f32
    %max3A_180 = vector.broadcast %max3A_179 : f32 to vector<256x64xf32>
    %max3A_181 = arith.maximumf %add3A_178, %max3A_180 : vector<256x64xf32>
    %convert_element_type3A_182 = arith.truncf %max3A_181 : vector<256x64xf32> to vector<256x64xbf16>
    %dot_general3A_183 = arith.constant dense<0.000000e+00> : vector<256x128xf32>
    %dot_general3A_184 = tpu.matmul %convert_element_type3A_182, %convert_element_type3A_102, %dot_general3A_183 {dimension_numbers = #tpu.dot_dimension_numbers<[1], [0], [0], [1], [0, 0, 1, 1], [], []>, transpose_lhs_hint = false} : vector<256x64xbf16>, vector<64x128xbf16>, vector<256x128xf32> -> vector<256x128xf32>
    %add3A_185 = vector.broadcast %get3A_107 : vector<1x128xf32> to vector<256x128xf32>
    %add3A_186 = arith.addf %dot_general3A_184, %add3A_185 : vector<256x128xf32>
    %swap3A_187 = arith.constant 0 : index
    %swap3A_188 = arith.constant 0 : index
    %swap3A_189 = vector.load %arg16[%swap3A_187, %swap3A_188] : memref<1024x128xf32, #tpu.memory_space<vmem>>, vector<256x128xf32>
    tpu.vector_store %arg16[%swap3A_187, %swap3A_188], %add3A_168 {strides = array<i32>} : memref<1024x128xf32, #tpu.memory_space<vmem>>, vector<256x128xf32>,
    %swap3A_190 = arith.constant 0 : index
    %swap3A_191 = arith.constant 0 : index
    %swap3A_192 = vector.load %arg17[%swap3A_190, %swap3A_191] : memref<1024x128xf32, #tpu.memory_space<vmem>>, vector<256x128xf32>
    tpu.vector_store %arg17[%swap3A_190, %swap3A_191], %add3A_186 {strides = array<i32>} : memref<1024x128xf32, #tpu.memory_space<vmem>>, vector<256x128xf32>,
    %slice3A_193 = vector.extract_strided_slice %convert_element_type3A_111 {offsets = [256, 0], sizes = [256, 128], strides = [1, 1]} : vector<1024x128xbf16> to vector<256x128xbf16>
    %slice3A_194 = vector.extract_strided_slice %convert_element_type3A_115 {offsets = [256, 0], sizes = [256, 128], strides = [1, 1]} : vector<1024x128xbf16> to vector<256x128xbf16>
    %dot_general3A_195 = arith.constant dense<0.000000e+00> : vector<256x1024xf32>
    %dot_general3A_196 = tpu.matmul %slice3A_193, %convert_element_type3A_115, %dot_general3A_195 {dimension_numbers = #tpu.dot_dimension_numbers<[1], [1], [0], [0], [0, 0, 1, 0], [], []>, transpose_lhs_hint = false} : vector<256x128xbf16>, vector<1024x128xbf16>, vector<256x1024xf32> -> vector<256x1024xf32>
    %dot_general3A_197 = arith.constant dense<0.000000e+00> : vector<256x1024xf32>
    %dot_general3A_198 = tpu.matmul %slice3A_194, %convert_element_type3A_111, %dot_general3A_197 {dimension_numbers = #tpu.dot_dimension_numbers<[1], [1], [0], [0], [0, 0, 1, 0], [], []>, transpose_lhs_hint = false} : vector<256x128xbf16>, vector<1024x128xbf16>, vector<256x1024xf32> -> vector<256x1024xf32>
    %reduce_max3A_199 = arith.constant dense<0xFF800000> : vector<256xf32>
    %reduce_max3A_200 = vector.multi_reduction <maximumf>, %dot_general3A_196, %reduce_max3A_199 [1] : vector<256x1024xf32> to vector<256xf32>
    %broadcast_in_dim3A_201 = vector.shape_cast %reduce_max3A_200 : vector<256xf32> to vector<256x1xf32>
    %sub3A_202 = vector.broadcast %broadcast_in_dim3A_201 : vector<256x1xf32> to vector<256x1024xf32>
    %sub3A_203 = arith.subf %dot_general3A_196, %sub3A_202 : vector<256x1024xf32>
    %exp3A_204 = math.exp %sub3A_203 : vector<256x1024xf32>
    %reduce_sum3A_205 = arith.constant dense<0.000000e+00> : vector<256xf32>
    %reduce_sum3A_206 = vector.multi_reduction <add>, %exp3A_204, %reduce_sum3A_205 [1] : vector<256x1024xf32> to vector<256xf32>
    %broadcast_in_dim3A_207 = vector.shape_cast %reduce_sum3A_206 : vector<256xf32> to vector<256x1xf32>
    %div3A_208 = vector.broadcast %broadcast_in_dim3A_207 : vector<256x1xf32> to vector<256x1024xf32>
    %div3A_209 = arith.divf %exp3A_204, %div3A_208 : vector<256x1024xf32>
    %convert_element_type3A_210 = arith.truncf %div3A_209 : vector<256x1024xf32> to vector<256x1024xbf16>
    %reduce_max3A_211 = arith.constant dense<0xFF800000> : vector<256xf32>
    %reduce_max3A_212 = vector.multi_reduction <maximumf>, %dot_general3A_198, %reduce_max3A_211 [1] : vector<256x1024xf32> to vector<256xf32>
    %broadcast_in_dim3A_213 = vector.shape_cast %reduce_max3A_212 : vector<256xf32> to vector<256x1xf32>
    %sub3A_214 = vector.broadcast %broadcast_in_dim3A_213 : vector<256x1xf32> to vector<256x1024xf32>
    %sub3A_215 = arith.subf %dot_general3A_198, %sub3A_214 : vector<256x1024xf32>
    %exp3A_216 = math.exp %sub3A_215 : vector<256x1024xf32>
    %reduce_sum3A_217 = arith.constant dense<0.000000e+00> : vector<256xf32>
    %reduce_sum3A_218 = vector.multi_reduction <add>, %exp3A_216, %reduce_sum3A_217 [1] : vector<256x1024xf32> to vector<256xf32>
    %broadcast_in_dim3A_219 = vector.shape_cast %reduce_sum3A_218 : vector<256xf32> to vector<256x1xf32>
    %div3A_220 = vector.broadcast %broadcast_in_dim3A_219 : vector<256x1xf32> to vector<256x1024xf32>
    %div3A_221 = arith.divf %exp3A_216, %div3A_220 : vector<256x1024xf32>
    %convert_element_type3A_222 = arith.truncf %div3A_221 : vector<256x1024xf32> to vector<256x1024xbf16>
    %dot_general3A_223 = arith.constant dense<0.000000e+00> : vector<256x128xf32>
    %dot_general3A_224 = tpu.matmul %convert_element_type3A_210, %convert_element_type3A_115, %dot_general3A_223 {dimension_numbers = #tpu.dot_dimension_numbers<[1], [0], [0], [1], [0, 0, 1, 1], [], []>, transpose_lhs_hint = false} : vector<256x1024xbf16>, vector<1024x128xbf16>, vector<256x128xf32> -> vector<256x128xf32>
    %dot_general3A_225 = arith.constant dense<0.000000e+00> : vector<256x128xf32>
    %dot_general3A_226 = tpu.matmul %convert_element_type3A_222, %convert_element_type3A_111, %dot_general3A_225 {dimension_numbers = #tpu.dot_dimension_numbers<[1], [0], [0], [1], [0, 0, 1, 1], [], []>, transpose_lhs_hint = false} : vector<256x1024xbf16>, vector<1024x128xbf16>, vector<256x128xf32> -> vector<256x128xf32>
    %get3A_227 = arith.constant 256 : index
    %get3A_228 = arith.constant 0 : index
    %get3A_229 = vector.load %arg14[%get3A_227, %get3A_228] : memref<1024x128xf32, #tpu.memory_space<vmem>>, vector<256x128xf32>
    %sub3A_230 = arith.subf %get3A_229, %dot_general3A_224 : vector<256x128xf32>
    %get3A_231 = arith.constant 256 : index
    %get3A_232 = arith.constant 0 : index
    %get3A_233 = vector.load %arg15[%get3A_231, %get3A_232] : memref<1024x128xf32, #tpu.memory_space<vmem>>, vector<256x128xf32>
    %sub3A_234 = arith.subf %get3A_233, %dot_general3A_226 : vector<256x128xf32>
    %slice3A_235 = vector.extract_strided_slice %convert_element_type3A {offsets = [0, 0], sizes = [128, 64], strides = [1, 1]} : vector<256x64xbf16> to vector<128x64xbf16>
    %dot_general3A_236 = arith.constant dense<0.000000e+00> : vector<256x64xf32>
    %dot_general3A_237 = tpu.matmul %slice3A_193, %slice3A_235, %dot_general3A_236 {dimension_numbers = #tpu.dot_dimension_numbers<[1], [0], [0], [1], [0, 0, 1, 1], [], []>, transpose_lhs_hint = false} : vector<256x128xbf16>, vector<128x64xbf16>, vector<256x64xf32> -> vector<256x64xf32>
    %convert_element_type3A_238 = arith.truncf %sub3A_230 : vector<256x128xf32> to vector<256x128xbf16>
    %slice3A_239 = vector.extract_strided_slice %convert_element_type3A {offsets = [128, 0], sizes = [128, 64], strides = [1, 1]} : vector<256x64xbf16> to vector<128x64xbf16>
    %dot_general3A_240 = arith.constant dense<0.000000e+00> : vector<256x64xf32>
    %dot_general3A_241 = tpu.matmul %convert_element_type3A_238, %slice3A_239, %dot_general3A_240 {dimension_numbers = #tpu.dot_dimension_numbers<[1], [0], [0], [1], [0, 0, 1, 1], [], []>, transpose_lhs_hint = false} : vector<256x128xbf16>, vector<128x64xbf16>, vector<256x64xf32> -> vector<256x64xf32>
    %add3A_242 = arith.addf %dot_general3A_237, %dot_general3A_241 : vector<256x64xf32>
    %add3A_243 = vector.broadcast %get3A_96 : vector<1x64xf32> to vector<256x64xf32>
    %add3A_244 = arith.addf %add3A_242, %add3A_243 : vector<256x64xf32>
    %max3A_245 = arith.constant 0.000000e+00 : f32
    %max3A_246 = vector.broadcast %max3A_245 : f32 to vector<256x64xf32>
    %max3A_247 = arith.maximumf %add3A_244, %max3A_246 : vector<256x64xf32>
    %convert_element_type3A_248 = arith.truncf %max3A_247 : vector<256x64xf32> to vector<256x64xbf16>
    %dot_general3A_249 = arith.constant dense<0.000000e+00> : vector<256x128xf32>
    %dot_general3A_250 = tpu.matmul %convert_element_type3A_248, %convert_element_type3A_102, %dot_general3A_249 {dimension_numbers = #tpu.dot_dimension_numbers<[1], [0], [0], [1], [0, 0, 1, 1], [], []>, transpose_lhs_hint = false} : vector<256x64xbf16>, vector<64x128xbf16>, vector<256x128xf32> -> vector<256x128xf32>
    %add3A_251 = vector.broadcast %get3A_107 : vector<1x128xf32> to vector<256x128xf32>
    %add3A_252 = arith.addf %dot_general3A_250, %add3A_251 : vector<256x128xf32>
    %slice3A_253 = vector.extract_strided_slice %convert_element_type3A {offsets = [0, 0], sizes = [128, 64], strides = [1, 1]} : vector<256x64xbf16> to vector<128x64xbf16>
    %dot_general3A_254 = arith.constant dense<0.000000e+00> : vector<256x64xf32>
    %dot_general3A_255 = tpu.matmul %slice3A_194, %slice3A_253, %dot_general3A_254 {dimension_numbers = #tpu.dot_dimension_numbers<[1], [0], [0], [1], [0, 0, 1, 1], [], []>, transpose_lhs_hint = false} : vector<256x128xbf16>, vector<128x64xbf16>, vector<256x64xf32> -> vector<256x64xf32>
    %convert_element_type3A_256 = arith.truncf %sub3A_234 : vector<256x128xf32> to vector<256x128xbf16>
    %slice3A_257 = vector.extract_strided_slice %convert_element_type3A {offsets = [128, 0], sizes = [128, 64], strides = [1, 1]} : vector<256x64xbf16> to vector<128x64xbf16>
    %dot_general3A_258 = arith.constant dense<0.000000e+00> : vector<256x64xf32>
    %dot_general3A_259 = tpu.matmul %convert_element_type3A_256, %slice3A_257, %dot_general3A_258 {dimension_numbers = #tpu.dot_dimension_numbers<[1], [0], [0], [1], [0, 0, 1, 1], [], []>, transpose_lhs_hint = false} : vector<256x128xbf16>, vector<128x64xbf16>, vector<256x64xf32> -> vector<256x64xf32>
    %add3A_260 = arith.addf %dot_general3A_255, %dot_general3A_259 : vector<256x64xf32>
    %add3A_261 = vector.broadcast %get3A_96 : vector<1x64xf32> to vector<256x64xf32>
    %add3A_262 = arith.addf %add3A_260, %add3A_261 : vector<256x64xf32>
    %max3A_263 = arith.constant 0.000000e+00 : f32
    %max3A_264 = vector.broadcast %max3A_263 : f32 to vector<256x64xf32>
    %max3A_265 = arith.maximumf %add3A_262, %max3A_264 : vector<256x64xf32>
    %convert_element_type3A_266 = arith.truncf %max3A_265 : vector<256x64xf32> to vector<256x64xbf16>
    %dot_general3A_267 = arith.constant dense<0.000000e+00> : vector<256x128xf32>
    %dot_general3A_268 = tpu.matmul %convert_element_type3A_266, %convert_element_type3A_102, %dot_general3A_267 {dimension_numbers = #tpu.dot_dimension_numbers<[1], [0], [0], [1], [0, 0, 1, 1], [], []>, transpose_lhs_hint = false} : vector<256x64xbf16>, vector<64x128xbf16>, vector<256x128xf32> -> vector<256x128xf32>
    %add3A_269 = vector.broadcast %get3A_107 : vector<1x128xf32> to vector<256x128xf32>
    %add3A_270 = arith.addf %dot_general3A_268, %add3A_269 : vector<256x128xf32>
    %swap3A_271 = arith.constant 256 : index
    %swap3A_272 = arith.constant 0 : index
    %swap3A_273 = vector.load %arg16[%swap3A_271, %swap3A_272] : memref<1024x128xf32, #tpu.memory_space<vmem>>, vector<256x128xf32>
    tpu.vector_store %arg16[%swap3A_271, %swap3A_272], %add3A_252 {strides = array<i32>} : memref<1024x128xf32, #tpu.memory_space<vmem>>, vector<256x128xf32>,
    %swap3A_274 = arith.constant 256 : index
    %swap3A_275 = arith.constant 0 : index
    %swap3A_276 = vector.load %arg17[%swap3A_274, %swap3A_275] : memref<1024x128xf32, #tpu.memory_space<vmem>>, vector<256x128xf32>
    tpu.vector_store %arg17[%swap3A_274, %swap3A_275], %add3A_270 {strides = array<i32>} : memref<1024x128xf32, #tpu.memory_space<vmem>>, vector<256x128xf32>,
    %slice3A_277 = vector.extract_strided_slice %convert_element_type3A_111 {offsets = [512, 0], sizes = [256, 128], strides = [1, 1]} : vector<1024x128xbf16> to vector<256x128xbf16>
    %slice3A_278 = vector.extract_strided_slice %convert_element_type3A_115 {offsets = [512, 0], sizes = [256, 128], strides = [1, 1]} : vector<1024x128xbf16> to vector<256x128xbf16>
    %dot_general3A_279 = arith.constant dense<0.000000e+00> : vector<256x1024xf32>
    %dot_general3A_280 = tpu.matmul %slice3A_277, %convert_element_type3A_115, %dot_general3A_279 {dimension_numbers = #tpu.dot_dimension_numbers<[1], [1], [0], [0], [0, 0, 1, 0], [], []>, transpose_lhs_hint = false} : vector<256x128xbf16>, vector<1024x128xbf16>, vector<256x1024xf32> -> vector<256x1024xf32>
    %dot_general3A_281 = arith.constant dense<0.000000e+00> : vector<256x1024xf32>
    %dot_general3A_282 = tpu.matmul %slice3A_278, %convert_element_type3A_111, %dot_general3A_281 {dimension_numbers = #tpu.dot_dimension_numbers<[1], [1], [0], [0], [0, 0, 1, 0], [], []>, transpose_lhs_hint = false} : vector<256x128xbf16>, vector<1024x128xbf16>, vector<256x1024xf32> -> vector<256x1024xf32>
    %reduce_max3A_283 = arith.constant dense<0xFF800000> : vector<256xf32>
    %reduce_max3A_284 = vector.multi_reduction <maximumf>, %dot_general3A_280, %reduce_max3A_283 [1] : vector<256x1024xf32> to vector<256xf32>
    %broadcast_in_dim3A_285 = vector.shape_cast %reduce_max3A_284 : vector<256xf32> to vector<256x1xf32>
    %sub3A_286 = vector.broadcast %broadcast_in_dim3A_285 : vector<256x1xf32> to vector<256x1024xf32>
    %sub3A_287 = arith.subf %dot_general3A_280, %sub3A_286 : vector<256x1024xf32>
    %exp3A_288 = math.exp %sub3A_287 : vector<256x1024xf32>
    %reduce_sum3A_289 = arith.constant dense<0.000000e+00> : vector<256xf32>
    %reduce_sum3A_290 = vector.multi_reduction <add>, %exp3A_288, %reduce_sum3A_289 [1] : vector<256x1024xf32> to vector<256xf32>
    %broadcast_in_dim3A_291 = vector.shape_cast %reduce_sum3A_290 : vector<256xf32> to vector<256x1xf32>
    %div3A_292 = vector.broadcast %broadcast_in_dim3A_291 : vector<256x1xf32> to vector<256x1024xf32>
    %div3A_293 = arith.divf %exp3A_288, %div3A_292 : vector<256x1024xf32>
    %convert_element_type3A_294 = arith.truncf %div3A_293 : vector<256x1024xf32> to vector<256x1024xbf16>
    %reduce_max3A_295 = arith.constant dense<0xFF800000> : vector<256xf32>
    %reduce_max3A_296 = vector.multi_reduction <maximumf>, %dot_general3A_282, %reduce_max3A_295 [1] : vector<256x1024xf32> to vector<256xf32>
    %broadcast_in_dim3A_297 = vector.shape_cast %reduce_max3A_296 : vector<256xf32> to vector<256x1xf32>
    %sub3A_298 = vector.broadcast %broadcast_in_dim3A_297 : vector<256x1xf32> to vector<256x1024xf32>
    %sub3A_299 = arith.subf %dot_general3A_282, %sub3A_298 : vector<256x1024xf32>
    %exp3A_300 = math.exp %sub3A_299 : vector<256x1024xf32>
    %reduce_sum3A_301 = arith.constant dense<0.000000e+00> : vector<256xf32>
    %reduce_sum3A_302 = vector.multi_reduction <add>, %exp3A_300, %reduce_sum3A_301 [1] : vector<256x1024xf32> to vector<256xf32>
    %broadcast_in_dim3A_303 = vector.shape_cast %reduce_sum3A_302 : vector<256xf32> to vector<256x1xf32>
    %div3A_304 = vector.broadcast %broadcast_in_dim3A_303 : vector<256x1xf32> to vector<256x1024xf32>
    %div3A_305 = arith.divf %exp3A_300, %div3A_304 : vector<256x1024xf32>
    %convert_element_type3A_306 = arith.truncf %div3A_305 : vector<256x1024xf32> to vector<256x1024xbf16>
    %dot_general3A_307 = arith.constant dense<0.000000e+00> : vector<256x128xf32>
    %dot_general3A_308 = tpu.matmul %convert_element_type3A_294, %convert_element_type3A_115, %dot_general3A_307 {dimension_numbers = #tpu.dot_dimension_numbers<[1], [0], [0], [1], [0, 0, 1, 1], [], []>, transpose_lhs_hint = false} : vector<256x1024xbf16>, vector<1024x128xbf16>, vector<256x128xf32> -> vector<256x128xf32>
    %dot_general3A_309 = arith.constant dense<0.000000e+00> : vector<256x128xf32>
    %dot_general3A_310 = tpu.matmul %convert_element_type3A_306, %convert_element_type3A_111, %dot_general3A_309 {dimension_numbers = #tpu.dot_dimension_numbers<[1], [0], [0], [1], [0, 0, 1, 1], [], []>, transpose_lhs_hint = false} : vector<256x1024xbf16>, vector<1024x128xbf16>, vector<256x128xf32> -> vector<256x128xf32>
    %get3A_311 = arith.constant 512 : index
    %get3A_312 = arith.constant 0 : index
    %get3A_313 = vector.load %arg14[%get3A_311, %get3A_312] : memref<1024x128xf32, #tpu.memory_space<vmem>>, vector<256x128xf32>
    %sub3A_314 = arith.subf %get3A_313, %dot_general3A_308 : vector<256x128xf32>
    %get3A_315 = arith.constant 512 : index
    %get3A_316 = arith.constant 0 : index
    %get3A_317 = vector.load %arg15[%get3A_315, %get3A_316] : memref<1024x128xf32, #tpu.memory_space<vmem>>, vector<256x128xf32>
    %sub3A_318 = arith.subf %get3A_317, %dot_general3A_310 : vector<256x128xf32>
    %slice3A_319 = vector.extract_strided_slice %convert_element_type3A {offsets = [0, 0], sizes = [128, 64], strides = [1, 1]} : vector<256x64xbf16> to vector<128x64xbf16>
    %dot_general3A_320 = arith.constant dense<0.000000e+00> : vector<256x64xf32>
    %dot_general3A_321 = tpu.matmul %slice3A_277, %slice3A_319, %dot_general3A_320 {dimension_numbers = #tpu.dot_dimension_numbers<[1], [0], [0], [1], [0, 0, 1, 1], [], []>, transpose_lhs_hint = false} : vector<256x128xbf16>, vector<128x64xbf16>, vector<256x64xf32> -> vector<256x64xf32>
    %convert_element_type3A_322 = arith.truncf %sub3A_314 : vector<256x128xf32> to vector<256x128xbf16>
    %slice3A_323 = vector.extract_strided_slice %convert_element_type3A {offsets = [128, 0], sizes = [128, 64], strides = [1, 1]} : vector<256x64xbf16> to vector<128x64xbf16>
    %dot_general3A_324 = arith.constant dense<0.000000e+00> : vector<256x64xf32>
    %dot_general3A_325 = tpu.matmul %convert_element_type3A_322, %slice3A_323, %dot_general3A_324 {dimension_numbers = #tpu.dot_dimension_numbers<[1], [0], [0], [1], [0, 0, 1, 1], [], []>, transpose_lhs_hint = false} : vector<256x128xbf16>, vector<128x64xbf16>, vector<256x64xf32> -> vector<256x64xf32>
    %add3A_326 = arith.addf %dot_general3A_321, %dot_general3A_325 : vector<256x64xf32>
    %add3A_327 = vector.broadcast %get3A_96 : vector<1x64xf32> to vector<256x64xf32>
    %add3A_328 = arith.addf %add3A_326, %add3A_327 : vector<256x64xf32>
    %max3A_329 = arith.constant 0.000000e+00 : f32
    %max3A_330 = vector.broadcast %max3A_329 : f32 to vector<256x64xf32>
    %max3A_331 = arith.maximumf %add3A_328, %max3A_330 : vector<256x64xf32>
    %convert_element_type3A_332 = arith.truncf %max3A_331 : vector<256x64xf32> to vector<256x64xbf16>
    %dot_general3A_333 = arith.constant dense<0.000000e+00> : vector<256x128xf32>
    %dot_general3A_334 = tpu.matmul %convert_element_type3A_332, %convert_element_type3A_102, %dot_general3A_333 {dimension_numbers = #tpu.dot_dimension_numbers<[1], [0], [0], [1], [0, 0, 1, 1], [], []>, transpose_lhs_hint = false} : vector<256x64xbf16>, vector<64x128xbf16>, vector<256x128xf32> -> vector<256x128xf32>
    %add3A_335 = vector.broadcast %get3A_107 : vector<1x128xf32> to vector<256x128xf32>
    %add3A_336 = arith.addf %dot_general3A_334, %add3A_335 : vector<256x128xf32>
    %slice3A_337 = vector.extract_strided_slice %convert_element_type3A {offsets = [0, 0], sizes = [128, 64], strides = [1, 1]} : vector<256x64xbf16> to vector<128x64xbf16>
    %dot_general3A_338 = arith.constant dense<0.000000e+00> : vector<256x64xf32>
    %dot_general3A_339 = tpu.matmul %slice3A_278, %slice3A_337, %dot_general3A_338 {dimension_numbers = #tpu.dot_dimension_numbers<[1], [0], [0], [1], [0, 0, 1, 1], [], []>, transpose_lhs_hint = false} : vector<256x128xbf16>, vector<128x64xbf16>, vector<256x64xf32> -> vector<256x64xf32>
    %convert_element_type3A_340 = arith.truncf %sub3A_318 : vector<256x128xf32> to vector<256x128xbf16>
    %slice3A_341 = vector.extract_strided_slice %convert_element_type3A {offsets = [128, 0], sizes = [128, 64], strides = [1, 1]} : vector<256x64xbf16> to vector<128x64xbf16>
    %dot_general3A_342 = arith.constant dense<0.000000e+00> : vector<256x64xf32>
    %dot_general3A_343 = tpu.matmul %convert_element_type3A_340, %slice3A_341, %dot_general3A_342 {dimension_numbers = #tpu.dot_dimension_numbers<[1], [0], [0], [1], [0, 0, 1, 1], [], []>, transpose_lhs_hint = false} : vector<256x128xbf16>, vector<128x64xbf16>, vector<256x64xf32> -> vector<256x64xf32>
    %add3A_344 = arith.addf %dot_general3A_339, %dot_general3A_343 : vector<256x64xf32>
    %add3A_345 = vector.broadcast %get3A_96 : vector<1x64xf32> to vector<256x64xf32>
    %add3A_346 = arith.addf %add3A_344, %add3A_345 : vector<256x64xf32>
    %max3A_347 = arith.constant 0.000000e+00 : f32
    %max3A_348 = vector.broadcast %max3A_347 : f32 to vector<256x64xf32>
    %max3A_349 = arith.maximumf %add3A_346, %max3A_348 : vector<256x64xf32>
    %convert_element_type3A_350 = arith.truncf %max3A_349 : vector<256x64xf32> to vector<256x64xbf16>
    %dot_general3A_351 = arith.constant dense<0.000000e+00> : vector<256x128xf32>
    %dot_general3A_352 = tpu.matmul %convert_element_type3A_350, %convert_element_type3A_102, %dot_general3A_351 {dimension_numbers = #tpu.dot_dimension_numbers<[1], [0], [0], [1], [0, 0, 1, 1], [], []>, transpose_lhs_hint = false} : vector<256x64xbf16>, vector<64x128xbf16>, vector<256x128xf32> -> vector<256x128xf32>
    %add3A_353 = vector.broadcast %get3A_107 : vector<1x128xf32> to vector<256x128xf32>
    %add3A_354 = arith.addf %dot_general3A_352, %add3A_353 : vector<256x128xf32>
    %swap3A_355 = arith.constant 512 : index
    %swap3A_356 = arith.constant 0 : index
    %swap3A_357 = vector.load %arg16[%swap3A_355, %swap3A_356] : memref<1024x128xf32, #tpu.memory_space<vmem>>, vector<256x128xf32>
    tpu.vector_store %arg16[%swap3A_355, %swap3A_356], %add3A_336 {strides = array<i32>} : memref<1024x128xf32, #tpu.memory_space<vmem>>, vector<256x128xf32>,
    %swap3A_358 = arith.constant 512 : index
    %swap3A_359 = arith.constant 0 : index
    %swap3A_360 = vector.load %arg17[%swap3A_358, %swap3A_359] : memref<1024x128xf32, #tpu.memory_space<vmem>>, vector<256x128xf32>
    tpu.vector_store %arg17[%swap3A_358, %swap3A_359], %add3A_354 {strides = array<i32>} : memref<1024x128xf32, #tpu.memory_space<vmem>>, vector<256x128xf32>,
    %slice3A_361 = vector.extract_strided_slice %convert_element_type3A_111 {offsets = [768, 0], sizes = [256, 128], strides = [1, 1]} : vector<1024x128xbf16> to vector<256x128xbf16>
    %slice3A_362 = vector.extract_strided_slice %convert_element_type3A_115 {offsets = [768, 0], sizes = [256, 128], strides = [1, 1]} : vector<1024x128xbf16> to vector<256x128xbf16>
    %dot_general3A_363 = arith.constant dense<0.000000e+00> : vector<256x1024xf32>
    %dot_general3A_364 = tpu.matmul %slice3A_361, %convert_element_type3A_115, %dot_general3A_363 {dimension_numbers = #tpu.dot_dimension_numbers<[1], [1], [0], [0], [0, 0, 1, 0], [], []>, transpose_lhs_hint = false} : vector<256x128xbf16>, vector<1024x128xbf16>, vector<256x1024xf32> -> vector<256x1024xf32>
    %dot_general3A_365 = arith.constant dense<0.000000e+00> : vector<256x1024xf32>
    %dot_general3A_366 = tpu.matmul %slice3A_362, %convert_element_type3A_111, %dot_general3A_365 {dimension_numbers = #tpu.dot_dimension_numbers<[1], [1], [0], [0], [0, 0, 1, 0], [], []>, transpose_lhs_hint = false} : vector<256x128xbf16>, vector<1024x128xbf16>, vector<256x1024xf32> -> vector<256x1024xf32>
    %reduce_max3A_367 = arith.constant dense<0xFF800000> : vector<256xf32>
    %reduce_max3A_368 = vector.multi_reduction <maximumf>, %dot_general3A_364, %reduce_max3A_367 [1] : vector<256x1024xf32> to vector<256xf32>
    %broadcast_in_dim3A_369 = vector.shape_cast %reduce_max3A_368 : vector<256xf32> to vector<256x1xf32>
    %sub3A_370 = vector.broadcast %broadcast_in_dim3A_369 : vector<256x1xf32> to vector<256x1024xf32>
    %sub3A_371 = arith.subf %dot_general3A_364, %sub3A_370 : vector<256x1024xf32>
    %exp3A_372 = math.exp %sub3A_371 : vector<256x1024xf32>
    %reduce_sum3A_373 = arith.constant dense<0.000000e+00> : vector<256xf32>
    %reduce_sum3A_374 = vector.multi_reduction <add>, %exp3A_372, %reduce_sum3A_373 [1] : vector<256x1024xf32> to vector<256xf32>
    %broadcast_in_dim3A_375 = vector.shape_cast %reduce_sum3A_374 : vector<256xf32> to vector<256x1xf32>
    %div3A_376 = vector.broadcast %broadcast_in_dim3A_375 : vector<256x1xf32> to vector<256x1024xf32>
    %div3A_377 = arith.divf %exp3A_372, %div3A_376 : vector<256x1024xf32>
    %convert_element_type3A_378 = arith.truncf %div3A_377 : vector<256x1024xf32> to vector<256x1024xbf16>
    %reduce_max3A_379 = arith.constant dense<0xFF800000> : vector<256xf32>
    %reduce_max3A_380 = vector.multi_reduction <maximumf>, %dot_general3A_366, %reduce_max3A_379 [1] : vector<256x1024xf32> to vector<256xf32>
    %broadcast_in_dim3A_381 = vector.shape_cast %reduce_max3A_380 : vector<256xf32> to vector<256x1xf32>
    %sub3A_382 = vector.broadcast %broadcast_in_dim3A_381 : vector<256x1xf32> to vector<256x1024xf32>
    %sub3A_383 = arith.subf %dot_general3A_366, %sub3A_382 : vector<256x1024xf32>
    %exp3A_384 = math.exp %sub3A_383 : vector<256x1024xf32>
    %reduce_sum3A_385 = arith.constant dense<0.000000e+00> : vector<256xf32>
    %reduce_sum3A_386 = vector.multi_reduction <add>, %exp3A_384, %reduce_sum3A_385 [1] : vector<256x1024xf32> to vector<256xf32>
    %broadcast_in_dim3A_387 = vector.shape_cast %reduce_sum3A_386 : vector<256xf32> to vector<256x1xf32>
    %div3A_388 = vector.broadcast %broadcast_in_dim3A_387 : vector<256x1xf32> to vector<256x1024xf32>
    %div3A_389 = arith.divf %exp3A_384, %div3A_388 : vector<256x1024xf32>
    %convert_element_type3A_390 = arith.truncf %div3A_389 : vector<256x1024xf32> to vector<256x1024xbf16>
    %dot_general3A_391 = arith.constant dense<0.000000e+00> : vector<256x128xf32>
    %dot_general3A_392 = tpu.matmul %convert_element_type3A_378, %convert_element_type3A_115, %dot_general3A_391 {dimension_numbers = #tpu.dot_dimension_numbers<[1], [0], [0], [1], [0, 0, 1, 1], [], []>, transpose_lhs_hint = false} : vector<256x1024xbf16>, vector<1024x128xbf16>, vector<256x128xf32> -> vector<256x128xf32>
    %dot_general3A_393 = arith.constant dense<0.000000e+00> : vector<256x128xf32>
    %dot_general3A_394 = tpu.matmul %convert_element_type3A_390, %convert_element_type3A_111, %dot_general3A_393 {dimension_numbers = #tpu.dot_dimension_numbers<[1], [0], [0], [1], [0, 0, 1, 1], [], []>, transpose_lhs_hint = false} : vector<256x1024xbf16>, vector<1024x128xbf16>, vector<256x128xf32> -> vector<256x128xf32>
    %get3A_395 = arith.constant 768 : index
    %get3A_396 = arith.constant 0 : index
    %get3A_397 = vector.load %arg14[%get3A_395, %get3A_396] : memref<1024x128xf32, #tpu.memory_space<vmem>>, vector<256x128xf32>
    %sub3A_398 = arith.subf %get3A_397, %dot_general3A_392 : vector<256x128xf32>
    %get3A_399 = arith.constant 768 : index
    %get3A_400 = arith.constant 0 : index
    %get3A_401 = vector.load %arg15[%get3A_399, %get3A_400] : memref<1024x128xf32, #tpu.memory_space<vmem>>, vector<256x128xf32>
    %sub3A_402 = arith.subf %get3A_401, %dot_general3A_394 : vector<256x128xf32>
    %slice3A_403 = vector.extract_strided_slice %convert_element_type3A {offsets = [0, 0], sizes = [128, 64], strides = [1, 1]} : vector<256x64xbf16> to vector<128x64xbf16>
    %dot_general3A_404 = arith.constant dense<0.000000e+00> : vector<256x64xf32>
    %dot_general3A_405 = tpu.matmul %slice3A_361, %slice3A_403, %dot_general3A_404 {dimension_numbers = #tpu.dot_dimension_numbers<[1], [0], [0], [1], [0, 0, 1, 1], [], []>, transpose_lhs_hint = false} : vector<256x128xbf16>, vector<128x64xbf16>, vector<256x64xf32> -> vector<256x64xf32>
    %convert_element_type3A_406 = arith.truncf %sub3A_398 : vector<256x128xf32> to vector<256x128xbf16>
    %slice3A_407 = vector.extract_strided_slice %convert_element_type3A {offsets = [128, 0], sizes = [128, 64], strides = [1, 1]} : vector<256x64xbf16> to vector<128x64xbf16>
    %dot_general3A_408 = arith.constant dense<0.000000e+00> : vector<256x64xf32>
    %dot_general3A_409 = tpu.matmul %convert_element_type3A_406, %slice3A_407, %dot_general3A_408 {dimension_numbers = #tpu.dot_dimension_numbers<[1], [0], [0], [1], [0, 0, 1, 1], [], []>, transpose_lhs_hint = false} : vector<256x128xbf16>, vector<128x64xbf16>, vector<256x64xf32> -> vector<256x64xf32>
    %add3A_410 = arith.addf %dot_general3A_405, %dot_general3A_409 : vector<256x64xf32>
    %add3A_411 = vector.broadcast %get3A_96 : vector<1x64xf32> to vector<256x64xf32>
    %add3A_412 = arith.addf %add3A_410, %add3A_411 : vector<256x64xf32>
    %max3A_413 = arith.constant 0.000000e+00 : f32
    %max3A_414 = vector.broadcast %max3A_413 : f32 to vector<256x64xf32>
    %max3A_415 = arith.maximumf %add3A_412, %max3A_414 : vector<256x64xf32>
    %convert_element_type3A_416 = arith.truncf %max3A_415 : vector<256x64xf32> to vector<256x64xbf16>
    %dot_general3A_417 = arith.constant dense<0.000000e+00> : vector<256x128xf32>
    %dot_general3A_418 = tpu.matmul %convert_element_type3A_416, %convert_element_type3A_102, %dot_general3A_417 {dimension_numbers = #tpu.dot_dimension_numbers<[1], [0], [0], [1], [0, 0, 1, 1], [], []>, transpose_lhs_hint = false} : vector<256x64xbf16>, vector<64x128xbf16>, vector<256x128xf32> -> vector<256x128xf32>
    %add3A_419 = vector.broadcast %get3A_107 : vector<1x128xf32> to vector<256x128xf32>
    %add3A_420 = arith.addf %dot_general3A_418, %add3A_419 : vector<256x128xf32>
    %slice3A_421 = vector.extract_strided_slice %convert_element_type3A {offsets = [0, 0], sizes = [128, 64], strides = [1, 1]} : vector<256x64xbf16> to vector<128x64xbf16>
    %dot_general3A_422 = arith.constant dense<0.000000e+00> : vector<256x64xf32>
    %dot_general3A_423 = tpu.matmul %slice3A_362, %slice3A_421, %dot_general3A_422 {dimension_numbers = #tpu.dot_dimension_numbers<[1], [0], [0], [1], [0, 0, 1, 1], [], []>, transpose_lhs_hint = false} : vector<256x128xbf16>, vector<128x64xbf16>, vector<256x64xf32> -> vector<256x64xf32>
    %convert_element_type3A_424 = arith.truncf %sub3A_402 : vector<256x128xf32> to vector<256x128xbf16>
    %slice3A_425 = vector.extract_strided_slice %convert_element_type3A {offsets = [128, 0], sizes = [128, 64], strides = [1, 1]} : vector<256x64xbf16> to vector<128x64xbf16>
    %dot_general3A_426 = arith.constant dense<0.000000e+00> : vector<256x64xf32>
    %dot_general3A_427 = tpu.matmul %convert_element_type3A_424, %slice3A_425, %dot_general3A_426 {dimension_numbers = #tpu.dot_dimension_numbers<[1], [0], [0], [1], [0, 0, 1, 1], [], []>, transpose_lhs_hint = false} : vector<256x128xbf16>, vector<128x64xbf16>, vector<256x64xf32> -> vector<256x64xf32>
    %add3A_428 = arith.addf %dot_general3A_423, %dot_general3A_427 : vector<256x64xf32>
    %add3A_429 = vector.broadcast %get3A_96 : vector<1x64xf32> to vector<256x64xf32>
    %add3A_430 = arith.addf %add3A_428, %add3A_429 : vector<256x64xf32>
    %max3A_431 = arith.constant 0.000000e+00 : f32
    %max3A_432 = vector.broadcast %max3A_431 : f32 to vector<256x64xf32>
    %max3A_433 = arith.maximumf %add3A_430, %max3A_432 : vector<256x64xf32>
    %convert_element_type3A_434 = arith.truncf %max3A_433 : vector<256x64xf32> to vector<256x64xbf16>
    %dot_general3A_435 = arith.constant dense<0.000000e+00> : vector<256x128xf32>
    %dot_general3A_436 = tpu.matmul %convert_element_type3A_434, %convert_element_type3A_102, %dot_general3A_435 {dimension_numbers = #tpu.dot_dimension_numbers<[1], [0], [0], [1], [0, 0, 1, 1], [], []>, transpose_lhs_hint = false} : vector<256x64xbf16>, vector<64x128xbf16>, vector<256x128xf32> -> vector<256x128xf32>
    %add3A_437 = vector.broadcast %get3A_107 : vector<1x128xf32> to vector<256x128xf32>
    %add3A_438 = arith.addf %dot_general3A_436, %add3A_437 : vector<256x128xf32>
    %swap3A_439 = arith.constant 768 : index
    %swap3A_440 = arith.constant 0 : index
    %swap3A_441 = vector.load %arg16[%swap3A_439, %swap3A_440] : memref<1024x128xf32, #tpu.memory_space<vmem>>, vector<256x128xf32>
    tpu.vector_store %arg16[%swap3A_439, %swap3A_440], %add3A_420 {strides = array<i32>} : memref<1024x128xf32, #tpu.memory_space<vmem>>, vector<256x128xf32>,
    %swap3A_442 = arith.constant 768 : index
    %swap3A_443 = arith.constant 0 : index
    %swap3A_444 = vector.load %arg17[%swap3A_442, %swap3A_443] : memref<1024x128xf32, #tpu.memory_space<vmem>>, vector<256x128xf32>
    tpu.vector_store %arg17[%swap3A_442, %swap3A_443], %add3A_438 {strides = array<i32>} : memref<1024x128xf32, #tpu.memory_space<vmem>>, vector<256x128xf32>,
    %get3A_445 = arith.constant 0 : index
    %get3A_446 = arith.constant 0 : index
    %get3A_447 = vector.load %arg14[%get3A_445, %get3A_446] : memref<1024x128xf32, #tpu.memory_space<vmem>>, vector<1024x128xf32>
    %get3A_448 = arith.constant 0 : index
    %get3A_449 = arith.constant 0 : index
    %get3A_450 = vector.load %arg16[%get3A_448, %get3A_449] : memref<1024x128xf32, #tpu.memory_space<vmem>>, vector<1024x128xf32>
    %add3A_451 = arith.addf %get3A_447, %get3A_450 : vector<1024x128xf32>
    %swap3A_452 = arith.constant 0 : index
    %swap3A_453 = arith.constant 0 : index
    %swap3A_454 = vector.load %arg14[%swap3A_452, %swap3A_453] : memref<1024x128xf32, #tpu.memory_space<vmem>>, vector<1024x128xf32>
    tpu.vector_store %arg14[%swap3A_452, %swap3A_453], %add3A_451 {strides = array<i32>} : memref<1024x128xf32, #tpu.memory_space<vmem>>, vector<1024x128xf32>,
    %get3A_455 = arith.constant 0 : index
    %get3A_456 = arith.constant 0 : index
    %get3A_457 = vector.load %arg15[%get3A_455, %get3A_456] : memref<1024x128xf32, #tpu.memory_space<vmem>>, vector<1024x128xf32>
    %get3A_458 = arith.constant 0 : index
    %get3A_459 = arith.constant 0 : index
    %get3A_460 = vector.load %arg17[%get3A_458, %get3A_459] : memref<1024x128xf32, #tpu.memory_space<vmem>>, vector<1024x128xf32>
    %add3A_461 = arith.addf %get3A_457, %get3A_460 : vector<1024x128xf32>
    %swap3A_462 = arith.constant 0 : index
    %swap3A_463 = arith.constant 0 : index
    %swap3A_464 = vector.load %arg15[%swap3A_462, %swap3A_463] : memref<1024x128xf32, #tpu.memory_space<vmem>>, vector<1024x128xf32>
    tpu.vector_store %arg15[%swap3A_462, %swap3A_463], %add3A_461 {strides = array<i32>} : memref<1024x128xf32, #tpu.memory_space<vmem>>, vector<1024x128xf32>,
    %get3A_465 = arith.constant 1 : index
    %get3A_466 = arith.constant 0 : index
    %get3A_467 = arith.constant 0 : index
    %get3A_468 = vector.load %arg8[%get3A_465, %get3A_466, %get3A_467] : memref<5x256x64xf32, #tpu.memory_space<vmem>>, vector<1x256x64xf32>
    %get3A_469 = vector.shape_cast %get3A_468 : vector<1x256x64xf32> to vector<256x64xf32>
    %convert_element_type3A_470 = arith.truncf %get3A_469 : vector<256x64xf32> to vector<256x64xbf16>
    %get3A_471 = arith.constant 1 : index
    %get3A_472 = arith.constant 0 : index
    %get3A_473 = arith.constant 0 : index
    %get3A_474 = vector.load %arg9[%get3A_471, %get3A_472, %get3A_473] : memref<5x1x64xf32, #tpu.memory_space<vmem>>, vector<1x1x64xf32>
    %get3A_475 = vector.shape_cast %get3A_474 : vector<1x1x64xf32> to vector<1x64xf32>
    %get3A_476 = arith.constant 1 : index
    %get3A_477 = arith.constant 0 : index
    %get3A_478 = arith.constant 0 : index
    %get3A_479 = vector.load %arg10[%get3A_476, %get3A_477, %get3A_478] : memref<5x64x128xf32, #tpu.memory_space<vmem>>, vector<1x64x128xf32>
    %get3A_480 = vector.shape_cast %get3A_479 : vector<1x64x128xf32> to vector<64x128xf32>
    %convert_element_type3A_481 = arith.truncf %get3A_480 : vector<64x128xf32> to vector<64x128xbf16>
    %get3A_482 = arith.constant 1 : index
    %get3A_483 = arith.constant 0 : index
    %get3A_484 = arith.constant 0 : index
    %get3A_485 = vector.load %arg11[%get3A_482, %get3A_483, %get3A_484] : memref<5x1x128xf32, #tpu.memory_space<vmem>>, vector<1x1x128xf32>
    %get3A_486 = vector.shape_cast %get3A_485 : vector<1x1x128xf32> to vector<1x128xf32>
    %get3A_487 = arith.constant 0 : index
    %get3A_488 = arith.constant 0 : index
    %get3A_489 = vector.load %arg14[%get3A_487, %get3A_488] : memref<1024x128xf32, #tpu.memory_space<vmem>>, vector<1024x128xf32>
    %convert_element_type3A_490 = arith.truncf %get3A_489 : vector<1024x128xf32> to vector<1024x128xbf16>
    %get3A_491 = arith.constant 0 : index
    %get3A_492 = arith.constant 0 : index
    %get3A_493 = vector.load %arg15[%get3A_491, %get3A_492] : memref<1024x128xf32, #tpu.memory_space<vmem>>, vector<1024x128xf32>
    %convert_element_type3A_494 = arith.truncf %get3A_493 : vector<1024x128xf32> to vector<1024x128xbf16>
    %slice3A_495 = vector.extract_strided_slice %convert_element_type3A_490 {offsets = [0, 0], sizes = [256, 128], strides = [1, 1]} : vector<1024x128xbf16> to vector<256x128xbf16>
    %slice3A_496 = vector.extract_strided_slice %convert_element_type3A_494 {offsets = [0, 0], sizes = [256, 128], strides = [1, 1]} : vector<1024x128xbf16> to vector<256x128xbf16>
    %dot_general3A_497 = arith.constant dense<0.000000e+00> : vector<256x1024xf32>
    %dot_general3A_498 = tpu.matmul %slice3A_495, %convert_element_type3A_494, %dot_general3A_497 {dimension_numbers = #tpu.dot_dimension_numbers<[1], [1], [0], [0], [0, 0, 1, 0], [], []>, transpose_lhs_hint = false} : vector<256x128xbf16>, vector<1024x128xbf16>, vector<256x1024xf32> -> vector<256x1024xf32>
    %dot_general3A_499 = arith.constant dense<0.000000e+00> : vector<256x1024xf32>
    %dot_general3A_500 = tpu.matmul %slice3A_496, %convert_element_type3A_490, %dot_general3A_499 {dimension_numbers = #tpu.dot_dimension_numbers<[1], [1], [0], [0], [0, 0, 1, 0], [], []>, transpose_lhs_hint = false} : vector<256x128xbf16>, vector<1024x128xbf16>, vector<256x1024xf32> -> vector<256x1024xf32>
    %reduce_max3A_501 = arith.constant dense<0xFF800000> : vector<256xf32>
    %reduce_max3A_502 = vector.multi_reduction <maximumf>, %dot_general3A_498, %reduce_max3A_501 [1] : vector<256x1024xf32> to vector<256xf32>
    %broadcast_in_dim3A_503 = vector.shape_cast %reduce_max3A_502 : vector<256xf32> to vector<256x1xf32>
    %sub3A_504 = vector.broadcast %broadcast_in_dim3A_503 : vector<256x1xf32> to vector<256x1024xf32>
    %sub3A_505 = arith.subf %dot_general3A_498, %sub3A_504 : vector<256x1024xf32>
    %exp3A_506 = math.exp %sub3A_505 : vector<256x1024xf32>
    %reduce_sum3A_507 = arith.constant dense<0.000000e+00> : vector<256xf32>
    %reduce_sum3A_508 = vector.multi_reduction <add>, %exp3A_506, %reduce_sum3A_507 [1] : vector<256x1024xf32> to vector<256xf32>
    %broadcast_in_dim3A_509 = vector.shape_cast %reduce_sum3A_508 : vector<256xf32> to vector<256x1xf32>
    %div3A_510 = vector.broadcast %broadcast_in_dim3A_509 : vector<256x1xf32> to vector<256x1024xf32>
    %div3A_511 = arith.divf %exp3A_506, %div3A_510 : vector<256x1024xf32>
    %convert_element_type3A_512 = arith.truncf %div3A_511 : vector<256x1024xf32> to vector<256x1024xbf16>
    %reduce_max3A_513 = arith.constant dense<0xFF800000> : vector<256xf32>
    %reduce_max3A_514 = vector.multi_reduction <maximumf>, %dot_general3A_500, %reduce_max3A_513 [1] : vector<256x1024xf32> to vector<256xf32>
    %broadcast_in_dim3A_515 = vector.shape_cast %reduce_max3A_514 : vector<256xf32> to vector<256x1xf32>
    %sub3A_516 = vector.broadcast %broadcast_in_dim3A_515 : vector<256x1xf32> to vector<256x1024xf32>
    %sub3A_517 = arith.subf %dot_general3A_500, %sub3A_516 : vector<256x1024xf32>
    %exp3A_518 = math.exp %sub3A_517 : vector<256x1024xf32>
    %reduce_sum3A_519 = arith.constant dense<0.000000e+00> : vector<256xf32>
    %reduce_sum3A_520 = vector.multi_reduction <add>, %exp3A_518, %reduce_sum3A_519 [1] : vector<256x1024xf32> to vector<256xf32>
    %broadcast_in_dim3A_521 = vector.shape_cast %reduce_sum3A_520 : vector<256xf32> to vector<256x1xf32>
    %div3A_522 = vector.broadcast %broadcast_in_dim3A_521 : vector<256x1xf32> to vector<256x1024xf32>
    %div3A_523 = arith.divf %exp3A_518, %div3A_522 : vector<256x1024xf32>
    %convert_element_type3A_524 = arith.truncf %div3A_523 : vector<256x1024xf32> to vector<256x1024xbf16>
    %dot_general3A_525 = arith.constant dense<0.000000e+00> : vector<256x128xf32>
    %dot_general3A_526 = tpu.matmul %convert_element_type3A_512, %convert_element_type3A_494, %dot_general3A_525 {dimension_numbers = #tpu.dot_dimension_numbers<[1], [0], [0], [1], [0, 0, 1, 1], [], []>, transpose_lhs_hint = false} : vector<256x1024xbf16>, vector<1024x128xbf16>, vector<256x128xf32> -> vector<256x128xf32>
    %dot_general3A_527 = arith.constant dense<0.000000e+00> : vector<256x128xf32>
    %dot_general3A_528 = tpu.matmul %convert_element_type3A_524, %convert_element_type3A_490, %dot_general3A_527 {dimension_numbers = #tpu.dot_dimension_numbers<[1], [0], [0], [1], [0, 0, 1, 1], [], []>, transpose_lhs_hint = false} : vector<256x1024xbf16>, vector<1024x128xbf16>, vector<256x128xf32> -> vector<256x128xf32>
    %get3A_529 = arith.constant 0 : index
    %get3A_530 = arith.constant 0 : index
    %get3A_531 = vector.load %arg14[%get3A_529, %get3A_530] : memref<1024x128xf32, #tpu.memory_space<vmem>>, vector<256x128xf32>
    %sub3A_532 = arith.subf %get3A_531, %dot_general3A_526 : vector<256x128xf32>
    %get3A_533 = arith.constant 0 : index
    %get3A_534 = arith.constant 0 : index
    %get3A_535 = vector.load %arg15[%get3A_533, %get3A_534] : memref<1024x128xf32, #tpu.memory_space<vmem>>, vector<256x128xf32>
    %sub3A_536 = arith.subf %get3A_535, %dot_general3A_528 : vector<256x128xf32>
    %slice3A_537 = vector.extract_strided_slice %convert_element_type3A_470 {offsets = [0, 0], sizes = [128, 64], strides = [1, 1]} : vector<256x64xbf16> to vector<128x64xbf16>
    %dot_general3A_538 = arith.constant dense<0.000000e+00> : vector<256x64xf32>
    %dot_general3A_539 = tpu.matmul %slice3A_495, %slice3A_537, %dot_general3A_538 {dimension_numbers = #tpu.dot_dimension_numbers<[1], [0], [0], [1], [0, 0, 1, 1], [], []>, transpose_lhs_hint = false} : vector<256x128xbf16>, vector<128x64xbf16>, vector<256x64xf32> -> vector<256x64xf32>
    %convert_element_type3A_540 = arith.truncf %sub3A_532 : vector<256x128xf32> to vector<256x128xbf16>
    %slice3A_541 = vector.extract_strided_slice %convert_element_type3A_470 {offsets = [128, 0], sizes = [128, 64], strides = [1, 1]} : vector<256x64xbf16> to vector<128x64xbf16>
    %dot_general3A_542 = arith.constant dense<0.000000e+00> : vector<256x64xf32>
    %dot_general3A_543 = tpu.matmul %convert_element_type3A_540, %slice3A_541, %dot_general3A_542 {dimension_numbers = #tpu.dot_dimension_numbers<[1], [0], [0], [1], [0, 0, 1, 1], [], []>, transpose_lhs_hint = false} : vector<256x128xbf16>, vector<128x64xbf16>, vector<256x64xf32> -> vector<256x64xf32>
    %add3A_544 = arith.addf %dot_general3A_539, %dot_general3A_543 : vector<256x64xf32>
    %add3A_545 = vector.broadcast %get3A_475 : vector<1x64xf32> to vector<256x64xf32>
    %add3A_546 = arith.addf %add3A_544, %add3A_545 : vector<256x64xf32>
    %max3A_547 = arith.constant 0.000000e+00 : f32
    %max3A_548 = vector.broadcast %max3A_547 : f32 to vector<256x64xf32>
    %max3A_549 = arith.maximumf %add3A_546, %max3A_548 : vector<256x64xf32>
    %convert_element_type3A_550 = arith.truncf %max3A_549 : vector<256x64xf32> to vector<256x64xbf16>
    %dot_general3A_551 = arith.constant dense<0.000000e+00> : vector<256x128xf32>
    %dot_general3A_552 = tpu.matmul %convert_element_type3A_550, %convert_element_type3A_481, %dot_general3A_551 {dimension_numbers = #tpu.dot_dimension_numbers<[1], [0], [0], [1], [0, 0, 1, 1], [], []>, transpose_lhs_hint = false} : vector<256x64xbf16>, vector<64x128xbf16>, vector<256x128xf32> -> vector<256x128xf32>
    %add3A_553 = vector.broadcast %get3A_486 : vector<1x128xf32> to vector<256x128xf32>
    %add3A_554 = arith.addf %dot_general3A_552, %add3A_553 : vector<256x128xf32>
    %slice3A_555 = vector.extract_strided_slice %convert_element_type3A_470 {offsets = [0, 0], sizes = [128, 64], strides = [1, 1]} : vector<256x64xbf16> to vector<128x64xbf16>
    %dot_general3A_556 = arith.constant dense<0.000000e+00> : vector<256x64xf32>
    %dot_general3A_557 = tpu.matmul %slice3A_496, %slice3A_555, %dot_general3A_556 {dimension_numbers = #tpu.dot_dimension_numbers<[1], [0], [0], [1], [0, 0, 1, 1], [], []>, transpose_lhs_hint = false} : vector<256x128xbf16>, vector<128x64xbf16>, vector<256x64xf32> -> vector<256x64xf32>
    %convert_element_type3A_558 = arith.truncf %sub3A_536 : vector<256x128xf32> to vector<256x128xbf16>
    %slice3A_559 = vector.extract_strided_slice %convert_element_type3A_470 {offsets = [128, 0], sizes = [128, 64], strides = [1, 1]} : vector<256x64xbf16> to vector<128x64xbf16>
    %dot_general3A_560 = arith.constant dense<0.000000e+00> : vector<256x64xf32>
    %dot_general3A_561 = tpu.matmul %convert_element_type3A_558, %slice3A_559, %dot_general3A_560 {dimension_numbers = #tpu.dot_dimension_numbers<[1], [0], [0], [1], [0, 0, 1, 1], [], []>, transpose_lhs_hint = false} : vector<256x128xbf16>, vector<128x64xbf16>, vector<256x64xf32> -> vector<256x64xf32>
    %add3A_562 = arith.addf %dot_general3A_557, %dot_general3A_561 : vector<256x64xf32>
    %add3A_563 = vector.broadcast %get3A_475 : vector<1x64xf32> to vector<256x64xf32>
    %add3A_564 = arith.addf %add3A_562, %add3A_563 : vector<256x64xf32>
    %max3A_565 = arith.constant 0.000000e+00 : f32
    %max3A_566 = vector.broadcast %max3A_565 : f32 to vector<256x64xf32>
    %max3A_567 = arith.maximumf %add3A_564, %max3A_566 : vector<256x64xf32>
    %convert_element_type3A_568 = arith.truncf %max3A_567 : vector<256x64xf32> to vector<256x64xbf16>
    %dot_general3A_569 = arith.constant dense<0.000000e+00> : vector<256x128xf32>
    %dot_general3A_570 = tpu.matmul %convert_element_type3A_568, %convert_element_type3A_481, %dot_general3A_569 {dimension_numbers = #tpu.dot_dimension_numbers<[1], [0], [0], [1], [0, 0, 1, 1], [], []>, transpose_lhs_hint = false} : vector<256x64xbf16>, vector<64x128xbf16>, vector<256x128xf32> -> vector<256x128xf32>
    %add3A_571 = vector.broadcast %get3A_486 : vector<1x128xf32> to vector<256x128xf32>
    %add3A_572 = arith.addf %dot_general3A_570, %add3A_571 : vector<256x128xf32>
    %swap3A_573 = arith.constant 0 : index
    %swap3A_574 = arith.constant 0 : index
    %swap3A_575 = vector.load %arg16[%swap3A_573, %swap3A_574] : memref<1024x128xf32, #tpu.memory_space<vmem>>, vector<256x128xf32>
    tpu.vector_store %arg16[%swap3A_573, %swap3A_574], %add3A_554 {strides = array<i32>} : memref<1024x128xf32, #tpu.memory_space<vmem>>, vector<256x128xf32>,
    %swap3A_576 = arith.constant 0 : index
    %swap3A_577 = arith.constant 0 : index
    %swap3A_578 = vector.load %arg17[%swap3A_576, %swap3A_577] : memref<1024x128xf32, #tpu.memory_space<vmem>>, vector<256x128xf32>
    tpu.vector_store %arg17[%swap3A_576, %swap3A_577], %add3A_572 {strides = array<i32>} : memref<1024x128xf32, #tpu.memory_space<vmem>>, vector<256x128xf32>,
    %slice3A_579 = vector.extract_strided_slice %convert_element_type3A_490 {offsets = [256, 0], sizes = [256, 128], strides = [1, 1]} : vector<1024x128xbf16> to vector<256x128xbf16>
    %slice3A_580 = vector.extract_strided_slice %convert_element_type3A_494 {offsets = [256, 0], sizes = [256, 128], strides = [1, 1]} : vector<1024x128xbf16> to vector<256x128xbf16>
    %dot_general3A_581 = arith.constant dense<0.000000e+00> : vector<256x1024xf32>
    %dot_general3A_582 = tpu.matmul %slice3A_579, %convert_element_type3A_494, %dot_general3A_581 {dimension_numbers = #tpu.dot_dimension_numbers<[1], [1], [0], [0], [0, 0, 1, 0], [], []>, transpose_lhs_hint = false} : vector<256x128xbf16>, vector<1024x128xbf16>, vector<256x1024xf32> -> vector<256x1024xf32>
    %dot_general3A_583 = arith.constant dense<0.000000e+00> : vector<256x1024xf32>
    %dot_general3A_584 = tpu.matmul %slice3A_580, %convert_element_type3A_490, %dot_general3A_583 {dimension_numbers = #tpu.dot_dimension_numbers<[1], [1], [0], [0], [0, 0, 1, 0], [], []>, transpose_lhs_hint = false} : vector<256x128xbf16>, vector<1024x128xbf16>, vector<256x1024xf32> -> vector<256x1024xf32>
    %reduce_max3A_585 = arith.constant dense<0xFF800000> : vector<256xf32>
    %reduce_max3A_586 = vector.multi_reduction <maximumf>, %dot_general3A_582, %reduce_max3A_585 [1] : vector<256x1024xf32> to vector<256xf32>
    %broadcast_in_dim3A_587 = vector.shape_cast %reduce_max3A_586 : vector<256xf32> to vector<256x1xf32>
    %sub3A_588 = vector.broadcast %broadcast_in_dim3A_587 : vector<256x1xf32> to vector<256x1024xf32>
    %sub3A_589 = arith.subf %dot_general3A_582, %sub3A_588 : vector<256x1024xf32>
    %exp3A_590 = math.exp %sub3A_589 : vector<256x1024xf32>
    %reduce_sum3A_591 = arith.constant dense<0.000000e+00> : vector<256xf32>
    %reduce_sum3A_592 = vector.multi_reduction <add>, %exp3A_590, %reduce_sum3A_591 [1] : vector<256x1024xf32> to vector<256xf32>
    %broadcast_in_dim3A_593 = vector.shape_cast %reduce_sum3A_592 : vector<256xf32> to vector<256x1xf32>
    %div3A_594 = vector.broadcast %broadcast_in_dim3A_593 : vector<256x1xf32> to vector<256x1024xf32>
    %div3A_595 = arith.divf %exp3A_590, %div3A_594 : vector<256x1024xf32>
    %convert_element_type3A_596 = arith.truncf %div3A_595 : vector<256x1024xf32> to vector<256x1024xbf16>
    %reduce_max3A_597 = arith.constant dense<0xFF800000> : vector<256xf32>
    %reduce_max3A_598 = vector.multi_reduction <maximumf>, %dot_general3A_584, %reduce_max3A_597 [1] : vector<256x1024xf32> to vector<256xf32>
    %broadcast_in_dim3A_599 = vector.shape_cast %reduce_max3A_598 : vector<256xf32> to vector<256x1xf32>
    %sub3A_600 = vector.broadcast %broadcast_in_dim3A_599 : vector<256x1xf32> to vector<256x1024xf32>
    %sub3A_601 = arith.subf %dot_general3A_584, %sub3A_600 : vector<256x1024xf32>
    %exp3A_602 = math.exp %sub3A_601 : vector<256x1024xf32>
    %reduce_sum3A_603 = arith.constant dense<0.000000e+00> : vector<256xf32>
    %reduce_sum3A_604 = vector.multi_reduction <add>, %exp3A_602, %reduce_sum3A_603 [1] : vector<256x1024xf32> to vector<256xf32>
    %broadcast_in_dim3A_605 = vector.shape_cast %reduce_sum3A_604 : vector<256xf32> to vector<256x1xf32>
    %div3A_606 = vector.broadcast %broadcast_in_dim3A_605 : vector<256x1xf32> to vector<256x1024xf32>
    %div3A_607 = arith.divf %exp3A_602, %div3A_606 : vector<256x1024xf32>
    %convert_element_type3A_608 = arith.truncf %div3A_607 : vector<256x1024xf32> to vector<256x1024xbf16>
    %dot_general3A_609 = arith.constant dense<0.000000e+00> : vector<256x128xf32>
    %dot_general3A_610 = tpu.matmul %convert_element_type3A_596, %convert_element_type3A_494, %dot_general3A_609 {dimension_numbers = #tpu.dot_dimension_numbers<[1], [0], [0], [1], [0, 0, 1, 1], [], []>, transpose_lhs_hint = false} : vector<256x1024xbf16>, vector<1024x128xbf16>, vector<256x128xf32> -> vector<256x128xf32>
    %dot_general3A_611 = arith.constant dense<0.000000e+00> : vector<256x128xf32>
    %dot_general3A_612 = tpu.matmul %convert_element_type3A_608, %convert_element_type3A_490, %dot_general3A_611 {dimension_numbers = #tpu.dot_dimension_numbers<[1], [0], [0], [1], [0, 0, 1, 1], [], []>, transpose_lhs_hint = false} : vector<256x1024xbf16>, vector<1024x128xbf16>, vector<256x128xf32> -> vector<256x128xf32>
    %get3A_613 = arith.constant 256 : index
    %get3A_614 = arith.constant 0 : index
    %get3A_615 = vector.load %arg14[%get3A_613, %get3A_614] : memref<1024x128xf32, #tpu.memory_space<vmem>>, vector<256x128xf32>
    %sub3A_616 = arith.subf %get3A_615, %dot_general3A_610 : vector<256x128xf32>
    %get3A_617 = arith.constant 256 : index
    %get3A_618 = arith.constant 0 : index
    %get3A_619 = vector.load %arg15[%get3A_617, %get3A_618] : memref<1024x128xf32, #tpu.memory_space<vmem>>, vector<256x128xf32>
    %sub3A_620 = arith.subf %get3A_619, %dot_general3A_612 : vector<256x128xf32>
    %slice3A_621 = vector.extract_strided_slice %convert_element_type3A_470 {offsets = [0, 0], sizes = [128, 64], strides = [1, 1]} : vector<256x64xbf16> to vector<128x64xbf16>
    %dot_general3A_622 = arith.constant dense<0.000000e+00> : vector<256x64xf32>
    %dot_general3A_623 = tpu.matmul %slice3A_579, %slice3A_621, %dot_general3A_622 {dimension_numbers = #tpu.dot_dimension_numbers<[1], [0], [0], [1], [0, 0, 1, 1], [], []>, transpose_lhs_hint = false} : vector<256x128xbf16>, vector<128x64xbf16>, vector<256x64xf32> -> vector<256x64xf32>
    %convert_element_type3A_624 = arith.truncf %sub3A_616 : vector<256x128xf32> to vector<256x128xbf16>
    %slice3A_625 = vector.extract_strided_slice %convert_element_type3A_470 {offsets = [128, 0], sizes = [128, 64], strides = [1, 1]} : vector<256x64xbf16> to vector<128x64xbf16>
    %dot_general3A_626 = arith.constant dense<0.000000e+00> : vector<256x64xf32>
    %dot_general3A_627 = tpu.matmul %convert_element_type3A_624, %slice3A_625, %dot_general3A_626 {dimension_numbers = #tpu.dot_dimension_numbers<[1], [0], [0], [1], [0, 0, 1, 1], [], []>, transpose_lhs_hint = false} : vector<256x128xbf16>, vector<128x64xbf16>, vector<256x64xf32> -> vector<256x64xf32>
    %add3A_628 = arith.addf %dot_general3A_623, %dot_general3A_627 : vector<256x64xf32>
    %add3A_629 = vector.broadcast %get3A_475 : vector<1x64xf32> to vector<256x64xf32>
    %add3A_630 = arith.addf %add3A_628, %add3A_629 : vector<256x64xf32>
    %max3A_631 = arith.constant 0.000000e+00 : f32
    %max3A_632 = vector.broadcast %max3A_631 : f32 to vector<256x64xf32>
    %max3A_633 = arith.maximumf %add3A_630, %max3A_632 : vector<256x64xf32>
    %convert_element_type3A_634 = arith.truncf %max3A_633 : vector<256x64xf32> to vector<256x64xbf16>
    %dot_general3A_635 = arith.constant dense<0.000000e+00> : vector<256x128xf32>
    %dot_general3A_636 = tpu.matmul %convert_element_type3A_634, %convert_element_type3A_481, %dot_general3A_635 {dimension_numbers = #tpu.dot_dimension_numbers<[1], [0], [0], [1], [0, 0, 1, 1], [], []>, transpose_lhs_hint = false} : vector<256x64xbf16>, vector<64x128xbf16>, vector<256x128xf32> -> vector<256x128xf32>
    %add3A_637 = vector.broadcast %get3A_486 : vector<1x128xf32> to vector<256x128xf32>
    %add3A_638 = arith.addf %dot_general3A_636, %add3A_637 : vector<256x128xf32>
    %slice3A_639 = vector.extract_strided_slice %convert_element_type3A_470 {offsets = [0, 0], sizes = [128, 64], strides = [1, 1]} : vector<256x64xbf16> to vector<128x64xbf16>
    %dot_general3A_640 = arith.constant dense<0.000000e+00> : vector<256x64xf32>
    %dot_general3A_641 = tpu.matmul %slice3A_580, %slice3A_639, %dot_general3A_640 {dimension_numbers = #tpu.dot_dimension_numbers<[1], [0], [0], [1], [0, 0, 1, 1], [], []>, transpose_lhs_hint = false} : vector<256x128xbf16>, vector<128x64xbf16>, vector<256x64xf32> -> vector<256x64xf32>
    %convert_element_type3A_642 = arith.truncf %sub3A_620 : vector<256x128xf32> to vector<256x128xbf16>
    %slice3A_643 = vector.extract_strided_slice %convert_element_type3A_470 {offsets = [128, 0], sizes = [128, 64], strides = [1, 1]} : vector<256x64xbf16> to vector<128x64xbf16>
    %dot_general3A_644 = arith.constant dense<0.000000e+00> : vector<256x64xf32>
    %dot_general3A_645 = tpu.matmul %convert_element_type3A_642, %slice3A_643, %dot_general3A_644 {dimension_numbers = #tpu.dot_dimension_numbers<[1], [0], [0], [1], [0, 0, 1, 1], [], []>, transpose_lhs_hint = false} : vector<256x128xbf16>, vector<128x64xbf16>, vector<256x64xf32> -> vector<256x64xf32>
    %add3A_646 = arith.addf %dot_general3A_641, %dot_general3A_645 : vector<256x64xf32>
    %add3A_647 = vector.broadcast %get3A_475 : vector<1x64xf32> to vector<256x64xf32>
    %add3A_648 = arith.addf %add3A_646, %add3A_647 : vector<256x64xf32>
    %max3A_649 = arith.constant 0.000000e+00 : f32
    %max3A_650 = vector.broadcast %max3A_649 : f32 to vector<256x64xf32>
    %max3A_651 = arith.maximumf %add3A_648, %max3A_650 : vector<256x64xf32>
    %convert_element_type3A_652 = arith.truncf %max3A_651 : vector<256x64xf32> to vector<256x64xbf16>
    %dot_general3A_653 = arith.constant dense<0.000000e+00> : vector<256x128xf32>
    %dot_general3A_654 = tpu.matmul %convert_element_type3A_652, %convert_element_type3A_481, %dot_general3A_653 {dimension_numbers = #tpu.dot_dimension_numbers<[1], [0], [0], [1], [0, 0, 1, 1], [], []>, transpose_lhs_hint = false} : vector<256x64xbf16>, vector<64x128xbf16>, vector<256x128xf32> -> vector<256x128xf32>
    %add3A_655 = vector.broadcast %get3A_486 : vector<1x128xf32> to vector<256x128xf32>
    %add3A_656 = arith.addf %dot_general3A_654, %add3A_655 : vector<256x128xf32>
    %swap3A_657 = arith.constant 256 : index
    %swap3A_658 = arith.constant 0 : index
    %swap3A_659 = vector.load %arg16[%swap3A_657, %swap3A_658] : memref<1024x128xf32, #tpu.memory_space<vmem>>, vector<256x128xf32>
    tpu.vector_store %arg16[%swap3A_657, %swap3A_658], %add3A_638 {strides = array<i32>} : memref<1024x128xf32, #tpu.memory_space<vmem>>, vector<256x128xf32>,
    %swap3A_660 = arith.constant 256 : index
    %swap3A_661 = arith.constant 0 : index
    %swap3A_662 = vector.load %arg17[%swap3A_660, %swap3A_661] : memref<1024x128xf32, #tpu.memory_space<vmem>>, vector<256x128xf32>
    tpu.vector_store %arg17[%swap3A_660, %swap3A_661], %add3A_656 {strides = array<i32>} : memref<1024x128xf32, #tpu.memory_space<vmem>>, vector<256x128xf32>,
    %slice3A_663 = vector.extract_strided_slice %convert_element_type3A_490 {offsets = [512, 0], sizes = [256, 128], strides = [1, 1]} : vector<1024x128xbf16> to vector<256x128xbf16>
    %slice3A_664 = vector.extract_strided_slice %convert_element_type3A_494 {offsets = [512, 0], sizes = [256, 128], strides = [1, 1]} : vector<1024x128xbf16> to vector<256x128xbf16>
    %dot_general3A_665 = arith.constant dense<0.000000e+00> : vector<256x1024xf32>
    %dot_general3A_666 = tpu.matmul %slice3A_663, %convert_element_type3A_494, %dot_general3A_665 {dimension_numbers = #tpu.dot_dimension_numbers<[1], [1], [0], [0], [0, 0, 1, 0], [], []>, transpose_lhs_hint = false} : vector<256x128xbf16>, vector<1024x128xbf16>, vector<256x1024xf32> -> vector<256x1024xf32>
    %dot_general3A_667 = arith.constant dense<0.000000e+00> : vector<256x1024xf32>
    %dot_general3A_668 = tpu.matmul %slice3A_664, %convert_element_type3A_490, %dot_general3A_667 {dimension_numbers = #tpu.dot_dimension_numbers<[1], [1], [0], [0], [0, 0, 1, 0], [], []>, transpose_lhs_hint = false} : vector<256x128xbf16>, vector<1024x128xbf16>, vector<256x1024xf32> -> vector<256x1024xf32>
    %reduce_max3A_669 = arith.constant dense<0xFF800000> : vector<256xf32>
    %reduce_max3A_670 = vector.multi_reduction <maximumf>, %dot_general3A_666, %reduce_max3A_669 [1] : vector<256x1024xf32> to vector<256xf32>
    %broadcast_in_dim3A_671 = vector.shape_cast %reduce_max3A_670 : vector<256xf32> to vector<256x1xf32>
    %sub3A_672 = vector.broadcast %broadcast_in_dim3A_671 : vector<256x1xf32> to vector<256x1024xf32>
    %sub3A_673 = arith.subf %dot_general3A_666, %sub3A_672 : vector<256x1024xf32>
    %exp3A_674 = math.exp %sub3A_673 : vector<256x1024xf32>
    %reduce_sum3A_675 = arith.constant dense<0.000000e+00> : vector<256xf32>
    %reduce_sum3A_676 = vector.multi_reduction <add>, %exp3A_674, %reduce_sum3A_675 [1] : vector<256x1024xf32> to vector<256xf32>
    %broadcast_in_dim3A_677 = vector.shape_cast %reduce_sum3A_676 : vector<256xf32> to vector<256x1xf32>
    %div3A_678 = vector.broadcast %broadcast_in_dim3A_677 : vector<256x1xf32> to vector<256x1024xf32>
    %div3A_679 = arith.divf %exp3A_674, %div3A_678 : vector<256x1024xf32>
    %convert_element_type3A_680 = arith.truncf %div3A_679 : vector<256x1024xf32> to vector<256x1024xbf16>
    %reduce_max3A_681 = arith.constant dense<0xFF800000> : vector<256xf32>
    %reduce_max3A_682 = vector.multi_reduction <maximumf>, %dot_general3A_668, %reduce_max3A_681 [1] : vector<256x1024xf32> to vector<256xf32>
    %broadcast_in_dim3A_683 = vector.shape_cast %reduce_max3A_682 : vector<256xf32> to vector<256x1xf32>
    %sub3A_684 = vector.broadcast %broadcast_in_dim3A_683 : vector<256x1xf32> to vector<256x1024xf32>
    %sub3A_685 = arith.subf %dot_general3A_668, %sub3A_684 : vector<256x1024xf32>
    %exp3A_686 = math.exp %sub3A_685 : vector<256x1024xf32>
    %reduce_sum3A_687 = arith.constant dense<0.000000e+00> : vector<256xf32>
    %reduce_sum3A_688 = vector.multi_reduction <add>, %exp3A_686, %reduce_sum3A_687 [1] : vector<256x1024xf32> to vector<256xf32>
    %broadcast_in_dim3A_689 = vector.shape_cast %reduce_sum3A_688 : vector<256xf32> to vector<256x1xf32>
    %div3A_690 = vector.broadcast %broadcast_in_dim3A_689 : vector<256x1xf32> to vector<256x1024xf32>
    %div3A_691 = arith.divf %exp3A_686, %div3A_690 : vector<256x1024xf32>
    %convert_element_type3A_692 = arith.truncf %div3A_691 : vector<256x1024xf32> to vector<256x1024xbf16>
    %dot_general3A_693 = arith.constant dense<0.000000e+00> : vector<256x128xf32>
    %dot_general3A_694 = tpu.matmul %convert_element_type3A_680, %convert_element_type3A_494, %dot_general3A_693 {dimension_numbers = #tpu.dot_dimension_numbers<[1], [0], [0], [1], [0, 0, 1, 1], [], []>, transpose_lhs_hint = false} : vector<256x1024xbf16>, vector<1024x128xbf16>, vector<256x128xf32> -> vector<256x128xf32>
    %dot_general3A_695 = arith.constant dense<0.000000e+00> : vector<256x128xf32>
    %dot_general3A_696 = tpu.matmul %convert_element_type3A_692, %convert_element_type3A_490, %dot_general3A_695 {dimension_numbers = #tpu.dot_dimension_numbers<[1], [0], [0], [1], [0, 0, 1, 1], [], []>, transpose_lhs_hint = false} : vector<256x1024xbf16>, vector<1024x128xbf16>, vector<256x128xf32> -> vector<256x128xf32>
    %get3A_697 = arith.constant 512 : index
    %get3A_698 = arith.constant 0 : index
    %get3A_699 = vector.load %arg14[%get3A_697, %get3A_698] : memref<1024x128xf32, #tpu.memory_space<vmem>>, vector<256x128xf32>
    %sub3A_700 = arith.subf %get3A_699, %dot_general3A_694 : vector<256x128xf32>
    %get3A_701 = arith.constant 512 : index
    %get3A_702 = arith.constant 0 : index
    %get3A_703 = vector.load %arg15[%get3A_701, %get3A_702] : memref<1024x128xf32, #tpu.memory_space<vmem>>, vector<256x128xf32>
    %sub3A_704 = arith.subf %get3A_703, %dot_general3A_696 : vector<256x128xf32>
    %slice3A_705 = vector.extract_strided_slice %convert_element_type3A_470 {offsets = [0, 0], sizes = [128, 64], strides = [1, 1]} : vector<256x64xbf16> to vector<128x64xbf16>
    %dot_general3A_706 = arith.constant dense<0.000000e+00> : vector<256x64xf32>
    %dot_general3A_707 = tpu.matmul %slice3A_663, %slice3A_705, %dot_general3A_706 {dimension_numbers = #tpu.dot_dimension_numbers<[1], [0], [0], [1], [0, 0, 1, 1], [], []>, transpose_lhs_hint = false} : vector<256x128xbf16>, vector<128x64xbf16>, vector<256x64xf32> -> vector<256x64xf32>
    %convert_element_type3A_708 = arith.truncf %sub3A_700 : vector<256x128xf32> to vector<256x128xbf16>
    %slice3A_709 = vector.extract_strided_slice %convert_element_type3A_470 {offsets = [128, 0], sizes = [128, 64], strides = [1, 1]} : vector<256x64xbf16> to vector<128x64xbf16>
    %dot_general3A_710 = arith.constant dense<0.000000e+00> : vector<256x64xf32>
    %dot_general3A_711 = tpu.matmul %convert_element_type3A_708, %slice3A_709, %dot_general3A_710 {dimension_numbers = #tpu.dot_dimension_numbers<[1], [0], [0], [1], [0, 0, 1, 1], [], []>, transpose_lhs_hint = false} : vector<256x128xbf16>, vector<128x64xbf16>, vector<256x64xf32> -> vector<256x64xf32>
    %add3A_712 = arith.addf %dot_general3A_707, %dot_general3A_711 : vector<256x64xf32>
    %add3A_713 = vector.broadcast %get3A_475 : vector<1x64xf32> to vector<256x64xf32>
    %add3A_714 = arith.addf %add3A_712, %add3A_713 : vector<256x64xf32>
    %max3A_715 = arith.constant 0.000000e+00 : f32
    %max3A_716 = vector.broadcast %max3A_715 : f32 to vector<256x64xf32>
    %max3A_717 = arith.maximumf %add3A_714, %max3A_716 : vector<256x64xf32>
    %convert_element_type3A_718 = arith.truncf %max3A_717 : vector<256x64xf32> to vector<256x64xbf16>
    %dot_general3A_719 = arith.constant dense<0.000000e+00> : vector<256x128xf32>
    %dot_general3A_720 = tpu.matmul %convert_element_type3A_718, %convert_element_type3A_481, %dot_general3A_719 {dimension_numbers = #tpu.dot_dimension_numbers<[1], [0], [0], [1], [0, 0, 1, 1], [], []>, transpose_lhs_hint = false} : vector<256x64xbf16>, vector<64x128xbf16>, vector<256x128xf32> -> vector<256x128xf32>
    %add3A_721 = vector.broadcast %get3A_486 : vector<1x128xf32> to vector<256x128xf32>
    %add3A_722 = arith.addf %dot_general3A_720, %add3A_721 : vector<256x128xf32>
    %slice3A_723 = vector.extract_strided_slice %convert_element_type3A_470 {offsets = [0, 0], sizes = [128, 64], strides = [1, 1]} : vector<256x64xbf16> to vector<128x64xbf16>
    %dot_general3A_724 = arith.constant dense<0.000000e+00> : vector<256x64xf32>
    %dot_general3A_725 = tpu.matmul %slice3A_664, %slice3A_723, %dot_general3A_724 {dimension_numbers = #tpu.dot_dimension_numbers<[1], [0], [0], [1], [0, 0, 1, 1], [], []>, transpose_lhs_hint = false} : vector<256x128xbf16>, vector<128x64xbf16>, vector<256x64xf32> -> vector<256x64xf32>
    %convert_element_type3A_726 = arith.truncf %sub3A_704 : vector<256x128xf32> to vector<256x128xbf16>
    %slice3A_727 = vector.extract_strided_slice %convert_element_type3A_470 {offsets = [128, 0], sizes = [128, 64], strides = [1, 1]} : vector<256x64xbf16> to vector<128x64xbf16>
    %dot_general3A_728 = arith.constant dense<0.000000e+00> : vector<256x64xf32>
    %dot_general3A_729 = tpu.matmul %convert_element_type3A_726, %slice3A_727, %dot_general3A_728 {dimension_numbers = #tpu.dot_dimension_numbers<[1], [0], [0], [1], [0, 0, 1, 1], [], []>, transpose_lhs_hint = false} : vector<256x128xbf16>, vector<128x64xbf16>, vector<256x64xf32> -> vector<256x64xf32>
    %add3A_730 = arith.addf %dot_general3A_725, %dot_general3A_729 : vector<256x64xf32>
    %add3A_731 = vector.broadcast %get3A_475 : vector<1x64xf32> to vector<256x64xf32>
    %add3A_732 = arith.addf %add3A_730, %add3A_731 : vector<256x64xf32>
    %max3A_733 = arith.constant 0.000000e+00 : f32
    %max3A_734 = vector.broadcast %max3A_733 : f32 to vector<256x64xf32>
    %max3A_735 = arith.maximumf %add3A_732, %max3A_734 : vector<256x64xf32>
    %convert_element_type3A_736 = arith.truncf %max3A_735 : vector<256x64xf32> to vector<256x64xbf16>
    %dot_general3A_737 = arith.constant dense<0.000000e+00> : vector<256x128xf32>
    %dot_general3A_738 = tpu.matmul %convert_element_type3A_736, %convert_element_type3A_481, %dot_general3A_737 {dimension_numbers = #tpu.dot_dimension_numbers<[1], [0], [0], [1], [0, 0, 1, 1], [], []>, transpose_lhs_hint = false} : vector<256x64xbf16>, vector<64x128xbf16>, vector<256x128xf32> -> vector<256x128xf32>
    %add3A_739 = vector.broadcast %get3A_486 : vector<1x128xf32> to vector<256x128xf32>
    %add3A_740 = arith.addf %dot_general3A_738, %add3A_739 : vector<256x128xf32>
    %swap3A_741 = arith.constant 512 : index
    %swap3A_742 = arith.constant 0 : index
    %swap3A_743 = vector.load %arg16[%swap3A_741, %swap3A_742] : memref<1024x128xf32, #tpu.memory_space<vmem>>, vector<256x128xf32>
    tpu.vector_store %arg16[%swap3A_741, %swap3A_742], %add3A_722 {strides = array<i32>} : memref<1024x128xf32, #tpu.memory_space<vmem>>, vector<256x128xf32>,
    %swap3A_744 = arith.constant 512 : index
    %swap3A_745 = arith.constant 0 : index
    %swap3A_746 = vector.load %arg17[%swap3A_744, %swap3A_745] : memref<1024x128xf32, #tpu.memory_space<vmem>>, vector<256x128xf32>
    tpu.vector_store %arg17[%swap3A_744, %swap3A_745], %add3A_740 {strides = array<i32>} : memref<1024x128xf32, #tpu.memory_space<vmem>>, vector<256x128xf32>,
    %slice3A_747 = vector.extract_strided_slice %convert_element_type3A_490 {offsets = [768, 0], sizes = [256, 128], strides = [1, 1]} : vector<1024x128xbf16> to vector<256x128xbf16>
    %slice3A_748 = vector.extract_strided_slice %convert_element_type3A_494 {offsets = [768, 0], sizes = [256, 128], strides = [1, 1]} : vector<1024x128xbf16> to vector<256x128xbf16>
    %dot_general3A_749 = arith.constant dense<0.000000e+00> : vector<256x1024xf32>
    %dot_general3A_750 = tpu.matmul %slice3A_747, %convert_element_type3A_494, %dot_general3A_749 {dimension_numbers = #tpu.dot_dimension_numbers<[1], [1], [0], [0], [0, 0, 1, 0], [], []>, transpose_lhs_hint = false} : vector<256x128xbf16>, vector<1024x128xbf16>, vector<256x1024xf32> -> vector<256x1024xf32>
    %dot_general3A_751 = arith.constant dense<0.000000e+00> : vector<256x1024xf32>
    %dot_general3A_752 = tpu.matmul %slice3A_748, %convert_element_type3A_490, %dot_general3A_751 {dimension_numbers = #tpu.dot_dimension_numbers<[1], [1], [0], [0], [0, 0, 1, 0], [], []>, transpose_lhs_hint = false} : vector<256x128xbf16>, vector<1024x128xbf16>, vector<256x1024xf32> -> vector<256x1024xf32>
    %reduce_max3A_753 = arith.constant dense<0xFF800000> : vector<256xf32>
    %reduce_max3A_754 = vector.multi_reduction <maximumf>, %dot_general3A_750, %reduce_max3A_753 [1] : vector<256x1024xf32> to vector<256xf32>
    %broadcast_in_dim3A_755 = vector.shape_cast %reduce_max3A_754 : vector<256xf32> to vector<256x1xf32>
    %sub3A_756 = vector.broadcast %broadcast_in_dim3A_755 : vector<256x1xf32> to vector<256x1024xf32>
    %sub3A_757 = arith.subf %dot_general3A_750, %sub3A_756 : vector<256x1024xf32>
    %exp3A_758 = math.exp %sub3A_757 : vector<256x1024xf32>
    %reduce_sum3A_759 = arith.constant dense<0.000000e+00> : vector<256xf32>
    %reduce_sum3A_760 = vector.multi_reduction <add>, %exp3A_758, %reduce_sum3A_759 [1] : vector<256x1024xf32> to vector<256xf32>
    %broadcast_in_dim3A_761 = vector.shape_cast %reduce_sum3A_760 : vector<256xf32> to vector<256x1xf32>
    %div3A_762 = vector.broadcast %broadcast_in_dim3A_761 : vector<256x1xf32> to vector<256x1024xf32>
    %div3A_763 = arith.divf %exp3A_758, %div3A_762 : vector<256x1024xf32>
    %convert_element_type3A_764 = arith.truncf %div3A_763 : vector<256x1024xf32> to vector<256x1024xbf16>
    %reduce_max3A_765 = arith.constant dense<0xFF800000> : vector<256xf32>
    %reduce_max3A_766 = vector.multi_reduction <maximumf>, %dot_general3A_752, %reduce_max3A_765 [1] : vector<256x1024xf32> to vector<256xf32>
    %broadcast_in_dim3A_767 = vector.shape_cast %reduce_max3A_766 : vector<256xf32> to vector<256x1xf32>
    %sub3A_768 = vector.broadcast %broadcast_in_dim3A_767 : vector<256x1xf32> to vector<256x1024xf32>
    %sub3A_769 = arith.subf %dot_general3A_752, %sub3A_768 : vector<256x1024xf32>
    %exp3A_770 = math.exp %sub3A_769 : vector<256x1024xf32>
    %reduce_sum3A_771 = arith.constant dense<0.000000e+00> : vector<256xf32>
    %reduce_sum3A_772 = vector.multi_reduction <add>, %exp3A_770, %reduce_sum3A_771 [1] : vector<256x1024xf32> to vector<256xf32>
    %broadcast_in_dim3A_773 = vector.shape_cast %reduce_sum3A_772 : vector<256xf32> to vector<256x1xf32>
    %div3A_774 = vector.broadcast %broadcast_in_dim3A_773 : vector<256x1xf32> to vector<256x1024xf32>
    %div3A_775 = arith.divf %exp3A_770, %div3A_774 : vector<256x1024xf32>
    %convert_element_type3A_776 = arith.truncf %div3A_775 : vector<256x1024xf32> to vector<256x1024xbf16>
    %dot_general3A_777 = arith.constant dense<0.000000e+00> : vector<256x128xf32>
    %dot_general3A_778 = tpu.matmul %convert_element_type3A_764, %convert_element_type3A_494, %dot_general3A_777 {dimension_numbers = #tpu.dot_dimension_numbers<[1], [0], [0], [1], [0, 0, 1, 1], [], []>, transpose_lhs_hint = false} : vector<256x1024xbf16>, vector<1024x128xbf16>, vector<256x128xf32> -> vector<256x128xf32>
    %dot_general3A_779 = arith.constant dense<0.000000e+00> : vector<256x128xf32>
    %dot_general3A_780 = tpu.matmul %convert_element_type3A_776, %convert_element_type3A_490, %dot_general3A_779 {dimension_numbers = #tpu.dot_dimension_numbers<[1], [0], [0], [1], [0, 0, 1, 1], [], []>, transpose_lhs_hint = false} : vector<256x1024xbf16>, vector<1024x128xbf16>, vector<256x128xf32> -> vector<256x128xf32>
    %get3A_781 = arith.constant 768 : index
    %get3A_782 = arith.constant 0 : index
    %get3A_783 = vector.load %arg14[%get3A_781, %get3A_782] : memref<1024x128xf32, #tpu.memory_space<vmem>>, vector<256x128xf32>
    %sub3A_784 = arith.subf %get3A_783, %dot_general3A_778 : vector<256x128xf32>
    %get3A_785 = arith.constant 768 : index
    %get3A_786 = arith.constant 0 : index
    %get3A_787 = vector.load %arg15[%get3A_785, %get3A_786] : memref<1024x128xf32, #tpu.memory_space<vmem>>, vector<256x128xf32>
    %sub3A_788 = arith.subf %get3A_787, %dot_general3A_780 : vector<256x128xf32>
    %slice3A_789 = vector.extract_strided_slice %convert_element_type3A_470 {offsets = [0, 0], sizes = [128, 64], strides = [1, 1]} : vector<256x64xbf16> to vector<128x64xbf16>
    %dot_general3A_790 = arith.constant dense<0.000000e+00> : vector<256x64xf32>
    %dot_general3A_791 = tpu.matmul %slice3A_747, %slice3A_789, %dot_general3A_790 {dimension_numbers = #tpu.dot_dimension_numbers<[1], [0], [0], [1], [0, 0, 1, 1], [], []>, transpose_lhs_hint = false} : vector<256x128xbf16>, vector<128x64xbf16>, vector<256x64xf32> -> vector<256x64xf32>
    %convert_element_type3A_792 = arith.truncf %sub3A_784 : vector<256x128xf32> to vector<256x128xbf16>
    %slice3A_793 = vector.extract_strided_slice %convert_element_type3A_470 {offsets = [128, 0], sizes = [128, 64], strides = [1, 1]} : vector<256x64xbf16> to vector<128x64xbf16>
    %dot_general3A_794 = arith.constant dense<0.000000e+00> : vector<256x64xf32>
    %dot_general3A_795 = tpu.matmul %convert_element_type3A_792, %slice3A_793, %dot_general3A_794 {dimension_numbers = #tpu.dot_dimension_numbers<[1], [0], [0], [1], [0, 0, 1, 1], [], []>, transpose_lhs_hint = false} : vector<256x128xbf16>, vector<128x64xbf16>, vector<256x64xf32> -> vector<256x64xf32>
    %add3A_796 = arith.addf %dot_general3A_791, %dot_general3A_795 : vector<256x64xf32>
    %add3A_797 = vector.broadcast %get3A_475 : vector<1x64xf32> to vector<256x64xf32>
    %add3A_798 = arith.addf %add3A_796, %add3A_797 : vector<256x64xf32>
    %max3A_799 = arith.constant 0.000000e+00 : f32
    %max3A_800 = vector.broadcast %max3A_799 : f32 to vector<256x64xf32>
    %max3A_801 = arith.maximumf %add3A_798, %max3A_800 : vector<256x64xf32>
    %convert_element_type3A_802 = arith.truncf %max3A_801 : vector<256x64xf32> to vector<256x64xbf16>
    %dot_general3A_803 = arith.constant dense<0.000000e+00> : vector<256x128xf32>
    %dot_general3A_804 = tpu.matmul %convert_element_type3A_802, %convert_element_type3A_481, %dot_general3A_803 {dimension_numbers = #tpu.dot_dimension_numbers<[1], [0], [0], [1], [0, 0, 1, 1], [], []>, transpose_lhs_hint = false} : vector<256x64xbf16>, vector<64x128xbf16>, vector<256x128xf32> -> vector<256x128xf32>
    %add3A_805 = vector.broadcast %get3A_486 : vector<1x128xf32> to vector<256x128xf32>
    %add3A_806 = arith.addf %dot_general3A_804, %add3A_805 : vector<256x128xf32>
    %slice3A_807 = vector.extract_strided_slice %convert_element_type3A_470 {offsets = [0, 0], sizes = [128, 64], strides = [1, 1]} : vector<256x64xbf16> to vector<128x64xbf16>
    %dot_general3A_808 = arith.constant dense<0.000000e+00> : vector<256x64xf32>
    %dot_general3A_809 = tpu.matmul %slice3A_748, %slice3A_807, %dot_general3A_808 {dimension_numbers = #tpu.dot_dimension_numbers<[1], [0], [0], [1], [0, 0, 1, 1], [], []>, transpose_lhs_hint = false} : vector<256x128xbf16>, vector<128x64xbf16>, vector<256x64xf32> -> vector<256x64xf32>
    %convert_element_type3A_810 = arith.truncf %sub3A_788 : vector<256x128xf32> to vector<256x128xbf16>
    %slice3A_811 = vector.extract_strided_slice %convert_element_type3A_470 {offsets = [128, 0], sizes = [128, 64], strides = [1, 1]} : vector<256x64xbf16> to vector<128x64xbf16>
    %dot_general3A_812 = arith.constant dense<0.000000e+00> : vector<256x64xf32>
    %dot_general3A_813 = tpu.matmul %convert_element_type3A_810, %slice3A_811, %dot_general3A_812 {dimension_numbers = #tpu.dot_dimension_numbers<[1], [0], [0], [1], [0, 0, 1, 1], [], []>, transpose_lhs_hint = false} : vector<256x128xbf16>, vector<128x64xbf16>, vector<256x64xf32> -> vector<256x64xf32>
    %add3A_814 = arith.addf %dot_general3A_809, %dot_general3A_813 : vector<256x64xf32>
    %add3A_815 = vector.broadcast %get3A_475 : vector<1x64xf32> to vector<256x64xf32>
    %add3A_816 = arith.addf %add3A_814, %add3A_815 : vector<256x64xf32>
    %max3A_817 = arith.constant 0.000000e+00 : f32
    %max3A_818 = vector.broadcast %max3A_817 : f32 to vector<256x64xf32>
    %max3A_819 = arith.maximumf %add3A_816, %max3A_818 : vector<256x64xf32>
    %convert_element_type3A_820 = arith.truncf %max3A_819 : vector<256x64xf32> to vector<256x64xbf16>
    %dot_general3A_821 = arith.constant dense<0.000000e+00> : vector<256x128xf32>
    %dot_general3A_822 = tpu.matmul %convert_element_type3A_820, %convert_element_type3A_481, %dot_general3A_821 {dimension_numbers = #tpu.dot_dimension_numbers<[1], [0], [0], [1], [0, 0, 1, 1], [], []>, transpose_lhs_hint = false} : vector<256x64xbf16>, vector<64x128xbf16>, vector<256x128xf32> -> vector<256x128xf32>
    %add3A_823 = vector.broadcast %get3A_486 : vector<1x128xf32> to vector<256x128xf32>
    %add3A_824 = arith.addf %dot_general3A_822, %add3A_823 : vector<256x128xf32>
    %swap3A_825 = arith.constant 768 : index
    %swap3A_826 = arith.constant 0 : index
    %swap3A_827 = vector.load %arg16[%swap3A_825, %swap3A_826] : memref<1024x128xf32, #tpu.memory_space<vmem>>, vector<256x128xf32>
    tpu.vector_store %arg16[%swap3A_825, %swap3A_826], %add3A_806 {strides = array<i32>} : memref<1024x128xf32, #tpu.memory_space<vmem>>, vector<256x128xf32>,
    %swap3A_828 = arith.constant 768 : index
    %swap3A_829 = arith.constant 0 : index
    %swap3A_830 = vector.load %arg17[%swap3A_828, %swap3A_829] : memref<1024x128xf32, #tpu.memory_space<vmem>>, vector<256x128xf32>
    tpu.vector_store %arg17[%swap3A_828, %swap3A_829], %add3A_824 {strides = array<i32>} : memref<1024x128xf32, #tpu.memory_space<vmem>>, vector<256x128xf32>,
    %get3A_831 = arith.constant 0 : index
    %get3A_832 = arith.constant 0 : index
    %get3A_833 = vector.load %arg14[%get3A_831, %get3A_832] : memref<1024x128xf32, #tpu.memory_space<vmem>>, vector<1024x128xf32>
    %get3A_834 = arith.constant 0 : index
    %get3A_835 = arith.constant 0 : index
    %get3A_836 = vector.load %arg16[%get3A_834, %get3A_835] : memref<1024x128xf32, #tpu.memory_space<vmem>>, vector<1024x128xf32>
    %add3A_837 = arith.addf %get3A_833, %get3A_836 : vector<1024x128xf32>
    %swap3A_838 = arith.constant 0 : index
    %swap3A_839 = arith.constant 0 : index
    %swap3A_840 = vector.load %arg14[%swap3A_838, %swap3A_839] : memref<1024x128xf32, #tpu.memory_space<vmem>>, vector<1024x128xf32>
    tpu.vector_store %arg14[%swap3A_838, %swap3A_839], %add3A_837 {strides = array<i32>} : memref<1024x128xf32, #tpu.memory_space<vmem>>, vector<1024x128xf32>,
    %get3A_841 = arith.constant 0 : index
    %get3A_842 = arith.constant 0 : index
    %get3A_843 = vector.load %arg15[%get3A_841, %get3A_842] : memref<1024x128xf32, #tpu.memory_space<vmem>>, vector<1024x128xf32>
    %get3A_844 = arith.constant 0 : index
    %get3A_845 = arith.constant 0 : index
    %get3A_846 = vector.load %arg17[%get3A_844, %get3A_845] : memref<1024x128xf32, #tpu.memory_space<vmem>>, vector<1024x128xf32>
    %add3A_847 = arith.addf %get3A_843, %get3A_846 : vector<1024x128xf32>
    %swap3A_848 = arith.constant 0 : index
    %swap3A_849 = arith.constant 0 : index
    %swap3A_850 = vector.load %arg15[%swap3A_848, %swap3A_849] : memref<1024x128xf32, #tpu.memory_space<vmem>>, vector<1024x128xf32>
    tpu.vector_store %arg15[%swap3A_848, %swap3A_849], %add3A_847 {strides = array<i32>} : memref<1024x128xf32, #tpu.memory_space<vmem>>, vector<1024x128xf32>,
    %get3A_851 = arith.constant 2 : index
    %get3A_852 = arith.constant 0 : index
    %get3A_853 = arith.constant 0 : index
    %get3A_854 = vector.load %arg8[%get3A_851, %get3A_852, %get3A_853] : memref<5x256x64xf32, #tpu.memory_space<vmem>>, vector<1x256x64xf32>
    %get3A_855 = vector.shape_cast %get3A_854 : vector<1x256x64xf32> to vector<256x64xf32>
    %convert_element_type3A_856 = arith.truncf %get3A_855 : vector<256x64xf32> to vector<256x64xbf16>
    %get3A_857 = arith.constant 2 : index
    %get3A_858 = arith.constant 0 : index
    %get3A_859 = arith.constant 0 : index
    %get3A_860 = vector.load %arg9[%get3A_857, %get3A_858, %get3A_859] : memref<5x1x64xf32, #tpu.memory_space<vmem>>, vector<1x1x64xf32>
    %get3A_861 = vector.shape_cast %get3A_860 : vector<1x1x64xf32> to vector<1x64xf32>
    %get3A_862 = arith.constant 2 : index
    %get3A_863 = arith.constant 0 : index
    %get3A_864 = arith.constant 0 : index
    %get3A_865 = vector.load %arg10[%get3A_862, %get3A_863, %get3A_864] : memref<5x64x128xf32, #tpu.memory_space<vmem>>, vector<1x64x128xf32>
    %get3A_866 = vector.shape_cast %get3A_865 : vector<1x64x128xf32> to vector<64x128xf32>
    %convert_element_type3A_867 = arith.truncf %get3A_866 : vector<64x128xf32> to vector<64x128xbf16>
    %get3A_868 = arith.constant 2 : index
    %get3A_869 = arith.constant 0 : index
    %get3A_870 = arith.constant 0 : index
    %get3A_871 = vector.load %arg11[%get3A_868, %get3A_869, %get3A_870] : memref<5x1x128xf32, #tpu.memory_space<vmem>>, vector<1x1x128xf32>
    %get3A_872 = vector.shape_cast %get3A_871 : vector<1x1x128xf32> to vector<1x128xf32>
    %get3A_873 = arith.constant 0 : index
    %get3A_874 = arith.constant 0 : index
    %get3A_875 = vector.load %arg14[%get3A_873, %get3A_874] : memref<1024x128xf32, #tpu.memory_space<vmem>>, vector<1024x128xf32>
    %convert_element_type3A_876 = arith.truncf %get3A_875 : vector<1024x128xf32> to vector<1024x128xbf16>
    %get3A_877 = arith.constant 0 : index
    %get3A_878 = arith.constant 0 : index
    %get3A_879 = vector.load %arg15[%get3A_877, %get3A_878] : memref<1024x128xf32, #tpu.memory_space<vmem>>, vector<1024x128xf32>
    %convert_element_type3A_880 = arith.truncf %get3A_879 : vector<1024x128xf32> to vector<1024x128xbf16>
    %slice3A_881 = vector.extract_strided_slice %convert_element_type3A_876 {offsets = [0, 0], sizes = [256, 128], strides = [1, 1]} : vector<1024x128xbf16> to vector<256x128xbf16>
    %slice3A_882 = vector.extract_strided_slice %convert_element_type3A_880 {offsets = [0, 0], sizes = [256, 128], strides = [1, 1]} : vector<1024x128xbf16> to vector<256x128xbf16>
    %dot_general3A_883 = arith.constant dense<0.000000e+00> : vector<256x1024xf32>
    %dot_general3A_884 = tpu.matmul %slice3A_881, %convert_element_type3A_880, %dot_general3A_883 {dimension_numbers = #tpu.dot_dimension_numbers<[1], [1], [0], [0], [0, 0, 1, 0], [], []>, transpose_lhs_hint = false} : vector<256x128xbf16>, vector<1024x128xbf16>, vector<256x1024xf32> -> vector<256x1024xf32>
    %dot_general3A_885 = arith.constant dense<0.000000e+00> : vector<256x1024xf32>
    %dot_general3A_886 = tpu.matmul %slice3A_882, %convert_element_type3A_876, %dot_general3A_885 {dimension_numbers = #tpu.dot_dimension_numbers<[1], [1], [0], [0], [0, 0, 1, 0], [], []>, transpose_lhs_hint = false} : vector<256x128xbf16>, vector<1024x128xbf16>, vector<256x1024xf32> -> vector<256x1024xf32>
    %reduce_max3A_887 = arith.constant dense<0xFF800000> : vector<256xf32>
    %reduce_max3A_888 = vector.multi_reduction <maximumf>, %dot_general3A_884, %reduce_max3A_887 [1] : vector<256x1024xf32> to vector<256xf32>
    %broadcast_in_dim3A_889 = vector.shape_cast %reduce_max3A_888 : vector<256xf32> to vector<256x1xf32>
    %sub3A_890 = vector.broadcast %broadcast_in_dim3A_889 : vector<256x1xf32> to vector<256x1024xf32>
    %sub3A_891 = arith.subf %dot_general3A_884, %sub3A_890 : vector<256x1024xf32>
    %exp3A_892 = math.exp %sub3A_891 : vector<256x1024xf32>
    %reduce_sum3A_893 = arith.constant dense<0.000000e+00> : vector<256xf32>
    %reduce_sum3A_894 = vector.multi_reduction <add>, %exp3A_892, %reduce_sum3A_893 [1] : vector<256x1024xf32> to vector<256xf32>
    %broadcast_in_dim3A_895 = vector.shape_cast %reduce_sum3A_894 : vector<256xf32> to vector<256x1xf32>
    %div3A_896 = vector.broadcast %broadcast_in_dim3A_895 : vector<256x1xf32> to vector<256x1024xf32>
    %div3A_897 = arith.divf %exp3A_892, %div3A_896 : vector<256x1024xf32>
    %convert_element_type3A_898 = arith.truncf %div3A_897 : vector<256x1024xf32> to vector<256x1024xbf16>
    %reduce_max3A_899 = arith.constant dense<0xFF800000> : vector<256xf32>
    %reduce_max3A_900 = vector.multi_reduction <maximumf>, %dot_general3A_886, %reduce_max3A_899 [1] : vector<256x1024xf32> to vector<256xf32>
    %broadcast_in_dim3A_901 = vector.shape_cast %reduce_max3A_900 : vector<256xf32> to vector<256x1xf32>
    %sub3A_902 = vector.broadcast %broadcast_in_dim3A_901 : vector<256x1xf32> to vector<256x1024xf32>
    %sub3A_903 = arith.subf %dot_general3A_886, %sub3A_902 : vector<256x1024xf32>
    %exp3A_904 = math.exp %sub3A_903 : vector<256x1024xf32>
    %reduce_sum3A_905 = arith.constant dense<0.000000e+00> : vector<256xf32>
    %reduce_sum3A_906 = vector.multi_reduction <add>, %exp3A_904, %reduce_sum3A_905 [1] : vector<256x1024xf32> to vector<256xf32>
    %broadcast_in_dim3A_907 = vector.shape_cast %reduce_sum3A_906 : vector<256xf32> to vector<256x1xf32>
    %div3A_908 = vector.broadcast %broadcast_in_dim3A_907 : vector<256x1xf32> to vector<256x1024xf32>
    %div3A_909 = arith.divf %exp3A_904, %div3A_908 : vector<256x1024xf32>
    %convert_element_type3A_910 = arith.truncf %div3A_909 : vector<256x1024xf32> to vector<256x1024xbf16>
    %dot_general3A_911 = arith.constant dense<0.000000e+00> : vector<256x128xf32>
    %dot_general3A_912 = tpu.matmul %convert_element_type3A_898, %convert_element_type3A_880, %dot_general3A_911 {dimension_numbers = #tpu.dot_dimension_numbers<[1], [0], [0], [1], [0, 0, 1, 1], [], []>, transpose_lhs_hint = false} : vector<256x1024xbf16>, vector<1024x128xbf16>, vector<256x128xf32> -> vector<256x128xf32>
    %dot_general3A_913 = arith.constant dense<0.000000e+00> : vector<256x128xf32>
    %dot_general3A_914 = tpu.matmul %convert_element_type3A_910, %convert_element_type3A_876, %dot_general3A_913 {dimension_numbers = #tpu.dot_dimension_numbers<[1], [0], [0], [1], [0, 0, 1, 1], [], []>, transpose_lhs_hint = false} : vector<256x1024xbf16>, vector<1024x128xbf16>, vector<256x128xf32> -> vector<256x128xf32>
    %get3A_915 = arith.constant 0 : index
    %get3A_916 = arith.constant 0 : index
    %get3A_917 = vector.load %arg14[%get3A_915, %get3A_916] : memref<1024x128xf32, #tpu.memory_space<vmem>>, vector<256x128xf32>
    %sub3A_918 = arith.subf %get3A_917, %dot_general3A_912 : vector<256x128xf32>
    %get3A_919 = arith.constant 0 : index
    %get3A_920 = arith.constant 0 : index
    %get3A_921 = vector.load %arg15[%get3A_919, %get3A_920] : memref<1024x128xf32, #tpu.memory_space<vmem>>, vector<256x128xf32>
    %sub3A_922 = arith.subf %get3A_921, %dot_general3A_914 : vector<256x128xf32>
    %slice3A_923 = vector.extract_strided_slice %convert_element_type3A_856 {offsets = [0, 0], sizes = [128, 64], strides = [1, 1]} : vector<256x64xbf16> to vector<128x64xbf16>
    %dot_general3A_924 = arith.constant dense<0.000000e+00> : vector<256x64xf32>
    %dot_general3A_925 = tpu.matmul %slice3A_881, %slice3A_923, %dot_general3A_924 {dimension_numbers = #tpu.dot_dimension_numbers<[1], [0], [0], [1], [0, 0, 1, 1], [], []>, transpose_lhs_hint = false} : vector<256x128xbf16>, vector<128x64xbf16>, vector<256x64xf32> -> vector<256x64xf32>
    %convert_element_type3A_926 = arith.truncf %sub3A_918 : vector<256x128xf32> to vector<256x128xbf16>
    %slice3A_927 = vector.extract_strided_slice %convert_element_type3A_856 {offsets = [128, 0], sizes = [128, 64], strides = [1, 1]} : vector<256x64xbf16> to vector<128x64xbf16>
    %dot_general3A_928 = arith.constant dense<0.000000e+00> : vector<256x64xf32>
    %dot_general3A_929 = tpu.matmul %convert_element_type3A_926, %slice3A_927, %dot_general3A_928 {dimension_numbers = #tpu.dot_dimension_numbers<[1], [0], [0], [1], [0, 0, 1, 1], [], []>, transpose_lhs_hint = false} : vector<256x128xbf16>, vector<128x64xbf16>, vector<256x64xf32> -> vector<256x64xf32>
    %add3A_930 = arith.addf %dot_general3A_925, %dot_general3A_929 : vector<256x64xf32>
    %add3A_931 = vector.broadcast %get3A_861 : vector<1x64xf32> to vector<256x64xf32>
    %add3A_932 = arith.addf %add3A_930, %add3A_931 : vector<256x64xf32>
    %max3A_933 = arith.constant 0.000000e+00 : f32
    %max3A_934 = vector.broadcast %max3A_933 : f32 to vector<256x64xf32>
    %max3A_935 = arith.maximumf %add3A_932, %max3A_934 : vector<256x64xf32>
    %convert_element_type3A_936 = arith.truncf %max3A_935 : vector<256x64xf32> to vector<256x64xbf16>
    %dot_general3A_937 = arith.constant dense<0.000000e+00> : vector<256x128xf32>
    %dot_general3A_938 = tpu.matmul %convert_element_type3A_936, %convert_element_type3A_867, %dot_general3A_937 {dimension_numbers = #tpu.dot_dimension_numbers<[1], [0], [0], [1], [0, 0, 1, 1], [], []>, transpose_lhs_hint = false} : vector<256x64xbf16>, vector<64x128xbf16>, vector<256x128xf32> -> vector<256x128xf32>
    %add3A_939 = vector.broadcast %get3A_872 : vector<1x128xf32> to vector<256x128xf32>
    %add3A_940 = arith.addf %dot_general3A_938, %add3A_939 : vector<256x128xf32>
    %slice3A_941 = vector.extract_strided_slice %convert_element_type3A_856 {offsets = [0, 0], sizes = [128, 64], strides = [1, 1]} : vector<256x64xbf16> to vector<128x64xbf16>
    %dot_general3A_942 = arith.constant dense<0.000000e+00> : vector<256x64xf32>
    %dot_general3A_943 = tpu.matmul %slice3A_882, %slice3A_941, %dot_general3A_942 {dimension_numbers = #tpu.dot_dimension_numbers<[1], [0], [0], [1], [0, 0, 1, 1], [], []>, transpose_lhs_hint = false} : vector<256x128xbf16>, vector<128x64xbf16>, vector<256x64xf32> -> vector<256x64xf32>
    %convert_element_type3A_944 = arith.truncf %sub3A_922 : vector<256x128xf32> to vector<256x128xbf16>
    %slice3A_945 = vector.extract_strided_slice %convert_element_type3A_856 {offsets = [128, 0], sizes = [128, 64], strides = [1, 1]} : vector<256x64xbf16> to vector<128x64xbf16>
    %dot_general3A_946 = arith.constant dense<0.000000e+00> : vector<256x64xf32>
    %dot_general3A_947 = tpu.matmul %convert_element_type3A_944, %slice3A_945, %dot_general3A_946 {dimension_numbers = #tpu.dot_dimension_numbers<[1], [0], [0], [1], [0, 0, 1, 1], [], []>, transpose_lhs_hint = false} : vector<256x128xbf16>, vector<128x64xbf16>, vector<256x64xf32> -> vector<256x64xf32>
    %add3A_948 = arith.addf %dot_general3A_943, %dot_general3A_947 : vector<256x64xf32>
    %add3A_949 = vector.broadcast %get3A_861 : vector<1x64xf32> to vector<256x64xf32>
    %add3A_950 = arith.addf %add3A_948, %add3A_949 : vector<256x64xf32>
    %max3A_951 = arith.constant 0.000000e+00 : f32
    %max3A_952 = vector.broadcast %max3A_951 : f32 to vector<256x64xf32>
    %max3A_953 = arith.maximumf %add3A_950, %max3A_952 : vector<256x64xf32>
    %convert_element_type3A_954 = arith.truncf %max3A_953 : vector<256x64xf32> to vector<256x64xbf16>
    %dot_general3A_955 = arith.constant dense<0.000000e+00> : vector<256x128xf32>
    %dot_general3A_956 = tpu.matmul %convert_element_type3A_954, %convert_element_type3A_867, %dot_general3A_955 {dimension_numbers = #tpu.dot_dimension_numbers<[1], [0], [0], [1], [0, 0, 1, 1], [], []>, transpose_lhs_hint = false} : vector<256x64xbf16>, vector<64x128xbf16>, vector<256x128xf32> -> vector<256x128xf32>
    %add3A_957 = vector.broadcast %get3A_872 : vector<1x128xf32> to vector<256x128xf32>
    %add3A_958 = arith.addf %dot_general3A_956, %add3A_957 : vector<256x128xf32>
    %swap3A_959 = arith.constant 0 : index
    %swap3A_960 = arith.constant 0 : index
    %swap3A_961 = vector.load %arg16[%swap3A_959, %swap3A_960] : memref<1024x128xf32, #tpu.memory_space<vmem>>, vector<256x128xf32>
    tpu.vector_store %arg16[%swap3A_959, %swap3A_960], %add3A_940 {strides = array<i32>} : memref<1024x128xf32, #tpu.memory_space<vmem>>, vector<256x128xf32>,
    %swap3A_962 = arith.constant 0 : index
    %swap3A_963 = arith.constant 0 : index
    %swap3A_964 = vector.load %arg17[%swap3A_962, %swap3A_963] : memref<1024x128xf32, #tpu.memory_space<vmem>>, vector<256x128xf32>
    tpu.vector_store %arg17[%swap3A_962, %swap3A_963], %add3A_958 {strides = array<i32>} : memref<1024x128xf32, #tpu.memory_space<vmem>>, vector<256x128xf32>,
    %slice3A_965 = vector.extract_strided_slice %convert_element_type3A_876 {offsets = [256, 0], sizes = [256, 128], strides = [1, 1]} : vector<1024x128xbf16> to vector<256x128xbf16>
    %slice3A_966 = vector.extract_strided_slice %convert_element_type3A_880 {offsets = [256, 0], sizes = [256, 128], strides = [1, 1]} : vector<1024x128xbf16> to vector<256x128xbf16>
    %dot_general3A_967 = arith.constant dense<0.000000e+00> : vector<256x1024xf32>
    %dot_general3A_968 = tpu.matmul %slice3A_965, %convert_element_type3A_880, %dot_general3A_967 {dimension_numbers = #tpu.dot_dimension_numbers<[1], [1], [0], [0], [0, 0, 1, 0], [], []>, transpose_lhs_hint = false} : vector<256x128xbf16>, vector<1024x128xbf16>, vector<256x1024xf32> -> vector<256x1024xf32>
    %dot_general3A_969 = arith.constant dense<0.000000e+00> : vector<256x1024xf32>
    %dot_general3A_970 = tpu.matmul %slice3A_966, %convert_element_type3A_876, %dot_general3A_969 {dimension_numbers = #tpu.dot_dimension_numbers<[1], [1], [0], [0], [0, 0, 1, 0], [], []>, transpose_lhs_hint = false} : vector<256x128xbf16>, vector<1024x128xbf16>, vector<256x1024xf32> -> vector<256x1024xf32>
    %reduce_max3A_971 = arith.constant dense<0xFF800000> : vector<256xf32>
    %reduce_max3A_972 = vector.multi_reduction <maximumf>, %dot_general3A_968, %reduce_max3A_971 [1] : vector<256x1024xf32> to vector<256xf32>
    %broadcast_in_dim3A_973 = vector.shape_cast %reduce_max3A_972 : vector<256xf32> to vector<256x1xf32>
    %sub3A_974 = vector.broadcast %broadcast_in_dim3A_973 : vector<256x1xf32> to vector<256x1024xf32>
    %sub3A_975 = arith.subf %dot_general3A_968, %sub3A_974 : vector<256x1024xf32>
    %exp3A_976 = math.exp %sub3A_975 : vector<256x1024xf32>
    %reduce_sum3A_977 = arith.constant dense<0.000000e+00> : vector<256xf32>
    %reduce_sum3A_978 = vector.multi_reduction <add>, %exp3A_976, %reduce_sum3A_977 [1] : vector<256x1024xf32> to vector<256xf32>
    %broadcast_in_dim3A_979 = vector.shape_cast %reduce_sum3A_978 : vector<256xf32> to vector<256x1xf32>
    %div3A_980 = vector.broadcast %broadcast_in_dim3A_979 : vector<256x1xf32> to vector<256x1024xf32>
    %div3A_981 = arith.divf %exp3A_976, %div3A_980 : vector<256x1024xf32>
    %convert_element_type3A_982 = arith.truncf %div3A_981 : vector<256x1024xf32> to vector<256x1024xbf16>
    %reduce_max3A_983 = arith.constant dense<0xFF800000> : vector<256xf32>
    %reduce_max3A_984 = vector.multi_reduction <maximumf>, %dot_general3A_970, %reduce_max3A_983 [1] : vector<256x1024xf32> to vector<256xf32>
    %broadcast_in_dim3A_985 = vector.shape_cast %reduce_max3A_984 : vector<256xf32> to vector<256x1xf32>
    %sub3A_986 = vector.broadcast %broadcast_in_dim3A_985 : vector<256x1xf32> to vector<256x1024xf32>
    %sub3A_987 = arith.subf %dot_general3A_970, %sub3A_986 : vector<256x1024xf32>
    %exp3A_988 = math.exp %sub3A_987 : vector<256x1024xf32>
    %reduce_sum3A_989 = arith.constant dense<0.000000e+00> : vector<256xf32>
    %reduce_sum3A_990 = vector.multi_reduction <add>, %exp3A_988, %reduce_sum3A_989 [1] : vector<256x1024xf32> to vector<256xf32>
    %broadcast_in_dim3A_991 = vector.shape_cast %reduce_sum3A_990 : vector<256xf32> to vector<256x1xf32>
    %div3A_992 = vector.broadcast %broadcast_in_dim3A_991 : vector<256x1xf32> to vector<256x1024xf32>
    %div3A_993 = arith.divf %exp3A_988, %div3A_992 : vector<256x1024xf32>
    %convert_element_type3A_994 = arith.truncf %div3A_993 : vector<256x1024xf32> to vector<256x1024xbf16>
    %dot_general3A_995 = arith.constant dense<0.000000e+00> : vector<256x128xf32>
    %dot_general3A_996 = tpu.matmul %convert_element_type3A_982, %convert_element_type3A_880, %dot_general3A_995 {dimension_numbers = #tpu.dot_dimension_numbers<[1], [0], [0], [1], [0, 0, 1, 1], [], []>, transpose_lhs_hint = false} : vector<256x1024xbf16>, vector<1024x128xbf16>, vector<256x128xf32> -> vector<256x128xf32>
    %dot_general3A_997 = arith.constant dense<0.000000e+00> : vector<256x128xf32>
    %dot_general3A_998 = tpu.matmul %convert_element_type3A_994, %convert_element_type3A_876, %dot_general3A_997 {dimension_numbers = #tpu.dot_dimension_numbers<[1], [0], [0], [1], [0, 0, 1, 1], [], []>, transpose_lhs_hint = false} : vector<256x1024xbf16>, vector<1024x128xbf16>, vector<256x128xf32> -> vector<256x128xf32>
    %get3A_999 = arith.constant 256 : index
    %get3A_1000 = arith.constant 0 : index
    %get3A_1001 = vector.load %arg14[%get3A_999, %get3A_1000] : memref<1024x128xf32, #tpu.memory_space<vmem>>, vector<256x128xf32>
    %sub3A_1002 = arith.subf %get3A_1001, %dot_general3A_996 : vector<256x128xf32>
    %get3A_1003 = arith.constant 256 : index
    %get3A_1004 = arith.constant 0 : index
    %get3A_1005 = vector.load %arg15[%get3A_1003, %get3A_1004] : memref<1024x128xf32, #tpu.memory_space<vmem>>, vector<256x128xf32>
    %sub3A_1006 = arith.subf %get3A_1005, %dot_general3A_998 : vector<256x128xf32>
    %slice3A_1007 = vector.extract_strided_slice %convert_element_type3A_856 {offsets = [0, 0], sizes = [128, 64], strides = [1, 1]} : vector<256x64xbf16> to vector<128x64xbf16>
    %dot_general3A_1008 = arith.constant dense<0.000000e+00> : vector<256x64xf32>
    %dot_general3A_1009 = tpu.matmul %slice3A_965, %slice3A_1007, %dot_general3A_1008 {dimension_numbers = #tpu.dot_dimension_numbers<[1], [0], [0], [1], [0, 0, 1, 1], [], []>, transpose_lhs_hint = false} : vector<256x128xbf16>, vector<128x64xbf16>, vector<256x64xf32> -> vector<256x64xf32>
    %convert_element_type3A_1010 = arith.truncf %sub3A_1002 : vector<256x128xf32> to vector<256x128xbf16>
    %slice3A_1011 = vector.extract_strided_slice %convert_element_type3A_856 {offsets = [128, 0], sizes = [128, 64], strides = [1, 1]} : vector<256x64xbf16> to vector<128x64xbf16>
    %dot_general3A_1012 = arith.constant dense<0.000000e+00> : vector<256x64xf32>
    %dot_general3A_1013 = tpu.matmul %convert_element_type3A_1010, %slice3A_1011, %dot_general3A_1012 {dimension_numbers = #tpu.dot_dimension_numbers<[1], [0], [0], [1], [0, 0, 1, 1], [], []>, transpose_lhs_hint = false} : vector<256x128xbf16>, vector<128x64xbf16>, vector<256x64xf32> -> vector<256x64xf32>
    %add3A_1014 = arith.addf %dot_general3A_1009, %dot_general3A_1013 : vector<256x64xf32>
    %add3A_1015 = vector.broadcast %get3A_861 : vector<1x64xf32> to vector<256x64xf32>
    %add3A_1016 = arith.addf %add3A_1014, %add3A_1015 : vector<256x64xf32>
    %max3A_1017 = arith.constant 0.000000e+00 : f32
    %max3A_1018 = vector.broadcast %max3A_1017 : f32 to vector<256x64xf32>
    %max3A_1019 = arith.maximumf %add3A_1016, %max3A_1018 : vector<256x64xf32>
    %convert_element_type3A_1020 = arith.truncf %max3A_1019 : vector<256x64xf32> to vector<256x64xbf16>
    %dot_general3A_1021 = arith.constant dense<0.000000e+00> : vector<256x128xf32>
    %dot_general3A_1022 = tpu.matmul %convert_element_type3A_1020, %convert_element_type3A_867, %dot_general3A_1021 {dimension_numbers = #tpu.dot_dimension_numbers<[1], [0], [0], [1], [0, 0, 1, 1], [], []>, transpose_lhs_hint = false} : vector<256x64xbf16>, vector<64x128xbf16>, vector<256x128xf32> -> vector<256x128xf32>
    %add3A_1023 = vector.broadcast %get3A_872 : vector<1x128xf32> to vector<256x128xf32>
    %add3A_1024 = arith.addf %dot_general3A_1022, %add3A_1023 : vector<256x128xf32>
    %slice3A_1025 = vector.extract_strided_slice %convert_element_type3A_856 {offsets = [0, 0], sizes = [128, 64], strides = [1, 1]} : vector<256x64xbf16> to vector<128x64xbf16>
    %dot_general3A_1026 = arith.constant dense<0.000000e+00> : vector<256x64xf32>
    %dot_general3A_1027 = tpu.matmul %slice3A_966, %slice3A_1025, %dot_general3A_1026 {dimension_numbers = #tpu.dot_dimension_numbers<[1], [0], [0], [1], [0, 0, 1, 1], [], []>, transpose_lhs_hint = false} : vector<256x128xbf16>, vector<128x64xbf16>, vector<256x64xf32> -> vector<256x64xf32>
    %convert_element_type3A_1028 = arith.truncf %sub3A_1006 : vector<256x128xf32> to vector<256x128xbf16>
    %slice3A_1029 = vector.extract_strided_slice %convert_element_type3A_856 {offsets = [128, 0], sizes = [128, 64], strides = [1, 1]} : vector<256x64xbf16> to vector<128x64xbf16>
    %dot_general3A_1030 = arith.constant dense<0.000000e+00> : vector<256x64xf32>
    %dot_general3A_1031 = tpu.matmul %convert_element_type3A_1028, %slice3A_1029, %dot_general3A_1030 {dimension_numbers = #tpu.dot_dimension_numbers<[1], [0], [0], [1], [0, 0, 1, 1], [], []>, transpose_lhs_hint = false} : vector<256x128xbf16>, vector<128x64xbf16>, vector<256x64xf32> -> vector<256x64xf32>
    %add3A_1032 = arith.addf %dot_general3A_1027, %dot_general3A_1031 : vector<256x64xf32>
    %add3A_1033 = vector.broadcast %get3A_861 : vector<1x64xf32> to vector<256x64xf32>
    %add3A_1034 = arith.addf %add3A_1032, %add3A_1033 : vector<256x64xf32>
    %max3A_1035 = arith.constant 0.000000e+00 : f32
    %max3A_1036 = vector.broadcast %max3A_1035 : f32 to vector<256x64xf32>
    %max3A_1037 = arith.maximumf %add3A_1034, %max3A_1036 : vector<256x64xf32>
    %convert_element_type3A_1038 = arith.truncf %max3A_1037 : vector<256x64xf32> to vector<256x64xbf16>
    %dot_general3A_1039 = arith.constant dense<0.000000e+00> : vector<256x128xf32>
    %dot_general3A_1040 = tpu.matmul %convert_element_type3A_1038, %convert_element_type3A_867, %dot_general3A_1039 {dimension_numbers = #tpu.dot_dimension_numbers<[1], [0], [0], [1], [0, 0, 1, 1], [], []>, transpose_lhs_hint = false} : vector<256x64xbf16>, vector<64x128xbf16>, vector<256x128xf32> -> vector<256x128xf32>
    %add3A_1041 = vector.broadcast %get3A_872 : vector<1x128xf32> to vector<256x128xf32>
    %add3A_1042 = arith.addf %dot_general3A_1040, %add3A_1041 : vector<256x128xf32>
    %swap3A_1043 = arith.constant 256 : index
    %swap3A_1044 = arith.constant 0 : index
    %swap3A_1045 = vector.load %arg16[%swap3A_1043, %swap3A_1044] : memref<1024x128xf32, #tpu.memory_space<vmem>>, vector<256x128xf32>
    tpu.vector_store %arg16[%swap3A_1043, %swap3A_1044], %add3A_1024 {strides = array<i32>} : memref<1024x128xf32, #tpu.memory_space<vmem>>, vector<256x128xf32>,
    %swap3A_1046 = arith.constant 256 : index
    %swap3A_1047 = arith.constant 0 : index
    %swap3A_1048 = vector.load %arg17[%swap3A_1046, %swap3A_1047] : memref<1024x128xf32, #tpu.memory_space<vmem>>, vector<256x128xf32>
    tpu.vector_store %arg17[%swap3A_1046, %swap3A_1047], %add3A_1042 {strides = array<i32>} : memref<1024x128xf32, #tpu.memory_space<vmem>>, vector<256x128xf32>,
    %slice3A_1049 = vector.extract_strided_slice %convert_element_type3A_876 {offsets = [512, 0], sizes = [256, 128], strides = [1, 1]} : vector<1024x128xbf16> to vector<256x128xbf16>
    %slice3A_1050 = vector.extract_strided_slice %convert_element_type3A_880 {offsets = [512, 0], sizes = [256, 128], strides = [1, 1]} : vector<1024x128xbf16> to vector<256x128xbf16>
    %dot_general3A_1051 = arith.constant dense<0.000000e+00> : vector<256x1024xf32>
    %dot_general3A_1052 = tpu.matmul %slice3A_1049, %convert_element_type3A_880, %dot_general3A_1051 {dimension_numbers = #tpu.dot_dimension_numbers<[1], [1], [0], [0], [0, 0, 1, 0], [], []>, transpose_lhs_hint = false} : vector<256x128xbf16>, vector<1024x128xbf16>, vector<256x1024xf32> -> vector<256x1024xf32>
    %dot_general3A_1053 = arith.constant dense<0.000000e+00> : vector<256x1024xf32>
    %dot_general3A_1054 = tpu.matmul %slice3A_1050, %convert_element_type3A_876, %dot_general3A_1053 {dimension_numbers = #tpu.dot_dimension_numbers<[1], [1], [0], [0], [0, 0, 1, 0], [], []>, transpose_lhs_hint = false} : vector<256x128xbf16>, vector<1024x128xbf16>, vector<256x1024xf32> -> vector<256x1024xf32>
    %reduce_max3A_1055 = arith.constant dense<0xFF800000> : vector<256xf32>
    %reduce_max3A_1056 = vector.multi_reduction <maximumf>, %dot_general3A_1052, %reduce_max3A_1055 [1] : vector<256x1024xf32> to vector<256xf32>
    %broadcast_in_dim3A_1057 = vector.shape_cast %reduce_max3A_1056 : vector<256xf32> to vector<256x1xf32>
    %sub3A_1058 = vector.broadcast %broadcast_in_dim3A_1057 : vector<256x1xf32> to vector<256x1024xf32>
    %sub3A_1059 = arith.subf %dot_general3A_1052, %sub3A_1058 : vector<256x1024xf32>
    %exp3A_1060 = math.exp %sub3A_1059 : vector<256x1024xf32>
    %reduce_sum3A_1061 = arith.constant dense<0.000000e+00> : vector<256xf32>
    %reduce_sum3A_1062 = vector.multi_reduction <add>, %exp3A_1060, %reduce_sum3A_1061 [1] : vector<256x1024xf32> to vector<256xf32>
    %broadcast_in_dim3A_1063 = vector.shape_cast %reduce_sum3A_1062 : vector<256xf32> to vector<256x1xf32>
    %div3A_1064 = vector.broadcast %broadcast_in_dim3A_1063 : vector<256x1xf32> to vector<256x1024xf32>
    %div3A_1065 = arith.divf %exp3A_1060, %div3A_1064 : vector<256x1024xf32>
    %convert_element_type3A_1066 = arith.truncf %div3A_1065 : vector<256x1024xf32> to vector<256x1024xbf16>
    %reduce_max3A_1067 = arith.constant dense<0xFF800000> : vector<256xf32>
    %reduce_max3A_1068 = vector.multi_reduction <maximumf>, %dot_general3A_1054, %reduce_max3A_1067 [1] : vector<256x1024xf32> to vector<256xf32>
    %broadcast_in_dim3A_1069 = vector.shape_cast %reduce_max3A_1068 : vector<256xf32> to vector<256x1xf32>
    %sub3A_1070 = vector.broadcast %broadcast_in_dim3A_1069 : vector<256x1xf32> to vector<256x1024xf32>
    %sub3A_1071 = arith.subf %dot_general3A_1054, %sub3A_1070 : vector<256x1024xf32>
    %exp3A_1072 = math.exp %sub3A_1071 : vector<256x1024xf32>
    %reduce_sum3A_1073 = arith.constant dense<0.000000e+00> : vector<256xf32>
    %reduce_sum3A_1074 = vector.multi_reduction <add>, %exp3A_1072, %reduce_sum3A_1073 [1] : vector<256x1024xf32> to vector<256xf32>
    %broadcast_in_dim3A_1075 = vector.shape_cast %reduce_sum3A_1074 : vector<256xf32> to vector<256x1xf32>
    %div3A_1076 = vector.broadcast %broadcast_in_dim3A_1075 : vector<256x1xf32> to vector<256x1024xf32>
    %div3A_1077 = arith.divf %exp3A_1072, %div3A_1076 : vector<256x1024xf32>
    %convert_element_type3A_1078 = arith.truncf %div3A_1077 : vector<256x1024xf32> to vector<256x1024xbf16>
    %dot_general3A_1079 = arith.constant dense<0.000000e+00> : vector<256x128xf32>
    %dot_general3A_1080 = tpu.matmul %convert_element_type3A_1066, %convert_element_type3A_880, %dot_general3A_1079 {dimension_numbers = #tpu.dot_dimension_numbers<[1], [0], [0], [1], [0, 0, 1, 1], [], []>, transpose_lhs_hint = false} : vector<256x1024xbf16>, vector<1024x128xbf16>, vector<256x128xf32> -> vector<256x128xf32>
    %dot_general3A_1081 = arith.constant dense<0.000000e+00> : vector<256x128xf32>
    %dot_general3A_1082 = tpu.matmul %convert_element_type3A_1078, %convert_element_type3A_876, %dot_general3A_1081 {dimension_numbers = #tpu.dot_dimension_numbers<[1], [0], [0], [1], [0, 0, 1, 1], [], []>, transpose_lhs_hint = false} : vector<256x1024xbf16>, vector<1024x128xbf16>, vector<256x128xf32> -> vector<256x128xf32>
    %get3A_1083 = arith.constant 512 : index
    %get3A_1084 = arith.constant 0 : index
    %get3A_1085 = vector.load %arg14[%get3A_1083, %get3A_1084] : memref<1024x128xf32, #tpu.memory_space<vmem>>, vector<256x128xf32>
    %sub3A_1086 = arith.subf %get3A_1085, %dot_general3A_1080 : vector<256x128xf32>
    %get3A_1087 = arith.constant 512 : index
    %get3A_1088 = arith.constant 0 : index
    %get3A_1089 = vector.load %arg15[%get3A_1087, %get3A_1088] : memref<1024x128xf32, #tpu.memory_space<vmem>>, vector<256x128xf32>
    %sub3A_1090 = arith.subf %get3A_1089, %dot_general3A_1082 : vector<256x128xf32>
    %slice3A_1091 = vector.extract_strided_slice %convert_element_type3A_856 {offsets = [0, 0], sizes = [128, 64], strides = [1, 1]} : vector<256x64xbf16> to vector<128x64xbf16>
    %dot_general3A_1092 = arith.constant dense<0.000000e+00> : vector<256x64xf32>
    %dot_general3A_1093 = tpu.matmul %slice3A_1049, %slice3A_1091, %dot_general3A_1092 {dimension_numbers = #tpu.dot_dimension_numbers<[1], [0], [0], [1], [0, 0, 1, 1], [], []>, transpose_lhs_hint = false} : vector<256x128xbf16>, vector<128x64xbf16>, vector<256x64xf32> -> vector<256x64xf32>
    %convert_element_type3A_1094 = arith.truncf %sub3A_1086 : vector<256x128xf32> to vector<256x128xbf16>
    %slice3A_1095 = vector.extract_strided_slice %convert_element_type3A_856 {offsets = [128, 0], sizes = [128, 64], strides = [1, 1]} : vector<256x64xbf16> to vector<128x64xbf16>
    %dot_general3A_1096 = arith.constant dense<0.000000e+00> : vector<256x64xf32>
    %dot_general3A_1097 = tpu.matmul %convert_element_type3A_1094, %slice3A_1095, %dot_general3A_1096 {dimension_numbers = #tpu.dot_dimension_numbers<[1], [0], [0], [1], [0, 0, 1, 1], [], []>, transpose_lhs_hint = false} : vector<256x128xbf16>, vector<128x64xbf16>, vector<256x64xf32> -> vector<256x64xf32>
    %add3A_1098 = arith.addf %dot_general3A_1093, %dot_general3A_1097 : vector<256x64xf32>
    %add3A_1099 = vector.broadcast %get3A_861 : vector<1x64xf32> to vector<256x64xf32>
    %add3A_1100 = arith.addf %add3A_1098, %add3A_1099 : vector<256x64xf32>
    %max3A_1101 = arith.constant 0.000000e+00 : f32
    %max3A_1102 = vector.broadcast %max3A_1101 : f32 to vector<256x64xf32>
    %max3A_1103 = arith.maximumf %add3A_1100, %max3A_1102 : vector<256x64xf32>
    %convert_element_type3A_1104 = arith.truncf %max3A_1103 : vector<256x64xf32> to vector<256x64xbf16>
    %dot_general3A_1105 = arith.constant dense<0.000000e+00> : vector<256x128xf32>
    %dot_general3A_1106 = tpu.matmul %convert_element_type3A_1104, %convert_element_type3A_867, %dot_general3A_1105 {dimension_numbers = #tpu.dot_dimension_numbers<[1], [0], [0], [1], [0, 0, 1, 1], [], []>, transpose_lhs_hint = false} : vector<256x64xbf16>, vector<64x128xbf16>, vector<256x128xf32> -> vector<256x128xf32>
    %add3A_1107 = vector.broadcast %get3A_872 : vector<1x128xf32> to vector<256x128xf32>
    %add3A_1108 = arith.addf %dot_general3A_1106, %add3A_1107 : vector<256x128xf32>
    %slice3A_1109 = vector.extract_strided_slice %convert_element_type3A_856 {offsets = [0, 0], sizes = [128, 64], strides = [1, 1]} : vector<256x64xbf16> to vector<128x64xbf16>
    %dot_general3A_1110 = arith.constant dense<0.000000e+00> : vector<256x64xf32>
    %dot_general3A_1111 = tpu.matmul %slice3A_1050, %slice3A_1109, %dot_general3A_1110 {dimension_numbers = #tpu.dot_dimension_numbers<[1], [0], [0], [1], [0, 0, 1, 1], [], []>, transpose_lhs_hint = false} : vector<256x128xbf16>, vector<128x64xbf16>, vector<256x64xf32> -> vector<256x64xf32>
    %convert_element_type3A_1112 = arith.truncf %sub3A_1090 : vector<256x128xf32> to vector<256x128xbf16>
    %slice3A_1113 = vector.extract_strided_slice %convert_element_type3A_856 {offsets = [128, 0], sizes = [128, 64], strides = [1, 1]} : vector<256x64xbf16> to vector<128x64xbf16>
    %dot_general3A_1114 = arith.constant dense<0.000000e+00> : vector<256x64xf32>
    %dot_general3A_1115 = tpu.matmul %convert_element_type3A_1112, %slice3A_1113, %dot_general3A_1114 {dimension_numbers = #tpu.dot_dimension_numbers<[1], [0], [0], [1], [0, 0, 1, 1], [], []>, transpose_lhs_hint = false} : vector<256x128xbf16>, vector<128x64xbf16>, vector<256x64xf32> -> vector<256x64xf32>
    %add3A_1116 = arith.addf %dot_general3A_1111, %dot_general3A_1115 : vector<256x64xf32>
    %add3A_1117 = vector.broadcast %get3A_861 : vector<1x64xf32> to vector<256x64xf32>
    %add3A_1118 = arith.addf %add3A_1116, %add3A_1117 : vector<256x64xf32>
    %max3A_1119 = arith.constant 0.000000e+00 : f32
    %max3A_1120 = vector.broadcast %max3A_1119 : f32 to vector<256x64xf32>
    %max3A_1121 = arith.maximumf %add3A_1118, %max3A_1120 : vector<256x64xf32>
    %convert_element_type3A_1122 = arith.truncf %max3A_1121 : vector<256x64xf32> to vector<256x64xbf16>
    %dot_general3A_1123 = arith.constant dense<0.000000e+00> : vector<256x128xf32>
    %dot_general3A_1124 = tpu.matmul %convert_element_type3A_1122, %convert_element_type3A_867, %dot_general3A_1123 {dimension_numbers = #tpu.dot_dimension_numbers<[1], [0], [0], [1], [0, 0, 1, 1], [], []>, transpose_lhs_hint = false} : vector<256x64xbf16>, vector<64x128xbf16>, vector<256x128xf32> -> vector<256x128xf32>
    %add3A_1125 = vector.broadcast %get3A_872 : vector<1x128xf32> to vector<256x128xf32>
    %add3A_1126 = arith.addf %dot_general3A_1124, %add3A_1125 : vector<256x128xf32>
    %swap3A_1127 = arith.constant 512 : index
    %swap3A_1128 = arith.constant 0 : index
    %swap3A_1129 = vector.load %arg16[%swap3A_1127, %swap3A_1128] : memref<1024x128xf32, #tpu.memory_space<vmem>>, vector<256x128xf32>
    tpu.vector_store %arg16[%swap3A_1127, %swap3A_1128], %add3A_1108 {strides = array<i32>} : memref<1024x128xf32, #tpu.memory_space<vmem>>, vector<256x128xf32>,
    %swap3A_1130 = arith.constant 512 : index
    %swap3A_1131 = arith.constant 0 : index
    %swap3A_1132 = vector.load %arg17[%swap3A_1130, %swap3A_1131] : memref<1024x128xf32, #tpu.memory_space<vmem>>, vector<256x128xf32>
    tpu.vector_store %arg17[%swap3A_1130, %swap3A_1131], %add3A_1126 {strides = array<i32>} : memref<1024x128xf32, #tpu.memory_space<vmem>>, vector<256x128xf32>,
    %slice3A_1133 = vector.extract_strided_slice %convert_element_type3A_876 {offsets = [768, 0], sizes = [256, 128], strides = [1, 1]} : vector<1024x128xbf16> to vector<256x128xbf16>
    %slice3A_1134 = vector.extract_strided_slice %convert_element_type3A_880 {offsets = [768, 0], sizes = [256, 128], strides = [1, 1]} : vector<1024x128xbf16> to vector<256x128xbf16>
    %dot_general3A_1135 = arith.constant dense<0.000000e+00> : vector<256x1024xf32>
    %dot_general3A_1136 = tpu.matmul %slice3A_1133, %convert_element_type3A_880, %dot_general3A_1135 {dimension_numbers = #tpu.dot_dimension_numbers<[1], [1], [0], [0], [0, 0, 1, 0], [], []>, transpose_lhs_hint = false} : vector<256x128xbf16>, vector<1024x128xbf16>, vector<256x1024xf32> -> vector<256x1024xf32>
    %dot_general3A_1137 = arith.constant dense<0.000000e+00> : vector<256x1024xf32>
    %dot_general3A_1138 = tpu.matmul %slice3A_1134, %convert_element_type3A_876, %dot_general3A_1137 {dimension_numbers = #tpu.dot_dimension_numbers<[1], [1], [0], [0], [0, 0, 1, 0], [], []>, transpose_lhs_hint = false} : vector<256x128xbf16>, vector<1024x128xbf16>, vector<256x1024xf32> -> vector<256x1024xf32>
    %reduce_max3A_1139 = arith.constant dense<0xFF800000> : vector<256xf32>
    %reduce_max3A_1140 = vector.multi_reduction <maximumf>, %dot_general3A_1136, %reduce_max3A_1139 [1] : vector<256x1024xf32> to vector<256xf32>
    %broadcast_in_dim3A_1141 = vector.shape_cast %reduce_max3A_1140 : vector<256xf32> to vector<256x1xf32>
    %sub3A_1142 = vector.broadcast %broadcast_in_dim3A_1141 : vector<256x1xf32> to vector<256x1024xf32>
    %sub3A_1143 = arith.subf %dot_general3A_1136, %sub3A_1142 : vector<256x1024xf32>
    %exp3A_1144 = math.exp %sub3A_1143 : vector<256x1024xf32>
    %reduce_sum3A_1145 = arith.constant dense<0.000000e+00> : vector<256xf32>
    %reduce_sum3A_1146 = vector.multi_reduction <add>, %exp3A_1144, %reduce_sum3A_1145 [1] : vector<256x1024xf32> to vector<256xf32>
    %broadcast_in_dim3A_1147 = vector.shape_cast %reduce_sum3A_1146 : vector<256xf32> to vector<256x1xf32>
    %div3A_1148 = vector.broadcast %broadcast_in_dim3A_1147 : vector<256x1xf32> to vector<256x1024xf32>
    %div3A_1149 = arith.divf %exp3A_1144, %div3A_1148 : vector<256x1024xf32>
    %convert_element_type3A_1150 = arith.truncf %div3A_1149 : vector<256x1024xf32> to vector<256x1024xbf16>
    %reduce_max3A_1151 = arith.constant dense<0xFF800000> : vector<256xf32>
    %reduce_max3A_1152 = vector.multi_reduction <maximumf>, %dot_general3A_1138, %reduce_max3A_1151 [1] : vector<256x1024xf32> to vector<256xf32>
    %broadcast_in_dim3A_1153 = vector.shape_cast %reduce_max3A_1152 : vector<256xf32> to vector<256x1xf32>
    %sub3A_1154 = vector.broadcast %broadcast_in_dim3A_1153 : vector<256x1xf32> to vector<256x1024xf32>
    %sub3A_1155 = arith.subf %dot_general3A_1138, %sub3A_1154 : vector<256x1024xf32>
    %exp3A_1156 = math.exp %sub3A_1155 : vector<256x1024xf32>
    %reduce_sum3A_1157 = arith.constant dense<0.000000e+00> : vector<256xf32>
    %reduce_sum3A_1158 = vector.multi_reduction <add>, %exp3A_1156, %reduce_sum3A_1157 [1] : vector<256x1024xf32> to vector<256xf32>
    %broadcast_in_dim3A_1159 = vector.shape_cast %reduce_sum3A_1158 : vector<256xf32> to vector<256x1xf32>
    %div3A_1160 = vector.broadcast %broadcast_in_dim3A_1159 : vector<256x1xf32> to vector<256x1024xf32>
    %div3A_1161 = arith.divf %exp3A_1156, %div3A_1160 : vector<256x1024xf32>
    %convert_element_type3A_1162 = arith.truncf %div3A_1161 : vector<256x1024xf32> to vector<256x1024xbf16>
    %dot_general3A_1163 = arith.constant dense<0.000000e+00> : vector<256x128xf32>
    %dot_general3A_1164 = tpu.matmul %convert_element_type3A_1150, %convert_element_type3A_880, %dot_general3A_1163 {dimension_numbers = #tpu.dot_dimension_numbers<[1], [0], [0], [1], [0, 0, 1, 1], [], []>, transpose_lhs_hint = false} : vector<256x1024xbf16>, vector<1024x128xbf16>, vector<256x128xf32> -> vector<256x128xf32>
    %dot_general3A_1165 = arith.constant dense<0.000000e+00> : vector<256x128xf32>
    %dot_general3A_1166 = tpu.matmul %convert_element_type3A_1162, %convert_element_type3A_876, %dot_general3A_1165 {dimension_numbers = #tpu.dot_dimension_numbers<[1], [0], [0], [1], [0, 0, 1, 1], [], []>, transpose_lhs_hint = false} : vector<256x1024xbf16>, vector<1024x128xbf16>, vector<256x128xf32> -> vector<256x128xf32>
    %get3A_1167 = arith.constant 768 : index
    %get3A_1168 = arith.constant 0 : index
    %get3A_1169 = vector.load %arg14[%get3A_1167, %get3A_1168] : memref<1024x128xf32, #tpu.memory_space<vmem>>, vector<256x128xf32>
    %sub3A_1170 = arith.subf %get3A_1169, %dot_general3A_1164 : vector<256x128xf32>
    %get3A_1171 = arith.constant 768 : index
    %get3A_1172 = arith.constant 0 : index
    %get3A_1173 = vector.load %arg15[%get3A_1171, %get3A_1172] : memref<1024x128xf32, #tpu.memory_space<vmem>>, vector<256x128xf32>
    %sub3A_1174 = arith.subf %get3A_1173, %dot_general3A_1166 : vector<256x128xf32>
    %slice3A_1175 = vector.extract_strided_slice %convert_element_type3A_856 {offsets = [0, 0], sizes = [128, 64], strides = [1, 1]} : vector<256x64xbf16> to vector<128x64xbf16>
    %dot_general3A_1176 = arith.constant dense<0.000000e+00> : vector<256x64xf32>
    %dot_general3A_1177 = tpu.matmul %slice3A_1133, %slice3A_1175, %dot_general3A_1176 {dimension_numbers = #tpu.dot_dimension_numbers<[1], [0], [0], [1], [0, 0, 1, 1], [], []>, transpose_lhs_hint = false} : vector<256x128xbf16>, vector<128x64xbf16>, vector<256x64xf32> -> vector<256x64xf32>
    %convert_element_type3A_1178 = arith.truncf %sub3A_1170 : vector<256x128xf32> to vector<256x128xbf16>
    %slice3A_1179 = vector.extract_strided_slice %convert_element_type3A_856 {offsets = [128, 0], sizes = [128, 64], strides = [1, 1]} : vector<256x64xbf16> to vector<128x64xbf16>
    %dot_general3A_1180 = arith.constant dense<0.000000e+00> : vector<256x64xf32>
    %dot_general3A_1181 = tpu.matmul %convert_element_type3A_1178, %slice3A_1179, %dot_general3A_1180 {dimension_numbers = #tpu.dot_dimension_numbers<[1], [0], [0], [1], [0, 0, 1, 1], [], []>, transpose_lhs_hint = false} : vector<256x128xbf16>, vector<128x64xbf16>, vector<256x64xf32> -> vector<256x64xf32>
    %add3A_1182 = arith.addf %dot_general3A_1177, %dot_general3A_1181 : vector<256x64xf32>
    %add3A_1183 = vector.broadcast %get3A_861 : vector<1x64xf32> to vector<256x64xf32>
    %add3A_1184 = arith.addf %add3A_1182, %add3A_1183 : vector<256x64xf32>
    %max3A_1185 = arith.constant 0.000000e+00 : f32
    %max3A_1186 = vector.broadcast %max3A_1185 : f32 to vector<256x64xf32>
    %max3A_1187 = arith.maximumf %add3A_1184, %max3A_1186 : vector<256x64xf32>
    %convert_element_type3A_1188 = arith.truncf %max3A_1187 : vector<256x64xf32> to vector<256x64xbf16>
    %dot_general3A_1189 = arith.constant dense<0.000000e+00> : vector<256x128xf32>
    %dot_general3A_1190 = tpu.matmul %convert_element_type3A_1188, %convert_element_type3A_867, %dot_general3A_1189 {dimension_numbers = #tpu.dot_dimension_numbers<[1], [0], [0], [1], [0, 0, 1, 1], [], []>, transpose_lhs_hint = false} : vector<256x64xbf16>, vector<64x128xbf16>, vector<256x128xf32> -> vector<256x128xf32>
    %add3A_1191 = vector.broadcast %get3A_872 : vector<1x128xf32> to vector<256x128xf32>
    %add3A_1192 = arith.addf %dot_general3A_1190, %add3A_1191 : vector<256x128xf32>
    %slice3A_1193 = vector.extract_strided_slice %convert_element_type3A_856 {offsets = [0, 0], sizes = [128, 64], strides = [1, 1]} : vector<256x64xbf16> to vector<128x64xbf16>
    %dot_general3A_1194 = arith.constant dense<0.000000e+00> : vector<256x64xf32>
    %dot_general3A_1195 = tpu.matmul %slice3A_1134, %slice3A_1193, %dot_general3A_1194 {dimension_numbers = #tpu.dot_dimension_numbers<[1], [0], [0], [1], [0, 0, 1, 1], [], []>, transpose_lhs_hint = false} : vector<256x128xbf16>, vector<128x64xbf16>, vector<256x64xf32> -> vector<256x64xf32>
    %convert_element_type3A_1196 = arith.truncf %sub3A_1174 : vector<256x128xf32> to vector<256x128xbf16>
    %slice3A_1197 = vector.extract_strided_slice %convert_element_type3A_856 {offsets = [128, 0], sizes = [128, 64], strides = [1, 1]} : vector<256x64xbf16> to vector<128x64xbf16>
    %dot_general3A_1198 = arith.constant dense<0.000000e+00> : vector<256x64xf32>
    %dot_general3A_1199 = tpu.matmul %convert_element_type3A_1196, %slice3A_1197, %dot_general3A_1198 {dimension_numbers = #tpu.dot_dimension_numbers<[1], [0], [0], [1], [0, 0, 1, 1], [], []>, transpose_lhs_hint = false} : vector<256x128xbf16>, vector<128x64xbf16>, vector<256x64xf32> -> vector<256x64xf32>
    %add3A_1200 = arith.addf %dot_general3A_1195, %dot_general3A_1199 : vector<256x64xf32>
    %add3A_1201 = vector.broadcast %get3A_861 : vector<1x64xf32> to vector<256x64xf32>
    %add3A_1202 = arith.addf %add3A_1200, %add3A_1201 : vector<256x64xf32>
    %max3A_1203 = arith.constant 0.000000e+00 : f32
    %max3A_1204 = vector.broadcast %max3A_1203 : f32 to vector<256x64xf32>
    %max3A_1205 = arith.maximumf %add3A_1202, %max3A_1204 : vector<256x64xf32>
    %convert_element_type3A_1206 = arith.truncf %max3A_1205 : vector<256x64xf32> to vector<256x64xbf16>
    %dot_general3A_1207 = arith.constant dense<0.000000e+00> : vector<256x128xf32>
    %dot_general3A_1208 = tpu.matmul %convert_element_type3A_1206, %convert_element_type3A_867, %dot_general3A_1207 {dimension_numbers = #tpu.dot_dimension_numbers<[1], [0], [0], [1], [0, 0, 1, 1], [], []>, transpose_lhs_hint = false} : vector<256x64xbf16>, vector<64x128xbf16>, vector<256x128xf32> -> vector<256x128xf32>
    %add3A_1209 = vector.broadcast %get3A_872 : vector<1x128xf32> to vector<256x128xf32>
    %add3A_1210 = arith.addf %dot_general3A_1208, %add3A_1209 : vector<256x128xf32>
    %swap3A_1211 = arith.constant 768 : index
    %swap3A_1212 = arith.constant 0 : index
    %swap3A_1213 = vector.load %arg16[%swap3A_1211, %swap3A_1212] : memref<1024x128xf32, #tpu.memory_space<vmem>>, vector<256x128xf32>
    tpu.vector_store %arg16[%swap3A_1211, %swap3A_1212], %add3A_1192 {strides = array<i32>} : memref<1024x128xf32, #tpu.memory_space<vmem>>, vector<256x128xf32>,
    %swap3A_1214 = arith.constant 768 : index
    %swap3A_1215 = arith.constant 0 : index
    %swap3A_1216 = vector.load %arg17[%swap3A_1214, %swap3A_1215] : memref<1024x128xf32, #tpu.memory_space<vmem>>, vector<256x128xf32>
    tpu.vector_store %arg17[%swap3A_1214, %swap3A_1215], %add3A_1210 {strides = array<i32>} : memref<1024x128xf32, #tpu.memory_space<vmem>>, vector<256x128xf32>,
    %get3A_1217 = arith.constant 0 : index
    %get3A_1218 = arith.constant 0 : index
    %get3A_1219 = vector.load %arg14[%get3A_1217, %get3A_1218] : memref<1024x128xf32, #tpu.memory_space<vmem>>, vector<1024x128xf32>
    %get3A_1220 = arith.constant 0 : index
    %get3A_1221 = arith.constant 0 : index
    %get3A_1222 = vector.load %arg16[%get3A_1220, %get3A_1221] : memref<1024x128xf32, #tpu.memory_space<vmem>>, vector<1024x128xf32>
    %add3A_1223 = arith.addf %get3A_1219, %get3A_1222 : vector<1024x128xf32>
    %swap3A_1224 = arith.constant 0 : index
    %swap3A_1225 = arith.constant 0 : index
    %swap3A_1226 = vector.load %arg14[%swap3A_1224, %swap3A_1225] : memref<1024x128xf32, #tpu.memory_space<vmem>>, vector<1024x128xf32>
    tpu.vector_store %arg14[%swap3A_1224, %swap3A_1225], %add3A_1223 {strides = array<i32>} : memref<1024x128xf32, #tpu.memory_space<vmem>>, vector<1024x128xf32>,
    %get3A_1227 = arith.constant 0 : index
    %get3A_1228 = arith.constant 0 : index
    %get3A_1229 = vector.load %arg15[%get3A_1227, %get3A_1228] : memref<1024x128xf32, #tpu.memory_space<vmem>>, vector<1024x128xf32>
    %get3A_1230 = arith.constant 0 : index
    %get3A_1231 = arith.constant 0 : index
    %get3A_1232 = vector.load %arg17[%get3A_1230, %get3A_1231] : memref<1024x128xf32, #tpu.memory_space<vmem>>, vector<1024x128xf32>
    %add3A_1233 = arith.addf %get3A_1229, %get3A_1232 : vector<1024x128xf32>
    %swap3A_1234 = arith.constant 0 : index
    %swap3A_1235 = arith.constant 0 : index
    %swap3A_1236 = vector.load %arg15[%swap3A_1234, %swap3A_1235] : memref<1024x128xf32, #tpu.memory_space<vmem>>, vector<1024x128xf32>
    tpu.vector_store %arg15[%swap3A_1234, %swap3A_1235], %add3A_1233 {strides = array<i32>} : memref<1024x128xf32, #tpu.memory_space<vmem>>, vector<1024x128xf32>,
    %get3A_1237 = arith.constant 3 : index
    %get3A_1238 = arith.constant 0 : index
    %get3A_1239 = arith.constant 0 : index
    %get3A_1240 = vector.load %arg8[%get3A_1237, %get3A_1238, %get3A_1239] : memref<5x256x64xf32, #tpu.memory_space<vmem>>, vector<1x256x64xf32>
    %get3A_1241 = vector.shape_cast %get3A_1240 : vector<1x256x64xf32> to vector<256x64xf32>
    %convert_element_type3A_1242 = arith.truncf %get3A_1241 : vector<256x64xf32> to vector<256x64xbf16>
    %get3A_1243 = arith.constant 3 : index
    %get3A_1244 = arith.constant 0 : index
    %get3A_1245 = arith.constant 0 : index
    %get3A_1246 = vector.load %arg9[%get3A_1243, %get3A_1244, %get3A_1245] : memref<5x1x64xf32, #tpu.memory_space<vmem>>, vector<1x1x64xf32>
    %get3A_1247 = vector.shape_cast %get3A_1246 : vector<1x1x64xf32> to vector<1x64xf32>
    %get3A_1248 = arith.constant 3 : index
    %get3A_1249 = arith.constant 0 : index
    %get3A_1250 = arith.constant 0 : index
    %get3A_1251 = vector.load %arg10[%get3A_1248, %get3A_1249, %get3A_1250] : memref<5x64x128xf32, #tpu.memory_space<vmem>>, vector<1x64x128xf32>
    %get3A_1252 = vector.shape_cast %get3A_1251 : vector<1x64x128xf32> to vector<64x128xf32>
    %convert_element_type3A_1253 = arith.truncf %get3A_1252 : vector<64x128xf32> to vector<64x128xbf16>
    %get3A_1254 = arith.constant 3 : index
    %get3A_1255 = arith.constant 0 : index
    %get3A_1256 = arith.constant 0 : index
    %get3A_1257 = vector.load %arg11[%get3A_1254, %get3A_1255, %get3A_1256] : memref<5x1x128xf32, #tpu.memory_space<vmem>>, vector<1x1x128xf32>
    %get3A_1258 = vector.shape_cast %get3A_1257 : vector<1x1x128xf32> to vector<1x128xf32>
    %get3A_1259 = arith.constant 0 : index
    %get3A_1260 = arith.constant 0 : index
    %get3A_1261 = vector.load %arg14[%get3A_1259, %get3A_1260] : memref<1024x128xf32, #tpu.memory_space<vmem>>, vector<1024x128xf32>
    %convert_element_type3A_1262 = arith.truncf %get3A_1261 : vector<1024x128xf32> to vector<1024x128xbf16>
    %get3A_1263 = arith.constant 0 : index
    %get3A_1264 = arith.constant 0 : index
    %get3A_1265 = vector.load %arg15[%get3A_1263, %get3A_1264] : memref<1024x128xf32, #tpu.memory_space<vmem>>, vector<1024x128xf32>
    %convert_element_type3A_1266 = arith.truncf %get3A_1265 : vector<1024x128xf32> to vector<1024x128xbf16>
    %slice3A_1267 = vector.extract_strided_slice %convert_element_type3A_1262 {offsets = [0, 0], sizes = [256, 128], strides = [1, 1]} : vector<1024x128xbf16> to vector<256x128xbf16>
    %slice3A_1268 = vector.extract_strided_slice %convert_element_type3A_1266 {offsets = [0, 0], sizes = [256, 128], strides = [1, 1]} : vector<1024x128xbf16> to vector<256x128xbf16>
    %dot_general3A_1269 = arith.constant dense<0.000000e+00> : vector<256x1024xf32>
    %dot_general3A_1270 = tpu.matmul %slice3A_1267, %convert_element_type3A_1266, %dot_general3A_1269 {dimension_numbers = #tpu.dot_dimension_numbers<[1], [1], [0], [0], [0, 0, 1, 0], [], []>, transpose_lhs_hint = false} : vector<256x128xbf16>, vector<1024x128xbf16>, vector<256x1024xf32> -> vector<256x1024xf32>
    %dot_general3A_1271 = arith.constant dense<0.000000e+00> : vector<256x1024xf32>
    %dot_general3A_1272 = tpu.matmul %slice3A_1268, %convert_element_type3A_1262, %dot_general3A_1271 {dimension_numbers = #tpu.dot_dimension_numbers<[1], [1], [0], [0], [0, 0, 1, 0], [], []>, transpose_lhs_hint = false} : vector<256x128xbf16>, vector<1024x128xbf16>, vector<256x1024xf32> -> vector<256x1024xf32>
    %reduce_max3A_1273 = arith.constant dense<0xFF800000> : vector<256xf32>
    %reduce_max3A_1274 = vector.multi_reduction <maximumf>, %dot_general3A_1270, %reduce_max3A_1273 [1] : vector<256x1024xf32> to vector<256xf32>
    %broadcast_in_dim3A_1275 = vector.shape_cast %reduce_max3A_1274 : vector<256xf32> to vector<256x1xf32>
    %sub3A_1276 = vector.broadcast %broadcast_in_dim3A_1275 : vector<256x1xf32> to vector<256x1024xf32>
    %sub3A_1277 = arith.subf %dot_general3A_1270, %sub3A_1276 : vector<256x1024xf32>
    %exp3A_1278 = math.exp %sub3A_1277 : vector<256x1024xf32>
    %reduce_sum3A_1279 = arith.constant dense<0.000000e+00> : vector<256xf32>
    %reduce_sum3A_1280 = vector.multi_reduction <add>, %exp3A_1278, %reduce_sum3A_1279 [1] : vector<256x1024xf32> to vector<256xf32>
    %broadcast_in_dim3A_1281 = vector.shape_cast %reduce_sum3A_1280 : vector<256xf32> to vector<256x1xf32>
    %div3A_1282 = vector.broadcast %broadcast_in_dim3A_1281 : vector<256x1xf32> to vector<256x1024xf32>
    %div3A_1283 = arith.divf %exp3A_1278, %div3A_1282 : vector<256x1024xf32>
    %convert_element_type3A_1284 = arith.truncf %div3A_1283 : vector<256x1024xf32> to vector<256x1024xbf16>
    %reduce_max3A_1285 = arith.constant dense<0xFF800000> : vector<256xf32>
    %reduce_max3A_1286 = vector.multi_reduction <maximumf>, %dot_general3A_1272, %reduce_max3A_1285 [1] : vector<256x1024xf32> to vector<256xf32>
    %broadcast_in_dim3A_1287 = vector.shape_cast %reduce_max3A_1286 : vector<256xf32> to vector<256x1xf32>
    %sub3A_1288 = vector.broadcast %broadcast_in_dim3A_1287 : vector<256x1xf32> to vector<256x1024xf32>
    %sub3A_1289 = arith.subf %dot_general3A_1272, %sub3A_1288 : vector<256x1024xf32>
    %exp3A_1290 = math.exp %sub3A_1289 : vector<256x1024xf32>
    %reduce_sum3A_1291 = arith.constant dense<0.000000e+00> : vector<256xf32>
    %reduce_sum3A_1292 = vector.multi_reduction <add>, %exp3A_1290, %reduce_sum3A_1291 [1] : vector<256x1024xf32> to vector<256xf32>
    %broadcast_in_dim3A_1293 = vector.shape_cast %reduce_sum3A_1292 : vector<256xf32> to vector<256x1xf32>
    %div3A_1294 = vector.broadcast %broadcast_in_dim3A_1293 : vector<256x1xf32> to vector<256x1024xf32>
    %div3A_1295 = arith.divf %exp3A_1290, %div3A_1294 : vector<256x1024xf32>
    %convert_element_type3A_1296 = arith.truncf %div3A_1295 : vector<256x1024xf32> to vector<256x1024xbf16>
    %dot_general3A_1297 = arith.constant dense<0.000000e+00> : vector<256x128xf32>
    %dot_general3A_1298 = tpu.matmul %convert_element_type3A_1284, %convert_element_type3A_1266, %dot_general3A_1297 {dimension_numbers = #tpu.dot_dimension_numbers<[1], [0], [0], [1], [0, 0, 1, 1], [], []>, transpose_lhs_hint = false} : vector<256x1024xbf16>, vector<1024x128xbf16>, vector<256x128xf32> -> vector<256x128xf32>
    %dot_general3A_1299 = arith.constant dense<0.000000e+00> : vector<256x128xf32>
    %dot_general3A_1300 = tpu.matmul %convert_element_type3A_1296, %convert_element_type3A_1262, %dot_general3A_1299 {dimension_numbers = #tpu.dot_dimension_numbers<[1], [0], [0], [1], [0, 0, 1, 1], [], []>, transpose_lhs_hint = false} : vector<256x1024xbf16>, vector<1024x128xbf16>, vector<256x128xf32> -> vector<256x128xf32>
    %get3A_1301 = arith.constant 0 : index
    %get3A_1302 = arith.constant 0 : index
    %get3A_1303 = vector.load %arg14[%get3A_1301, %get3A_1302] : memref<1024x128xf32, #tpu.memory_space<vmem>>, vector<256x128xf32>
    %sub3A_1304 = arith.subf %get3A_1303, %dot_general3A_1298 : vector<256x128xf32>
    %get3A_1305 = arith.constant 0 : index
    %get3A_1306 = arith.constant 0 : index
    %get3A_1307 = vector.load %arg15[%get3A_1305, %get3A_1306] : memref<1024x128xf32, #tpu.memory_space<vmem>>, vector<256x128xf32>
    %sub3A_1308 = arith.subf %get3A_1307, %dot_general3A_1300 : vector<256x128xf32>
    %slice3A_1309 = vector.extract_strided_slice %convert_element_type3A_1242 {offsets = [0, 0], sizes = [128, 64], strides = [1, 1]} : vector<256x64xbf16> to vector<128x64xbf16>
    %dot_general3A_1310 = arith.constant dense<0.000000e+00> : vector<256x64xf32>
    %dot_general3A_1311 = tpu.matmul %slice3A_1267, %slice3A_1309, %dot_general3A_1310 {dimension_numbers = #tpu.dot_dimension_numbers<[1], [0], [0], [1], [0, 0, 1, 1], [], []>, transpose_lhs_hint = false} : vector<256x128xbf16>, vector<128x64xbf16>, vector<256x64xf32> -> vector<256x64xf32>
    %convert_element_type3A_1312 = arith.truncf %sub3A_1304 : vector<256x128xf32> to vector<256x128xbf16>
    %slice3A_1313 = vector.extract_strided_slice %convert_element_type3A_1242 {offsets = [128, 0], sizes = [128, 64], strides = [1, 1]} : vector<256x64xbf16> to vector<128x64xbf16>
    %dot_general3A_1314 = arith.constant dense<0.000000e+00> : vector<256x64xf32>
    %dot_general3A_1315 = tpu.matmul %convert_element_type3A_1312, %slice3A_1313, %dot_general3A_1314 {dimension_numbers = #tpu.dot_dimension_numbers<[1], [0], [0], [1], [0, 0, 1, 1], [], []>, transpose_lhs_hint = false} : vector<256x128xbf16>, vector<128x64xbf16>, vector<256x64xf32> -> vector<256x64xf32>
    %add3A_1316 = arith.addf %dot_general3A_1311, %dot_general3A_1315 : vector<256x64xf32>
    %add3A_1317 = vector.broadcast %get3A_1247 : vector<1x64xf32> to vector<256x64xf32>
    %add3A_1318 = arith.addf %add3A_1316, %add3A_1317 : vector<256x64xf32>
    %max3A_1319 = arith.constant 0.000000e+00 : f32
    %max3A_1320 = vector.broadcast %max3A_1319 : f32 to vector<256x64xf32>
    %max3A_1321 = arith.maximumf %add3A_1318, %max3A_1320 : vector<256x64xf32>
    %convert_element_type3A_1322 = arith.truncf %max3A_1321 : vector<256x64xf32> to vector<256x64xbf16>
    %dot_general3A_1323 = arith.constant dense<0.000000e+00> : vector<256x128xf32>
    %dot_general3A_1324 = tpu.matmul %convert_element_type3A_1322, %convert_element_type3A_1253, %dot_general3A_1323 {dimension_numbers = #tpu.dot_dimension_numbers<[1], [0], [0], [1], [0, 0, 1, 1], [], []>, transpose_lhs_hint = false} : vector<256x64xbf16>, vector<64x128xbf16>, vector<256x128xf32> -> vector<256x128xf32>
    %add3A_1325 = vector.broadcast %get3A_1258 : vector<1x128xf32> to vector<256x128xf32>
    %add3A_1326 = arith.addf %dot_general3A_1324, %add3A_1325 : vector<256x128xf32>
    %slice3A_1327 = vector.extract_strided_slice %convert_element_type3A_1242 {offsets = [0, 0], sizes = [128, 64], strides = [1, 1]} : vector<256x64xbf16> to vector<128x64xbf16>
    %dot_general3A_1328 = arith.constant dense<0.000000e+00> : vector<256x64xf32>
    %dot_general3A_1329 = tpu.matmul %slice3A_1268, %slice3A_1327, %dot_general3A_1328 {dimension_numbers = #tpu.dot_dimension_numbers<[1], [0], [0], [1], [0, 0, 1, 1], [], []>, transpose_lhs_hint = false} : vector<256x128xbf16>, vector<128x64xbf16>, vector<256x64xf32> -> vector<256x64xf32>
    %convert_element_type3A_1330 = arith.truncf %sub3A_1308 : vector<256x128xf32> to vector<256x128xbf16>
    %slice3A_1331 = vector.extract_strided_slice %convert_element_type3A_1242 {offsets = [128, 0], sizes = [128, 64], strides = [1, 1]} : vector<256x64xbf16> to vector<128x64xbf16>
    %dot_general3A_1332 = arith.constant dense<0.000000e+00> : vector<256x64xf32>
    %dot_general3A_1333 = tpu.matmul %convert_element_type3A_1330, %slice3A_1331, %dot_general3A_1332 {dimension_numbers = #tpu.dot_dimension_numbers<[1], [0], [0], [1], [0, 0, 1, 1], [], []>, transpose_lhs_hint = false} : vector<256x128xbf16>, vector<128x64xbf16>, vector<256x64xf32> -> vector<256x64xf32>
    %add3A_1334 = arith.addf %dot_general3A_1329, %dot_general3A_1333 : vector<256x64xf32>
    %add3A_1335 = vector.broadcast %get3A_1247 : vector<1x64xf32> to vector<256x64xf32>
    %add3A_1336 = arith.addf %add3A_1334, %add3A_1335 : vector<256x64xf32>
    %max3A_1337 = arith.constant 0.000000e+00 : f32
    %max3A_1338 = vector.broadcast %max3A_1337 : f32 to vector<256x64xf32>
    %max3A_1339 = arith.maximumf %add3A_1336, %max3A_1338 : vector<256x64xf32>
    %convert_element_type3A_1340 = arith.truncf %max3A_1339 : vector<256x64xf32> to vector<256x64xbf16>
    %dot_general3A_1341 = arith.constant dense<0.000000e+00> : vector<256x128xf32>
    %dot_general3A_1342 = tpu.matmul %convert_element_type3A_1340, %convert_element_type3A_1253, %dot_general3A_1341 {dimension_numbers = #tpu.dot_dimension_numbers<[1], [0], [0], [1], [0, 0, 1, 1], [], []>, transpose_lhs_hint = false} : vector<256x64xbf16>, vector<64x128xbf16>, vector<256x128xf32> -> vector<256x128xf32>
    %add3A_1343 = vector.broadcast %get3A_1258 : vector<1x128xf32> to vector<256x128xf32>
    %add3A_1344 = arith.addf %dot_general3A_1342, %add3A_1343 : vector<256x128xf32>
    %swap3A_1345 = arith.constant 0 : index
    %swap3A_1346 = arith.constant 0 : index
    %swap3A_1347 = vector.load %arg16[%swap3A_1345, %swap3A_1346] : memref<1024x128xf32, #tpu.memory_space<vmem>>, vector<256x128xf32>
    tpu.vector_store %arg16[%swap3A_1345, %swap3A_1346], %add3A_1326 {strides = array<i32>} : memref<1024x128xf32, #tpu.memory_space<vmem>>, vector<256x128xf32>,
    %swap3A_1348 = arith.constant 0 : index
    %swap3A_1349 = arith.constant 0 : index
    %swap3A_1350 = vector.load %arg17[%swap3A_1348, %swap3A_1349] : memref<1024x128xf32, #tpu.memory_space<vmem>>, vector<256x128xf32>
    tpu.vector_store %arg17[%swap3A_1348, %swap3A_1349], %add3A_1344 {strides = array<i32>} : memref<1024x128xf32, #tpu.memory_space<vmem>>, vector<256x128xf32>,
    %slice3A_1351 = vector.extract_strided_slice %convert_element_type3A_1262 {offsets = [256, 0], sizes = [256, 128], strides = [1, 1]} : vector<1024x128xbf16> to vector<256x128xbf16>
    %slice3A_1352 = vector.extract_strided_slice %convert_element_type3A_1266 {offsets = [256, 0], sizes = [256, 128], strides = [1, 1]} : vector<1024x128xbf16> to vector<256x128xbf16>
    %dot_general3A_1353 = arith.constant dense<0.000000e+00> : vector<256x1024xf32>
    %dot_general3A_1354 = tpu.matmul %slice3A_1351, %convert_element_type3A_1266, %dot_general3A_1353 {dimension_numbers = #tpu.dot_dimension_numbers<[1], [1], [0], [0], [0, 0, 1, 0], [], []>, transpose_lhs_hint = false} : vector<256x128xbf16>, vector<1024x128xbf16>, vector<256x1024xf32> -> vector<256x1024xf32>
    %dot_general3A_1355 = arith.constant dense<0.000000e+00> : vector<256x1024xf32>
    %dot_general3A_1356 = tpu.matmul %slice3A_1352, %convert_element_type3A_1262, %dot_general3A_1355 {dimension_numbers = #tpu.dot_dimension_numbers<[1], [1], [0], [0], [0, 0, 1, 0], [], []>, transpose_lhs_hint = false} : vector<256x128xbf16>, vector<1024x128xbf16>, vector<256x1024xf32> -> vector<256x1024xf32>
    %reduce_max3A_1357 = arith.constant dense<0xFF800000> : vector<256xf32>
    %reduce_max3A_1358 = vector.multi_reduction <maximumf>, %dot_general3A_1354, %reduce_max3A_1357 [1] : vector<256x1024xf32> to vector<256xf32>
    %broadcast_in_dim3A_1359 = vector.shape_cast %reduce_max3A_1358 : vector<256xf32> to vector<256x1xf32>
    %sub3A_1360 = vector.broadcast %broadcast_in_dim3A_1359 : vector<256x1xf32> to vector<256x1024xf32>
    %sub3A_1361 = arith.subf %dot_general3A_1354, %sub3A_1360 : vector<256x1024xf32>
    %exp3A_1362 = math.exp %sub3A_1361 : vector<256x1024xf32>
    %reduce_sum3A_1363 = arith.constant dense<0.000000e+00> : vector<256xf32>
    %reduce_sum3A_1364 = vector.multi_reduction <add>, %exp3A_1362, %reduce_sum3A_1363 [1] : vector<256x1024xf32> to vector<256xf32>
    %broadcast_in_dim3A_1365 = vector.shape_cast %reduce_sum3A_1364 : vector<256xf32> to vector<256x1xf32>
    %div3A_1366 = vector.broadcast %broadcast_in_dim3A_1365 : vector<256x1xf32> to vector<256x1024xf32>
    %div3A_1367 = arith.divf %exp3A_1362, %div3A_1366 : vector<256x1024xf32>
    %convert_element_type3A_1368 = arith.truncf %div3A_1367 : vector<256x1024xf32> to vector<256x1024xbf16>
    %reduce_max3A_1369 = arith.constant dense<0xFF800000> : vector<256xf32>
    %reduce_max3A_1370 = vector.multi_reduction <maximumf>, %dot_general3A_1356, %reduce_max3A_1369 [1] : vector<256x1024xf32> to vector<256xf32>
    %broadcast_in_dim3A_1371 = vector.shape_cast %reduce_max3A_1370 : vector<256xf32> to vector<256x1xf32>
    %sub3A_1372 = vector.broadcast %broadcast_in_dim3A_1371 : vector<256x1xf32> to vector<256x1024xf32>
    %sub3A_1373 = arith.subf %dot_general3A_1356, %sub3A_1372 : vector<256x1024xf32>
    %exp3A_1374 = math.exp %sub3A_1373 : vector<256x1024xf32>
    %reduce_sum3A_1375 = arith.constant dense<0.000000e+00> : vector<256xf32>
    %reduce_sum3A_1376 = vector.multi_reduction <add>, %exp3A_1374, %reduce_sum3A_1375 [1] : vector<256x1024xf32> to vector<256xf32>
    %broadcast_in_dim3A_1377 = vector.shape_cast %reduce_sum3A_1376 : vector<256xf32> to vector<256x1xf32>
    %div3A_1378 = vector.broadcast %broadcast_in_dim3A_1377 : vector<256x1xf32> to vector<256x1024xf32>
    %div3A_1379 = arith.divf %exp3A_1374, %div3A_1378 : vector<256x1024xf32>
    %convert_element_type3A_1380 = arith.truncf %div3A_1379 : vector<256x1024xf32> to vector<256x1024xbf16>
    %dot_general3A_1381 = arith.constant dense<0.000000e+00> : vector<256x128xf32>
    %dot_general3A_1382 = tpu.matmul %convert_element_type3A_1368, %convert_element_type3A_1266, %dot_general3A_1381 {dimension_numbers = #tpu.dot_dimension_numbers<[1], [0], [0], [1], [0, 0, 1, 1], [], []>, transpose_lhs_hint = false} : vector<256x1024xbf16>, vector<1024x128xbf16>, vector<256x128xf32> -> vector<256x128xf32>
    %dot_general3A_1383 = arith.constant dense<0.000000e+00> : vector<256x128xf32>
    %dot_general3A_1384 = tpu.matmul %convert_element_type3A_1380, %convert_element_type3A_1262, %dot_general3A_1383 {dimension_numbers = #tpu.dot_dimension_numbers<[1], [0], [0], [1], [0, 0, 1, 1], [], []>, transpose_lhs_hint = false} : vector<256x1024xbf16>, vector<1024x128xbf16>, vector<256x128xf32> -> vector<256x128xf32>
    %get3A_1385 = arith.constant 256 : index
    %get3A_1386 = arith.constant 0 : index
    %get3A_1387 = vector.load %arg14[%get3A_1385, %get3A_1386] : memref<1024x128xf32, #tpu.memory_space<vmem>>, vector<256x128xf32>
    %sub3A_1388 = arith.subf %get3A_1387, %dot_general3A_1382 : vector<256x128xf32>
    %get3A_1389 = arith.constant 256 : index
    %get3A_1390 = arith.constant 0 : index
    %get3A_1391 = vector.load %arg15[%get3A_1389, %get3A_1390] : memref<1024x128xf32, #tpu.memory_space<vmem>>, vector<256x128xf32>
    %sub3A_1392 = arith.subf %get3A_1391, %dot_general3A_1384 : vector<256x128xf32>
    %slice3A_1393 = vector.extract_strided_slice %convert_element_type3A_1242 {offsets = [0, 0], sizes = [128, 64], strides = [1, 1]} : vector<256x64xbf16> to vector<128x64xbf16>
    %dot_general3A_1394 = arith.constant dense<0.000000e+00> : vector<256x64xf32>
    %dot_general3A_1395 = tpu.matmul %slice3A_1351, %slice3A_1393, %dot_general3A_1394 {dimension_numbers = #tpu.dot_dimension_numbers<[1], [0], [0], [1], [0, 0, 1, 1], [], []>, transpose_lhs_hint = false} : vector<256x128xbf16>, vector<128x64xbf16>, vector<256x64xf32> -> vector<256x64xf32>
    %convert_element_type3A_1396 = arith.truncf %sub3A_1388 : vector<256x128xf32> to vector<256x128xbf16>
    %slice3A_1397 = vector.extract_strided_slice %convert_element_type3A_1242 {offsets = [128, 0], sizes = [128, 64], strides = [1, 1]} : vector<256x64xbf16> to vector<128x64xbf16>
    %dot_general3A_1398 = arith.constant dense<0.000000e+00> : vector<256x64xf32>
    %dot_general3A_1399 = tpu.matmul %convert_element_type3A_1396, %slice3A_1397, %dot_general3A_1398 {dimension_numbers = #tpu.dot_dimension_numbers<[1], [0], [0], [1], [0, 0, 1, 1], [], []>, transpose_lhs_hint = false} : vector<256x128xbf16>, vector<128x64xbf16>, vector<256x64xf32> -> vector<256x64xf32>
    %add3A_1400 = arith.addf %dot_general3A_1395, %dot_general3A_1399 : vector<256x64xf32>
    %add3A_1401 = vector.broadcast %get3A_1247 : vector<1x64xf32> to vector<256x64xf32>
    %add3A_1402 = arith.addf %add3A_1400, %add3A_1401 : vector<256x64xf32>
    %max3A_1403 = arith.constant 0.000000e+00 : f32
    %max3A_1404 = vector.broadcast %max3A_1403 : f32 to vector<256x64xf32>
    %max3A_1405 = arith.maximumf %add3A_1402, %max3A_1404 : vector<256x64xf32>
    %convert_element_type3A_1406 = arith.truncf %max3A_1405 : vector<256x64xf32> to vector<256x64xbf16>
    %dot_general3A_1407 = arith.constant dense<0.000000e+00> : vector<256x128xf32>
    %dot_general3A_1408 = tpu.matmul %convert_element_type3A_1406, %convert_element_type3A_1253, %dot_general3A_1407 {dimension_numbers = #tpu.dot_dimension_numbers<[1], [0], [0], [1], [0, 0, 1, 1], [], []>, transpose_lhs_hint = false} : vector<256x64xbf16>, vector<64x128xbf16>, vector<256x128xf32> -> vector<256x128xf32>
    %add3A_1409 = vector.broadcast %get3A_1258 : vector<1x128xf32> to vector<256x128xf32>
    %add3A_1410 = arith.addf %dot_general3A_1408, %add3A_1409 : vector<256x128xf32>
    %slice3A_1411 = vector.extract_strided_slice %convert_element_type3A_1242 {offsets = [0, 0], sizes = [128, 64], strides = [1, 1]} : vector<256x64xbf16> to vector<128x64xbf16>
    %dot_general3A_1412 = arith.constant dense<0.000000e+00> : vector<256x64xf32>
    %dot_general3A_1413 = tpu.matmul %slice3A_1352, %slice3A_1411, %dot_general3A_1412 {dimension_numbers = #tpu.dot_dimension_numbers<[1], [0], [0], [1], [0, 0, 1, 1], [], []>, transpose_lhs_hint = false} : vector<256x128xbf16>, vector<128x64xbf16>, vector<256x64xf32> -> vector<256x64xf32>
    %convert_element_type3A_1414 = arith.truncf %sub3A_1392 : vector<256x128xf32> to vector<256x128xbf16>
    %slice3A_1415 = vector.extract_strided_slice %convert_element_type3A_1242 {offsets = [128, 0], sizes = [128, 64], strides = [1, 1]} : vector<256x64xbf16> to vector<128x64xbf16>
    %dot_general3A_1416 = arith.constant dense<0.000000e+00> : vector<256x64xf32>
    %dot_general3A_1417 = tpu.matmul %convert_element_type3A_1414, %slice3A_1415, %dot_general3A_1416 {dimension_numbers = #tpu.dot_dimension_numbers<[1], [0], [0], [1], [0, 0, 1, 1], [], []>, transpose_lhs_hint = false} : vector<256x128xbf16>, vector<128x64xbf16>, vector<256x64xf32> -> vector<256x64xf32>
    %add3A_1418 = arith.addf %dot_general3A_1413, %dot_general3A_1417 : vector<256x64xf32>
    %add3A_1419 = vector.broadcast %get3A_1247 : vector<1x64xf32> to vector<256x64xf32>
    %add3A_1420 = arith.addf %add3A_1418, %add3A_1419 : vector<256x64xf32>
    %max3A_1421 = arith.constant 0.000000e+00 : f32
    %max3A_1422 = vector.broadcast %max3A_1421 : f32 to vector<256x64xf32>
    %max3A_1423 = arith.maximumf %add3A_1420, %max3A_1422 : vector<256x64xf32>
    %convert_element_type3A_1424 = arith.truncf %max3A_1423 : vector<256x64xf32> to vector<256x64xbf16>
    %dot_general3A_1425 = arith.constant dense<0.000000e+00> : vector<256x128xf32>
    %dot_general3A_1426 = tpu.matmul %convert_element_type3A_1424, %convert_element_type3A_1253, %dot_general3A_1425 {dimension_numbers = #tpu.dot_dimension_numbers<[1], [0], [0], [1], [0, 0, 1, 1], [], []>, transpose_lhs_hint = false} : vector<256x64xbf16>, vector<64x128xbf16>, vector<256x128xf32> -> vector<256x128xf32>
    %add3A_1427 = vector.broadcast %get3A_1258 : vector<1x128xf32> to vector<256x128xf32>
    %add3A_1428 = arith.addf %dot_general3A_1426, %add3A_1427 : vector<256x128xf32>
    %swap3A_1429 = arith.constant 256 : index
    %swap3A_1430 = arith.constant 0 : index
    %swap3A_1431 = vector.load %arg16[%swap3A_1429, %swap3A_1430] : memref<1024x128xf32, #tpu.memory_space<vmem>>, vector<256x128xf32>
    tpu.vector_store %arg16[%swap3A_1429, %swap3A_1430], %add3A_1410 {strides = array<i32>} : memref<1024x128xf32, #tpu.memory_space<vmem>>, vector<256x128xf32>,
    %swap3A_1432 = arith.constant 256 : index
    %swap3A_1433 = arith.constant 0 : index
    %swap3A_1434 = vector.load %arg17[%swap3A_1432, %swap3A_1433] : memref<1024x128xf32, #tpu.memory_space<vmem>>, vector<256x128xf32>
    tpu.vector_store %arg17[%swap3A_1432, %swap3A_1433], %add3A_1428 {strides = array<i32>} : memref<1024x128xf32, #tpu.memory_space<vmem>>, vector<256x128xf32>,
    %slice3A_1435 = vector.extract_strided_slice %convert_element_type3A_1262 {offsets = [512, 0], sizes = [256, 128], strides = [1, 1]} : vector<1024x128xbf16> to vector<256x128xbf16>
    %slice3A_1436 = vector.extract_strided_slice %convert_element_type3A_1266 {offsets = [512, 0], sizes = [256, 128], strides = [1, 1]} : vector<1024x128xbf16> to vector<256x128xbf16>
    %dot_general3A_1437 = arith.constant dense<0.000000e+00> : vector<256x1024xf32>
    %dot_general3A_1438 = tpu.matmul %slice3A_1435, %convert_element_type3A_1266, %dot_general3A_1437 {dimension_numbers = #tpu.dot_dimension_numbers<[1], [1], [0], [0], [0, 0, 1, 0], [], []>, transpose_lhs_hint = false} : vector<256x128xbf16>, vector<1024x128xbf16>, vector<256x1024xf32> -> vector<256x1024xf32>
    %dot_general3A_1439 = arith.constant dense<0.000000e+00> : vector<256x1024xf32>
    %dot_general3A_1440 = tpu.matmul %slice3A_1436, %convert_element_type3A_1262, %dot_general3A_1439 {dimension_numbers = #tpu.dot_dimension_numbers<[1], [1], [0], [0], [0, 0, 1, 0], [], []>, transpose_lhs_hint = false} : vector<256x128xbf16>, vector<1024x128xbf16>, vector<256x1024xf32> -> vector<256x1024xf32>
    %reduce_max3A_1441 = arith.constant dense<0xFF800000> : vector<256xf32>
    %reduce_max3A_1442 = vector.multi_reduction <maximumf>, %dot_general3A_1438, %reduce_max3A_1441 [1] : vector<256x1024xf32> to vector<256xf32>
    %broadcast_in_dim3A_1443 = vector.shape_cast %reduce_max3A_1442 : vector<256xf32> to vector<256x1xf32>
    %sub3A_1444 = vector.broadcast %broadcast_in_dim3A_1443 : vector<256x1xf32> to vector<256x1024xf32>
    %sub3A_1445 = arith.subf %dot_general3A_1438, %sub3A_1444 : vector<256x1024xf32>
    %exp3A_1446 = math.exp %sub3A_1445 : vector<256x1024xf32>
    %reduce_sum3A_1447 = arith.constant dense<0.000000e+00> : vector<256xf32>
    %reduce_sum3A_1448 = vector.multi_reduction <add>, %exp3A_1446, %reduce_sum3A_1447 [1] : vector<256x1024xf32> to vector<256xf32>
    %broadcast_in_dim3A_1449 = vector.shape_cast %reduce_sum3A_1448 : vector<256xf32> to vector<256x1xf32>
    %div3A_1450 = vector.broadcast %broadcast_in_dim3A_1449 : vector<256x1xf32> to vector<256x1024xf32>
    %div3A_1451 = arith.divf %exp3A_1446, %div3A_1450 : vector<256x1024xf32>
    %convert_element_type3A_1452 = arith.truncf %div3A_1451 : vector<256x1024xf32> to vector<256x1024xbf16>
    %reduce_max3A_1453 = arith.constant dense<0xFF800000> : vector<256xf32>
    %reduce_max3A_1454 = vector.multi_reduction <maximumf>, %dot_general3A_1440, %reduce_max3A_1453 [1] : vector<256x1024xf32> to vector<256xf32>
    %broadcast_in_dim3A_1455 = vector.shape_cast %reduce_max3A_1454 : vector<256xf32> to vector<256x1xf32>
    %sub3A_1456 = vector.broadcast %broadcast_in_dim3A_1455 : vector<256x1xf32> to vector<256x1024xf32>
    %sub3A_1457 = arith.subf %dot_general3A_1440, %sub3A_1456 : vector<256x1024xf32>
    %exp3A_1458 = math.exp %sub3A_1457 : vector<256x1024xf32>
    %reduce_sum3A_1459 = arith.constant dense<0.000000e+00> : vector<256xf32>
    %reduce_sum3A_1460 = vector.multi_reduction <add>, %exp3A_1458, %reduce_sum3A_1459 [1] : vector<256x1024xf32> to vector<256xf32>
    %broadcast_in_dim3A_1461 = vector.shape_cast %reduce_sum3A_1460 : vector<256xf32> to vector<256x1xf32>
    %div3A_1462 = vector.broadcast %broadcast_in_dim3A_1461 : vector<256x1xf32> to vector<256x1024xf32>
    %div3A_1463 = arith.divf %exp3A_1458, %div3A_1462 : vector<256x1024xf32>
    %convert_element_type3A_1464 = arith.truncf %div3A_1463 : vector<256x1024xf32> to vector<256x1024xbf16>
    %dot_general3A_1465 = arith.constant dense<0.000000e+00> : vector<256x128xf32>
    %dot_general3A_1466 = tpu.matmul %convert_element_type3A_1452, %convert_element_type3A_1266, %dot_general3A_1465 {dimension_numbers = #tpu.dot_dimension_numbers<[1], [0], [0], [1], [0, 0, 1, 1], [], []>, transpose_lhs_hint = false} : vector<256x1024xbf16>, vector<1024x128xbf16>, vector<256x128xf32> -> vector<256x128xf32>
    %dot_general3A_1467 = arith.constant dense<0.000000e+00> : vector<256x128xf32>
    %dot_general3A_1468 = tpu.matmul %convert_element_type3A_1464, %convert_element_type3A_1262, %dot_general3A_1467 {dimension_numbers = #tpu.dot_dimension_numbers<[1], [0], [0], [1], [0, 0, 1, 1], [], []>, transpose_lhs_hint = false} : vector<256x1024xbf16>, vector<1024x128xbf16>, vector<256x128xf32> -> vector<256x128xf32>
    %get3A_1469 = arith.constant 512 : index
    %get3A_1470 = arith.constant 0 : index
    %get3A_1471 = vector.load %arg14[%get3A_1469, %get3A_1470] : memref<1024x128xf32, #tpu.memory_space<vmem>>, vector<256x128xf32>
    %sub3A_1472 = arith.subf %get3A_1471, %dot_general3A_1466 : vector<256x128xf32>
    %get3A_1473 = arith.constant 512 : index
    %get3A_1474 = arith.constant 0 : index
    %get3A_1475 = vector.load %arg15[%get3A_1473, %get3A_1474] : memref<1024x128xf32, #tpu.memory_space<vmem>>, vector<256x128xf32>
    %sub3A_1476 = arith.subf %get3A_1475, %dot_general3A_1468 : vector<256x128xf32>
    %slice3A_1477 = vector.extract_strided_slice %convert_element_type3A_1242 {offsets = [0, 0], sizes = [128, 64], strides = [1, 1]} : vector<256x64xbf16> to vector<128x64xbf16>
    %dot_general3A_1478 = arith.constant dense<0.000000e+00> : vector<256x64xf32>
    %dot_general3A_1479 = tpu.matmul %slice3A_1435, %slice3A_1477, %dot_general3A_1478 {dimension_numbers = #tpu.dot_dimension_numbers<[1], [0], [0], [1], [0, 0, 1, 1], [], []>, transpose_lhs_hint = false} : vector<256x128xbf16>, vector<128x64xbf16>, vector<256x64xf32> -> vector<256x64xf32>
    %convert_element_type3A_1480 = arith.truncf %sub3A_1472 : vector<256x128xf32> to vector<256x128xbf16>
    %slice3A_1481 = vector.extract_strided_slice %convert_element_type3A_1242 {offsets = [128, 0], sizes = [128, 64], strides = [1, 1]} : vector<256x64xbf16> to vector<128x64xbf16>
    %dot_general3A_1482 = arith.constant dense<0.000000e+00> : vector<256x64xf32>
    %dot_general3A_1483 = tpu.matmul %convert_element_type3A_1480, %slice3A_1481, %dot_general3A_1482 {dimension_numbers = #tpu.dot_dimension_numbers<[1], [0], [0], [1], [0, 0, 1, 1], [], []>, transpose_lhs_hint = false} : vector<256x128xbf16>, vector<128x64xbf16>, vector<256x64xf32> -> vector<256x64xf32>
    %add3A_1484 = arith.addf %dot_general3A_1479, %dot_general3A_1483 : vector<256x64xf32>
    %add3A_1485 = vector.broadcast %get3A_1247 : vector<1x64xf32> to vector<256x64xf32>
    %add3A_1486 = arith.addf %add3A_1484, %add3A_1485 : vector<256x64xf32>
    %max3A_1487 = arith.constant 0.000000e+00 : f32
    %max3A_1488 = vector.broadcast %max3A_1487 : f32 to vector<256x64xf32>
    %max3A_1489 = arith.maximumf %add3A_1486, %max3A_1488 : vector<256x64xf32>
    %convert_element_type3A_1490 = arith.truncf %max3A_1489 : vector<256x64xf32> to vector<256x64xbf16>
    %dot_general3A_1491 = arith.constant dense<0.000000e+00> : vector<256x128xf32>
    %dot_general3A_1492 = tpu.matmul %convert_element_type3A_1490, %convert_element_type3A_1253, %dot_general3A_1491 {dimension_numbers = #tpu.dot_dimension_numbers<[1], [0], [0], [1], [0, 0, 1, 1], [], []>, transpose_lhs_hint = false} : vector<256x64xbf16>, vector<64x128xbf16>, vector<256x128xf32> -> vector<256x128xf32>
    %add3A_1493 = vector.broadcast %get3A_1258 : vector<1x128xf32> to vector<256x128xf32>
    %add3A_1494 = arith.addf %dot_general3A_1492, %add3A_1493 : vector<256x128xf32>
    %slice3A_1495 = vector.extract_strided_slice %convert_element_type3A_1242 {offsets = [0, 0], sizes = [128, 64], strides = [1, 1]} : vector<256x64xbf16> to vector<128x64xbf16>
    %dot_general3A_1496 = arith.constant dense<0.000000e+00> : vector<256x64xf32>
    %dot_general3A_1497 = tpu.matmul %slice3A_1436, %slice3A_1495, %dot_general3A_1496 {dimension_numbers = #tpu.dot_dimension_numbers<[1], [0], [0], [1], [0, 0, 1, 1], [], []>, transpose_lhs_hint = false} : vector<256x128xbf16>, vector<128x64xbf16>, vector<256x64xf32> -> vector<256x64xf32>
    %convert_element_type3A_1498 = arith.truncf %sub3A_1476 : vector<256x128xf32> to vector<256x128xbf16>
    %slice3A_1499 = vector.extract_strided_slice %convert_element_type3A_1242 {offsets = [128, 0], sizes = [128, 64], strides = [1, 1]} : vector<256x64xbf16> to vector<128x64xbf16>
    %dot_general3A_1500 = arith.constant dense<0.000000e+00> : vector<256x64xf32>
    %dot_general3A_1501 = tpu.matmul %convert_element_type3A_1498, %slice3A_1499, %dot_general3A_1500 {dimension_numbers = #tpu.dot_dimension_numbers<[1], [0], [0], [1], [0, 0, 1, 1], [], []>, transpose_lhs_hint = false} : vector<256x128xbf16>, vector<128x64xbf16>, vector<256x64xf32> -> vector<256x64xf32>
    %add3A_1502 = arith.addf %dot_general3A_1497, %dot_general3A_1501 : vector<256x64xf32>
    %add3A_1503 = vector.broadcast %get3A_1247 : vector<1x64xf32> to vector<256x64xf32>
    %add3A_1504 = arith.addf %add3A_1502, %add3A_1503 : vector<256x64xf32>
    %max3A_1505 = arith.constant 0.000000e+00 : f32
    %max3A_1506 = vector.broadcast %max3A_1505 : f32 to vector<256x64xf32>
    %max3A_1507 = arith.maximumf %add3A_1504, %max3A_1506 : vector<256x64xf32>
    %convert_element_type3A_1508 = arith.truncf %max3A_1507 : vector<256x64xf32> to vector<256x64xbf16>
    %dot_general3A_1509 = arith.constant dense<0.000000e+00> : vector<256x128xf32>
    %dot_general3A_1510 = tpu.matmul %convert_element_type3A_1508, %convert_element_type3A_1253, %dot_general3A_1509 {dimension_numbers = #tpu.dot_dimension_numbers<[1], [0], [0], [1], [0, 0, 1, 1], [], []>, transpose_lhs_hint = false} : vector<256x64xbf16>, vector<64x128xbf16>, vector<256x128xf32> -> vector<256x128xf32>
    %add3A_1511 = vector.broadcast %get3A_1258 : vector<1x128xf32> to vector<256x128xf32>
    %add3A_1512 = arith.addf %dot_general3A_1510, %add3A_1511 : vector<256x128xf32>
    %swap3A_1513 = arith.constant 512 : index
    %swap3A_1514 = arith.constant 0 : index
    %swap3A_1515 = vector.load %arg16[%swap3A_1513, %swap3A_1514] : memref<1024x128xf32, #tpu.memory_space<vmem>>, vector<256x128xf32>
    tpu.vector_store %arg16[%swap3A_1513, %swap3A_1514], %add3A_1494 {strides = array<i32>} : memref<1024x128xf32, #tpu.memory_space<vmem>>, vector<256x128xf32>,
    %swap3A_1516 = arith.constant 512 : index
    %swap3A_1517 = arith.constant 0 : index
    %swap3A_1518 = vector.load %arg17[%swap3A_1516, %swap3A_1517] : memref<1024x128xf32, #tpu.memory_space<vmem>>, vector<256x128xf32>
    tpu.vector_store %arg17[%swap3A_1516, %swap3A_1517], %add3A_1512 {strides = array<i32>} : memref<1024x128xf32, #tpu.memory_space<vmem>>, vector<256x128xf32>,
    %slice3A_1519 = vector.extract_strided_slice %convert_element_type3A_1262 {offsets = [768, 0], sizes = [256, 128], strides = [1, 1]} : vector<1024x128xbf16> to vector<256x128xbf16>
    %slice3A_1520 = vector.extract_strided_slice %convert_element_type3A_1266 {offsets = [768, 0], sizes = [256, 128], strides = [1, 1]} : vector<1024x128xbf16> to vector<256x128xbf16>
    %dot_general3A_1521 = arith.constant dense<0.000000e+00> : vector<256x1024xf32>
    %dot_general3A_1522 = tpu.matmul %slice3A_1519, %convert_element_type3A_1266, %dot_general3A_1521 {dimension_numbers = #tpu.dot_dimension_numbers<[1], [1], [0], [0], [0, 0, 1, 0], [], []>, transpose_lhs_hint = false} : vector<256x128xbf16>, vector<1024x128xbf16>, vector<256x1024xf32> -> vector<256x1024xf32>
    %dot_general3A_1523 = arith.constant dense<0.000000e+00> : vector<256x1024xf32>
    %dot_general3A_1524 = tpu.matmul %slice3A_1520, %convert_element_type3A_1262, %dot_general3A_1523 {dimension_numbers = #tpu.dot_dimension_numbers<[1], [1], [0], [0], [0, 0, 1, 0], [], []>, transpose_lhs_hint = false} : vector<256x128xbf16>, vector<1024x128xbf16>, vector<256x1024xf32> -> vector<256x1024xf32>
    %reduce_max3A_1525 = arith.constant dense<0xFF800000> : vector<256xf32>
    %reduce_max3A_1526 = vector.multi_reduction <maximumf>, %dot_general3A_1522, %reduce_max3A_1525 [1] : vector<256x1024xf32> to vector<256xf32>
    %broadcast_in_dim3A_1527 = vector.shape_cast %reduce_max3A_1526 : vector<256xf32> to vector<256x1xf32>
    %sub3A_1528 = vector.broadcast %broadcast_in_dim3A_1527 : vector<256x1xf32> to vector<256x1024xf32>
    %sub3A_1529 = arith.subf %dot_general3A_1522, %sub3A_1528 : vector<256x1024xf32>
    %exp3A_1530 = math.exp %sub3A_1529 : vector<256x1024xf32>
    %reduce_sum3A_1531 = arith.constant dense<0.000000e+00> : vector<256xf32>
    %reduce_sum3A_1532 = vector.multi_reduction <add>, %exp3A_1530, %reduce_sum3A_1531 [1] : vector<256x1024xf32> to vector<256xf32>
    %broadcast_in_dim3A_1533 = vector.shape_cast %reduce_sum3A_1532 : vector<256xf32> to vector<256x1xf32>
    %div3A_1534 = vector.broadcast %broadcast_in_dim3A_1533 : vector<256x1xf32> to vector<256x1024xf32>
    %div3A_1535 = arith.divf %exp3A_1530, %div3A_1534 : vector<256x1024xf32>
    %convert_element_type3A_1536 = arith.truncf %div3A_1535 : vector<256x1024xf32> to vector<256x1024xbf16>
    %reduce_max3A_1537 = arith.constant dense<0xFF800000> : vector<256xf32>
    %reduce_max3A_1538 = vector.multi_reduction <maximumf>, %dot_general3A_1524, %reduce_max3A_1537 [1] : vector<256x1024xf32> to vector<256xf32>
    %broadcast_in_dim3A_1539 = vector.shape_cast %reduce_max3A_1538 : vector<256xf32> to vector<256x1xf32>
    %sub3A_1540 = vector.broadcast %broadcast_in_dim3A_1539 : vector<256x1xf32> to vector<256x1024xf32>
    %sub3A_1541 = arith.subf %dot_general3A_1524, %sub3A_1540 : vector<256x1024xf32>
    %exp3A_1542 = math.exp %sub3A_1541 : vector<256x1024xf32>
    %reduce_sum3A_1543 = arith.constant dense<0.000000e+00> : vector<256xf32>
    %reduce_sum3A_1544 = vector.multi_reduction <add>, %exp3A_1542, %reduce_sum3A_1543 [1] : vector<256x1024xf32> to vector<256xf32>
    %broadcast_in_dim3A_1545 = vector.shape_cast %reduce_sum3A_1544 : vector<256xf32> to vector<256x1xf32>
    %div3A_1546 = vector.broadcast %broadcast_in_dim3A_1545 : vector<256x1xf32> to vector<256x1024xf32>
    %div3A_1547 = arith.divf %exp3A_1542, %div3A_1546 : vector<256x1024xf32>
    %convert_element_type3A_1548 = arith.truncf %div3A_1547 : vector<256x1024xf32> to vector<256x1024xbf16>
    %dot_general3A_1549 = arith.constant dense<0.000000e+00> : vector<256x128xf32>
    %dot_general3A_1550 = tpu.matmul %convert_element_type3A_1536, %convert_element_type3A_1266, %dot_general3A_1549 {dimension_numbers = #tpu.dot_dimension_numbers<[1], [0], [0], [1], [0, 0, 1, 1], [], []>, transpose_lhs_hint = false} : vector<256x1024xbf16>, vector<1024x128xbf16>, vector<256x128xf32> -> vector<256x128xf32>
    %dot_general3A_1551 = arith.constant dense<0.000000e+00> : vector<256x128xf32>
    %dot_general3A_1552 = tpu.matmul %convert_element_type3A_1548, %convert_element_type3A_1262, %dot_general3A_1551 {dimension_numbers = #tpu.dot_dimension_numbers<[1], [0], [0], [1], [0, 0, 1, 1], [], []>, transpose_lhs_hint = false} : vector<256x1024xbf16>, vector<1024x128xbf16>, vector<256x128xf32> -> vector<256x128xf32>
    %get3A_1553 = arith.constant 768 : index
    %get3A_1554 = arith.constant 0 : index
    %get3A_1555 = vector.load %arg14[%get3A_1553, %get3A_1554] : memref<1024x128xf32, #tpu.memory_space<vmem>>, vector<256x128xf32>
    %sub3A_1556 = arith.subf %get3A_1555, %dot_general3A_1550 : vector<256x128xf32>
    %get3A_1557 = arith.constant 768 : index
    %get3A_1558 = arith.constant 0 : index
    %get3A_1559 = vector.load %arg15[%get3A_1557, %get3A_1558] : memref<1024x128xf32, #tpu.memory_space<vmem>>, vector<256x128xf32>
    %sub3A_1560 = arith.subf %get3A_1559, %dot_general3A_1552 : vector<256x128xf32>
    %slice3A_1561 = vector.extract_strided_slice %convert_element_type3A_1242 {offsets = [0, 0], sizes = [128, 64], strides = [1, 1]} : vector<256x64xbf16> to vector<128x64xbf16>
    %dot_general3A_1562 = arith.constant dense<0.000000e+00> : vector<256x64xf32>
    %dot_general3A_1563 = tpu.matmul %slice3A_1519, %slice3A_1561, %dot_general3A_1562 {dimension_numbers = #tpu.dot_dimension_numbers<[1], [0], [0], [1], [0, 0, 1, 1], [], []>, transpose_lhs_hint = false} : vector<256x128xbf16>, vector<128x64xbf16>, vector<256x64xf32> -> vector<256x64xf32>
    %convert_element_type3A_1564 = arith.truncf %sub3A_1556 : vector<256x128xf32> to vector<256x128xbf16>
    %slice3A_1565 = vector.extract_strided_slice %convert_element_type3A_1242 {offsets = [128, 0], sizes = [128, 64], strides = [1, 1]} : vector<256x64xbf16> to vector<128x64xbf16>
    %dot_general3A_1566 = arith.constant dense<0.000000e+00> : vector<256x64xf32>
    %dot_general3A_1567 = tpu.matmul %convert_element_type3A_1564, %slice3A_1565, %dot_general3A_1566 {dimension_numbers = #tpu.dot_dimension_numbers<[1], [0], [0], [1], [0, 0, 1, 1], [], []>, transpose_lhs_hint = false} : vector<256x128xbf16>, vector<128x64xbf16>, vector<256x64xf32> -> vector<256x64xf32>
    %add3A_1568 = arith.addf %dot_general3A_1563, %dot_general3A_1567 : vector<256x64xf32>
    %add3A_1569 = vector.broadcast %get3A_1247 : vector<1x64xf32> to vector<256x64xf32>
    %add3A_1570 = arith.addf %add3A_1568, %add3A_1569 : vector<256x64xf32>
    %max3A_1571 = arith.constant 0.000000e+00 : f32
    %max3A_1572 = vector.broadcast %max3A_1571 : f32 to vector<256x64xf32>
    %max3A_1573 = arith.maximumf %add3A_1570, %max3A_1572 : vector<256x64xf32>
    %convert_element_type3A_1574 = arith.truncf %max3A_1573 : vector<256x64xf32> to vector<256x64xbf16>
    %dot_general3A_1575 = arith.constant dense<0.000000e+00> : vector<256x128xf32>
    %dot_general3A_1576 = tpu.matmul %convert_element_type3A_1574, %convert_element_type3A_1253, %dot_general3A_1575 {dimension_numbers = #tpu.dot_dimension_numbers<[1], [0], [0], [1], [0, 0, 1, 1], [], []>, transpose_lhs_hint = false} : vector<256x64xbf16>, vector<64x128xbf16>, vector<256x128xf32> -> vector<256x128xf32>
    %add3A_1577 = vector.broadcast %get3A_1258 : vector<1x128xf32> to vector<256x128xf32>
    %add3A_1578 = arith.addf %dot_general3A_1576, %add3A_1577 : vector<256x128xf32>
    %slice3A_1579 = vector.extract_strided_slice %convert_element_type3A_1242 {offsets = [0, 0], sizes = [128, 64], strides = [1, 1]} : vector<256x64xbf16> to vector<128x64xbf16>
    %dot_general3A_1580 = arith.constant dense<0.000000e+00> : vector<256x64xf32>
    %dot_general3A_1581 = tpu.matmul %slice3A_1520, %slice3A_1579, %dot_general3A_1580 {dimension_numbers = #tpu.dot_dimension_numbers<[1], [0], [0], [1], [0, 0, 1, 1], [], []>, transpose_lhs_hint = false} : vector<256x128xbf16>, vector<128x64xbf16>, vector<256x64xf32> -> vector<256x64xf32>
    %convert_element_type3A_1582 = arith.truncf %sub3A_1560 : vector<256x128xf32> to vector<256x128xbf16>
    %slice3A_1583 = vector.extract_strided_slice %convert_element_type3A_1242 {offsets = [128, 0], sizes = [128, 64], strides = [1, 1]} : vector<256x64xbf16> to vector<128x64xbf16>
    %dot_general3A_1584 = arith.constant dense<0.000000e+00> : vector<256x64xf32>
    %dot_general3A_1585 = tpu.matmul %convert_element_type3A_1582, %slice3A_1583, %dot_general3A_1584 {dimension_numbers = #tpu.dot_dimension_numbers<[1], [0], [0], [1], [0, 0, 1, 1], [], []>, transpose_lhs_hint = false} : vector<256x128xbf16>, vector<128x64xbf16>, vector<256x64xf32> -> vector<256x64xf32>
    %add3A_1586 = arith.addf %dot_general3A_1581, %dot_general3A_1585 : vector<256x64xf32>
    %add3A_1587 = vector.broadcast %get3A_1247 : vector<1x64xf32> to vector<256x64xf32>
    %add3A_1588 = arith.addf %add3A_1586, %add3A_1587 : vector<256x64xf32>
    %max3A_1589 = arith.constant 0.000000e+00 : f32
    %max3A_1590 = vector.broadcast %max3A_1589 : f32 to vector<256x64xf32>
    %max3A_1591 = arith.maximumf %add3A_1588, %max3A_1590 : vector<256x64xf32>
    %convert_element_type3A_1592 = arith.truncf %max3A_1591 : vector<256x64xf32> to vector<256x64xbf16>
    %dot_general3A_1593 = arith.constant dense<0.000000e+00> : vector<256x128xf32>
    %dot_general3A_1594 = tpu.matmul %convert_element_type3A_1592, %convert_element_type3A_1253, %dot_general3A_1593 {dimension_numbers = #tpu.dot_dimension_numbers<[1], [0], [0], [1], [0, 0, 1, 1], [], []>, transpose_lhs_hint = false} : vector<256x64xbf16>, vector<64x128xbf16>, vector<256x128xf32> -> vector<256x128xf32>
    %add3A_1595 = vector.broadcast %get3A_1258 : vector<1x128xf32> to vector<256x128xf32>
    %add3A_1596 = arith.addf %dot_general3A_1594, %add3A_1595 : vector<256x128xf32>
    %swap3A_1597 = arith.constant 768 : index
    %swap3A_1598 = arith.constant 0 : index
    %swap3A_1599 = vector.load %arg16[%swap3A_1597, %swap3A_1598] : memref<1024x128xf32, #tpu.memory_space<vmem>>, vector<256x128xf32>
    tpu.vector_store %arg16[%swap3A_1597, %swap3A_1598], %add3A_1578 {strides = array<i32>} : memref<1024x128xf32, #tpu.memory_space<vmem>>, vector<256x128xf32>,
    %swap3A_1600 = arith.constant 768 : index
    %swap3A_1601 = arith.constant 0 : index
    %swap3A_1602 = vector.load %arg17[%swap3A_1600, %swap3A_1601] : memref<1024x128xf32, #tpu.memory_space<vmem>>, vector<256x128xf32>
    tpu.vector_store %arg17[%swap3A_1600, %swap3A_1601], %add3A_1596 {strides = array<i32>} : memref<1024x128xf32, #tpu.memory_space<vmem>>, vector<256x128xf32>,
    %get3A_1603 = arith.constant 0 : index
    %get3A_1604 = arith.constant 0 : index
    %get3A_1605 = vector.load %arg14[%get3A_1603, %get3A_1604] : memref<1024x128xf32, #tpu.memory_space<vmem>>, vector<1024x128xf32>
    %get3A_1606 = arith.constant 0 : index
    %get3A_1607 = arith.constant 0 : index
    %get3A_1608 = vector.load %arg16[%get3A_1606, %get3A_1607] : memref<1024x128xf32, #tpu.memory_space<vmem>>, vector<1024x128xf32>
    %add3A_1609 = arith.addf %get3A_1605, %get3A_1608 : vector<1024x128xf32>
    %swap3A_1610 = arith.constant 0 : index
    %swap3A_1611 = arith.constant 0 : index
    %swap3A_1612 = vector.load %arg14[%swap3A_1610, %swap3A_1611] : memref<1024x128xf32, #tpu.memory_space<vmem>>, vector<1024x128xf32>
    tpu.vector_store %arg14[%swap3A_1610, %swap3A_1611], %add3A_1609 {strides = array<i32>} : memref<1024x128xf32, #tpu.memory_space<vmem>>, vector<1024x128xf32>,
    %get3A_1613 = arith.constant 0 : index
    %get3A_1614 = arith.constant 0 : index
    %get3A_1615 = vector.load %arg15[%get3A_1613, %get3A_1614] : memref<1024x128xf32, #tpu.memory_space<vmem>>, vector<1024x128xf32>
    %get3A_1616 = arith.constant 0 : index
    %get3A_1617 = arith.constant 0 : index
    %get3A_1618 = vector.load %arg17[%get3A_1616, %get3A_1617] : memref<1024x128xf32, #tpu.memory_space<vmem>>, vector<1024x128xf32>
    %add3A_1619 = arith.addf %get3A_1615, %get3A_1618 : vector<1024x128xf32>
    %swap3A_1620 = arith.constant 0 : index
    %swap3A_1621 = arith.constant 0 : index
    %swap3A_1622 = vector.load %arg15[%swap3A_1620, %swap3A_1621] : memref<1024x128xf32, #tpu.memory_space<vmem>>, vector<1024x128xf32>
    tpu.vector_store %arg15[%swap3A_1620, %swap3A_1621], %add3A_1619 {strides = array<i32>} : memref<1024x128xf32, #tpu.memory_space<vmem>>, vector<1024x128xf32>,
    %get3A_1623 = arith.constant 4 : index
    %get3A_1624 = arith.constant 0 : index
    %get3A_1625 = arith.constant 0 : index
    %get3A_1626 = vector.load %arg8[%get3A_1623, %get3A_1624, %get3A_1625] : memref<5x256x64xf32, #tpu.memory_space<vmem>>, vector<1x256x64xf32>
    %get3A_1627 = vector.shape_cast %get3A_1626 : vector<1x256x64xf32> to vector<256x64xf32>
    %convert_element_type3A_1628 = arith.truncf %get3A_1627 : vector<256x64xf32> to vector<256x64xbf16>
    %get3A_1629 = arith.constant 4 : index
    %get3A_1630 = arith.constant 0 : index
    %get3A_1631 = arith.constant 0 : index
    %get3A_1632 = vector.load %arg9[%get3A_1629, %get3A_1630, %get3A_1631] : memref<5x1x64xf32, #tpu.memory_space<vmem>>, vector<1x1x64xf32>
    %get3A_1633 = vector.shape_cast %get3A_1632 : vector<1x1x64xf32> to vector<1x64xf32>
    %get3A_1634 = arith.constant 4 : index
    %get3A_1635 = arith.constant 0 : index
    %get3A_1636 = arith.constant 0 : index
    %get3A_1637 = vector.load %arg10[%get3A_1634, %get3A_1635, %get3A_1636] : memref<5x64x128xf32, #tpu.memory_space<vmem>>, vector<1x64x128xf32>
    %get3A_1638 = vector.shape_cast %get3A_1637 : vector<1x64x128xf32> to vector<64x128xf32>
    %convert_element_type3A_1639 = arith.truncf %get3A_1638 : vector<64x128xf32> to vector<64x128xbf16>
    %get3A_1640 = arith.constant 4 : index
    %get3A_1641 = arith.constant 0 : index
    %get3A_1642 = arith.constant 0 : index
    %get3A_1643 = vector.load %arg11[%get3A_1640, %get3A_1641, %get3A_1642] : memref<5x1x128xf32, #tpu.memory_space<vmem>>, vector<1x1x128xf32>
    %get3A_1644 = vector.shape_cast %get3A_1643 : vector<1x1x128xf32> to vector<1x128xf32>
    %get3A_1645 = arith.constant 0 : index
    %get3A_1646 = arith.constant 0 : index
    %get3A_1647 = vector.load %arg14[%get3A_1645, %get3A_1646] : memref<1024x128xf32, #tpu.memory_space<vmem>>, vector<1024x128xf32>
    %convert_element_type3A_1648 = arith.truncf %get3A_1647 : vector<1024x128xf32> to vector<1024x128xbf16>
    %get3A_1649 = arith.constant 0 : index
    %get3A_1650 = arith.constant 0 : index
    %get3A_1651 = vector.load %arg15[%get3A_1649, %get3A_1650] : memref<1024x128xf32, #tpu.memory_space<vmem>>, vector<1024x128xf32>
    %convert_element_type3A_1652 = arith.truncf %get3A_1651 : vector<1024x128xf32> to vector<1024x128xbf16>
    %slice3A_1653 = vector.extract_strided_slice %convert_element_type3A_1648 {offsets = [0, 0], sizes = [256, 128], strides = [1, 1]} : vector<1024x128xbf16> to vector<256x128xbf16>
    %slice3A_1654 = vector.extract_strided_slice %convert_element_type3A_1652 {offsets = [0, 0], sizes = [256, 128], strides = [1, 1]} : vector<1024x128xbf16> to vector<256x128xbf16>
    %dot_general3A_1655 = arith.constant dense<0.000000e+00> : vector<256x1024xf32>
    %dot_general3A_1656 = tpu.matmul %slice3A_1653, %convert_element_type3A_1652, %dot_general3A_1655 {dimension_numbers = #tpu.dot_dimension_numbers<[1], [1], [0], [0], [0, 0, 1, 0], [], []>, transpose_lhs_hint = false} : vector<256x128xbf16>, vector<1024x128xbf16>, vector<256x1024xf32> -> vector<256x1024xf32>
    %dot_general3A_1657 = arith.constant dense<0.000000e+00> : vector<256x1024xf32>
    %dot_general3A_1658 = tpu.matmul %slice3A_1654, %convert_element_type3A_1648, %dot_general3A_1657 {dimension_numbers = #tpu.dot_dimension_numbers<[1], [1], [0], [0], [0, 0, 1, 0], [], []>, transpose_lhs_hint = false} : vector<256x128xbf16>, vector<1024x128xbf16>, vector<256x1024xf32> -> vector<256x1024xf32>
    %reduce_max3A_1659 = arith.constant dense<0xFF800000> : vector<256xf32>
    %reduce_max3A_1660 = vector.multi_reduction <maximumf>, %dot_general3A_1656, %reduce_max3A_1659 [1] : vector<256x1024xf32> to vector<256xf32>
    %broadcast_in_dim3A_1661 = vector.shape_cast %reduce_max3A_1660 : vector<256xf32> to vector<256x1xf32>
    %sub3A_1662 = vector.broadcast %broadcast_in_dim3A_1661 : vector<256x1xf32> to vector<256x1024xf32>
    %sub3A_1663 = arith.subf %dot_general3A_1656, %sub3A_1662 : vector<256x1024xf32>
    %exp3A_1664 = math.exp %sub3A_1663 : vector<256x1024xf32>
    %reduce_sum3A_1665 = arith.constant dense<0.000000e+00> : vector<256xf32>
    %reduce_sum3A_1666 = vector.multi_reduction <add>, %exp3A_1664, %reduce_sum3A_1665 [1] : vector<256x1024xf32> to vector<256xf32>
    %broadcast_in_dim3A_1667 = vector.shape_cast %reduce_sum3A_1666 : vector<256xf32> to vector<256x1xf32>
    %div3A_1668 = vector.broadcast %broadcast_in_dim3A_1667 : vector<256x1xf32> to vector<256x1024xf32>
    %div3A_1669 = arith.divf %exp3A_1664, %div3A_1668 : vector<256x1024xf32>
    %convert_element_type3A_1670 = arith.truncf %div3A_1669 : vector<256x1024xf32> to vector<256x1024xbf16>
    %reduce_max3A_1671 = arith.constant dense<0xFF800000> : vector<256xf32>
    %reduce_max3A_1672 = vector.multi_reduction <maximumf>, %dot_general3A_1658, %reduce_max3A_1671 [1] : vector<256x1024xf32> to vector<256xf32>
    %broadcast_in_dim3A_1673 = vector.shape_cast %reduce_max3A_1672 : vector<256xf32> to vector<256x1xf32>
    %sub3A_1674 = vector.broadcast %broadcast_in_dim3A_1673 : vector<256x1xf32> to vector<256x1024xf32>
    %sub3A_1675 = arith.subf %dot_general3A_1658, %sub3A_1674 : vector<256x1024xf32>
    %exp3A_1676 = math.exp %sub3A_1675 : vector<256x1024xf32>
    %reduce_sum3A_1677 = arith.constant dense<0.000000e+00> : vector<256xf32>
    %reduce_sum3A_1678 = vector.multi_reduction <add>, %exp3A_1676, %reduce_sum3A_1677 [1] : vector<256x1024xf32> to vector<256xf32>
    %broadcast_in_dim3A_1679 = vector.shape_cast %reduce_sum3A_1678 : vector<256xf32> to vector<256x1xf32>
    %div3A_1680 = vector.broadcast %broadcast_in_dim3A_1679 : vector<256x1xf32> to vector<256x1024xf32>
    %div3A_1681 = arith.divf %exp3A_1676, %div3A_1680 : vector<256x1024xf32>
    %convert_element_type3A_1682 = arith.truncf %div3A_1681 : vector<256x1024xf32> to vector<256x1024xbf16>
    %dot_general3A_1683 = arith.constant dense<0.000000e+00> : vector<256x128xf32>
    %dot_general3A_1684 = tpu.matmul %convert_element_type3A_1670, %convert_element_type3A_1652, %dot_general3A_1683 {dimension_numbers = #tpu.dot_dimension_numbers<[1], [0], [0], [1], [0, 0, 1, 1], [], []>, transpose_lhs_hint = false} : vector<256x1024xbf16>, vector<1024x128xbf16>, vector<256x128xf32> -> vector<256x128xf32>
    %dot_general3A_1685 = arith.constant dense<0.000000e+00> : vector<256x128xf32>
    %dot_general3A_1686 = tpu.matmul %convert_element_type3A_1682, %convert_element_type3A_1648, %dot_general3A_1685 {dimension_numbers = #tpu.dot_dimension_numbers<[1], [0], [0], [1], [0, 0, 1, 1], [], []>, transpose_lhs_hint = false} : vector<256x1024xbf16>, vector<1024x128xbf16>, vector<256x128xf32> -> vector<256x128xf32>
    %get3A_1687 = arith.constant 0 : index
    %get3A_1688 = arith.constant 0 : index
    %get3A_1689 = vector.load %arg14[%get3A_1687, %get3A_1688] : memref<1024x128xf32, #tpu.memory_space<vmem>>, vector<256x128xf32>
    %sub3A_1690 = arith.subf %get3A_1689, %dot_general3A_1684 : vector<256x128xf32>
    %get3A_1691 = arith.constant 0 : index
    %get3A_1692 = arith.constant 0 : index
    %get3A_1693 = vector.load %arg15[%get3A_1691, %get3A_1692] : memref<1024x128xf32, #tpu.memory_space<vmem>>, vector<256x128xf32>
    %sub3A_1694 = arith.subf %get3A_1693, %dot_general3A_1686 : vector<256x128xf32>
    %slice3A_1695 = vector.extract_strided_slice %convert_element_type3A_1628 {offsets = [0, 0], sizes = [128, 64], strides = [1, 1]} : vector<256x64xbf16> to vector<128x64xbf16>
    %dot_general3A_1696 = arith.constant dense<0.000000e+00> : vector<256x64xf32>
    %dot_general3A_1697 = tpu.matmul %slice3A_1653, %slice3A_1695, %dot_general3A_1696 {dimension_numbers = #tpu.dot_dimension_numbers<[1], [0], [0], [1], [0, 0, 1, 1], [], []>, transpose_lhs_hint = false} : vector<256x128xbf16>, vector<128x64xbf16>, vector<256x64xf32> -> vector<256x64xf32>
    %convert_element_type3A_1698 = arith.truncf %sub3A_1690 : vector<256x128xf32> to vector<256x128xbf16>
    %slice3A_1699 = vector.extract_strided_slice %convert_element_type3A_1628 {offsets = [128, 0], sizes = [128, 64], strides = [1, 1]} : vector<256x64xbf16> to vector<128x64xbf16>
    %dot_general3A_1700 = arith.constant dense<0.000000e+00> : vector<256x64xf32>
    %dot_general3A_1701 = tpu.matmul %convert_element_type3A_1698, %slice3A_1699, %dot_general3A_1700 {dimension_numbers = #tpu.dot_dimension_numbers<[1], [0], [0], [1], [0, 0, 1, 1], [], []>, transpose_lhs_hint = false} : vector<256x128xbf16>, vector<128x64xbf16>, vector<256x64xf32> -> vector<256x64xf32>
    %add3A_1702 = arith.addf %dot_general3A_1697, %dot_general3A_1701 : vector<256x64xf32>
    %add3A_1703 = vector.broadcast %get3A_1633 : vector<1x64xf32> to vector<256x64xf32>
    %add3A_1704 = arith.addf %add3A_1702, %add3A_1703 : vector<256x64xf32>
    %max3A_1705 = arith.constant 0.000000e+00 : f32
    %max3A_1706 = vector.broadcast %max3A_1705 : f32 to vector<256x64xf32>
    %max3A_1707 = arith.maximumf %add3A_1704, %max3A_1706 : vector<256x64xf32>
    %convert_element_type3A_1708 = arith.truncf %max3A_1707 : vector<256x64xf32> to vector<256x64xbf16>
    %dot_general3A_1709 = arith.constant dense<0.000000e+00> : vector<256x128xf32>
    %dot_general3A_1710 = tpu.matmul %convert_element_type3A_1708, %convert_element_type3A_1639, %dot_general3A_1709 {dimension_numbers = #tpu.dot_dimension_numbers<[1], [0], [0], [1], [0, 0, 1, 1], [], []>, transpose_lhs_hint = false} : vector<256x64xbf16>, vector<64x128xbf16>, vector<256x128xf32> -> vector<256x128xf32>
    %add3A_1711 = vector.broadcast %get3A_1644 : vector<1x128xf32> to vector<256x128xf32>
    %add3A_1712 = arith.addf %dot_general3A_1710, %add3A_1711 : vector<256x128xf32>
    %slice3A_1713 = vector.extract_strided_slice %convert_element_type3A_1628 {offsets = [0, 0], sizes = [128, 64], strides = [1, 1]} : vector<256x64xbf16> to vector<128x64xbf16>
    %dot_general3A_1714 = arith.constant dense<0.000000e+00> : vector<256x64xf32>
    %dot_general3A_1715 = tpu.matmul %slice3A_1654, %slice3A_1713, %dot_general3A_1714 {dimension_numbers = #tpu.dot_dimension_numbers<[1], [0], [0], [1], [0, 0, 1, 1], [], []>, transpose_lhs_hint = false} : vector<256x128xbf16>, vector<128x64xbf16>, vector<256x64xf32> -> vector<256x64xf32>
    %convert_element_type3A_1716 = arith.truncf %sub3A_1694 : vector<256x128xf32> to vector<256x128xbf16>
    %slice3A_1717 = vector.extract_strided_slice %convert_element_type3A_1628 {offsets = [128, 0], sizes = [128, 64], strides = [1, 1]} : vector<256x64xbf16> to vector<128x64xbf16>
    %dot_general3A_1718 = arith.constant dense<0.000000e+00> : vector<256x64xf32>
    %dot_general3A_1719 = tpu.matmul %convert_element_type3A_1716, %slice3A_1717, %dot_general3A_1718 {dimension_numbers = #tpu.dot_dimension_numbers<[1], [0], [0], [1], [0, 0, 1, 1], [], []>, transpose_lhs_hint = false} : vector<256x128xbf16>, vector<128x64xbf16>, vector<256x64xf32> -> vector<256x64xf32>
    %add3A_1720 = arith.addf %dot_general3A_1715, %dot_general3A_1719 : vector<256x64xf32>
    %add3A_1721 = vector.broadcast %get3A_1633 : vector<1x64xf32> to vector<256x64xf32>
    %add3A_1722 = arith.addf %add3A_1720, %add3A_1721 : vector<256x64xf32>
    %max3A_1723 = arith.constant 0.000000e+00 : f32
    %max3A_1724 = vector.broadcast %max3A_1723 : f32 to vector<256x64xf32>
    %max3A_1725 = arith.maximumf %add3A_1722, %max3A_1724 : vector<256x64xf32>
    %convert_element_type3A_1726 = arith.truncf %max3A_1725 : vector<256x64xf32> to vector<256x64xbf16>
    %dot_general3A_1727 = arith.constant dense<0.000000e+00> : vector<256x128xf32>
    %dot_general3A_1728 = tpu.matmul %convert_element_type3A_1726, %convert_element_type3A_1639, %dot_general3A_1727 {dimension_numbers = #tpu.dot_dimension_numbers<[1], [0], [0], [1], [0, 0, 1, 1], [], []>, transpose_lhs_hint = false} : vector<256x64xbf16>, vector<64x128xbf16>, vector<256x128xf32> -> vector<256x128xf32>
    %add3A_1729 = vector.broadcast %get3A_1644 : vector<1x128xf32> to vector<256x128xf32>
    %add3A_1730 = arith.addf %dot_general3A_1728, %add3A_1729 : vector<256x128xf32>
    %swap3A_1731 = arith.constant 0 : index
    %swap3A_1732 = arith.constant 0 : index
    %swap3A_1733 = vector.load %arg16[%swap3A_1731, %swap3A_1732] : memref<1024x128xf32, #tpu.memory_space<vmem>>, vector<256x128xf32>
    tpu.vector_store %arg16[%swap3A_1731, %swap3A_1732], %add3A_1712 {strides = array<i32>} : memref<1024x128xf32, #tpu.memory_space<vmem>>, vector<256x128xf32>,
    %swap3A_1734 = arith.constant 0 : index
    %swap3A_1735 = arith.constant 0 : index
    %swap3A_1736 = vector.load %arg17[%swap3A_1734, %swap3A_1735] : memref<1024x128xf32, #tpu.memory_space<vmem>>, vector<256x128xf32>
    tpu.vector_store %arg17[%swap3A_1734, %swap3A_1735], %add3A_1730 {strides = array<i32>} : memref<1024x128xf32, #tpu.memory_space<vmem>>, vector<256x128xf32>,
    %slice3A_1737 = vector.extract_strided_slice %convert_element_type3A_1648 {offsets = [256, 0], sizes = [256, 128], strides = [1, 1]} : vector<1024x128xbf16> to vector<256x128xbf16>
    %slice3A_1738 = vector.extract_strided_slice %convert_element_type3A_1652 {offsets = [256, 0], sizes = [256, 128], strides = [1, 1]} : vector<1024x128xbf16> to vector<256x128xbf16>
    %dot_general3A_1739 = arith.constant dense<0.000000e+00> : vector<256x1024xf32>
    %dot_general3A_1740 = tpu.matmul %slice3A_1737, %convert_element_type3A_1652, %dot_general3A_1739 {dimension_numbers = #tpu.dot_dimension_numbers<[1], [1], [0], [0], [0, 0, 1, 0], [], []>, transpose_lhs_hint = false} : vector<256x128xbf16>, vector<1024x128xbf16>, vector<256x1024xf32> -> vector<256x1024xf32>
    %dot_general3A_1741 = arith.constant dense<0.000000e+00> : vector<256x1024xf32>
    %dot_general3A_1742 = tpu.matmul %slice3A_1738, %convert_element_type3A_1648, %dot_general3A_1741 {dimension_numbers = #tpu.dot_dimension_numbers<[1], [1], [0], [0], [0, 0, 1, 0], [], []>, transpose_lhs_hint = false} : vector<256x128xbf16>, vector<1024x128xbf16>, vector<256x1024xf32> -> vector<256x1024xf32>
    %reduce_max3A_1743 = arith.constant dense<0xFF800000> : vector<256xf32>
    %reduce_max3A_1744 = vector.multi_reduction <maximumf>, %dot_general3A_1740, %reduce_max3A_1743 [1] : vector<256x1024xf32> to vector<256xf32>
    %broadcast_in_dim3A_1745 = vector.shape_cast %reduce_max3A_1744 : vector<256xf32> to vector<256x1xf32>
    %sub3A_1746 = vector.broadcast %broadcast_in_dim3A_1745 : vector<256x1xf32> to vector<256x1024xf32>
    %sub3A_1747 = arith.subf %dot_general3A_1740, %sub3A_1746 : vector<256x1024xf32>
    %exp3A_1748 = math.exp %sub3A_1747 : vector<256x1024xf32>
    %reduce_sum3A_1749 = arith.constant dense<0.000000e+00> : vector<256xf32>
    %reduce_sum3A_1750 = vector.multi_reduction <add>, %exp3A_1748, %reduce_sum3A_1749 [1] : vector<256x1024xf32> to vector<256xf32>
    %broadcast_in_dim3A_1751 = vector.shape_cast %reduce_sum3A_1750 : vector<256xf32> to vector<256x1xf32>
    %div3A_1752 = vector.broadcast %broadcast_in_dim3A_1751 : vector<256x1xf32> to vector<256x1024xf32>
    %div3A_1753 = arith.divf %exp3A_1748, %div3A_1752 : vector<256x1024xf32>
    %convert_element_type3A_1754 = arith.truncf %div3A_1753 : vector<256x1024xf32> to vector<256x1024xbf16>
    %reduce_max3A_1755 = arith.constant dense<0xFF800000> : vector<256xf32>
    %reduce_max3A_1756 = vector.multi_reduction <maximumf>, %dot_general3A_1742, %reduce_max3A_1755 [1] : vector<256x1024xf32> to vector<256xf32>
    %broadcast_in_dim3A_1757 = vector.shape_cast %reduce_max3A_1756 : vector<256xf32> to vector<256x1xf32>
    %sub3A_1758 = vector.broadcast %broadcast_in_dim3A_1757 : vector<256x1xf32> to vector<256x1024xf32>
    %sub3A_1759 = arith.subf %dot_general3A_1742, %sub3A_1758 : vector<256x1024xf32>
    %exp3A_1760 = math.exp %sub3A_1759 : vector<256x1024xf32>
    %reduce_sum3A_1761 = arith.constant dense<0.000000e+00> : vector<256xf32>
    %reduce_sum3A_1762 = vector.multi_reduction <add>, %exp3A_1760, %reduce_sum3A_1761 [1] : vector<256x1024xf32> to vector<256xf32>
    %broadcast_in_dim3A_1763 = vector.shape_cast %reduce_sum3A_1762 : vector<256xf32> to vector<256x1xf32>
    %div3A_1764 = vector.broadcast %broadcast_in_dim3A_1763 : vector<256x1xf32> to vector<256x1024xf32>
    %div3A_1765 = arith.divf %exp3A_1760, %div3A_1764 : vector<256x1024xf32>
    %convert_element_type3A_1766 = arith.truncf %div3A_1765 : vector<256x1024xf32> to vector<256x1024xbf16>
    %dot_general3A_1767 = arith.constant dense<0.000000e+00> : vector<256x128xf32>
    %dot_general3A_1768 = tpu.matmul %convert_element_type3A_1754, %convert_element_type3A_1652, %dot_general3A_1767 {dimension_numbers = #tpu.dot_dimension_numbers<[1], [0], [0], [1], [0, 0, 1, 1], [], []>, transpose_lhs_hint = false} : vector<256x1024xbf16>, vector<1024x128xbf16>, vector<256x128xf32> -> vector<256x128xf32>
    %dot_general3A_1769 = arith.constant dense<0.000000e+00> : vector<256x128xf32>
    %dot_general3A_1770 = tpu.matmul %convert_element_type3A_1766, %convert_element_type3A_1648, %dot_general3A_1769 {dimension_numbers = #tpu.dot_dimension_numbers<[1], [0], [0], [1], [0, 0, 1, 1], [], []>, transpose_lhs_hint = false} : vector<256x1024xbf16>, vector<1024x128xbf16>, vector<256x128xf32> -> vector<256x128xf32>
    %get3A_1771 = arith.constant 256 : index
    %get3A_1772 = arith.constant 0 : index
    %get3A_1773 = vector.load %arg14[%get3A_1771, %get3A_1772] : memref<1024x128xf32, #tpu.memory_space<vmem>>, vector<256x128xf32>
    %sub3A_1774 = arith.subf %get3A_1773, %dot_general3A_1768 : vector<256x128xf32>
    %get3A_1775 = arith.constant 256 : index
    %get3A_1776 = arith.constant 0 : index
    %get3A_1777 = vector.load %arg15[%get3A_1775, %get3A_1776] : memref<1024x128xf32, #tpu.memory_space<vmem>>, vector<256x128xf32>
    %sub3A_1778 = arith.subf %get3A_1777, %dot_general3A_1770 : vector<256x128xf32>
    %slice3A_1779 = vector.extract_strided_slice %convert_element_type3A_1628 {offsets = [0, 0], sizes = [128, 64], strides = [1, 1]} : vector<256x64xbf16> to vector<128x64xbf16>
    %dot_general3A_1780 = arith.constant dense<0.000000e+00> : vector<256x64xf32>
    %dot_general3A_1781 = tpu.matmul %slice3A_1737, %slice3A_1779, %dot_general3A_1780 {dimension_numbers = #tpu.dot_dimension_numbers<[1], [0], [0], [1], [0, 0, 1, 1], [], []>, transpose_lhs_hint = false} : vector<256x128xbf16>, vector<128x64xbf16>, vector<256x64xf32> -> vector<256x64xf32>
    %convert_element_type3A_1782 = arith.truncf %sub3A_1774 : vector<256x128xf32> to vector<256x128xbf16>
    %slice3A_1783 = vector.extract_strided_slice %convert_element_type3A_1628 {offsets = [128, 0], sizes = [128, 64], strides = [1, 1]} : vector<256x64xbf16> to vector<128x64xbf16>
    %dot_general3A_1784 = arith.constant dense<0.000000e+00> : vector<256x64xf32>
    %dot_general3A_1785 = tpu.matmul %convert_element_type3A_1782, %slice3A_1783, %dot_general3A_1784 {dimension_numbers = #tpu.dot_dimension_numbers<[1], [0], [0], [1], [0, 0, 1, 1], [], []>, transpose_lhs_hint = false} : vector<256x128xbf16>, vector<128x64xbf16>, vector<256x64xf32> -> vector<256x64xf32>
    %add3A_1786 = arith.addf %dot_general3A_1781, %dot_general3A_1785 : vector<256x64xf32>
    %add3A_1787 = vector.broadcast %get3A_1633 : vector<1x64xf32> to vector<256x64xf32>
    %add3A_1788 = arith.addf %add3A_1786, %add3A_1787 : vector<256x64xf32>
    %max3A_1789 = arith.constant 0.000000e+00 : f32
    %max3A_1790 = vector.broadcast %max3A_1789 : f32 to vector<256x64xf32>
    %max3A_1791 = arith.maximumf %add3A_1788, %max3A_1790 : vector<256x64xf32>
    %convert_element_type3A_1792 = arith.truncf %max3A_1791 : vector<256x64xf32> to vector<256x64xbf16>
    %dot_general3A_1793 = arith.constant dense<0.000000e+00> : vector<256x128xf32>
    %dot_general3A_1794 = tpu.matmul %convert_element_type3A_1792, %convert_element_type3A_1639, %dot_general3A_1793 {dimension_numbers = #tpu.dot_dimension_numbers<[1], [0], [0], [1], [0, 0, 1, 1], [], []>, transpose_lhs_hint = false} : vector<256x64xbf16>, vector<64x128xbf16>, vector<256x128xf32> -> vector<256x128xf32>
    %add3A_1795 = vector.broadcast %get3A_1644 : vector<1x128xf32> to vector<256x128xf32>
    %add3A_1796 = arith.addf %dot_general3A_1794, %add3A_1795 : vector<256x128xf32>
    %slice3A_1797 = vector.extract_strided_slice %convert_element_type3A_1628 {offsets = [0, 0], sizes = [128, 64], strides = [1, 1]} : vector<256x64xbf16> to vector<128x64xbf16>
    %dot_general3A_1798 = arith.constant dense<0.000000e+00> : vector<256x64xf32>
    %dot_general3A_1799 = tpu.matmul %slice3A_1738, %slice3A_1797, %dot_general3A_1798 {dimension_numbers = #tpu.dot_dimension_numbers<[1], [0], [0], [1], [0, 0, 1, 1], [], []>, transpose_lhs_hint = false} : vector<256x128xbf16>, vector<128x64xbf16>, vector<256x64xf32> -> vector<256x64xf32>
    %convert_element_type3A_1800 = arith.truncf %sub3A_1778 : vector<256x128xf32> to vector<256x128xbf16>
    %slice3A_1801 = vector.extract_strided_slice %convert_element_type3A_1628 {offsets = [128, 0], sizes = [128, 64], strides = [1, 1]} : vector<256x64xbf16> to vector<128x64xbf16>
    %dot_general3A_1802 = arith.constant dense<0.000000e+00> : vector<256x64xf32>
    %dot_general3A_1803 = tpu.matmul %convert_element_type3A_1800, %slice3A_1801, %dot_general3A_1802 {dimension_numbers = #tpu.dot_dimension_numbers<[1], [0], [0], [1], [0, 0, 1, 1], [], []>, transpose_lhs_hint = false} : vector<256x128xbf16>, vector<128x64xbf16>, vector<256x64xf32> -> vector<256x64xf32>
    %add3A_1804 = arith.addf %dot_general3A_1799, %dot_general3A_1803 : vector<256x64xf32>
    %add3A_1805 = vector.broadcast %get3A_1633 : vector<1x64xf32> to vector<256x64xf32>
    %add3A_1806 = arith.addf %add3A_1804, %add3A_1805 : vector<256x64xf32>
    %max3A_1807 = arith.constant 0.000000e+00 : f32
    %max3A_1808 = vector.broadcast %max3A_1807 : f32 to vector<256x64xf32>
    %max3A_1809 = arith.maximumf %add3A_1806, %max3A_1808 : vector<256x64xf32>
    %convert_element_type3A_1810 = arith.truncf %max3A_1809 : vector<256x64xf32> to vector<256x64xbf16>
    %dot_general3A_1811 = arith.constant dense<0.000000e+00> : vector<256x128xf32>
    %dot_general3A_1812 = tpu.matmul %convert_element_type3A_1810, %convert_element_type3A_1639, %dot_general3A_1811 {dimension_numbers = #tpu.dot_dimension_numbers<[1], [0], [0], [1], [0, 0, 1, 1], [], []>, transpose_lhs_hint = false} : vector<256x64xbf16>, vector<64x128xbf16>, vector<256x128xf32> -> vector<256x128xf32>
    %add3A_1813 = vector.broadcast %get3A_1644 : vector<1x128xf32> to vector<256x128xf32>
    %add3A_1814 = arith.addf %dot_general3A_1812, %add3A_1813 : vector<256x128xf32>
    %swap3A_1815 = arith.constant 256 : index
    %swap3A_1816 = arith.constant 0 : index
    %swap3A_1817 = vector.load %arg16[%swap3A_1815, %swap3A_1816] : memref<1024x128xf32, #tpu.memory_space<vmem>>, vector<256x128xf32>
    tpu.vector_store %arg16[%swap3A_1815, %swap3A_1816], %add3A_1796 {strides = array<i32>} : memref<1024x128xf32, #tpu.memory_space<vmem>>, vector<256x128xf32>,
    %swap3A_1818 = arith.constant 256 : index
    %swap3A_1819 = arith.constant 0 : index
    %swap3A_1820 = vector.load %arg17[%swap3A_1818, %swap3A_1819] : memref<1024x128xf32, #tpu.memory_space<vmem>>, vector<256x128xf32>
    tpu.vector_store %arg17[%swap3A_1818, %swap3A_1819], %add3A_1814 {strides = array<i32>} : memref<1024x128xf32, #tpu.memory_space<vmem>>, vector<256x128xf32>,
    %slice3A_1821 = vector.extract_strided_slice %convert_element_type3A_1648 {offsets = [512, 0], sizes = [256, 128], strides = [1, 1]} : vector<1024x128xbf16> to vector<256x128xbf16>
    %slice3A_1822 = vector.extract_strided_slice %convert_element_type3A_1652 {offsets = [512, 0], sizes = [256, 128], strides = [1, 1]} : vector<1024x128xbf16> to vector<256x128xbf16>
    %dot_general3A_1823 = arith.constant dense<0.000000e+00> : vector<256x1024xf32>
    %dot_general3A_1824 = tpu.matmul %slice3A_1821, %convert_element_type3A_1652, %dot_general3A_1823 {dimension_numbers = #tpu.dot_dimension_numbers<[1], [1], [0], [0], [0, 0, 1, 0], [], []>, transpose_lhs_hint = false} : vector<256x128xbf16>, vector<1024x128xbf16>, vector<256x1024xf32> -> vector<256x1024xf32>
    %dot_general3A_1825 = arith.constant dense<0.000000e+00> : vector<256x1024xf32>
    %dot_general3A_1826 = tpu.matmul %slice3A_1822, %convert_element_type3A_1648, %dot_general3A_1825 {dimension_numbers = #tpu.dot_dimension_numbers<[1], [1], [0], [0], [0, 0, 1, 0], [], []>, transpose_lhs_hint = false} : vector<256x128xbf16>, vector<1024x128xbf16>, vector<256x1024xf32> -> vector<256x1024xf32>
    %reduce_max3A_1827 = arith.constant dense<0xFF800000> : vector<256xf32>
    %reduce_max3A_1828 = vector.multi_reduction <maximumf>, %dot_general3A_1824, %reduce_max3A_1827 [1] : vector<256x1024xf32> to vector<256xf32>
    %broadcast_in_dim3A_1829 = vector.shape_cast %reduce_max3A_1828 : vector<256xf32> to vector<256x1xf32>
    %sub3A_1830 = vector.broadcast %broadcast_in_dim3A_1829 : vector<256x1xf32> to vector<256x1024xf32>
    %sub3A_1831 = arith.subf %dot_general3A_1824, %sub3A_1830 : vector<256x1024xf32>
    %exp3A_1832 = math.exp %sub3A_1831 : vector<256x1024xf32>
    %reduce_sum3A_1833 = arith.constant dense<0.000000e+00> : vector<256xf32>
    %reduce_sum3A_1834 = vector.multi_reduction <add>, %exp3A_1832, %reduce_sum3A_1833 [1] : vector<256x1024xf32> to vector<256xf32>
    %broadcast_in_dim3A_1835 = vector.shape_cast %reduce_sum3A_1834 : vector<256xf32> to vector<256x1xf32>
    %div3A_1836 = vector.broadcast %broadcast_in_dim3A_1835 : vector<256x1xf32> to vector<256x1024xf32>
    %div3A_1837 = arith.divf %exp3A_1832, %div3A_1836 : vector<256x1024xf32>
    %convert_element_type3A_1838 = arith.truncf %div3A_1837 : vector<256x1024xf32> to vector<256x1024xbf16>
    %reduce_max3A_1839 = arith.constant dense<0xFF800000> : vector<256xf32>
    %reduce_max3A_1840 = vector.multi_reduction <maximumf>, %dot_general3A_1826, %reduce_max3A_1839 [1] : vector<256x1024xf32> to vector<256xf32>
    %broadcast_in_dim3A_1841 = vector.shape_cast %reduce_max3A_1840 : vector<256xf32> to vector<256x1xf32>
    %sub3A_1842 = vector.broadcast %broadcast_in_dim3A_1841 : vector<256x1xf32> to vector<256x1024xf32>
    %sub3A_1843 = arith.subf %dot_general3A_1826, %sub3A_1842 : vector<256x1024xf32>
    %exp3A_1844 = math.exp %sub3A_1843 : vector<256x1024xf32>
    %reduce_sum3A_1845 = arith.constant dense<0.000000e+00> : vector<256xf32>
    %reduce_sum3A_1846 = vector.multi_reduction <add>, %exp3A_1844, %reduce_sum3A_1845 [1] : vector<256x1024xf32> to vector<256xf32>
    %broadcast_in_dim3A_1847 = vector.shape_cast %reduce_sum3A_1846 : vector<256xf32> to vector<256x1xf32>
    %div3A_1848 = vector.broadcast %broadcast_in_dim3A_1847 : vector<256x1xf32> to vector<256x1024xf32>
    %div3A_1849 = arith.divf %exp3A_1844, %div3A_1848 : vector<256x1024xf32>
    %convert_element_type3A_1850 = arith.truncf %div3A_1849 : vector<256x1024xf32> to vector<256x1024xbf16>
    %dot_general3A_1851 = arith.constant dense<0.000000e+00> : vector<256x128xf32>
    %dot_general3A_1852 = tpu.matmul %convert_element_type3A_1838, %convert_element_type3A_1652, %dot_general3A_1851 {dimension_numbers = #tpu.dot_dimension_numbers<[1], [0], [0], [1], [0, 0, 1, 1], [], []>, transpose_lhs_hint = false} : vector<256x1024xbf16>, vector<1024x128xbf16>, vector<256x128xf32> -> vector<256x128xf32>
    %dot_general3A_1853 = arith.constant dense<0.000000e+00> : vector<256x128xf32>
    %dot_general3A_1854 = tpu.matmul %convert_element_type3A_1850, %convert_element_type3A_1648, %dot_general3A_1853 {dimension_numbers = #tpu.dot_dimension_numbers<[1], [0], [0], [1], [0, 0, 1, 1], [], []>, transpose_lhs_hint = false} : vector<256x1024xbf16>, vector<1024x128xbf16>, vector<256x128xf32> -> vector<256x128xf32>
    %get3A_1855 = arith.constant 512 : index
    %get3A_1856 = arith.constant 0 : index
    %get3A_1857 = vector.load %arg14[%get3A_1855, %get3A_1856] : memref<1024x128xf32, #tpu.memory_space<vmem>>, vector<256x128xf32>
    %sub3A_1858 = arith.subf %get3A_1857, %dot_general3A_1852 : vector<256x128xf32>
    %get3A_1859 = arith.constant 512 : index
    %get3A_1860 = arith.constant 0 : index
    %get3A_1861 = vector.load %arg15[%get3A_1859, %get3A_1860] : memref<1024x128xf32, #tpu.memory_space<vmem>>, vector<256x128xf32>
    %sub3A_1862 = arith.subf %get3A_1861, %dot_general3A_1854 : vector<256x128xf32>
    %slice3A_1863 = vector.extract_strided_slice %convert_element_type3A_1628 {offsets = [0, 0], sizes = [128, 64], strides = [1, 1]} : vector<256x64xbf16> to vector<128x64xbf16>
    %dot_general3A_1864 = arith.constant dense<0.000000e+00> : vector<256x64xf32>
    %dot_general3A_1865 = tpu.matmul %slice3A_1821, %slice3A_1863, %dot_general3A_1864 {dimension_numbers = #tpu.dot_dimension_numbers<[1], [0], [0], [1], [0, 0, 1, 1], [], []>, transpose_lhs_hint = false} : vector<256x128xbf16>, vector<128x64xbf16>, vector<256x64xf32> -> vector<256x64xf32>
    %convert_element_type3A_1866 = arith.truncf %sub3A_1858 : vector<256x128xf32> to vector<256x128xbf16>
    %slice3A_1867 = vector.extract_strided_slice %convert_element_type3A_1628 {offsets = [128, 0], sizes = [128, 64], strides = [1, 1]} : vector<256x64xbf16> to vector<128x64xbf16>
    %dot_general3A_1868 = arith.constant dense<0.000000e+00> : vector<256x64xf32>
    %dot_general3A_1869 = tpu.matmul %convert_element_type3A_1866, %slice3A_1867, %dot_general3A_1868 {dimension_numbers = #tpu.dot_dimension_numbers<[1], [0], [0], [1], [0, 0, 1, 1], [], []>, transpose_lhs_hint = false} : vector<256x128xbf16>, vector<128x64xbf16>, vector<256x64xf32> -> vector<256x64xf32>
    %add3A_1870 = arith.addf %dot_general3A_1865, %dot_general3A_1869 : vector<256x64xf32>
    %add3A_1871 = vector.broadcast %get3A_1633 : vector<1x64xf32> to vector<256x64xf32>
    %add3A_1872 = arith.addf %add3A_1870, %add3A_1871 : vector<256x64xf32>
    %max3A_1873 = arith.constant 0.000000e+00 : f32
    %max3A_1874 = vector.broadcast %max3A_1873 : f32 to vector<256x64xf32>
    %max3A_1875 = arith.maximumf %add3A_1872, %max3A_1874 : vector<256x64xf32>
    %convert_element_type3A_1876 = arith.truncf %max3A_1875 : vector<256x64xf32> to vector<256x64xbf16>
    %dot_general3A_1877 = arith.constant dense<0.000000e+00> : vector<256x128xf32>
    %dot_general3A_1878 = tpu.matmul %convert_element_type3A_1876, %convert_element_type3A_1639, %dot_general3A_1877 {dimension_numbers = #tpu.dot_dimension_numbers<[1], [0], [0], [1], [0, 0, 1, 1], [], []>, transpose_lhs_hint = false} : vector<256x64xbf16>, vector<64x128xbf16>, vector<256x128xf32> -> vector<256x128xf32>
    %add3A_1879 = vector.broadcast %get3A_1644 : vector<1x128xf32> to vector<256x128xf32>
    %add3A_1880 = arith.addf %dot_general3A_1878, %add3A_1879 : vector<256x128xf32>
    %slice3A_1881 = vector.extract_strided_slice %convert_element_type3A_1628 {offsets = [0, 0], sizes = [128, 64], strides = [1, 1]} : vector<256x64xbf16> to vector<128x64xbf16>
    %dot_general3A_1882 = arith.constant dense<0.000000e+00> : vector<256x64xf32>
    %dot_general3A_1883 = tpu.matmul %slice3A_1822, %slice3A_1881, %dot_general3A_1882 {dimension_numbers = #tpu.dot_dimension_numbers<[1], [0], [0], [1], [0, 0, 1, 1], [], []>, transpose_lhs_hint = false} : vector<256x128xbf16>, vector<128x64xbf16>, vector<256x64xf32> -> vector<256x64xf32>
    %convert_element_type3A_1884 = arith.truncf %sub3A_1862 : vector<256x128xf32> to vector<256x128xbf16>
    %slice3A_1885 = vector.extract_strided_slice %convert_element_type3A_1628 {offsets = [128, 0], sizes = [128, 64], strides = [1, 1]} : vector<256x64xbf16> to vector<128x64xbf16>
    %dot_general3A_1886 = arith.constant dense<0.000000e+00> : vector<256x64xf32>
    %dot_general3A_1887 = tpu.matmul %convert_element_type3A_1884, %slice3A_1885, %dot_general3A_1886 {dimension_numbers = #tpu.dot_dimension_numbers<[1], [0], [0], [1], [0, 0, 1, 1], [], []>, transpose_lhs_hint = false} : vector<256x128xbf16>, vector<128x64xbf16>, vector<256x64xf32> -> vector<256x64xf32>
    %add3A_1888 = arith.addf %dot_general3A_1883, %dot_general3A_1887 : vector<256x64xf32>
    %add3A_1889 = vector.broadcast %get3A_1633 : vector<1x64xf32> to vector<256x64xf32>
    %add3A_1890 = arith.addf %add3A_1888, %add3A_1889 : vector<256x64xf32>
    %max3A_1891 = arith.constant 0.000000e+00 : f32
    %max3A_1892 = vector.broadcast %max3A_1891 : f32 to vector<256x64xf32>
    %max3A_1893 = arith.maximumf %add3A_1890, %max3A_1892 : vector<256x64xf32>
    %convert_element_type3A_1894 = arith.truncf %max3A_1893 : vector<256x64xf32> to vector<256x64xbf16>
    %dot_general3A_1895 = arith.constant dense<0.000000e+00> : vector<256x128xf32>
    %dot_general3A_1896 = tpu.matmul %convert_element_type3A_1894, %convert_element_type3A_1639, %dot_general3A_1895 {dimension_numbers = #tpu.dot_dimension_numbers<[1], [0], [0], [1], [0, 0, 1, 1], [], []>, transpose_lhs_hint = false} : vector<256x64xbf16>, vector<64x128xbf16>, vector<256x128xf32> -> vector<256x128xf32>
    %add3A_1897 = vector.broadcast %get3A_1644 : vector<1x128xf32> to vector<256x128xf32>
    %add3A_1898 = arith.addf %dot_general3A_1896, %add3A_1897 : vector<256x128xf32>
    %swap3A_1899 = arith.constant 512 : index
    %swap3A_1900 = arith.constant 0 : index
    %swap3A_1901 = vector.load %arg16[%swap3A_1899, %swap3A_1900] : memref<1024x128xf32, #tpu.memory_space<vmem>>, vector<256x128xf32>
    tpu.vector_store %arg16[%swap3A_1899, %swap3A_1900], %add3A_1880 {strides = array<i32>} : memref<1024x128xf32, #tpu.memory_space<vmem>>, vector<256x128xf32>,
    %swap3A_1902 = arith.constant 512 : index
    %swap3A_1903 = arith.constant 0 : index
    %swap3A_1904 = vector.load %arg17[%swap3A_1902, %swap3A_1903] : memref<1024x128xf32, #tpu.memory_space<vmem>>, vector<256x128xf32>
    tpu.vector_store %arg17[%swap3A_1902, %swap3A_1903], %add3A_1898 {strides = array<i32>} : memref<1024x128xf32, #tpu.memory_space<vmem>>, vector<256x128xf32>,
    %slice3A_1905 = vector.extract_strided_slice %convert_element_type3A_1648 {offsets = [768, 0], sizes = [256, 128], strides = [1, 1]} : vector<1024x128xbf16> to vector<256x128xbf16>
    %slice3A_1906 = vector.extract_strided_slice %convert_element_type3A_1652 {offsets = [768, 0], sizes = [256, 128], strides = [1, 1]} : vector<1024x128xbf16> to vector<256x128xbf16>
    %dot_general3A_1907 = arith.constant dense<0.000000e+00> : vector<256x1024xf32>
    %dot_general3A_1908 = tpu.matmul %slice3A_1905, %convert_element_type3A_1652, %dot_general3A_1907 {dimension_numbers = #tpu.dot_dimension_numbers<[1], [1], [0], [0], [0, 0, 1, 0], [], []>, transpose_lhs_hint = false} : vector<256x128xbf16>, vector<1024x128xbf16>, vector<256x1024xf32> -> vector<256x1024xf32>
    %dot_general3A_1909 = arith.constant dense<0.000000e+00> : vector<256x1024xf32>
    %dot_general3A_1910 = tpu.matmul %slice3A_1906, %convert_element_type3A_1648, %dot_general3A_1909 {dimension_numbers = #tpu.dot_dimension_numbers<[1], [1], [0], [0], [0, 0, 1, 0], [], []>, transpose_lhs_hint = false} : vector<256x128xbf16>, vector<1024x128xbf16>, vector<256x1024xf32> -> vector<256x1024xf32>
    %reduce_max3A_1911 = arith.constant dense<0xFF800000> : vector<256xf32>
    %reduce_max3A_1912 = vector.multi_reduction <maximumf>, %dot_general3A_1908, %reduce_max3A_1911 [1] : vector<256x1024xf32> to vector<256xf32>
    %broadcast_in_dim3A_1913 = vector.shape_cast %reduce_max3A_1912 : vector<256xf32> to vector<256x1xf32>
    %sub3A_1914 = vector.broadcast %broadcast_in_dim3A_1913 : vector<256x1xf32> to vector<256x1024xf32>
    %sub3A_1915 = arith.subf %dot_general3A_1908, %sub3A_1914 : vector<256x1024xf32>
    %exp3A_1916 = math.exp %sub3A_1915 : vector<256x1024xf32>
    %reduce_sum3A_1917 = arith.constant dense<0.000000e+00> : vector<256xf32>
    %reduce_sum3A_1918 = vector.multi_reduction <add>, %exp3A_1916, %reduce_sum3A_1917 [1] : vector<256x1024xf32> to vector<256xf32>
    %broadcast_in_dim3A_1919 = vector.shape_cast %reduce_sum3A_1918 : vector<256xf32> to vector<256x1xf32>
    %div3A_1920 = vector.broadcast %broadcast_in_dim3A_1919 : vector<256x1xf32> to vector<256x1024xf32>
    %div3A_1921 = arith.divf %exp3A_1916, %div3A_1920 : vector<256x1024xf32>
    %convert_element_type3A_1922 = arith.truncf %div3A_1921 : vector<256x1024xf32> to vector<256x1024xbf16>
    %reduce_max3A_1923 = arith.constant dense<0xFF800000> : vector<256xf32>
    %reduce_max3A_1924 = vector.multi_reduction <maximumf>, %dot_general3A_1910, %reduce_max3A_1923 [1] : vector<256x1024xf32> to vector<256xf32>
    %broadcast_in_dim3A_1925 = vector.shape_cast %reduce_max3A_1924 : vector<256xf32> to vector<256x1xf32>
    %sub3A_1926 = vector.broadcast %broadcast_in_dim3A_1925 : vector<256x1xf32> to vector<256x1024xf32>
    %sub3A_1927 = arith.subf %dot_general3A_1910, %sub3A_1926 : vector<256x1024xf32>
    %exp3A_1928 = math.exp %sub3A_1927 : vector<256x1024xf32>
    %reduce_sum3A_1929 = arith.constant dense<0.000000e+00> : vector<256xf32>
    %reduce_sum3A_1930 = vector.multi_reduction <add>, %exp3A_1928, %reduce_sum3A_1929 [1] : vector<256x1024xf32> to vector<256xf32>
    %broadcast_in_dim3A_1931 = vector.shape_cast %reduce_sum3A_1930 : vector<256xf32> to vector<256x1xf32>
    %div3A_1932 = vector.broadcast %broadcast_in_dim3A_1931 : vector<256x1xf32> to vector<256x1024xf32>
    %div3A_1933 = arith.divf %exp3A_1928, %div3A_1932 : vector<256x1024xf32>
    %convert_element_type3A_1934 = arith.truncf %div3A_1933 : vector<256x1024xf32> to vector<256x1024xbf16>
    %dot_general3A_1935 = arith.constant dense<0.000000e+00> : vector<256x128xf32>
    %dot_general3A_1936 = tpu.matmul %convert_element_type3A_1922, %convert_element_type3A_1652, %dot_general3A_1935 {dimension_numbers = #tpu.dot_dimension_numbers<[1], [0], [0], [1], [0, 0, 1, 1], [], []>, transpose_lhs_hint = false} : vector<256x1024xbf16>, vector<1024x128xbf16>, vector<256x128xf32> -> vector<256x128xf32>
    %dot_general3A_1937 = arith.constant dense<0.000000e+00> : vector<256x128xf32>
    %dot_general3A_1938 = tpu.matmul %convert_element_type3A_1934, %convert_element_type3A_1648, %dot_general3A_1937 {dimension_numbers = #tpu.dot_dimension_numbers<[1], [0], [0], [1], [0, 0, 1, 1], [], []>, transpose_lhs_hint = false} : vector<256x1024xbf16>, vector<1024x128xbf16>, vector<256x128xf32> -> vector<256x128xf32>
    %get3A_1939 = arith.constant 768 : index
    %get3A_1940 = arith.constant 0 : index
    %get3A_1941 = vector.load %arg14[%get3A_1939, %get3A_1940] : memref<1024x128xf32, #tpu.memory_space<vmem>>, vector<256x128xf32>
    %sub3A_1942 = arith.subf %get3A_1941, %dot_general3A_1936 : vector<256x128xf32>
    %get3A_1943 = arith.constant 768 : index
    %get3A_1944 = arith.constant 0 : index
    %get3A_1945 = vector.load %arg15[%get3A_1943, %get3A_1944] : memref<1024x128xf32, #tpu.memory_space<vmem>>, vector<256x128xf32>
    %sub3A_1946 = arith.subf %get3A_1945, %dot_general3A_1938 : vector<256x128xf32>
    %slice3A_1947 = vector.extract_strided_slice %convert_element_type3A_1628 {offsets = [0, 0], sizes = [128, 64], strides = [1, 1]} : vector<256x64xbf16> to vector<128x64xbf16>
    %dot_general3A_1948 = arith.constant dense<0.000000e+00> : vector<256x64xf32>
    %dot_general3A_1949 = tpu.matmul %slice3A_1905, %slice3A_1947, %dot_general3A_1948 {dimension_numbers = #tpu.dot_dimension_numbers<[1], [0], [0], [1], [0, 0, 1, 1], [], []>, transpose_lhs_hint = false} : vector<256x128xbf16>, vector<128x64xbf16>, vector<256x64xf32> -> vector<256x64xf32>
    %convert_element_type3A_1950 = arith.truncf %sub3A_1942 : vector<256x128xf32> to vector<256x128xbf16>
    %slice3A_1951 = vector.extract_strided_slice %convert_element_type3A_1628 {offsets = [128, 0], sizes = [128, 64], strides = [1, 1]} : vector<256x64xbf16> to vector<128x64xbf16>
    %dot_general3A_1952 = arith.constant dense<0.000000e+00> : vector<256x64xf32>
    %dot_general3A_1953 = tpu.matmul %convert_element_type3A_1950, %slice3A_1951, %dot_general3A_1952 {dimension_numbers = #tpu.dot_dimension_numbers<[1], [0], [0], [1], [0, 0, 1, 1], [], []>, transpose_lhs_hint = false} : vector<256x128xbf16>, vector<128x64xbf16>, vector<256x64xf32> -> vector<256x64xf32>
    %add3A_1954 = arith.addf %dot_general3A_1949, %dot_general3A_1953 : vector<256x64xf32>
    %add3A_1955 = vector.broadcast %get3A_1633 : vector<1x64xf32> to vector<256x64xf32>
    %add3A_1956 = arith.addf %add3A_1954, %add3A_1955 : vector<256x64xf32>
    %max3A_1957 = arith.constant 0.000000e+00 : f32
    %max3A_1958 = vector.broadcast %max3A_1957 : f32 to vector<256x64xf32>
    %max3A_1959 = arith.maximumf %add3A_1956, %max3A_1958 : vector<256x64xf32>
    %convert_element_type3A_1960 = arith.truncf %max3A_1959 : vector<256x64xf32> to vector<256x64xbf16>
    %dot_general3A_1961 = arith.constant dense<0.000000e+00> : vector<256x128xf32>
    %dot_general3A_1962 = tpu.matmul %convert_element_type3A_1960, %convert_element_type3A_1639, %dot_general3A_1961 {dimension_numbers = #tpu.dot_dimension_numbers<[1], [0], [0], [1], [0, 0, 1, 1], [], []>, transpose_lhs_hint = false} : vector<256x64xbf16>, vector<64x128xbf16>, vector<256x128xf32> -> vector<256x128xf32>
    %add3A_1963 = vector.broadcast %get3A_1644 : vector<1x128xf32> to vector<256x128xf32>
    %add3A_1964 = arith.addf %dot_general3A_1962, %add3A_1963 : vector<256x128xf32>
    %slice3A_1965 = vector.extract_strided_slice %convert_element_type3A_1628 {offsets = [0, 0], sizes = [128, 64], strides = [1, 1]} : vector<256x64xbf16> to vector<128x64xbf16>
    %dot_general3A_1966 = arith.constant dense<0.000000e+00> : vector<256x64xf32>
    %dot_general3A_1967 = tpu.matmul %slice3A_1906, %slice3A_1965, %dot_general3A_1966 {dimension_numbers = #tpu.dot_dimension_numbers<[1], [0], [0], [1], [0, 0, 1, 1], [], []>, transpose_lhs_hint = false} : vector<256x128xbf16>, vector<128x64xbf16>, vector<256x64xf32> -> vector<256x64xf32>
    %convert_element_type3A_1968 = arith.truncf %sub3A_1946 : vector<256x128xf32> to vector<256x128xbf16>
    %slice3A_1969 = vector.extract_strided_slice %convert_element_type3A_1628 {offsets = [128, 0], sizes = [128, 64], strides = [1, 1]} : vector<256x64xbf16> to vector<128x64xbf16>
    %dot_general3A_1970 = arith.constant dense<0.000000e+00> : vector<256x64xf32>
    %dot_general3A_1971 = tpu.matmul %convert_element_type3A_1968, %slice3A_1969, %dot_general3A_1970 {dimension_numbers = #tpu.dot_dimension_numbers<[1], [0], [0], [1], [0, 0, 1, 1], [], []>, transpose_lhs_hint = false} : vector<256x128xbf16>, vector<128x64xbf16>, vector<256x64xf32> -> vector<256x64xf32>
    %add3A_1972 = arith.addf %dot_general3A_1967, %dot_general3A_1971 : vector<256x64xf32>
    %add3A_1973 = vector.broadcast %get3A_1633 : vector<1x64xf32> to vector<256x64xf32>
    %add3A_1974 = arith.addf %add3A_1972, %add3A_1973 : vector<256x64xf32>
    %max3A_1975 = arith.constant 0.000000e+00 : f32
    %max3A_1976 = vector.broadcast %max3A_1975 : f32 to vector<256x64xf32>
    %max3A_1977 = arith.maximumf %add3A_1974, %max3A_1976 : vector<256x64xf32>
    %convert_element_type3A_1978 = arith.truncf %max3A_1977 : vector<256x64xf32> to vector<256x64xbf16>
    %dot_general3A_1979 = arith.constant dense<0.000000e+00> : vector<256x128xf32>
    %dot_general3A_1980 = tpu.matmul %convert_element_type3A_1978, %convert_element_type3A_1639, %dot_general3A_1979 {dimension_numbers = #tpu.dot_dimension_numbers<[1], [0], [0], [1], [0, 0, 1, 1], [], []>, transpose_lhs_hint = false} : vector<256x64xbf16>, vector<64x128xbf16>, vector<256x128xf32> -> vector<256x128xf32>
    %add3A_1981 = vector.broadcast %get3A_1644 : vector<1x128xf32> to vector<256x128xf32>
    %add3A_1982 = arith.addf %dot_general3A_1980, %add3A_1981 : vector<256x128xf32>
    %swap3A_1983 = arith.constant 768 : index
    %swap3A_1984 = arith.constant 0 : index
    %swap3A_1985 = vector.load %arg16[%swap3A_1983, %swap3A_1984] : memref<1024x128xf32, #tpu.memory_space<vmem>>, vector<256x128xf32>
    tpu.vector_store %arg16[%swap3A_1983, %swap3A_1984], %add3A_1964 {strides = array<i32>} : memref<1024x128xf32, #tpu.memory_space<vmem>>, vector<256x128xf32>,
    %swap3A_1986 = arith.constant 768 : index
    %swap3A_1987 = arith.constant 0 : index
    %swap3A_1988 = vector.load %arg17[%swap3A_1986, %swap3A_1987] : memref<1024x128xf32, #tpu.memory_space<vmem>>, vector<256x128xf32>
    tpu.vector_store %arg17[%swap3A_1986, %swap3A_1987], %add3A_1982 {strides = array<i32>} : memref<1024x128xf32, #tpu.memory_space<vmem>>, vector<256x128xf32>,
    %get3A_1989 = arith.constant 0 : index
    %get3A_1990 = arith.constant 0 : index
    %get3A_1991 = vector.load %arg14[%get3A_1989, %get3A_1990] : memref<1024x128xf32, #tpu.memory_space<vmem>>, vector<1024x128xf32>
    %get3A_1992 = arith.constant 0 : index
    %get3A_1993 = arith.constant 0 : index
    %get3A_1994 = vector.load %arg16[%get3A_1992, %get3A_1993] : memref<1024x128xf32, #tpu.memory_space<vmem>>, vector<1024x128xf32>
    %add3A_1995 = arith.addf %get3A_1991, %get3A_1994 : vector<1024x128xf32>
    %swap3A_1996 = arith.constant 0 : index
    %swap3A_1997 = arith.constant 0 : index
    %swap3A_1998 = vector.load %arg14[%swap3A_1996, %swap3A_1997] : memref<1024x128xf32, #tpu.memory_space<vmem>>, vector<1024x128xf32>
    tpu.vector_store %arg14[%swap3A_1996, %swap3A_1997], %add3A_1995 {strides = array<i32>} : memref<1024x128xf32, #tpu.memory_space<vmem>>, vector<1024x128xf32>,
    %get3A_1999 = arith.constant 0 : index
    %get3A_2000 = arith.constant 0 : index
    %get3A_2001 = vector.load %arg15[%get3A_1999, %get3A_2000] : memref<1024x128xf32, #tpu.memory_space<vmem>>, vector<1024x128xf32>
    %get3A_2002 = arith.constant 0 : index
    %get3A_2003 = arith.constant 0 : index
    %get3A_2004 = vector.load %arg17[%get3A_2002, %get3A_2003] : memref<1024x128xf32, #tpu.memory_space<vmem>>, vector<1024x128xf32>
    %add3A_2005 = arith.addf %get3A_2001, %get3A_2004 : vector<1024x128xf32>
    %swap3A_2006 = arith.constant 0 : index
    %swap3A_2007 = arith.constant 0 : index
    %swap3A_2008 = vector.load %arg15[%swap3A_2006, %swap3A_2007] : memref<1024x128xf32, #tpu.memory_space<vmem>>, vector<1024x128xf32>
    tpu.vector_store %arg15[%swap3A_2006, %swap3A_2007], %add3A_2005 {strides = array<i32>} : memref<1024x128xf32, #tpu.memory_space<vmem>>, vector<1024x128xf32>,
    %get3A_2009 = arith.constant 0 : index
    %get3A_2010 = arith.constant 0 : index
    %get3A_2011 = vector.load %arg14[%get3A_2009, %get3A_2010] : memref<1024x128xf32, #tpu.memory_space<vmem>>, vector<1024x128xf32>
    %swap3A_2012 = arith.constant 0 : index
    %swap3A_2013 = arith.constant 0 : index
    %swap3A_2014 = arith.constant 0 : index
    %swap3A_2015 = vector.load %arg12[%swap3A_2012, %swap3A_2013, %swap3A_2014] : memref<1x1024x128xf32, #tpu.memory_space<vmem>>, vector<1x1024x128xf32>
    %swap3A_2016 = vector.shape_cast %swap3A_2015 : vector<1x1024x128xf32> to vector<1024x128xf32>
    %swap3A_2017 = vector.shape_cast %get3A_2011 : vector<1024x128xf32> to vector<1x1024x128xf32>
    tpu.vector_store %arg12[%swap3A_2012, %swap3A_2013, %swap3A_2014], %swap3A_2017 {strides = array<i32>} : memref<1x1024x128xf32, #tpu.memory_space<vmem>>, vector<1x1024x128xf32>,
    %get3A_2018 = arith.constant 0 : index
    %get3A_2019 = arith.constant 0 : index
    %get3A_2020 = vector.load %arg15[%get3A_2018, %get3A_2019] : memref<1024x128xf32, #tpu.memory_space<vmem>>, vector<1024x128xf32>
    %swap3A_2021 = arith.constant 0 : index
    %swap3A_2022 = arith.constant 0 : index
    %swap3A_2023 = arith.constant 0 : index
    %swap3A_2024 = vector.load %arg13[%swap3A_2021, %swap3A_2022, %swap3A_2023] : memref<1x1024x128xf32, #tpu.memory_space<vmem>>, vector<1x1024x128xf32>
    %swap3A_2025 = vector.shape_cast %swap3A_2024 : vector<1x1024x128xf32> to vector<1024x128xf32>
    %swap3A_2026 = vector.shape_cast %get3A_2020 : vector<1024x128xf32> to vector<1x1024x128xf32>
    tpu.vector_store %arg13[%swap3A_2021, %swap3A_2022, %swap3A_2023], %swap3A_2026 {strides = array<i32>} : memref<1x1024x128xf32, #tpu.memory_space<vmem>>, vector<1x1024x128xf32>,
    return
  }
  func.func @transform_0(%arg0: i32) -> (i32, i32, i32) {
    %c0_i32 = arith.constant 0 : i32
    %c0_i32_0 = arith.constant 0 : i32
    %c0_i32_1 = arith.constant 0 : i32
    return %arg0, %c0_i32, %c0_i32_0 : i32, i32, i32
  }
  func.func @transform_1(%arg0: i32) -> (i32, i32, i32) {
    %c0_i32 = arith.constant 0 : i32
    %c0_i32_0 = arith.constant 0 : i32
    %c0_i32_1 = arith.constant 0 : i32
    return %arg0, %c0_i32, %c0_i32_0 : i32, i32, i32
  }
  func.func @transform_2(%arg0: i32) -> (i32, i32, i32) {
    %c0_i32 = arith.constant 0 : i32
    %c0_i32_0 = arith.constant 0 : i32
    %c0_i32_1 = arith.constant 0 : i32
    return %arg0, %c0_i32, %c0_i32_0 : i32, i32, i32
  }
  func.func @transform_3(%arg0: i32) -> (i32, i32, i32) {
    %add3A = arith.constant 4 : i32
    %add3A_0 = arith.addi %arg0, %add3A : i32
    %c0_i32 = arith.constant 0 : i32
    %c0_i32_1 = arith.constant 0 : i32
    %c0_i32_2 = arith.constant 0 : i32
    return %add3A_0, %c0_i32, %c0_i32_1 : i32, i32, i32
  }
  func.func @transform_4(%arg0: i32) -> (i32, i32, i32) {
    %c0_i32 = arith.constant 0 : i32
    %c0_i32_0 = arith.constant 0 : i32
    %c0_i32_1 = arith.constant 0 : i32
    %c0_i32_2 = arith.constant 0 : i32
    return %c0_i32, %c0_i32_0, %c0_i32_1 : i32, i32, i32
  }
  func.func @transform_5(%arg0: i32) -> (i32, i32) {
    %c0_i32 = arith.constant 0 : i32
    %c0_i32_0 = arith.constant 0 : i32
    %c0_i32_1 = arith.constant 0 : i32
    return %c0_i32, %c0_i32_0 : i32, i32
  }
  func.func @transform_6(%arg0: i32) -> (i32, i32) {
    %c0_i32 = arith.constant 0 : i32
    %c0_i32_0 = arith.constant 0 : i32
    %c0_i32_1 = arith.constant 0 : i32
    return %c0_i32, %c0_i32_0 : i32, i32
  }
  func.func @transform_7(%arg0: i32) -> (i32, i32, i32) {
    %c0_i32 = arith.constant 0 : i32
    %c0_i32_0 = arith.constant 0 : i32
    %c0_i32_1 = arith.constant 0 : i32
    %c0_i32_2 = arith.constant 0 : i32
    return %c0_i32, %c0_i32_0, %c0_i32_1 : i32, i32, i32
  }
  func.func @transform_8(%arg0: i32) -> (i32, i32, i32) {
    %c0_i32 = arith.constant 0 : i32
    %c0_i32_0 = arith.constant 0 : i32
    %c0_i32_1 = arith.constant 0 : i32
    %c0_i32_2 = arith.constant 0 : i32
    return %c0_i32, %c0_i32_0, %c0_i32_1 : i32, i32, i32
  }
  func.func @transform_9(%arg0: i32) -> (i32, i32, i32) {
    %c0_i32 = arith.constant 0 : i32
    %c0_i32_0 = arith.constant 0 : i32
    %c0_i32_1 = arith.constant 0 : i32
    %c0_i32_2 = arith.constant 0 : i32
    return %c0_i32, %c0_i32_0, %c0_i32_1 : i32, i32, i32
  }
  func.func @transform_10(%arg0: i32) -> (i32, i32, i32) {
    %c0_i32 = arith.constant 0 : i32
    %c0_i32_0 = arith.constant 0 : i32
    %c0_i32_1 = arith.constant 0 : i32
    %c0_i32_2 = arith.constant 0 : i32
    return %c0_i32, %c0_i32_0, %c0_i32_1 : i32, i32, i32
  }
  func.func @transform_11(%arg0: i32) -> (i32, i32, i32) {
    %c0_i32 = arith.constant 0 : i32
    %c0_i32_0 = arith.constant 0 : i32
    %c0_i32_1 = arith.constant 0 : i32
    return %arg0, %c0_i32, %c0_i32_0 : i32, i32, i32
  }
  func.func @transform_12(%arg0: i32) -> (i32, i32, i32) {
    %c0_i32 = arith.constant 0 : i32
    %c0_i32_0 = arith.constant 0 : i32
    %c0_i32_1 = arith.constant 0 : i32
    return %arg0, %c0_i32, %c0_i32_0 : i32, i32, i32
  }
}

</mosaic_0001>

<sc_bundles>
// kernel: kernel.12.cloned.1.call-start
scs
__scs_entry_jumppad:
0x0: {  	(pc) =	sbr.rel $0x88, $3  }
0x1: {  	(tag) =	ssettag $0x0;
	lr =	simm.s32 $0x1  }
0x2: {  	[smem:$0x3F93] =	sst lr;
	_ =	strace $0xD0000000  }
0x3: {  	_ = 	snop  }
0x4: {  	_ = 	snop  }
0x5: {  	_ = 	snop  }
0x6: {  	_ = 	snop  }
0x7: {  	_ = 	snop  }
__scs_overlays_trampoline_lowered:
0x8: {  	[smem:$0x3FA2] =	sst s0  }
0x9: {  	[smem:$0x3FA3] =	sst s1  }
0xa: {  	[smem:$0x3FA4] =	sst s2  }
0xb: {  	[smem:$0x3FA5] =	sst s3  }
0xc: {  	[smem:$0x3FA6] =	sst s4  }
0xd: {  	[smem:$0x3FA7] =	sst s5  }
0xe: {  	[smem:$0x3FA8] =	sst s6  }
0xf: {  	[smem:$0x3FA9] =	sst s7  }
0x10: {  	[smem:$0x3FAA] =	sst s8  }
0x11: {  	[smem:$0x3FAB] =	sst s9;
	s0 =	simm.s32 @!p0 $0x0  }
0x12: {  	s1 =	sld [smem:$0x3F91];
	s0 =	simm.s32 @p0 $0x1  }
0x13: {  	[smem:$0x3FAC] =	sst s0;
	s0 =	simm.s32 @!p1 $0x0  }
0x14: {  	s2 =	sld [smem:$0x3F90];
	s0 =	simm.s32 @p1 $0x1  }
0x15: {  	[smem:$0x3FAD] =	sst s0;
	s0 =	simm.s32 @!p2 $0x0  }
0x16: {  	s3 =	sld [smem:$0x3FDB];
	s0 =	simm.s32 @p2 $0x1  }
0x17: {  	s4 =	simm.s32 $0x1BF5;
	[smem:$0x3FAF] =	sst s0  }
0x18: {  	s0 =	sld [smem:$0x3F92];
	_ =	swait.ge [sflag:s4], $0x0  }
0x19: {  	s7 =	sld [smem:$0x3F93]  }
0x1a: {  	s8 =	sadd.s32 $0xFFFFE003, lr  }
0x1b: {  	s9 =	sadd.s32 $0xFFFFFEF7, lr;
	s5 =	simm.s32 $0xFFFFFFFF;
	p2 =	slt.u32 s8, $0xFFFFF086  }
0x1c: {  	p1 =	slt.u32 s9, $0xF7A;
	s5 =	simm.s32 @!p2 $0x0  }
0x1d: {  	s5 =	simm.s32 @p1 $0x1;
	p0 =	seq.s32 s7, s2  }
0x1e: {  	s7 =	smul.u32 @!p0 $0xF7A, s2;
	p2 =	seq.s32 @!p0 s5, $0x0  }
0x1f: {  	s9 =	smul.u32 $0xF7A, s1;
	s8 =	simm.s32 @!p0 $0x1BF5;
	p2 =	por !p2, p0  }
0x20: {  	[sflag:s8] =	ssyncset.s32 @!p0 $0xFFFFF086;
	s6 =	sadd.s32 @!p0 s3, s7;
	s7 =	simm.s32 @!p0 $0x108  }
0x21: {  	s3 =	sadd.s32 s3, s9;
	s6 =	sadd.s32 @!p0 $0x88, s6;
	s7 =	simm.s32 @p2 $0x1082  }
0x22: {  	[simem:s7], [sflag:s8] =	dma.local @!p0 [hbm:s6], $0xF7A  }
0x23: {  	s9 =	sor.u32 $0xD0000000, s2;
	s6 =	simm.s32 $0x108;
	_ =	swait.ge @!p0 [sflag:s8], $0x0  }
0x24: {  	s3 =	sadd.s32 $0x88, s3;
	s6 =	simm.s32 @!p1 $0x1082;
	[sflag:s4] =	ssyncset.s32 $0xFFFFF086  }
0x25: {  	[simem:s6], [sflag:s4] =	dma.local [hbm:s3], $0xF7A  }
0x26: {  	[smem:$0x3F93] =	sst s1;
	(tag) =	ssettag s2;
	_ =	strace s9  }
0x27: {  	s1 =	sld [smem:$0x3FA3]  }
0x28: {  	s2 =	sld [smem:$0x3FA4]  }
0x29: {  	s4 =	sld [smem:$0x3FA6]  }
0x2a: {  	p0 =	seq.s32 s5, $0x0;
	s5 =	sld [smem:$0x3FA7]  }
0x2b: {  	s6 =	sld [smem:$0x3FA8]  }
0x2c: {  	s7 =	sld [smem:$0x3FA9]  }
0x2d: {  	s3 =	simm.s32 $0x108;
	s8 =	sld [smem:$0x3FAA]  }
0x2e: {  	s3 =	simm.s32 @!p0 $0x1082;
	s9 =	sld [smem:$0x3FAB]  }
0x2f: {  	lr =	sadd.s32 s0, s3;
	s0 =	sld [smem:$0x3FA2]  }
0x30: {  	s3 =	sld [smem:$0x3FA5]  }
0x31: {  	[smem:$0x3FAE] =	sst s10  }
0x32: {  	s10 =	sld [smem:$0x3FAC];
	_ =	sdelay $0x3  }
0x33: {  	p0 =	seq.s32 s10, $0x1;
	s10 =	sld [smem:$0x3FAE];
	_ =	sdelay $0x3  }
0x34: {  	[smem:$0x3FAE] =	sst s10  }
0x35: {  	s10 =	sld [smem:$0x3FAD];
	_ =	sdelay $0x3  }
0x36: {  	p1 =	seq.s32 s10, $0x1;
	s10 =	sld [smem:$0x3FAE];
	_ =	sdelay $0x3  }
0x37: {  	[smem:$0x3FAE] =	sst s10  }
0x38: {  	s10 =	sld [smem:$0x3FAF]  }
0x39: {  	_ = 	snop;
	(pc) =	sbr.ind lr, $3  }
0x3a: {  	_ = 	snop  }
0x3b: {  	_ = 	snop  }
0x3c: {  	p2 =	seq.s32 s10, $0x1;
	s10 =	sld [smem:$0x3FAE]  }
0x3d: {  	_ =	shalt  }
0x3e: {  	_ =	shalt  }
0x3f: {  	_ =	shalt  }
0x40: {  	_ =	shalt  }
0x41: {  	_ =	shalt  }
0x42: {  	_ =	shalt  }
0x43: {  	_ =	shalt  }
0x44: {  	_ =	shalt  }
0x45: {  	_ =	shalt  }
0x46: {  	_ =	shalt  }
0x47: {  	_ =	shalt  }
0x48: {  	_ =	shalt  }
0x49: {  	_ =	shalt  }
0x4a: {  	_ =	shalt  }
0x4b: {  	_ =	shalt  }
0x4c: {  	_ =	shalt  }
0x4d: {  	_ =	shalt  }
0x4e: {  	_ =	shalt  }
0x4f: {  	_ =	shalt  }
0x50: {  	_ =	shalt  }
0x51: {  	_ =	shalt  }
0x52: {  	_ =	shalt  }
0x53: {  	_ =	shalt  }
0x54: {  	_ =	shalt  }
0x55: {  	_ =	shalt  }
0x56: {  	_ =	shalt  }
0x57: {  	_ =	shalt  }
0x58: {  	_ =	shalt  }
0x59: {  	_ =	shalt  }
0x5a: {  	_ =	shalt  }
0x5b: {  	_ =	shalt  }
0x5c: {  	_ =	shalt  }
0x5d: {  	_ =	shalt  }
0x5e: {  	_ =	shalt  }
0x5f: {  	_ =	shalt  }
0x60: {  	_ =	shalt  }
0x61: {  	_ =	shalt  }
0x62: {  	_ =	shalt  }
0x63: {  	_ =	shalt  }
0x64: {  	_ =	shalt  }
0x65: {  	_ =	shalt  }
0x66: {  	_ =	shalt  }
0x67: {  	_ =	shalt  }
0x68: {  	_ =	shalt  }
0x69: {  	_ =	shalt  }
0x6a: {  	_ =	shalt  }
0x6b: {  	_ =	shalt  }
0x6c: {  	_ =	shalt  }
0x6d: {  	_ =	shalt  }
0x6e: {  	_ =	shalt  }
0x6f: {  	_ =	shalt  }
0x70: {  	_ =	shalt  }
0x71: {  	_ =	shalt  }
0x72: {  	_ =	shalt  }
0x73: {  	_ =	shalt  }
0x74: {  	_ =	shalt  }
0x75: {  	_ =	shalt  }
0x76: {  	_ =	shalt  }
0x77: {  	_ =	shalt  }
0x78: {  	_ =	shalt  }
0x79: {  	_ =	shalt  }
0x7a: {  	_ =	shalt  }
0x7b: {  	_ =	shalt  }
0x7c: {  	_ =	shalt  }
0x7d: {  	_ =	shalt  }
0x7e: {  	_ =	shalt  }
0x7f: {  	_ =	shalt  }
0x80: {  	_ =	shalt  }
0x81: {  	_ =	shalt  }
0x82: {  	_ =	shalt  }
0x83: {  	_ =	shalt  }
0x84: {  	_ =	shalt  }
0x85: {  	_ =	shalt  }
0x86: {  	_ =	shalt  }
0x87: {  	_ =	shalt  }
.Lfunc_end0:
.L_simem_size_0:
called_computation.1_lowered:
.L_overlay_start_0:
0x88: {  	s2 =	sld [smem:$0x3FD9]  }
0x89: {  	s3 =	sld [smem:$0x3FFE];
	_ =	sdelay $0x1  }
0x8a: {  	s1 =	srdreg.scid  }
0x8b: {  	s0 =	sand.u32 $0x1, s1  }
0x8c: {  	s16 =	sshll.u32 s0, $0xA;
	s2 =	sadd.s32 s3, s2  }
0x8d: {  	s2 =	sadd.s32 s2, s16  }
0x8e: {  	[smem:$0x3FBA] =	sst s2  }
0x8f: {  	_ = 	snop  }
0x90: {  	(tm) =	ssettm $0x1  }
0x91: {  	s17 =	sld [smem:$0x3FFB];
	_ =	sdelay $0x3  }
0x92: {  	_ =	strace s17  }
0x93: {  	s2 =	sld [smem:$0x3FFC];
	_ =	sdelay $0x3  }
0x94: {  	_ =	strace s2  }
0x95: {  	s2 =	sld [smem:$0x3FFD];
	_ =	sdelay $0x3  }
0x96: {  	_ =	strace s2  }
0x97: {  	_ =	strace $0x8FFFFFFF  }
0x98: {  	s18 =	sld [smem:$0x3FDB];
	_ =	sdelay $0x1  }
0x99: {  	s19 =	simm.s32 $_scs_section_size  }
0x9a: {  	s4 =	simm.s32 $_size__tile_overlayer_lowered;
	s5 =	simm.s32 $_tile_overlayer_lowered  }
0x9b: {  	s22 =	simm.s32 $0x1BFF;
	s21 =	sshll.u32 s5, $0x1;
	s2 =	sadd.s32 s19, s18  }
0x9c: {  	s6 =	simm.s32 $0x0;
	s20 =	sshll.u32 s4, $0x1;
	s4 =	sadd.s32 s21, s2  }
0x9d: {  	[timem:s6], [sflag:s22] =	dma.local [hbm:s4], s20  }
0x9e: {  	_ =	swait.ge [sflag:s22], s20  }
0x9f: {  	s3 =	ssub.s32 $0x0, s20;
	[sflag:s22] =	ssyncset.done $0x0  }
0xa0: {  	[sflag:s22] =	ssyncadd.s32 s3;
	_ =	sdelay $0x1  }
0xa1: {  	s23 =	simm.s32 $0x1B8B  }
0xa2: {  	_ =	swait.ge [sflag:s23], $0x1  }
0xa3: {  	[sflag:s23] =	ssyncset.done $0x0  }
0xa4: {  	s25 =	simm.s32 $0x1B8E;
	s24 =	sld [smem:$0x3FFE];
	[sflag:s23] =	ssyncadd.s32 $0xFFFFFFFF  }
0xa5: {  	s26 =	simm.s32 $execute0_lowered;
	[smem:$0x3FD2] =	sst s25  }
0xa6: {  	s4 =	sshll.u32 s26, $0x1;
	_ =	strace $0x80000046;
	[dreg:$0x1] =	wrdreg $0xFFFFFFFF  }
0xa7: {  	s28 =	simm.s32 $_size_execute0_lowered;
	s2 =	sadd.s32 s2, s4;
	[dreg:$0x0] =	wrdreg $0x0  }
0xa8: {  	s4 =	sshll.u32 s28, $0x1;
	[dreg:$0x2] =	wrdreg s2  }
0xa9: {  	[dreg:$0x3] =	wrdreg s4  }
0xaa: {  	[dreg:$0x4] =	wrdreg $0xC0  }
0xab: {  	_ =	task [dreg:s6], $0x5FFFF  }
0xac: {  	[dreg:$0x1] =	wrdreg $0xFFFFFFFF  }
0xad: {  	[dreg:$0x0] =	wrdreg $0x60  }
0xae: {  	[dreg:$0x2] =	wrdreg s24  }
0xaf: {  	[dreg:$0x3] =	wrdreg $0xA  }
0xb0: {  	_ =	task.clear_ibuf [dreg:s6], $0x4FFFF;
	_ =	strace $0x90000046  }
0xb1: {  	s29 =	simm.s32 $0xA;
	_ =	strace $0x80000048  }
0xb2: {  	_ =	swait.ge [sflag:s29], $0x1  }
0xb3: {  	[sflag:s29] =	ssyncadd.s32 $0xFFFFFFFF  }
0xb4: {  	_ =	strace $0x90000048  }
0xb5: {  	_ =	sfence  }
0xb6: {  	s30 =	sld [smem:$0x0];
	_ =	sdelay $0x2  }
0xb7: {  	s31 =	sshll.u32 s1, $0xD;
	s1 =	sshrl.u32 s1, $0x2  }
0xb8: {  	s3 =	sand.u32 $0x4000, s31;
	s1 =	sadd.s32 s1, s30  }
0xb9: {  	s0 =	sor.u32 s3, s0;
	s1 =	sshll.u32 s1, $0x11  }
0xba: {  	s0 =	sor.u32 s1, s0  }
0xbb: {  	s0 =	sadd.s32 $0x8F2B, s0  }
0xbc: {  	[sflag:s0] =	ssyncadd.remote.s32 $0x1  }
0xbd: {  	_ =	sfence.sel $0xFFFF  }
0xbe: {  	[dreg:$0x0] =	wrdreg $0xFFFFFFFF;
	(pc) =	sbr.abs _section_cstart, $3  }
0xbf: {  	[dreg:$0x1] =	wrdreg $0xFFFFFFFF  }
0xc0: {  	_ =	task.clear_ibuf [dreg:s6], $0x2FFFF;
	_ =	strace $0x9FFFFFFF  }
0xc1: {  	(tm) =	ssettm $0x7FFFFFFF  }
tec
execute0_lowered:
.L_overlay_start_1:
0x0: {  	(tag) =	ssettag $0x1  }
0x1: {  	s2 =	srdreg.scid  }
0x2: {  	s4 =	rddreg [dreg:$0x0];
	s5 =	sand.u32 $0x1, s2;
	s2 =	simm.s32 $0x0  }
0x3: {  	s0 =	stileid.u32;
	s13 =	simm.s32 $0x900;
	[smem:$0x7FF] =	sst s2  }
0x4: {  	s14 =	simm.s32 $0x1100;
	_ =	strace $0x80000047;
	[dreg:$0x4] =	wrdreg s13  }
0x5: {  	s15 =	simm.s32 $0x1900;
	s16 =	simm.s32 $0x2100;
	[dreg:$0x5] =	wrdreg s14  }
0x6: {  	s17 =	simm.s32 $0x2900;
	s19 =	simm.s32 $0x3100;
	[dreg:$0x6] =	wrdreg s15  }
0x7: {  	s20 =	simm.s32 $0x3900;
	s22 =	simm.s32 $0x4100;
	[dreg:$0x7] =	wrdreg s16  }
0x8: {  	s23 =	simm.s32 $0x4900;
	s24 =	simm.s32 $0x5100;
	[dreg:$0x8] =	wrdreg s17  }
0x9: {  	s25 =	simm.s32 $0x5900;
	s26 =	simm.s32 $0x6100;
	[dreg:$0x9] =	wrdreg s19  }
0xa: {  	s30 =	simm.s32 $0x6900;
	s31 =	simm.s32 $0x7100;
	[dreg:$0xa] =	wrdreg s20  }
0xb: {  	s9 =	simm.s32 $0x80;
	s10 =	simm.s32 $0x8100;
	[dreg:$0xb] =	wrdreg s22  }
0xc: {  	s11 =	simm.s32 $0x8900;
	s28 =	simm.s32 $0x2;
	[dreg:$0xc] =	wrdreg s23  }
0xd: {  	s29 =	simm.s32 $0x0;
	s3 =	sshll.u32 s0, $0xC;
	[dreg:$0xd] =	wrdreg s24  }
0xe: {  	s12 =	sadd.s32 $0x64600, s4;
	s18 =	sshll.u32 s0, $0x11;
	[dreg:$0xe] =	wrdreg s25  }
0xf: {  	s6 =	sshll.u32 s5, $0xB;
	s21 =	ssub.s32 $0x2, s5;
	[dreg:$0xf] =	wrdreg s26  }
0x10: {  	s5 =	sshll.u32 s5, $0x10;
	s3 =	sor.u32 s6, s3;
	[dreg:$0x10] =	wrdreg s30  }
0x11: {  	s8 =	sshrl.u32 s21, $0x1;
	[dreg:$0x11] =	wrdreg s31;
	s13 =	simm.s32 $0x9900  }
0x12: {  	s14 =	simm.s32 $0xA100;
	s15 =	simm.s32 $0xA900;
	s16 =	simm.s32 $0xB100  }
0x13: {  	s17 =	simm.s32 $0xB900;
	s19 =	simm.s32 $0xC900;
	s20 =	simm.s32 $0xD100  }
0x14: {  	s22 =	simm.s32 $0xE100;
	s23 =	simm.s32 $0xE900;
	s24 =	simm.s32 $0xF100  }
0x15: {  	s25 =	simm.s32 $0xF900;
	s26 =	simm.s32 $0x1;
	s7 =	sshrl.u32 s3, $0x3  }
0x16: {  	s3 =	sor.u32 $0x80, s3;
	s6 =	ssub.s32 s21, s8;
	s8 =	simm.s32 $0x7900  }
0x17: {  	s21 =	simm.s32 $0xD900;
	s7 =	sadd.s32 s7, s12;
	s3 =	sshrl.u32 s3, $0x3  }
0x18: {  	[dreg:$0x2] =	wrdreg s7;
	s3 =	sadd.s32 s3, s12;
	s7 =	sadd.s32 s18, s4  }
0x19: {  	v2 =	vlaneseq.u32;
	s12 =	simm.s32 $0x9100;
	s18 =	simm.s32 $0xC100;
	[dreg:$0x3] =	wrdreg s3  }
0x1a: {  	vm0 =	vmmov $0xffff;
	v1 =	vshrl.u32 v2, $0x3;
	s3 =	sadd.s32 $0x4600, s4;
	s4 =	smax.u32 s6, $0x1;
	s5 =	sadd.s32 s5, s7  }
0x1b: {  	v0 =	vand.u32 $0x7, v2;
	v2 =	vor.u32 $0x8, v2;
	v1 =	vmul.u32 $0x8, v1;
	s6 =	simm.s32 $0x3;
	s7 =	simm.s32 $0x100;
	s5 =	sadd.s32 $0x66600, s5  }
.LBB2_1:
0x1c: {  	s30 =	smov.u32 s5;
	s31 =	simm.s32 $0x0  }
.LBB2_2:
0x1d: {  	s0 =	rddreg [dreg:$0x2]  }
0x1e: {  	s0 =	sadd.s32 s31, s0  }
0x1f: {  	[tilespmem:s2], [sflag:$0x3] =	stream.linear.gather [hbm4b:s0+s2], $0x80, $0x38;
	[tilespmem:$0x10100] =	vst v63  }
0x20: {  	_ =	swait.ge [sflag:s6], $0x80  }
0x21: {  	[sflag:s6] =	ssyncset.done $0x0  }
0x22: {  	[sflag:s6] =	ssyncadd.s32 $0xFFFFFF80  }
0x23: {  	v3 =	vld [tilespmem:$0x0];
	_ =	sdelay $0x4  }
0x24: {  	v4 =	vshll.u32 v3, $0x1  }
0x25: {  	v3 =	vand.u32 $0x7, v3;
	v4 =	vand.u32 $0xFFFFFFF0, v4  }
0x26: {  	v3 =	vor.u32 v3, v4  }
0x27: {  	v4 =	vperm.xlane v3, v0;
	_ =	sdelay $0x1  }
0x28: {  	v3 =	vperm.xlane v3, v2;
	v4 =	vadd.s32 v1, v4;
	_ =	sdelay $0x1  }
0x29: {  	v3 =	vadd.s32 v1, v3;
	_ =	sdelay $0x2  }
0x2a: {  	[tilespmem:s7], [sflag:$0x1] =	stream.indirect_vreg.gather [hbm4b:s3+s2], $0x80, v4, vm0, $0xb8;
	[tilespmem:$0x10100] =	vst v63  }
0x2b: {  	s1 =	rddreg [dreg:$0x4]  }
0x2c: {  	[tilespmem:s1], [sflag:$0x1] =	stream.indirect_vreg.gather [hbm4b:s3+s2], $0x80, v3, vm0, $0xb8;
	[tilespmem:$0x10100] =	vst v63  }
0x2d: {  	v3 =	vld [tilespmem:$0x10];
	_ =	sdelay $0x4  }
0x2e: {  	v49 =	vshll.u32 v3, $0x1  }
0x2f: {  	v3 =	vand.u32 $0x7, v3;
	v4 =	vand.u32 $0xFFFFFFF0, v49  }
0x30: {  	v3 =	vor.u32 v3, v4  }
0x31: {  	v4 =	vperm.xlane v3, v0;
	_ =	sdelay $0x1  }
0x32: {  	v3 =	vperm.xlane v3, v2;
	v4 =	vadd.s32 v1, v4;
	_ =	sdelay $0x1  }
0x33: {  	v3 =	vadd.s32 v1, v3;
	_ =	sdelay $0x1  }
0x34: {  	s0 =	rddreg [dreg:$0x5]  }
0x35: {  	[tilespmem:s0], [sflag:$0x1] =	stream.indirect_vreg.gather [hbm4b:s3+s2], $0x80, v4, vm0, $0xb8;
	[tilespmem:$0x10100] =	vst v63  }
0x36: {  	s1 =	rddreg [dreg:$0x6]  }
0x37: {  	[tilespmem:s1], [sflag:$0x1] =	stream.indirect_vreg.gather [hbm4b:s3+s2], $0x80, v3, vm0, $0xb8;
	[tilespmem:$0x10100] =	vst v63  }
0x38: {  	v3 =	vld [tilespmem:$0x20];
	_ =	sdelay $0x4  }
0x39: {  	v50 =	vshll.u32 v3, $0x1  }
0x3a: {  	v3 =	vand.u32 $0x7, v3;
	v4 =	vand.u32 $0xFFFFFFF0, v50  }
0x3b: {  	v3 =	vor.u32 v3, v4  }
0x3c: {  	v4 =	vperm.xlane v3, v0;
	_ =	sdelay $0x1  }
0x3d: {  	v3 =	vperm.xlane v3, v2;
	v4 =	vadd.s32 v1, v4;
	_ =	sdelay $0x1  }
0x3e: {  	v3 =	vadd.s32 v1, v3;
	_ =	sdelay $0x1  }
0x3f: {  	s0 =	rddreg [dreg:$0x7]  }
0x40: {  	[tilespmem:s0], [sflag:$0x1] =	stream.indirect_vreg.gather [hbm4b:s3+s2], $0x80, v4, vm0, $0xb8;
	[tilespmem:$0x10100] =	vst v63  }
0x41: {  	s1 =	rddreg [dreg:$0x8]  }
0x42: {  	[tilespmem:s1], [sflag:$0x1] =	stream.indirect_vreg.gather [hbm4b:s3+s2], $0x80, v3, vm0, $0xb8;
	[tilespmem:$0x10100] =	vst v63  }
0x43: {  	v3 =	vld [tilespmem:$0x30];
	_ =	sdelay $0x4  }
0x44: {  	v51 =	vshll.u32 v3, $0x1  }
0x45: {  	v3 =	vand.u32 $0x7, v3;
	v4 =	vand.u32 $0xFFFFFFF0, v51  }
0x46: {  	v3 =	vor.u32 v3, v4  }
0x47: {  	v4 =	vperm.xlane v3, v0;
	_ =	sdelay $0x1  }
0x48: {  	v3 =	vperm.xlane v3, v2;
	v4 =	vadd.s32 v1, v4;
	_ =	sdelay $0x1  }
0x49: {  	v3 =	vadd.s32 v1, v3;
	_ =	sdelay $0x1  }
0x4a: {  	s0 =	rddreg [dreg:$0x9]  }
0x4b: {  	[tilespmem:s0], [sflag:$0x1] =	stream.indirect_vreg.gather [hbm4b:s3+s2], $0x80, v4, vm0, $0xb8;
	[tilespmem:$0x10100] =	vst v63  }
0x4c: {  	s1 =	rddreg [dreg:$0xa]  }
0x4d: {  	[tilespmem:s1], [sflag:$0x1] =	stream.indirect_vreg.gather [hbm4b:s3+s2], $0x80, v3, vm0, $0xb8;
	[tilespmem:$0x10100] =	vst v63  }
0x4e: {  	v3 =	vld [tilespmem:$0x40];
	_ =	sdelay $0x4  }
0x4f: {  	v52 =	vshll.u32 v3, $0x1  }
0x50: {  	v3 =	vand.u32 $0x7, v3;
	v4 =	vand.u32 $0xFFFFFFF0, v52  }
0x51: {  	v3 =	vor.u32 v3, v4  }
0x52: {  	v4 =	vperm.xlane v3, v0;
	_ =	sdelay $0x1  }
0x53: {  	v3 =	vperm.xlane v3, v2;
	v4 =	vadd.s32 v1, v4;
	_ =	sdelay $0x1  }
0x54: {  	v3 =	vadd.s32 v1, v3;
	_ =	sdelay $0x1  }
0x55: {  	s0 =	rddreg [dreg:$0xb]  }
0x56: {  	[tilespmem:s0], [sflag:$0x1] =	stream.indirect_vreg.gather [hbm4b:s3+s2], $0x80, v4, vm0, $0xb8;
	[tilespmem:$0x10100] =	vst v63  }
0x57: {  	s1 =	rddreg [dreg:$0xc]  }
0x58: {  	[tilespmem:s1], [sflag:$0x1] =	stream.indirect_vreg.gather [hbm4b:s3+s2], $0x80, v3, vm0, $0xb8;
	[tilespmem:$0x10100] =	vst v63  }
0x59: {  	v3 =	vld [tilespmem:$0x50];
	_ =	sdelay $0x4  }
0x5a: {  	v53 =	vshll.u32 v3, $0x1  }
0x5b: {  	v3 =	vand.u32 $0x7, v3;
	v4 =	vand.u32 $0xFFFFFFF0, v53  }
0x5c: {  	v3 =	vor.u32 v3, v4  }
0x5d: {  	v4 =	vperm.xlane v3, v0;
	_ =	sdelay $0x1  }
0x5e: {  	v3 =	vperm.xlane v3, v2;
	v4 =	vadd.s32 v1, v4;
	_ =	sdelay $0x1  }
0x5f: {  	v3 =	vadd.s32 v1, v3;
	_ =	sdelay $0x1  }
0x60: {  	s0 =	rddreg [dreg:$0xd]  }
0x61: {  	[tilespmem:s0], [sflag:$0x1] =	stream.indirect_vreg.gather [hbm4b:s3+s2], $0x80, v4, vm0, $0xb8;
	[tilespmem:$0x10100] =	vst v63  }
0x62: {  	s1 =	rddreg [dreg:$0xe]  }
0x63: {  	[tilespmem:s1], [sflag:$0x1] =	stream.indirect_vreg.gather [hbm4b:s3+s2], $0x80, v3, vm0, $0xb8;
	[tilespmem:$0x10100] =	vst v63  }
0x64: {  	v3 =	vld [tilespmem:$0x60];
	_ =	sdelay $0x4  }
0x65: {  	v54 =	vshll.u32 v3, $0x1  }
0x66: {  	v3 =	vand.u32 $0x7, v3;
	v4 =	vand.u32 $0xFFFFFFF0, v54  }
0x67: {  	v3 =	vor.u32 v3, v4  }
0x68: {  	v4 =	vperm.xlane v3, v0;
	_ =	sdelay $0x1  }
0x69: {  	v3 =	vperm.xlane v3, v2;
	v4 =	vadd.s32 v1, v4;
	_ =	sdelay $0x1  }
0x6a: {  	v3 =	vadd.s32 v1, v3;
	_ =	sdelay $0x1  }
0x6b: {  	s0 =	rddreg [dreg:$0xf]  }
0x6c: {  	[tilespmem:s0], [sflag:$0x1] =	stream.indirect_vreg.gather [hbm4b:s3+s2], $0x80, v4, vm0, $0xb8;
	[tilespmem:$0x10100] =	vst v63  }
0x6d: {  	s1 =	rddreg [dreg:$0x10]  }
0x6e: {  	[tilespmem:s1], [sflag:$0x1] =	stream.indirect_vreg.gather [hbm4b:s3+s2], $0x80, v3, vm0, $0xb8;
	[tilespmem:$0x10100] =	vst v63  }
0x6f: {  	v3 =	vld [tilespmem:$0x70];
	_ =	sdelay $0x4  }
0x70: {  	v55 =	vshll.u32 v3, $0x1  }
0x71: {  	v3 =	vand.u32 $0x7, v3;
	v4 =	vand.u32 $0xFFFFFFF0, v55  }
0x72: {  	v3 =	vor.u32 v3, v4  }
0x73: {  	v4 =	vperm.xlane v3, v0;
	_ =	sdelay $0x1  }
0x74: {  	v3 =	vperm.xlane v3, v2;
	v4 =	vadd.s32 v1, v4;
	_ =	sdelay $0x1  }
0x75: {  	v3 =	vadd.s32 v1, v3;
	_ =	sdelay $0x1  }
0x76: {  	s1 =	rddreg [dreg:$0x11]  }
0x77: {  	[tilespmem:s1], [sflag:$0x1] =	stream.indirect_vreg.gather [hbm4b:s3+s2], $0x80, v4, vm0, $0xb8;
	[tilespmem:$0x10100] =	vst v63  }
0x78: {  	s1 =	rddreg [dreg:$0x3]  }
0x79: {  	[tilespmem:s8], [sflag:$0x1] =	stream.indirect_vreg.gather [hbm4b:s3+s2], $0x80, v3, vm0, $0xb8;
	[tilespmem:$0x10100] =	vst v63  }
0x7a: {  	s0 =	sadd.s32 s31, s1  }
0x7b: {  	[tilespmem:s9], [sflag:$0x3] =	stream.linear.gather [hbm4b:s0+s2], $0x80, $0x38;
	[tilespmem:$0x10100] =	vst v63  }
0x7c: {  	_ =	swait.ge [sflag:s6], $0x80  }
0x7d: {  	[sflag:s6] =	ssyncset.done $0x0  }
0x7e: {  	[sflag:s6] =	ssyncadd.s32 $0xFFFFFF80  }
0x7f: {  	v3 =	vld [tilespmem:$0x80];
	_ =	sdelay $0x4  }
0x80: {  	v56 =	vshll.u32 v3, $0x1  }
0x81: {  	v3 =	vand.u32 $0x7, v3;
	v4 =	vand.u32 $0xFFFFFFF0, v56  }
0x82: {  	v3 =	vor.u32 v3, v4  }
0x83: {  	v4 =	vperm.xlane v3, v0;
	_ =	sdelay $0x1  }
0x84: {  	v3 =	vperm.xlane v3, v2;
	v4 =	vadd.s32 v1, v4;
	_ =	sdelay $0x1  }
0x85: {  	v3 =	vadd.s32 v1, v3;
	_ =	sdelay $0x2  }
0x86: {  	[tilespmem:s10], [sflag:$0x2] =	stream.indirect_vreg.gather [hbm4b:s3+s2], $0x80, v4, vm0, $0xb8;
	[tilespmem:$0x10100] =	vst v63  }
0x87: {  	_ = 	snop  }
0x88: {  	[tilespmem:s11], [sflag:$0x2] =	stream.indirect_vreg.gather [hbm4b:s3+s2], $0x80, v3, vm0, $0xb8;
	[tilespmem:$0x10100] =	vst v63  }
0x89: {  	v3 =	vld [tilespmem:$0x90];
	_ =	sdelay $0x4  }
0x8a: {  	v57 =	vshll.u32 v3, $0x1  }
0x8b: {  	v3 =	vand.u32 $0x7, v3;
	v4 =	vand.u32 $0xFFFFFFF0, v57  }
0x8c: {  	v3 =	vor.u32 v3, v4  }
0x8d: {  	v4 =	vperm.xlane v3, v0;
	_ =	sdelay $0x1  }
0x8e: {  	v3 =	vperm.xlane v3, v2;
	v4 =	vadd.s32 v1, v4;
	_ =	sdelay $0x1  }
0x8f: {  	v3 =	vadd.s32 v1, v3;
	_ =	sdelay $0x2  }
0x90: {  	[tilespmem:s12], [sflag:$0x2] =	stream.indirect_vreg.gather [hbm4b:s3+s2], $0x80, v4, vm0, $0xb8;
	[tilespmem:$0x10100] =	vst v63  }
0x91: {  	_ = 	snop  }
0x92: {  	[tilespmem:s13], [sflag:$0x2] =	stream.indirect_vreg.gather [hbm4b:s3+s2], $0x80, v3, vm0, $0xb8;
	[tilespmem:$0x10100] =	vst v63  }
0x93: {  	v3 =	vld [tilespmem:$0xA0];
	_ =	sdelay $0x4  }
0x94: {  	v58 =	vshll.u32 v3, $0x1  }
0x95: {  	v3 =	vand.u32 $0x7, v3;
	v4 =	vand.u32 $0xFFFFFFF0, v58  }
0x96: {  	v3 =	vor.u32 v3, v4  }
0x97: {  	v4 =	vperm.xlane v3, v0;
	_ =	sdelay $0x1  }
0x98: {  	v3 =	vperm.xlane v3, v2;
	v4 =	vadd.s32 v1, v4;
	_ =	sdelay $0x1  }
0x99: {  	v3 =	vadd.s32 v1, v3;
	_ =	sdelay $0x2  }
0x9a: {  	[tilespmem:s14], [sflag:$0x2] =	stream.indirect_vreg.gather [hbm4b:s3+s2], $0x80, v4, vm0, $0xb8;
	[tilespmem:$0x10100] =	vst v63  }
0x9b: {  	_ = 	snop  }
0x9c: {  	[tilespmem:s15], [sflag:$0x2] =	stream.indirect_vreg.gather [hbm4b:s3+s2], $0x80, v3, vm0, $0xb8;
	[tilespmem:$0x10100] =	vst v63  }
0x9d: {  	v3 =	vld [tilespmem:$0xB0];
	_ =	sdelay $0x4  }
0x9e: {  	v59 =	vshll.u32 v3, $0x1  }
0x9f: {  	v3 =	vand.u32 $0x7, v3;
	v4 =	vand.u32 $0xFFFFFFF0, v59  }
0xa0: {  	v3 =	vor.u32 v3, v4  }
0xa1: {  	v4 =	vperm.xlane v3, v0;
	_ =	sdelay $0x1  }
0xa2: {  	v3 =	vperm.xlane v3, v2;
	v4 =	vadd.s32 v1, v4;
	_ =	sdelay $0x1  }
0xa3: {  	v3 =	vadd.s32 v1, v3;
	_ =	sdelay $0x2  }
0xa4: {  	[tilespmem:s16], [sflag:$0x2] =	stream.indirect_vreg.gather [hbm4b:s3+s2], $0x80, v4, vm0, $0xb8;
	[tilespmem:$0x10100] =	vst v63  }
0xa5: {  	_ = 	snop  }
0xa6: {  	[tilespmem:s17], [sflag:$0x2] =	stream.indirect_vreg.gather [hbm4b:s3+s2], $0x80, v3, vm0, $0xb8;
	[tilespmem:$0x10100] =	vst v63  }
0xa7: {  	v3 =	vld [tilespmem:$0xC0];
	_ =	sdelay $0x4  }
0xa8: {  	v60 =	vshll.u32 v3, $0x1  }
0xa9: {  	v3 =	vand.u32 $0x7, v3;
	v4 =	vand.u32 $0xFFFFFFF0, v60  }
0xaa: {  	v3 =	vor.u32 v3, v4  }
0xab: {  	v4 =	vperm.xlane v3, v0;
	_ =	sdelay $0x1  }
0xac: {  	v3 =	vperm.xlane v3, v2;
	v4 =	vadd.s32 v1, v4;
	_ =	sdelay $0x1  }
0xad: {  	v3 =	vadd.s32 v1, v3;
	_ =	sdelay $0x2  }
0xae: {  	[tilespmem:s18], [sflag:$0x2] =	stream.indirect_vreg.gather [hbm4b:s3+s2], $0x80, v4, vm0, $0xb8;
	[tilespmem:$0x10100] =	vst v63  }
0xaf: {  	_ = 	snop  }
0xb0: {  	[tilespmem:s19], [sflag:$0x2] =	stream.indirect_vreg.gather [hbm4b:s3+s2], $0x80, v3, vm0, $0xb8;
	[tilespmem:$0x10100] =	vst v63  }
0xb1: {  	v3 =	vld [tilespmem:$0xD0];
	_ =	sdelay $0x4  }
0xb2: {  	v61 =	vshll.u32 v3, $0x1  }
0xb3: {  	v3 =	vand.u32 $0x7, v3;
	v4 =	vand.u32 $0xFFFFFFF0, v61  }
0xb4: {  	v3 =	vor.u32 v3, v4  }
0xb5: {  	v4 =	vperm.xlane v3, v0;
	_ =	sdelay $0x1  }
0xb6: {  	v3 =	vperm.xlane v3, v2;
	v4 =	vadd.s32 v1, v4;
	_ =	sdelay $0x1  }
0xb7: {  	v3 =	vadd.s32 v1, v3;
	_ =	sdelay $0x2  }
0xb8: {  	[tilespmem:s20], [sflag:$0x2] =	stream.indirect_vreg.gather [hbm4b:s3+s2], $0x80, v4, vm0, $0xb8;
	[tilespmem:$0x10100] =	vst v63  }
0xb9: {  	_ = 	snop  }
0xba: {  	[tilespmem:s21], [sflag:$0x2] =	stream.indirect_vreg.gather [hbm4b:s3+s2], $0x80, v3, vm0, $0xb8;
	[tilespmem:$0x10100] =	vst v63  }
0xbb: {  	v3 =	vld [tilespmem:$0xE0];
	_ =	sdelay $0x4  }
0xbc: {  	v62 =	vshll.u32 v3, $0x1  }
0xbd: {  	v3 =	vand.u32 $0x7, v3;
	v4 =	vand.u32 $0xFFFFFFF0, v62  }
0xbe: {  	v3 =	vor.u32 v3, v4  }
0xbf: {  	v4 =	vperm.xlane v3, v0;
	_ =	sdelay $0x1  }
0xc0: {  	v3 =	vperm.xlane v3, v2;
	v4 =	vadd.s32 v1, v4;
	_ =	sdelay $0x1  }
0xc1: {  	v3 =	vadd.s32 v1, v3;
	_ =	sdelay $0x2  }
0xc2: {  	[tilespmem:s22], [sflag:$0x2] =	stream.indirect_vreg.gather [hbm4b:s3+s2], $0x80, v4, vm0, $0xb8;
	[tilespmem:$0x10100] =	vst v63  }
0xc3: {  	_ = 	snop  }
0xc4: {  	[tilespmem:s23], [sflag:$0x2] =	stream.indirect_vreg.gather [hbm4b:s3+s2], $0x80, v3, vm0, $0xb8;
	[tilespmem:$0x10100] =	vst v63  }
0xc5: {  	v3 =	vld [tilespmem:$0xF0];
	_ =	sdelay $0x4  }
0xc6: {  	v63 =	vshll.u32 v3, $0x1  }
0xc7: {  	v3 =	vand.u32 $0x7, v3;
	v4 =	vand.u32 $0xFFFFFFF0, v63  }
0xc8: {  	v3 =	vor.u32 v3, v4  }
0xc9: {  	v4 =	vperm.xlane v3, v0;
	_ =	sdelay $0x1  }
0xca: {  	v3 =	vperm.xlane v3, v2;
	v4 =	vadd.s32 v1, v4;
	_ =	sdelay $0x1  }
0xcb: {  	v3 =	vadd.s32 v1, v3;
	_ =	sdelay $0x2  }
0xcc: {  	[tilespmem:s24], [sflag:$0x2] =	stream.indirect_vreg.gather [hbm4b:s3+s2], $0x80, v4, vm0, $0xb8;
	[tilespmem:$0x10100] =	vst v63  }
0xcd: {  	_ = 	snop  }
0xce: {  	[tilespmem:s25], [sflag:$0x2] =	stream.indirect_vreg.gather [hbm4b:s3+s2], $0x80, v3, vm0, $0xb8;
	[tilespmem:$0x10100] =	vst v63  }
0xcf: {  	_ =	swait.ge [sflag:s26], $0x8000  }
0xd0: {  	[sflag:s26] =	ssyncset.done $0x0  }
0xd1: {  	[sflag:s26] =	ssyncadd.s32 $0xFFFF8000  }
0xd2: {  	[hbm4b:s30+s2] =	stream.linear.scatter [tilespmem:s7], [sflag:$0x3], $0x8000, $0x38;
	[tilespmem:$0x10100] =	vst v63  }
0xd3: {  	_ =	swait.ge [sflag:s6], $0x8000  }
0xd4: {  	[sflag:s6] =	ssyncset.done $0x0  }
0xd5: {  	[sflag:s6] =	ssyncadd.s32 $0xFFFF8000  }
0xd6: {  	_ =	swait.ge [sflag:s28], $0x8000  }
0xd7: {  	p0 =	sne.s32 s31, $0xE0;
	[sflag:s28] =	ssyncset.done $0x0  }
.Ltmp0:
0xd8: {  	s1 =	sadd.s32 $0x1000, s30;
	[sflag:s28] =	ssyncadd.s32 $0xFFFF8000;
	(pc) =	sbr.rel @p0 .LBB2_2-.Ltmp0, $4  }
0xd9: {  	[hbm4b:s1+s2] =	stream.linear.scatter [tilespmem:s10], [sflag:$0x3], $0x8000, $0x38;
	[tilespmem:$0x10100] =	vst v63  }
0xda: {  	_ =	swait.ge [sflag:s6], $0x8000  }
0xdb: {  	[sflag:s6] =	ssyncset.done $0x0  }
0xdc: {  	s31 =	sadd.s32 $0x20, s31;
	s30 =	sadd.s32 $0x2000, s30;
	[sflag:s6] =	ssyncadd.s32 $0xFFFF8000  }
0xdd: {  	s29 =	sadd.s32 $0x1, s29  }
0xde: {  	p0 =	sne.s32 s29, s4  }
.Ltmp1:
0xdf: {  	_ = 	snop;
	(pc) =	sbr.rel @p0 .LBB2_1-.Ltmp1, $1  }
0xe0: {  	_ =	sdelay $0x3  }
0xe1: {  	_ =	sfence.sel $0x180000  }
0xe2: {  	[bflag:$0x0] =	sbarrier.arrive $0xFFFF  }
0xe3: {  	_ =	strace $0x90000047  }
0xe4: {  	s0 =	stileid.u32;
	[bflag:$0x2] =	sbarrier.arrive $0xFFFF  }
0xe5: {  	p0 =	sne.s32 s0, $0x0;
	s0 =	rddreg [dreg:$0x1]  }
0xe6: {  	s0 =	sadd.s32 @!p0 $0x100000, s0  }
0xe7: {  	[sflag:s0] =	ssyncadd.tile.s32 @!p0 $0x1;
	_ =	shalt  }
.Lfunc_end2:
_tile_overlayer_lowered:
.L_overlay_start_2:
0xe8: {  	(tag) =	ssettag $0x2  }
0xe9: {  	s0 =	rddreg [dreg:$0x0];
	s2 =	stileid.u32  }
0xea: {  	s1 =	rddreg [dreg:$0x1];
	p0 =	sne.s32 s2, $0x0  }
0xeb: {  	s3 =	rddreg [dreg:$0x2];
	[bflag:$0x3] =	sbarrier.arrive $0xFFFF;
	s2 =	simm.s32 @!p0 $0x1C03  }
0xec: {  	[timem:s3], [sflag:s2] =	dma.local @!p0 [hbm:s0], s1  }
0xed: {  	s0 =	simm.s32 @!p0 $0x3  }
0xee: {  	_ =	swait.ge @!p0 [sflag:s0], s1  }
0xef: {  	s1 =	ssub.s32 @!p0 $0x0, s1;
	[sflag:s0] =	ssyncset.done @!p0 $0x0  }
0xf0: {  	[sflag:s0] =	ssyncadd.s32 @!p0 s1  }
0xf1: {  	[bflag:$0x3] =	sbarrier.arrive $0xFFFF  }
0xf2: {  	_ =	shalt  }

// kernel: kernel.9.cloned.1.call-start
scs
__scs_entry_jumppad:
0x0: {  	(pc) =	sbr.rel $0x88, $3  }
0x1: {  	(tag) =	ssettag $0x0;
	lr =	simm.s32 $0x1  }
0x2: {  	[smem:$0x3F93] =	sst lr;
	_ =	strace $0xD0000000  }
0x3: {  	_ = 	snop  }
0x4: {  	_ = 	snop  }
0x5: {  	_ = 	snop  }
0x6: {  	_ = 	snop  }
0x7: {  	_ = 	snop  }
__scs_overlays_trampoline_lowered:
0x8: {  	[smem:$0x3FA2] =	sst s0  }
0x9: {  	[smem:$0x3FA3] =	sst s1  }
0xa: {  	[smem:$0x3FA4] =	sst s2  }
0xb: {  	[smem:$0x3FA5] =	sst s3  }
0xc: {  	[smem:$0x3FA6] =	sst s4  }
0xd: {  	[smem:$0x3FA7] =	sst s5  }
0xe: {  	[smem:$0x3FA8] =	sst s6  }
0xf: {  	[smem:$0x3FA9] =	sst s7  }
0x10: {  	[smem:$0x3FAA] =	sst s8  }
0x11: {  	[smem:$0x3FAB] =	sst s9;
	s0 =	simm.s32 @!p0 $0x0  }
0x12: {  	s1 =	sld [smem:$0x3F91];
	s0 =	simm.s32 @p0 $0x1  }
0x13: {  	[smem:$0x3FAC] =	sst s0;
	s0 =	simm.s32 @!p1 $0x0  }
0x14: {  	s2 =	sld [smem:$0x3F90];
	s0 =	simm.s32 @p1 $0x1  }
0x15: {  	[smem:$0x3FAD] =	sst s0;
	s0 =	simm.s32 @!p2 $0x0  }
0x16: {  	s3 =	sld [smem:$0x3FDB];
	s0 =	simm.s32 @p2 $0x1  }
0x17: {  	s4 =	simm.s32 $0x1BF5;
	[smem:$0x3FAF] =	sst s0  }
0x18: {  	s0 =	sld [smem:$0x3F92];
	_ =	swait.ge [sflag:s4], $0x0  }
0x19: {  	s7 =	sld [smem:$0x3F93]  }
0x1a: {  	s8 =	sadd.s32 $0xFFFFE003, lr  }
0x1b: {  	s9 =	sadd.s32 $0xFFFFFEF7, lr;
	s5 =	simm.s32 $0xFFFFFFFF;
	p2 =	slt.u32 s8, $0xFFFFF086  }
0x1c: {  	p1 =	slt.u32 s9, $0xF7A;
	s5 =	simm.s32 @!p2 $0x0  }
0x1d: {  	s5 =	simm.s32 @p1 $0x1;
	p0 =	seq.s32 s7, s2  }
0x1e: {  	s7 =	smul.u32 @!p0 $0xF7A, s2;
	p2 =	seq.s32 @!p0 s5, $0x0  }
0x1f: {  	s9 =	smul.u32 $0xF7A, s1;
	s8 =	simm.s32 @!p0 $0x1BF5;
	p2 =	por !p2, p0  }
0x20: {  	[sflag:s8] =	ssyncset.s32 @!p0 $0xFFFFF086;
	s6 =	sadd.s32 @!p0 s3, s7;
	s7 =	simm.s32 @!p0 $0x108  }
0x21: {  	s3 =	sadd.s32 s3, s9;
	s6 =	sadd.s32 @!p0 $0x88, s6;
	s7 =	simm.s32 @p2 $0x1082  }
0x22: {  	[simem:s7], [sflag:s8] =	dma.local @!p0 [hbm:s6], $0xF7A  }
0x23: {  	s9 =	sor.u32 $0xD0000000, s2;
	s6 =	simm.s32 $0x108;
	_ =	swait.ge @!p0 [sflag:s8], $0x0  }
0x24: {  	s3 =	sadd.s32 $0x88, s3;
	s6 =	simm.s32 @!p1 $0x1082;
	[sflag:s4] =	ssyncset.s32 $0xFFFFF086  }
0x25: {  	[simem:s6], [sflag:s4] =	dma.local [hbm:s3], $0xF7A  }
0x26: {  	[smem:$0x3F93] =	sst s1;
	(tag) =	ssettag s2;
	_ =	strace s9  }
0x27: {  	s1 =	sld [smem:$0x3FA3]  }
0x28: {  	s2 =	sld [smem:$0x3FA4]  }
0x29: {  	s4 =	sld [smem:$0x3FA6]  }
0x2a: {  	p0 =	seq.s32 s5, $0x0;
	s5 =	sld [smem:$0x3FA7]  }
0x2b: {  	s6 =	sld [smem:$0x3FA8]  }
0x2c: {  	s7 =	sld [smem:$0x3FA9]  }
0x2d: {  	s3 =	simm.s32 $0x108;
	s8 =	sld [smem:$0x3FAA]  }
0x2e: {  	s3 =	simm.s32 @!p0 $0x1082;
	s9 =	sld [smem:$0x3FAB]  }
0x2f: {  	lr =	sadd.s32 s0, s3;
	s0 =	sld [smem:$0x3FA2]  }
0x30: {  	s3 =	sld [smem:$0x3FA5]  }
0x31: {  	[smem:$0x3FAE] =	sst s10  }
0x32: {  	s10 =	sld [smem:$0x3FAC];
	_ =	sdelay $0x3  }
0x33: {  	p0 =	seq.s32 s10, $0x1;
	s10 =	sld [smem:$0x3FAE];
	_ =	sdelay $0x3  }
0x34: {  	[smem:$0x3FAE] =	sst s10  }
0x35: {  	s10 =	sld [smem:$0x3FAD];
	_ =	sdelay $0x3  }
0x36: {  	p1 =	seq.s32 s10, $0x1;
	s10 =	sld [smem:$0x3FAE];
	_ =	sdelay $0x3  }
0x37: {  	[smem:$0x3FAE] =	sst s10  }
0x38: {  	s10 =	sld [smem:$0x3FAF]  }
0x39: {  	_ = 	snop;
	(pc) =	sbr.ind lr, $3  }
0x3a: {  	_ = 	snop  }
0x3b: {  	_ = 	snop  }
0x3c: {  	p2 =	seq.s32 s10, $0x1;
	s10 =	sld [smem:$0x3FAE]  }
0x3d: {  	_ =	shalt  }
0x3e: {  	_ =	shalt  }
0x3f: {  	_ =	shalt  }
0x40: {  	_ =	shalt  }
0x41: {  	_ =	shalt  }
0x42: {  	_ =	shalt  }
0x43: {  	_ =	shalt  }
0x44: {  	_ =	shalt  }
0x45: {  	_ =	shalt  }
0x46: {  	_ =	shalt  }
0x47: {  	_ =	shalt  }
0x48: {  	_ =	shalt  }
0x49: {  	_ =	shalt  }
0x4a: {  	_ =	shalt  }
0x4b: {  	_ =	shalt  }
0x4c: {  	_ =	shalt  }
0x4d: {  	_ =	shalt  }
0x4e: {  	_ =	shalt  }
0x4f: {  	_ =	shalt  }
0x50: {  	_ =	shalt  }
0x51: {  	_ =	shalt  }
0x52: {  	_ =	shalt  }
0x53: {  	_ =	shalt  }
0x54: {  	_ =	shalt  }
0x55: {  	_ =	shalt  }
0x56: {  	_ =	shalt  }
0x57: {  	_ =	shalt  }
0x58: {  	_ =	shalt  }
0x59: {  	_ =	shalt  }
0x5a: {  	_ =	shalt  }
0x5b: {  	_ =	shalt  }
0x5c: {  	_ =	shalt  }
0x5d: {  	_ =	shalt  }
0x5e: {  	_ =	shalt  }
0x5f: {  	_ =	shalt  }
0x60: {  	_ =	shalt  }
0x61: {  	_ =	shalt  }
0x62: {  	_ =	shalt  }
0x63: {  	_ =	shalt  }
0x64: {  	_ =	shalt  }
0x65: {  	_ =	shalt  }
0x66: {  	_ =	shalt  }
0x67: {  	_ =	shalt  }
0x68: {  	_ =	shalt  }
0x69: {  	_ =	shalt  }
0x6a: {  	_ =	shalt  }
0x6b: {  	_ =	shalt  }
0x6c: {  	_ =	shalt  }
0x6d: {  	_ =	shalt  }
0x6e: {  	_ =	shalt  }
0x6f: {  	_ =	shalt  }
0x70: {  	_ =	shalt  }
0x71: {  	_ =	shalt  }
0x72: {  	_ =	shalt  }
0x73: {  	_ =	shalt  }
0x74: {  	_ =	shalt  }
0x75: {  	_ =	shalt  }
0x76: {  	_ =	shalt  }
0x77: {  	_ =	shalt  }
0x78: {  	_ =	shalt  }
0x79: {  	_ =	shalt  }
0x7a: {  	_ =	shalt  }
0x7b: {  	_ =	shalt  }
0x7c: {  	_ =	shalt  }
0x7d: {  	_ =	shalt  }
0x7e: {  	_ =	shalt  }
0x7f: {  	_ =	shalt  }
0x80: {  	_ =	shalt  }
0x81: {  	_ =	shalt  }
0x82: {  	_ =	shalt  }
0x83: {  	_ =	shalt  }
0x84: {  	_ =	shalt  }
0x85: {  	_ =	shalt  }
0x86: {  	_ =	shalt  }
0x87: {  	_ =	shalt  }
.Lfunc_end0:
.L_simem_size_0:
called_computation_lowered:
.L_overlay_start_0:
0x88: {  	s2 =	sld [smem:$0x3FD9]  }
0x89: {  	s3 =	sld [smem:$0x3FFE];
	_ =	sdelay $0x1  }
0x8a: {  	s1 =	srdreg.scid  }
0x8b: {  	s0 =	sand.u32 $0x1, s1  }
0x8c: {  	s17 =	sshll.u32 s0, $0xA;
	s2 =	sadd.s32 s3, s2  }
0x8d: {  	s2 =	sadd.s32 s2, s17  }
0x8e: {  	[smem:$0x3FBA] =	sst s2  }
0x8f: {  	_ = 	snop  }
0x90: {  	(tm) =	ssettm $0x1  }
0x91: {  	s18 =	sld [smem:$0x3FFB];
	_ =	sdelay $0x3  }
0x92: {  	_ =	strace s18  }
0x93: {  	s2 =	sld [smem:$0x3FFC];
	_ =	sdelay $0x3  }
0x94: {  	_ =	strace s2  }
0x95: {  	s2 =	sld [smem:$0x3FFD];
	_ =	sdelay $0x3  }
0x96: {  	_ =	strace s2  }
0x97: {  	_ =	strace $0x8FFFFFFF  }
0x98: {  	s19 =	sld [smem:$0x3FDB];
	_ =	sdelay $0x1  }
0x99: {  	s20 =	simm.s32 $_scs_section_size  }
0x9a: {  	s4 =	simm.s32 $_size__tile_overlayer_lowered;
	s5 =	simm.s32 $_tile_overlayer_lowered  }
0x9b: {  	s6 =	simm.s32 $0x1BFF;
	s21 =	sshll.u32 s5, $0x1;
	s3 =	sadd.s32 s20, s19  }
0x9c: {  	s22 =	simm.s32 $0x0;
	s4 =	sshll.u32 s4, $0x1;
	s5 =	sadd.s32 s21, s3  }
0x9d: {  	[timem:s22], [sflag:s6] =	dma.local [hbm:s5], s4  }
0x9e: {  	_ =	swait.ge [sflag:s6], s4  }
0x9f: {  	s4 =	ssub.s32 $0x0, s4;
	[sflag:s6] =	ssyncset.done $0x0  }
0xa0: {  	[sflag:s6] =	ssyncadd.s32 s4;
	_ =	sdelay $0x1  }
0xa1: {  	s23 =	simm.s32 $0x1B8B  }
0xa2: {  	_ =	swait.ge [sflag:s23], $0x1  }
0xa3: {  	[sflag:s23] =	ssyncset.done $0x0  }
0xa4: {  	[sflag:s23] =	ssyncadd.s32 $0xFFFFFFFF  }
0xa5: {  	s4 =	sld [smem:$0x0]  }
0xa6: {  	s5 =	sand.u32 $0xFFFFFFFE, s1  }
0xa7: {  	p0 =	sne.s32 s1, s5  }
0xa8: {  	s5 =	sshll.u32 @p0 s5, $0xE  }
0xa9: {  	s5 =	sadd.s32 @p0 $0x11B8D, s5;
	s6 =	sshll.u32 @p0 s4, $0x11  }
0xaa: {  	s5 =	sor.u32 @p0 s6, s5  }
0xab: {  	[sflag:s5] =	ssyncadd.remote.s32 @p0 $0x1;
	_ =	sdelay $0x1  }
0xac: {  	s5 =	simm.s32 @p0 $0x1B8D  }
0xad: {  	_ =	swait.eq @p0 [sflag:s5], $0x1  }
0xae: {  	[sflag:s5] =	ssyncadd.s32 @p0 $0xFFFFFFFF  }
0xaf: {  	s6 =	sshll.u32 @!p0 s1, $0xE  }
0xb0: {  	s6 =	sor.u32 @!p0 $0x4000, s6;
	s5 =	simm.s32 @!p0 $0x1B8D  }
0xb1: {  	s4 =	sshll.u32 @!p0 s4, $0x11;
	s6 =	sadd.s32 @!p0 $0x11B8D, s6;
	_ =	swait.eq @!p0 [sflag:s5], $0x1  }
0xb2: {  	s4 =	sor.u32 @!p0 s4, s6;
	[sflag:s5] =	ssyncadd.s32 @!p0 $0xFFFFFFFF  }
0xb3: {  	s25 =	simm.s32 $0x1B8E;
	s24 =	sld [smem:$0x3FFE];
	[sflag:s4] =	ssyncadd.remote.s32 @!p0 $0x1  }
0xb4: {  	s26 =	simm.s32 $execute0_lowered;
	[smem:$0x3FD2] =	sst s25  }
0xb5: {  	s5 =	sshll.u32 s26, $0x1;
	_ =	strace $0x80000049;
	[dreg:$0x1] =	wrdreg $0xFFFFFFFF  }
0xb6: {  	s28 =	simm.s32 $_size_execute0_lowered;
	s3 =	sadd.s32 s3, s5;
	[dreg:$0x0] =	wrdreg $0x0  }
0xb7: {  	s5 =	sshll.u32 s28, $0x1;
	[dreg:$0x2] =	wrdreg s3  }
0xb8: {  	[dreg:$0x3] =	wrdreg s5  }
0xb9: {  	[dreg:$0x4] =	wrdreg $0xC0  }
0xba: {  	_ =	task [dreg:s22], $0x5FFFF  }
0xbb: {  	[dreg:$0x1] =	wrdreg $0xFFFFFFFF  }
0xbc: {  	[dreg:$0x0] =	wrdreg $0x60  }
0xbd: {  	[dreg:$0x2] =	wrdreg s24  }
0xbe: {  	[dreg:$0x3] =	wrdreg $0x9  }
0xbf: {  	_ =	task.clear_ibuf [dreg:s22], $0x4FFFF;
	_ =	strace $0x90000049  }
0xc0: {  	s29 =	simm.s32 $0x9;
	_ =	strace $0x8000004B  }
0xc1: {  	_ =	swait.ge [sflag:s29], $0x1  }
0xc2: {  	[sflag:s29] =	ssyncadd.s32 $0xFFFFFFFF  }
0xc3: {  	_ =	strace $0x9000004B  }
0xc4: {  	_ =	sfence  }
0xc5: {  	s30 =	sld [smem:$0x0];
	_ =	sdelay $0x2  }
0xc6: {  	s31 =	sshll.u32 s1, $0xD;
	s1 =	sshrl.u32 s1, $0x2  }
0xc7: {  	s4 =	sand.u32 $0x4000, s31;
	s1 =	sadd.s32 s1, s30  }
0xc8: {  	s0 =	sor.u32 s4, s0;
	s1 =	sshll.u32 s1, $0x11  }
0xc9: {  	s0 =	sor.u32 s1, s0  }
0xca: {  	s0 =	sadd.s32 $0x8F2B, s0  }
0xcb: {  	[sflag:s0] =	ssyncadd.remote.s32 $0x1  }
0xcc: {  	_ =	sfence.sel $0xFFFF  }
0xcd: {  	[dreg:$0x0] =	wrdreg $0xFFFFFFFF;
	(pc) =	sbr.abs _section_cstart, $3  }
0xce: {  	[dreg:$0x1] =	wrdreg $0xFFFFFFFF  }
0xcf: {  	_ =	task.clear_ibuf [dreg:s22], $0x2FFFF;
	_ =	strace $0x9FFFFFFF  }
0xd0: {  	(tm) =	ssettm $0x7FFFFFFF  }
0xd1: {  	_ =	shalt  }
tec
execute0_lowered:
.L_overlay_start_1:
0x0: {  	(tag) =	ssettag $0x1  }
0x1: {  	s2 =	srdreg.scid  }
0x2: {  	s4 =	rddreg [dreg:$0x0];
	s5 =	sand.u32 $0x1, s2;
	s2 =	simm.s32 $0x0  }
0x3: {  	s0 =	stileid.u32;
	s13 =	simm.s32 $0x900;
	[smem:$0x7FF] =	sst s2  }
0x4: {  	s14 =	simm.s32 $0x1100;
	_ =	strace $0x8000004A;
	[dreg:$0x4] =	wrdreg s13  }
0x5: {  	s15 =	simm.s32 $0x1900;
	s16 =	simm.s32 $0x2100;
	[dreg:$0x5] =	wrdreg s14  }
0x6: {  	s17 =	simm.s32 $0x2900;
	s19 =	simm.s32 $0x3100;
	[dreg:$0x6] =	wrdreg s15  }
0x7: {  	s20 =	simm.s32 $0x3900;
	s22 =	simm.s32 $0x4100;
	[dreg:$0x7] =	wrdreg s16  }
0x8: {  	s23 =	simm.s32 $0x4900;
	s24 =	simm.s32 $0x5100;
	[dreg:$0x8] =	wrdreg s17  }
0x9: {  	s25 =	simm.s32 $0x5900;
	s26 =	simm.s32 $0x6100;
	[dreg:$0x9] =	wrdreg s19  }
0xa: {  	s30 =	simm.s32 $0x6900;
	s31 =	simm.s32 $0x7100;
	[dreg:$0xa] =	wrdreg s20  }
0xb: {  	s9 =	simm.s32 $0x80;
	s10 =	simm.s32 $0x8100;
	[dreg:$0xb] =	wrdreg s22  }
0xc: {  	s11 =	simm.s32 $0x8900;
	s28 =	simm.s32 $0x2;
	[dreg:$0xc] =	wrdreg s23  }
0xd: {  	s29 =	simm.s32 $0x0;
	s3 =	sshll.u32 s0, $0xC;
	[dreg:$0xd] =	wrdreg s24  }
0xe: {  	s12 =	sadd.s32 $0x266600, s4;
	s18 =	sshll.u32 s0, $0x11;
	[dreg:$0xe] =	wrdreg s25  }
0xf: {  	s6 =	sshll.u32 s5, $0xB;
	s21 =	ssub.s32 $0x2, s5;
	[dreg:$0xf] =	wrdreg s26  }
0x10: {  	s5 =	sshll.u32 s5, $0x10;
	s3 =	sor.u32 s6, s3;
	[dreg:$0x10] =	wrdreg s30  }
0x11: {  	s8 =	sshrl.u32 s21, $0x1;
	[dreg:$0x11] =	wrdreg s31;
	s13 =	simm.s32 $0x9900  }
0x12: {  	s14 =	simm.s32 $0xA100;
	s15 =	simm.s32 $0xA900;
	s16 =	simm.s32 $0xB100  }
0x13: {  	s17 =	simm.s32 $0xB900;
	s19 =	simm.s32 $0xC900;
	s20 =	simm.s32 $0xD100  }
0x14: {  	s22 =	simm.s32 $0xE100;
	s23 =	simm.s32 $0xE900;
	s24 =	simm.s32 $0xF100  }
0x15: {  	s25 =	simm.s32 $0xF900;
	s26 =	simm.s32 $0x1;
	s7 =	sshrl.u32 s3, $0x3  }
0x16: {  	s3 =	sor.u32 $0x80, s3;
	s6 =	ssub.s32 s21, s8;
	s8 =	simm.s32 $0x7900  }
0x17: {  	s21 =	simm.s32 $0xD900;
	s7 =	sadd.s32 s7, s12;
	s3 =	sshrl.u32 s3, $0x3  }
0x18: {  	[dreg:$0x2] =	wrdreg s7;
	s3 =	sadd.s32 s3, s12;
	s7 =	sadd.s32 s18, s4  }
0x19: {  	v2 =	vlaneseq.u32;
	s12 =	simm.s32 $0x9100;
	s18 =	simm.s32 $0xC100;
	[dreg:$0x3] =	wrdreg s3  }
0x1a: {  	vm0 =	vmmov $0xffff;
	v1 =	vshrl.u32 v2, $0x3;
	s3 =	sadd.s32 $0x24600, s4;
	s4 =	smax.u32 s6, $0x1;
	s5 =	sadd.s32 s5, s7  }
0x1b: {  	v0 =	vand.u32 $0x7, v2;
	v2 =	vor.u32 $0x8, v2;
	v1 =	vmul.u32 $0x8, v1;
	s6 =	simm.s32 $0x3;
	s7 =	simm.s32 $0x100;
	s5 =	sadd.s32 $0x268600, s5  }
.LBB2_1:
0x1c: {  	s30 =	smov.u32 s5;
	s31 =	simm.s32 $0x0  }
.LBB2_2:
0x1d: {  	s0 =	rddreg [dreg:$0x2]  }
0x1e: {  	s0 =	sadd.s32 s31, s0  }
0x1f: {  	[tilespmem:s2], [sflag:$0x3] =	stream.linear.gather [hbm4b:s0+s2], $0x80, $0x38;
	[tilespmem:$0x10100] =	vst v63  }
0x20: {  	_ =	swait.ge [sflag:s6], $0x80  }
0x21: {  	[sflag:s6] =	ssyncset.done $0x0  }
0x22: {  	[sflag:s6] =	ssyncadd.s32 $0xFFFFFF80  }
0x23: {  	v3 =	vld [tilespmem:$0x0];
	_ =	sdelay $0x4  }
0x24: {  	v4 =	vshll.u32 v3, $0x1  }
0x25: {  	v3 =	vand.u32 $0x7, v3;
	v4 =	vand.u32 $0xFFFFFFF0, v4  }
0x26: {  	v3 =	vor.u32 v3, v4  }
0x27: {  	v4 =	vperm.xlane v3, v0;
	_ =	sdelay $0x1  }
0x28: {  	v3 =	vperm.xlane v3, v2;
	v4 =	vadd.s32 v1, v4;
	_ =	sdelay $0x1  }
0x29: {  	v3 =	vadd.s32 v1, v3;
	_ =	sdelay $0x2  }
0x2a: {  	[tilespmem:s7], [sflag:$0x1] =	stream.indirect_vreg.gather [hbm4b:s3+s2], $0x80, v4, vm0, $0xb8;
	[tilespmem:$0x10100] =	vst v63  }
0x2b: {  	s1 =	rddreg [dreg:$0x4]  }
0x2c: {  	[tilespmem:s1], [sflag:$0x1] =	stream.indirect_vreg.gather [hbm4b:s3+s2], $0x80, v3, vm0, $0xb8;
	[tilespmem:$0x10100] =	vst v63  }
0x2d: {  	v3 =	vld [tilespmem:$0x10];
	_ =	sdelay $0x4  }
0x2e: {  	v49 =	vshll.u32 v3, $0x1  }
0x2f: {  	v3 =	vand.u32 $0x7, v3;
	v4 =	vand.u32 $0xFFFFFFF0, v49  }
0x30: {  	v3 =	vor.u32 v3, v4  }
0x31: {  	v4 =	vperm.xlane v3, v0;
	_ =	sdelay $0x1  }
0x32: {  	v3 =	vperm.xlane v3, v2;
	v4 =	vadd.s32 v1, v4;
	_ =	sdelay $0x1  }
0x33: {  	v3 =	vadd.s32 v1, v3;
	_ =	sdelay $0x1  }
0x34: {  	s0 =	rddreg [dreg:$0x5]  }
0x35: {  	[tilespmem:s0], [sflag:$0x1] =	stream.indirect_vreg.gather [hbm4b:s3+s2], $0x80, v4, vm0, $0xb8;
	[tilespmem:$0x10100] =	vst v63  }
0x36: {  	s1 =	rddreg [dreg:$0x6]  }
0x37: {  	[tilespmem:s1], [sflag:$0x1] =	stream.indirect_vreg.gather [hbm4b:s3+s2], $0x80, v3, vm0, $0xb8;
	[tilespmem:$0x10100] =	vst v63  }
0x38: {  	v3 =	vld [tilespmem:$0x20];
	_ =	sdelay $0x4  }
0x39: {  	v50 =	vshll.u32 v3, $0x1  }
0x3a: {  	v3 =	vand.u32 $0x7, v3;
	v4 =	vand.u32 $0xFFFFFFF0, v50  }
0x3b: {  	v3 =	vor.u32 v3, v4  }
0x3c: {  	v4 =	vperm.xlane v3, v0;
	_ =	sdelay $0x1  }
0x3d: {  	v3 =	vperm.xlane v3, v2;
	v4 =	vadd.s32 v1, v4;
	_ =	sdelay $0x1  }
0x3e: {  	v3 =	vadd.s32 v1, v3;
	_ =	sdelay $0x1  }
0x3f: {  	s0 =	rddreg [dreg:$0x7]  }
0x40: {  	[tilespmem:s0], [sflag:$0x1] =	stream.indirect_vreg.gather [hbm4b:s3+s2], $0x80, v4, vm0, $0xb8;
	[tilespmem:$0x10100] =	vst v63  }
0x41: {  	s1 =	rddreg [dreg:$0x8]  }
0x42: {  	[tilespmem:s1], [sflag:$0x1] =	stream.indirect_vreg.gather [hbm4b:s3+s2], $0x80, v3, vm0, $0xb8;
	[tilespmem:$0x10100] =	vst v63  }
0x43: {  	v3 =	vld [tilespmem:$0x30];
	_ =	sdelay $0x4  }
0x44: {  	v51 =	vshll.u32 v3, $0x1  }
0x45: {  	v3 =	vand.u32 $0x7, v3;
	v4 =	vand.u32 $0xFFFFFFF0, v51  }
0x46: {  	v3 =	vor.u32 v3, v4  }
0x47: {  	v4 =	vperm.xlane v3, v0;
	_ =	sdelay $0x1  }
0x48: {  	v3 =	vperm.xlane v3, v2;
	v4 =	vadd.s32 v1, v4;
	_ =	sdelay $0x1  }
0x49: {  	v3 =	vadd.s32 v1, v3;
	_ =	sdelay $0x1  }
0x4a: {  	s0 =	rddreg [dreg:$0x9]  }
0x4b: {  	[tilespmem:s0], [sflag:$0x1] =	stream.indirect_vreg.gather [hbm4b:s3+s2], $0x80, v4, vm0, $0xb8;
	[tilespmem:$0x10100] =	vst v63  }
0x4c: {  	s1 =	rddreg [dreg:$0xa]  }
0x4d: {  	[tilespmem:s1], [sflag:$0x1] =	stream.indirect_vreg.gather [hbm4b:s3+s2], $0x80, v3, vm0, $0xb8;
	[tilespmem:$0x10100] =	vst v63  }
0x4e: {  	v3 =	vld [tilespmem:$0x40];
	_ =	sdelay $0x4  }
0x4f: {  	v52 =	vshll.u32 v3, $0x1  }
0x50: {  	v3 =	vand.u32 $0x7, v3;
	v4 =	vand.u32 $0xFFFFFFF0, v52  }
0x51: {  	v3 =	vor.u32 v3, v4  }
0x52: {  	v4 =	vperm.xlane v3, v0;
	_ =	sdelay $0x1  }
0x53: {  	v3 =	vperm.xlane v3, v2;
	v4 =	vadd.s32 v1, v4;
	_ =	sdelay $0x1  }
0x54: {  	v3 =	vadd.s32 v1, v3;
	_ =	sdelay $0x1  }
0x55: {  	s0 =	rddreg [dreg:$0xb]  }
0x56: {  	[tilespmem:s0], [sflag:$0x1] =	stream.indirect_vreg.gather [hbm4b:s3+s2], $0x80, v4, vm0, $0xb8;
	[tilespmem:$0x10100] =	vst v63  }
0x57: {  	s1 =	rddreg [dreg:$0xc]  }
0x58: {  	[tilespmem:s1], [sflag:$0x1] =	stream.indirect_vreg.gather [hbm4b:s3+s2], $0x80, v3, vm0, $0xb8;
	[tilespmem:$0x10100] =	vst v63  }
0x59: {  	v3 =	vld [tilespmem:$0x50];
	_ =	sdelay $0x4  }
0x5a: {  	v53 =	vshll.u32 v3, $0x1  }
0x5b: {  	v3 =	vand.u32 $0x7, v3;
	v4 =	vand.u32 $0xFFFFFFF0, v53  }
0x5c: {  	v3 =	vor.u32 v3, v4  }
0x5d: {  	v4 =	vperm.xlane v3, v0;
	_ =	sdelay $0x1  }
0x5e: {  	v3 =	vperm.xlane v3, v2;
	v4 =	vadd.s32 v1, v4;
	_ =	sdelay $0x1  }
0x5f: {  	v3 =	vadd.s32 v1, v3;
	_ =	sdelay $0x1  }
0x60: {  	s0 =	rddreg [dreg:$0xd]  }
0x61: {  	[tilespmem:s0], [sflag:$0x1] =	stream.indirect_vreg.gather [hbm4b:s3+s2], $0x80, v4, vm0, $0xb8;
	[tilespmem:$0x10100] =	vst v63  }
0x62: {  	s1 =	rddreg [dreg:$0xe]  }
0x63: {  	[tilespmem:s1], [sflag:$0x1] =	stream.indirect_vreg.gather [hbm4b:s3+s2], $0x80, v3, vm0, $0xb8;
	[tilespmem:$0x10100] =	vst v63  }
0x64: {  	v3 =	vld [tilespmem:$0x60];
	_ =	sdelay $0x4  }
0x65: {  	v54 =	vshll.u32 v3, $0x1  }
0x66: {  	v3 =	vand.u32 $0x7, v3;
	v4 =	vand.u32 $0xFFFFFFF0, v54  }
0x67: {  	v3 =	vor.u32 v3, v4  }
0x68: {  	v4 =	vperm.xlane v3, v0;
	_ =	sdelay $0x1  }
0x69: {  	v3 =	vperm.xlane v3, v2;
	v4 =	vadd.s32 v1, v4;
	_ =	sdelay $0x1  }
0x6a: {  	v3 =	vadd.s32 v1, v3;
	_ =	sdelay $0x1  }
0x6b: {  	s0 =	rddreg [dreg:$0xf]  }
0x6c: {  	[tilespmem:s0], [sflag:$0x1] =	stream.indirect_vreg.gather [hbm4b:s3+s2], $0x80, v4, vm0, $0xb8;
	[tilespmem:$0x10100] =	vst v63  }
0x6d: {  	s1 =	rddreg [dreg:$0x10]  }
0x6e: {  	[tilespmem:s1], [sflag:$0x1] =	stream.indirect_vreg.gather [hbm4b:s3+s2], $0x80, v3, vm0, $0xb8;
	[tilespmem:$0x10100] =	vst v63  }
0x6f: {  	v3 =	vld [tilespmem:$0x70];
	_ =	sdelay $0x4  }
0x70: {  	v55 =	vshll.u32 v3, $0x1  }
0x71: {  	v3 =	vand.u32 $0x7, v3;
	v4 =	vand.u32 $0xFFFFFFF0, v55  }
0x72: {  	v3 =	vor.u32 v3, v4  }
0x73: {  	v4 =	vperm.xlane v3, v0;
	_ =	sdelay $0x1  }
0x74: {  	v3 =	vperm.xlane v3, v2;
	v4 =	vadd.s32 v1, v4;
	_ =	sdelay $0x1  }
0x75: {  	v3 =	vadd.s32 v1, v3;
	_ =	sdelay $0x1  }
0x76: {  	s1 =	rddreg [dreg:$0x11]  }
0x77: {  	[tilespmem:s1], [sflag:$0x1] =	stream.indirect_vreg.gather [hbm4b:s3+s2], $0x80, v4, vm0, $0xb8;
	[tilespmem:$0x10100] =	vst v63  }
0x78: {  	s1 =	rddreg [dreg:$0x3]  }
0x79: {  	[tilespmem:s8], [sflag:$0x1] =	stream.indirect_vreg.gather [hbm4b:s3+s2], $0x80, v3, vm0, $0xb8;
	[tilespmem:$0x10100] =	vst v63  }
0x7a: {  	s0 =	sadd.s32 s31, s1  }
0x7b: {  	[tilespmem:s9], [sflag:$0x3] =	stream.linear.gather [hbm4b:s0+s2], $0x80, $0x38;
	[tilespmem:$0x10100] =	vst v63  }
0x7c: {  	_ =	swait.ge [sflag:s6], $0x80  }
0x7d: {  	[sflag:s6] =	ssyncset.done $0x0  }
0x7e: {  	[sflag:s6] =	ssyncadd.s32 $0xFFFFFF80  }
0x7f: {  	v3 =	vld [tilespmem:$0x80];
	_ =	sdelay $0x4  }
0x80: {  	v56 =	vshll.u32 v3, $0x1  }
0x81: {  	v3 =	vand.u32 $0x7, v3;
	v4 =	vand.u32 $0xFFFFFFF0, v56  }
0x82: {  	v3 =	vor.u32 v3, v4  }
0x83: {  	v4 =	vperm.xlane v3, v0;
	_ =	sdelay $0x1  }
0x84: {  	v3 =	vperm.xlane v3, v2;
	v4 =	vadd.s32 v1, v4;
	_ =	sdelay $0x1  }
0x85: {  	v3 =	vadd.s32 v1, v3;
	_ =	sdelay $0x2  }
0x86: {  	[tilespmem:s10], [sflag:$0x2] =	stream.indirect_vreg.gather [hbm4b:s3+s2], $0x80, v4, vm0, $0xb8;
	[tilespmem:$0x10100] =	vst v63  }
0x87: {  	_ = 	snop  }
0x88: {  	[tilespmem:s11], [sflag:$0x2] =	stream.indirect_vreg.gather [hbm4b:s3+s2], $0x80, v3, vm0, $0xb8;
	[tilespmem:$0x10100] =	vst v63  }
0x89: {  	v3 =	vld [tilespmem:$0x90];
	_ =	sdelay $0x4  }
0x8a: {  	v57 =	vshll.u32 v3, $0x1  }
0x8b: {  	v3 =	vand.u32 $0x7, v3;
	v4 =	vand.u32 $0xFFFFFFF0, v57  }
0x8c: {  	v3 =	vor.u32 v3, v4  }
0x8d: {  	v4 =	vperm.xlane v3, v0;
	_ =	sdelay $0x1  }
0x8e: {  	v3 =	vperm.xlane v3, v2;
	v4 =	vadd.s32 v1, v4;
	_ =	sdelay $0x1  }
0x8f: {  	v3 =	vadd.s32 v1, v3;
	_ =	sdelay $0x2  }
0x90: {  	[tilespmem:s12], [sflag:$0x2] =	stream.indirect_vreg.gather [hbm4b:s3+s2], $0x80, v4, vm0, $0xb8;
	[tilespmem:$0x10100] =	vst v63  }
0x91: {  	_ = 	snop  }
0x92: {  	[tilespmem:s13], [sflag:$0x2] =	stream.indirect_vreg.gather [hbm4b:s3+s2], $0x80, v3, vm0, $0xb8;
	[tilespmem:$0x10100] =	vst v63  }
0x93: {  	v3 =	vld [tilespmem:$0xA0];
	_ =	sdelay $0x4  }
0x94: {  	v58 =	vshll.u32 v3, $0x1  }
0x95: {  	v3 =	vand.u32 $0x7, v3;
	v4 =	vand.u32 $0xFFFFFFF0, v58  }
0x96: {  	v3 =	vor.u32 v3, v4  }
0x97: {  	v4 =	vperm.xlane v3, v0;
	_ =	sdelay $0x1  }
0x98: {  	v3 =	vperm.xlane v3, v2;
	v4 =	vadd.s32 v1, v4;
	_ =	sdelay $0x1  }
0x99: {  	v3 =	vadd.s32 v1, v3;
	_ =	sdelay $0x2  }
0x9a: {  	[tilespmem:s14], [sflag:$0x2] =	stream.indirect_vreg.gather [hbm4b:s3+s2], $0x80, v4, vm0, $0xb8;
	[tilespmem:$0x10100] =	vst v63  }
0x9b: {  	_ = 	snop  }
0x9c: {  	[tilespmem:s15], [sflag:$0x2] =	stream.indirect_vreg.gather [hbm4b:s3+s2], $0x80, v3, vm0, $0xb8;
	[tilespmem:$0x10100] =	vst v63  }
0x9d: {  	v3 =	vld [tilespmem:$0xB0];
	_ =	sdelay $0x4  }
0x9e: {  	v59 =	vshll.u32 v3, $0x1  }
0x9f: {  	v3 =	vand.u32 $0x7, v3;
	v4 =	vand.u32 $0xFFFFFFF0, v59  }
0xa0: {  	v3 =	vor.u32 v3, v4  }
0xa1: {  	v4 =	vperm.xlane v3, v0;
	_ =	sdelay $0x1  }
0xa2: {  	v3 =	vperm.xlane v3, v2;
	v4 =	vadd.s32 v1, v4;
	_ =	sdelay $0x1  }
0xa3: {  	v3 =	vadd.s32 v1, v3;
	_ =	sdelay $0x2  }
0xa4: {  	[tilespmem:s16], [sflag:$0x2] =	stream.indirect_vreg.gather [hbm4b:s3+s2], $0x80, v4, vm0, $0xb8;
	[tilespmem:$0x10100] =	vst v63  }
0xa5: {  	_ = 	snop  }
0xa6: {  	[tilespmem:s17], [sflag:$0x2] =	stream.indirect_vreg.gather [hbm4b:s3+s2], $0x80, v3, vm0, $0xb8;
	[tilespmem:$0x10100] =	vst v63  }
0xa7: {  	v3 =	vld [tilespmem:$0xC0];
	_ =	sdelay $0x4  }
0xa8: {  	v60 =	vshll.u32 v3, $0x1  }
0xa9: {  	v3 =	vand.u32 $0x7, v3;
	v4 =	vand.u32 $0xFFFFFFF0, v60  }
0xaa: {  	v3 =	vor.u32 v3, v4  }
0xab: {  	v4 =	vperm.xlane v3, v0;
	_ =	sdelay $0x1  }
0xac: {  	v3 =	vperm.xlane v3, v2;
	v4 =	vadd.s32 v1, v4;
	_ =	sdelay $0x1  }
0xad: {  	v3 =	vadd.s32 v1, v3;
	_ =	sdelay $0x2  }
0xae: {  	[tilespmem:s18], [sflag:$0x2] =	stream.indirect_vreg.gather [hbm4b:s3+s2], $0x80, v4, vm0, $0xb8;
	[tilespmem:$0x10100] =	vst v63  }
0xaf: {  	_ = 	snop  }
0xb0: {  	[tilespmem:s19], [sflag:$0x2] =	stream.indirect_vreg.gather [hbm4b:s3+s2], $0x80, v3, vm0, $0xb8;
	[tilespmem:$0x10100] =	vst v63  }
0xb1: {  	v3 =	vld [tilespmem:$0xD0];
	_ =	sdelay $0x4  }
0xb2: {  	v61 =	vshll.u32 v3, $0x1  }
0xb3: {  	v3 =	vand.u32 $0x7, v3;
	v4 =	vand.u32 $0xFFFFFFF0, v61  }
0xb4: {  	v3 =	vor.u32 v3, v4  }
0xb5: {  	v4 =	vperm.xlane v3, v0;
	_ =	sdelay $0x1  }
0xb6: {  	v3 =	vperm.xlane v3, v2;
	v4 =	vadd.s32 v1, v4;
	_ =	sdelay $0x1  }
0xb7: {  	v3 =	vadd.s32 v1, v3;
	_ =	sdelay $0x2  }
0xb8: {  	[tilespmem:s20], [sflag:$0x2] =	stream.indirect_vreg.gather [hbm4b:s3+s2], $0x80, v4, vm0, $0xb8;
	[tilespmem:$0x10100] =	vst v63  }
0xb9: {  	_ = 	snop  }
0xba: {  	[tilespmem:s21], [sflag:$0x2] =	stream.indirect_vreg.gather [hbm4b:s3+s2], $0x80, v3, vm0, $0xb8;
	[tilespmem:$0x10100] =	vst v63  }
0xbb: {  	v3 =	vld [tilespmem:$0xE0];
	_ =	sdelay $0x4  }
0xbc: {  	v62 =	vshll.u32 v3, $0x1  }
0xbd: {  	v3 =	vand.u32 $0x7, v3;
	v4 =	vand.u32 $0xFFFFFFF0, v62  }
0xbe: {  	v3 =	vor.u32 v3, v4  }
0xbf: {  	v4 =	vperm.xlane v3, v0;
	_ =	sdelay $0x1  }
0xc0: {  	v3 =	vperm.xlane v3, v2;
	v4 =	vadd.s32 v1, v4;
	_ =	sdelay $0x1  }
0xc1: {  	v3 =	vadd.s32 v1, v3;
	_ =	sdelay $0x2  }
0xc2: {  	[tilespmem:s22], [sflag:$0x2] =	stream.indirect_vreg.gather [hbm4b:s3+s2], $0x80, v4, vm0, $0xb8;
	[tilespmem:$0x10100] =	vst v63  }
0xc3: {  	_ = 	snop  }
0xc4: {  	[tilespmem:s23], [sflag:$0x2] =	stream.indirect_vreg.gather [hbm4b:s3+s2], $0x80, v3, vm0, $0xb8;
	[tilespmem:$0x10100] =	vst v63  }
0xc5: {  	v3 =	vld [tilespmem:$0xF0];
	_ =	sdelay $0x4  }
0xc6: {  	v63 =	vshll.u32 v3, $0x1  }
0xc7: {  	v3 =	vand.u32 $0x7, v3;
	v4 =	vand.u32 $0xFFFFFFF0, v63  }
0xc8: {  	v3 =	vor.u32 v3, v4  }
0xc9: {  	v4 =	vperm.xlane v3, v0;
	_ =	sdelay $0x1  }
0xca: {  	v3 =	vperm.xlane v3, v2;
	v4 =	vadd.s32 v1, v4;
	_ =	sdelay $0x1  }
0xcb: {  	v3 =	vadd.s32 v1, v3;
	_ =	sdelay $0x2  }
0xcc: {  	[tilespmem:s24], [sflag:$0x2] =	stream.indirect_vreg.gather [hbm4b:s3+s2], $0x80, v4, vm0, $0xb8;
	[tilespmem:$0x10100] =	vst v63  }
0xcd: {  	_ = 	snop  }
0xce: {  	[tilespmem:s25], [sflag:$0x2] =	stream.indirect_vreg.gather [hbm4b:s3+s2], $0x80, v3, vm0, $0xb8;
	[tilespmem:$0x10100] =	vst v63  }
0xcf: {  	_ =	swait.ge [sflag:s26], $0x8000  }
0xd0: {  	[sflag:s26] =	ssyncset.done $0x0  }
0xd1: {  	[sflag:s26] =	ssyncadd.s32 $0xFFFF8000  }
0xd2: {  	[hbm4b:s30+s2] =	stream.linear.scatter [tilespmem:s7], [sflag:$0x3], $0x8000, $0x38;
	[tilespmem:$0x10100] =	vst v63  }
0xd3: {  	_ =	swait.ge [sflag:s6], $0x8000  }
0xd4: {  	[sflag:s6] =	ssyncset.done $0x0  }
0xd5: {  	[sflag:s6] =	ssyncadd.s32 $0xFFFF8000  }
0xd6: {  	_ =	swait.ge [sflag:s28], $0x8000  }
0xd7: {  	p0 =	sne.s32 s31, $0xE0;
	[sflag:s28] =	ssyncset.done $0x0  }
.Ltmp0:
0xd8: {  	s1 =	sadd.s32 $0x1000, s30;
	[sflag:s28] =	ssyncadd.s32 $0xFFFF8000;
	(pc) =	sbr.rel @p0 .LBB2_2-.Ltmp0, $4  }
0xd9: {  	[hbm4b:s1+s2] =	stream.linear.scatter [tilespmem:s10], [sflag:$0x3], $0x8000, $0x38;
	[tilespmem:$0x10100] =	vst v63  }
0xda: {  	_ =	swait.ge [sflag:s6], $0x8000  }
0xdb: {  	[sflag:s6] =	ssyncset.done $0x0  }
0xdc: {  	s31 =	sadd.s32 $0x20, s31;
	s30 =	sadd.s32 $0x2000, s30;
	[sflag:s6] =	ssyncadd.s32 $0xFFFF8000  }
0xdd: {  	s29 =	sadd.s32 $0x1, s29  }
0xde: {  	p0 =	sne.s32 s29, s4  }
.Ltmp1:
0xdf: {  	_ = 	snop;
	(pc) =	sbr.rel @p0 .LBB2_1-.Ltmp1, $1  }
0xe0: {  	_ =	sdelay $0x3  }
0xe1: {  	_ =	sfence.sel $0x180000  }
0xe2: {  	[bflag:$0x0] =	sbarrier.arrive $0xFFFF  }
0xe3: {  	_ =	strace $0x9000004A  }
0xe4: {  	s0 =	stileid.u32;
	[bflag:$0x2] =	sbarrier.arrive $0xFFFF  }
0xe5: {  	p0 =	sne.s32 s0, $0x0;
	s0 =	rddreg [dreg:$0x1]  }
0xe6: {  	s0 =	sadd.s32 @!p0 $0x100000, s0  }
0xe7: {  	[sflag:s0] =	ssyncadd.tile.s32 @!p0 $0x1;
	_ =	shalt  }
.Lfunc_end2:
_tile_overlayer_lowered:
.L_overlay_start_2:
0xe8: {  	(tag) =	ssettag $0x2  }
0xe9: {  	s0 =	rddreg [dreg:$0x0];
	s2 =	stileid.u32  }
0xea: {  	s1 =	rddreg [dreg:$0x1];
	p0 =	sne.s32 s2, $0x0  }
0xeb: {  	s3 =	rddreg [dreg:$0x2];
	[bflag:$0x3] =	sbarrier.arrive $0xFFFF;
	s2 =	simm.s32 @!p0 $0x1C03  }
0xec: {  	[timem:s3], [sflag:s2] =	dma.local @!p0 [hbm:s0], s1  }
0xed: {  	s0 =	simm.s32 @!p0 $0x3  }
0xee: {  	_ =	swait.ge @!p0 [sflag:s0], s1  }
0xef: {  	s1 =	ssub.s32 @!p0 $0x0, s1;
	[sflag:s0] =	ssyncset.done @!p0 $0x0  }
0xf0: {  	[sflag:s0] =	ssyncadd.s32 @!p0 s1  }
0xf1: {  	[bflag:$0x3] =	sbarrier.arrive $0xFFFF  }
0xf2: {  	_ =	shalt  }

</sc_bundles>
